<compile_context>
chip_gen: v7x
topology: tpu7x:2x2x1
jax: 0.10.2.dev20260603
libtpu: 0.0.44.dev20260713+nightly
codegen_flags: <defaults>
</compile_context>

<pallas_src>
import functools

import jax
import jax.numpy as jnp
from jax import lax
from jax.experimental import pallas as pl
from jax.experimental.pallas import tpu as pltpu
from jax.experimental.pallas import tpu_sc as plsc

N = 50000
E = 800000
NC = 2
NS = 16
NW = NC * NS
CH = 128
CHUNKS_W = 200
EP = NW * CH * CHUNKS_W
CHUNKS_T = EP // (CH * NS)
N_PAD = 50176
G = 40
BN = 2000
NBLK = N // BN


def _seg_body(feat_hbm, src_hbm, dst_hbm, sidx, didx, bufs, acc, semg, sems,
              chunk0, nchunks, nbuf):

  def gather_start(op, t):
    pltpu.async_copy(feat_hbm.at[sidx.at[op]], bufs.at[t], semg.at[t])

  def gather_wait(op, t):
    pltpu.make_async_copy(feat_hbm.at[sidx.at[op]], bufs.at[t],
                          semg.at[t]).wait()

  def scatter_start(op, t):
    pltpu.async_copy(bufs.at[t], acc.at[didx.at[op]], sems.at[t], add=True)

  def scatter_wait(op, t):
    pltpu.make_async_copy(bufs.at[t], acc.at[didx.at[op]], sems.at[t]).wait()

  def group(gi, carry):
    base = chunk0 + gi * G
    pltpu.sync_copy(src_hbm.at[pl.ds(base, G)], sidx)
    pltpu.sync_copy(dst_hbm.at[pl.ds(base, G)], didx)
    for t in range(nbuf):
      gather_start(t, t)

    def body(k, carry2):
      j0 = k * nbuf
      for t in range(nbuf):
        gather_wait(j0 + t, t)
        scatter_start(j0 + t, t)
      for t in range(nbuf):
        scatter_wait(j0 + t, t)

        @pl.when(j0 + nbuf + t < G)
        def _():
          gather_start(j0 + nbuf + t, t)

      return carry2

    return lax.fori_loop(0, G // nbuf, body, carry)

  lax.fori_loop(0, nchunks // G, group, 0)


def _zero_acc(rows, acc, s, d):
  z16 = jnp.zeros((16,), jnp.float32)

  def zrow(i, carry):
    for g in range(d // 16):
      rows[i, pl.ds(g * 16, 16)] = z16
    return carry

  lax.fori_loop(0, CH, zrow, 0)
  zbase = s * (N_PAD // NS)

  def zcopy(j, carry):
    pltpu.sync_copy(rows, acc.at[pl.ds(zbase + j * CH, CH)])
    return carry

  lax.fori_loop(0, (N_PAD // NS) // CH, zcopy, 0)
  if (N_PAD // NS) % CH:
    pltpu.sync_copy(rows, acc.at[pl.ds(zbase + (N_PAD // NS) - CH, CH)])


def _writeout(acc, out_hbm, c, s):
  wrows = N_PAD // NS
  wbase = s * wrows
  pltpu.sync_copy(acc.at[pl.ds(wbase, wrows)],
                  out_hbm.at[c, pl.ds(wbase, wrows)])


def _nbuf(d):
  del d
  return 4


def _scratch(d):
  nbuf = _nbuf(d)
  return [
      pltpu.VMEM((G, CH), jnp.int32),
      pltpu.VMEM((G, CH), jnp.int32),
      pltpu.VMEM((nbuf, CH, d), jnp.float32),
      pltpu.VMEM_SHARED((N_PAD, d), jnp.float32),
      pltpu.SemaphoreType.DMA((nbuf,)),
      pltpu.SemaphoreType.DMA((nbuf,)),
  ]


def _mesh():
  return plsc.VectorSubcoreMesh(
      core_axis_name="c", subcore_axis_name="s", num_cores=NC, num_subcores=NS)


def _segsum_cols(src2d, dst2d, feat_lo, feat_hi, d):

  @functools.partial(
      pl.kernel,
      out_type=jax.ShapeDtypeStruct((NC, N_PAD, d), jnp.float32),
      mesh=_mesh(),
      compiler_params=pltpu.CompilerParams(use_tc_tiling_on_sc=False),
      scratch_types=_scratch(d),
  )
  def seg(src_hbm, dst_hbm, lo_hbm, hi_hbm, out_hbm, sidx, didx, bufs, acc,
          semg, sems):
    c = lax.axis_index("c")
    s = lax.axis_index("s")
    _zero_acc(bufs.at[0], acc, s, d)
    plsc.subcore_barrier()

    @pl.when(c == 0)
    def _():
      _seg_body(lo_hbm, src_hbm, dst_hbm, sidx, didx, bufs, acc, semg, sems,
                s * CHUNKS_T, CHUNKS_T, _nbuf(d))

    @pl.when(c == 1)
    def _():
      _seg_body(hi_hbm, src_hbm, dst_hbm, sidx, didx, bufs, acc, semg, sems,
                s * CHUNKS_T, CHUNKS_T, _nbuf(d))

    plsc.subcore_barrier()
    _writeout(acc, out_hbm, c, s)

  return seg(src2d, dst2d, feat_lo, feat_hi)


def _segsum_cols_spmem(src2d, dst2d, feat_lo, feat_hi, d):

  @functools.partial(
      pl.kernel,
      out_type=jax.ShapeDtypeStruct((NC, N_PAD, d), jnp.float32),
      mesh=_mesh(),
      compiler_params=pltpu.CompilerParams(use_tc_tiling_on_sc=False),
      scratch_types=_scratch(d) + [pltpu.VMEM_SHARED((N, d), jnp.float32)],
  )
  def seg(src_hbm, dst_hbm, lo_hbm, hi_hbm, out_hbm, sidx, didx, bufs, acc,
          semg, sems, feat_sp):
    c = lax.axis_index("c")
    s = lax.axis_index("s")
    srows = 3128

    def stage(f_hbm):
      @pl.when(s < NS - 1)
      def _():
        pltpu.sync_copy(f_hbm.at[pl.ds(s * srows, srows)],
                        feat_sp.at[pl.ds(s * srows, srows)])

      @pl.when(s == NS - 1)
      def _():
        pltpu.sync_copy(f_hbm.at[pl.ds((NS - 1) * srows, N - (NS - 1) * srows)],
                        feat_sp.at[pl.ds((NS - 1) * srows,
                                         N - (NS - 1) * srows)])

    @pl.when(c == 0)
    def _():
      stage(lo_hbm)

    @pl.when(c == 1)
    def _():
      stage(hi_hbm)

    _zero_acc(bufs.at[0], acc, s, d)
    plsc.subcore_barrier()
    _seg_body(feat_sp, src_hbm, dst_hbm, sidx, didx, bufs, acc, semg, sems,
              s * CHUNKS_T, CHUNKS_T, _nbuf(d))
    plsc.subcore_barrier()
    _writeout(acc, out_hbm, c, s)

  return seg(src2d, dst2d, feat_lo, feat_hi)


def _segsum_edges_spmem(src2d, dst2d, feat, d):

  @functools.partial(
      pl.kernel,
      out_type=jax.ShapeDtypeStruct((NC, N_PAD, d), jnp.float32),
      mesh=_mesh(),
      compiler_params=pltpu.CompilerParams(use_tc_tiling_on_sc=False),
      scratch_types=_scratch(d) + [pltpu.VMEM_SHARED((N, d), jnp.float32)],
  )
  def seg(src_hbm, dst_hbm, feat_hbm, out_hbm, sidx, didx, bufs, acc,
          semg, sems, feat_sp):
    c = lax.axis_index("c")
    s = lax.axis_index("s")
    srows = 3128

    @pl.when(s < NS - 1)
    def _():
      pltpu.sync_copy(feat_hbm.at[pl.ds(s * srows, srows)],
                      feat_sp.at[pl.ds(s * srows, srows)])

    @pl.when(s == NS - 1)
    def _():
      pltpu.sync_copy(feat_hbm.at[pl.ds((NS - 1) * srows,
                                        N - (NS - 1) * srows)],
                      feat_sp.at[pl.ds((NS - 1) * srows,
                                       N - (NS - 1) * srows)])

    _zero_acc(bufs.at[0], acc, s, d)
    plsc.subcore_barrier()
    wid = c * NS + s
    _seg_body(feat_sp, src_hbm, dst_hbm, sidx, didx, bufs, acc, semg, sems,
              wid * CHUNKS_W, CHUNKS_W, _nbuf(d))
    plsc.subcore_barrier()
    _writeout(acc, out_hbm, c, s)

  return seg(src2d, dst2d, feat)


def _segsum_edges(src2d, dst2d, feat, d):

  @functools.partial(
      pl.kernel,
      out_type=jax.ShapeDtypeStruct((NC, N_PAD, d), jnp.float32),
      mesh=_mesh(),
      compiler_params=pltpu.CompilerParams(use_tc_tiling_on_sc=False),
      scratch_types=_scratch(d),
  )
  def seg(src_hbm, dst_hbm, feat_hbm, out_hbm, sidx, didx, bufs, acc,
          semg, sems):
    c = lax.axis_index("c")
    s = lax.axis_index("s")
    _zero_acc(bufs.at[0], acc, s, d)
    plsc.subcore_barrier()
    wid = c * NS + s
    _seg_body(feat_hbm, src_hbm, dst_hbm, sidx, didx, bufs, acc, semg, sems,
              wid * CHUNKS_W, CHUNKS_W, _nbuf(d))
    plsc.subcore_barrier()
    _writeout(acc, out_hbm, c, s)

  return seg(src2d, dst2d, feat)


def _dot_t(x, w):
  return lax.dot_general(x, w, (((1,), (1,)), ((), ())),
                         preferred_element_type=jnp.float32)


def _split(z):

  def body(z_ref, q0_ref, q1_ref, q2_ref, q3_ref):
    zb = z_ref[...]
    q0_ref[...] = zb[:, :16]
    q1_ref[...] = zb[:, 16:32]
    q2_ref[...] = zb[:, 32:48]
    q3_ref[...] = zb[:, 48:]

  sds = jax.ShapeDtypeStruct((N, 16), jnp.float32)
  return pl.pallas_call(
      body,
      grid=(NBLK,),
      in_specs=[pl.BlockSpec((BN, 64), lambda i: (i, 0))],
      out_specs=[pl.BlockSpec((BN, 16), lambda i: (i, 0))] * 4,
      out_shape=(sds,) * 4,
  )(z)


def _layer1(p1a, p1b, z, w_rel, b, w_root):

  def body(pa_ref, pb_ref, z_ref, wr_ref, b_ref, wt_ref, lo_ref, hi_ref):
    pa = pa_ref[...]
    pb = pb_ref[...]
    wr = wr_ref[...]
    agg_dot = (_dot_t(pa[0], wr[:, :16]) + _dot_t(pa[1], wr[:, 16:32])
               + _dot_t(pb[0], wr[:, 32:48]) + _dot_t(pb[1], wr[:, 48:]))
    h = jnp.maximum(
        agg_dot + b_ref[...][None, :] + _dot_t(z_ref[...], wt_ref[...]), 0.0)
    lo_ref[...] = h[:, :16]
    hi_ref[...] = h[:, 16:]

  sds = jax.ShapeDtypeStruct((N, 16), jnp.float32)
  return pl.pallas_call(
      body,
      grid=(NBLK,),
      in_specs=[
          pl.BlockSpec((2, BN, 16), lambda i: (0, i, 0)),
          pl.BlockSpec((2, BN, 16), lambda i: (0, i, 0)),
          pl.BlockSpec((BN, 64), lambda i: (i, 0)),
          pl.BlockSpec((32, 64), lambda i: (0, 0)),
          pl.BlockSpec((32,), lambda i: (0,)),
          pl.BlockSpec((32, 64), lambda i: (0, 0)),
      ],
      out_specs=[
          pl.BlockSpec((BN, 16), lambda i: (i, 0)),
          pl.BlockSpec((BN, 16), lambda i: (i, 0)),
      ],
      out_shape=(sds, sds),
  )(p1a, p1b, z, w_rel, b, w_root)


def _layer2(p2, h1_lo, h1_hi, w_rel, b, w_root):

  def body(p_ref, lo_ref, hi_ref, wr_ref, b_ref, wt_ref, o_ref):
    pb = p_ref[...]
    wr = wr_ref[...]
    wt = wt_ref[...]
    agg_dot = _dot_t(pb[0], wr[:, :16]) + _dot_t(pb[1], wr[:, 16:])
    root_dot = _dot_t(lo_ref[...], wt[:, :16]) + _dot_t(hi_ref[...], wt[:, 16:])
    o_ref[...] = jnp.maximum(agg_dot + b_ref[...][None, :] + root_dot, 0.0)

  return pl.pallas_call(
      body,
      grid=(NBLK,),
      in_specs=[
          pl.BlockSpec((2, BN, 16), lambda i: (0, i, 0)),
          pl.BlockSpec((BN, 16), lambda i: (i, 0)),
          pl.BlockSpec((BN, 16), lambda i: (i, 0)),
          pl.BlockSpec((16, 32), lambda i: (0, 0)),
          pl.BlockSpec((16,), lambda i: (0,)),
          pl.BlockSpec((16, 32), lambda i: (0, 0)),
      ],
      out_specs=pl.BlockSpec((BN, 16), lambda i: (i, 0)),
      out_shape=jax.ShapeDtypeStruct((N, 16), jnp.float32),
  )(p2, h1_lo, h1_hi, w_rel, b, w_root)


def _final(p3, h2, b3, w_rel, w_root):

  def body(p_ref, h_ref, b_ref, wr_ref, wt_ref, o_ref):
    pb = p_ref[...]
    agg = pb[0] + pb[1]
    logits = (_dot_t(agg, wr_ref[...]) + b_ref[...][None, :]
              + _dot_t(h_ref[...], wt_ref[...]))
    mx = jnp.max(logits, axis=-1, keepdims=True)
    ex = jnp.exp(logits - mx)
    o_ref[...] = ex / jnp.sum(ex, axis=-1, keepdims=True)

  return pl.pallas_call(
      body,
      grid=(NBLK,),
      in_specs=[
          pl.BlockSpec((2, BN, 16), lambda i: (0, i, 0)),
          pl.BlockSpec((BN, 16), lambda i: (i, 0)),
          pl.BlockSpec((2,), lambda i: (0,)),
          pl.BlockSpec((2, 16), lambda i: (0, 0)),
          pl.BlockSpec((2, 16), lambda i: (0, 0)),
      ],
      out_specs=pl.BlockSpec((BN, 2), lambda i: (i, 0)),
      out_shape=jax.ShapeDtypeStruct((N, 2), jnp.float32),
  )(p3, h2, b3, w_rel, w_root)


def kernel(z, edge_index, W1_rel, b1, W1_root, W2_rel, b2, W2_root,
           W3_rel, b3, W3_root):
  pad = EP - E
  src = jnp.concatenate(
      [edge_index[0], jnp.zeros((pad,), jnp.int32)]).reshape(-1, CH)
  dst = jnp.concatenate(
      [edge_index[1],
       N + (jnp.arange(pad, dtype=jnp.int32) % (N_PAD - N))]).reshape(-1, CH)

  q0, q1, q2, q3 = _split(z)
  p1a = _segsum_cols_spmem(src, dst, q0, q1, 16)
  p1b = _segsum_cols_spmem(src, dst, q2, q3, 16)
  h1_lo, h1_hi = _layer1(p1a, p1b, z, W1_rel, b1, W1_root)
  p2 = _segsum_cols_spmem(src, dst, h1_lo, h1_hi, 16)
  h2 = _layer2(p2, h1_lo, h1_hi, W2_rel, b2, W2_root)
  p3 = _segsum_edges_spmem(src, dst, h2, 16)
  return _final(p3, h2, b3, W3_rel, W3_root)

# --- scband reference (transcript-rebuilt; emitter-appended) ---
"""Pipeline reference for scband-decoder-spin-13211319403151 (READ-ONLY COPY).

The authoritative reference and input builder live on the scoring server;
editing this copy changes nothing except your own understanding.
"""

import jax, jax.numpy as jnp
import numpy as np

N = 50000
E = 800000
D_IN = 64


def _init_linear(key, out_dim, in_dim):
    scale = 1.0 / np.sqrt(in_dim)
    return jax.random.uniform(key, (out_dim, in_dim), dtype=jnp.float32, minval=-scale, maxval=scale)


def setup_inputs(seed: int = 0) -> dict:
    key = jax.random.key(seed)
    ks = jax.random.split(key, 12)
    z = jax.random.normal(ks[0], (N, D_IN), dtype=jnp.float32)
    edge_index = jax.random.randint(ks[1], (2, E), 0, N, dtype=jnp.int32)
    # GraphConv layer 1: 64 -> 32 (lin_rel has bias, lin_root no bias)
    W1_rel = _init_linear(ks[2], 32, 64)
    b1 = jax.random.uniform(ks[3], (32,), dtype=jnp.float32, minval=-1.0 / np.sqrt(64), maxval=1.0 / np.sqrt(64))
    W1_root = _init_linear(ks[4], 32, 64)
    # GraphConv layer 2: 32 -> 16
    W2_rel = _init_linear(ks[5], 16, 32)
    b2 = jax.random.uniform(ks[6], (16,), dtype=jnp.float32, minval=-1.0 / np.sqrt(32), maxval=1.0 / np.sqrt(32))
    W2_root = _init_linear(ks[7], 16, 32)
    # GraphConv layer 3: 16 -> 2
    W3_rel = _init_linear(ks[8], 2, 16)
    b3 = jax.random.uniform(ks[9], (2,), dtype=jnp.float32, minval=-1.0 / np.sqrt(16), maxval=1.0 / np.sqrt(16))
    W3_root = _init_linear(ks[10], 2, 16)
    return {"z": z, "edge_index": edge_index,
            "W1_rel": W1_rel, "b1": b1, "W1_root": W1_root,
            "W2_rel": W2_rel, "b2": b2, "W2_root": W2_root,
            "W3_rel": W3_rel, "b3": b3, "W3_root": W3_root}


def _graph_conv(x, edge_index, W_rel, b_rel, W_root):
    # PyG GraphConv with aggr='add':
    # out_i = lin_rel( sum_{j in N(i)} x_j ) + lin_root(x_i)
    src = edge_index[0]
    dst = edge_index[1]
    msgs = jnp.take(x, src, axis=0)  # gather source node features
    agg = jnp.zeros((x.shape[0], x.shape[1]), dtype=x.dtype).at[dst].add(msgs)  # scatter-add to dst
    return agg @ W_rel.T + b_rel + x @ W_root.T


def reference(z, edge_index, W1_rel, b1, W1_root, W2_rel, b2, W2_root, W3_rel, b3, W3_root):
    h = _graph_conv(z, edge_index, W1_rel, b1, W1_root)
    h = jax.nn.relu(h)
    h = _graph_conv(h, edge_index, W2_rel, b2, W2_root)
    h = jax.nn.relu(h)
    h = _graph_conv(h, edge_index, W3_rel, b3, W3_root)
    # nn.Softmax() on 2D input resolves to dim=1
    return jax.nn.softmax(h, axis=-1)

if __name__ == "__main__":
    import jax
    _d = setup_inputs()
    print(jax.jit(kernel)(*tuple(_d.values())))

</pallas_src>

<mosaic_0001>
#map = affine_map<(d0, d1) -> (0, 0)>
#map1 = affine_map<(d0, d1) -> (0, 0, 0)>
module attributes {stable_mosaic.version = 14 : i64} {
  func.func @seg(%arg0: i32, %arg1: i32, %arg2: memref<6400x128xi32, #tpu.memory_space<hbm>>, %arg3: memref<6400x128xi32, #tpu.memory_space<hbm>>, %arg4: memref<50000x16xf32, #tpu.memory_space<hbm>>, %arg5: memref<50000x16xf32, #tpu.memory_space<hbm>>, %arg6: memref<2x50176x16xf32, #tpu.memory_space<hbm>>, %arg7: memref<40x128xi32, #tpu.memory_space<vmem>>, %arg8: memref<40x128xi32, #tpu.memory_space<vmem>>, %arg9: memref<4x128x16xf32, #tpu.memory_space<vmem>>, %arg10: memref<50176x16xf32, #tpu.memory_space<vmem_shared>>, %arg11: memref<4x!tpu.dma_semaphore, #tpu.memory_space<semaphore_mem>>, %arg12: memref<4x!tpu.dma_semaphore, #tpu.memory_space<semaphore_mem>>, %arg13: memref<50000x16xf32, #tpu.memory_space<vmem_shared>>) attributes {dimension_semantics = [#tpu.dimension_semantics<core_parallel>, #tpu.dimension_semantics<subcore_parallel>], iteration_bounds = array<i64: 2, 16>, scalar_prefetch = 0 : i64, scratch_operands = 7 : i64, tpu.core_type = #tpu.core_type<sc_vector_subcore>, window_params = [{transform_indices = #map}, {transform_indices = #map}, {transform_indices = #map}, {transform_indices = #map}, {transform_indices = #map1}]} {
    %eq3A = arith.constant 0 : i32
    %eq3A_0 = arith.cmpi eq, %arg0, %eq3A : i32
    %convert_element_type3A = arith.extui %eq3A_0 : i1 to i32
    %cond3A = arith.constant 0 : i32
    %cond3A_1 = arith.cmpi ne, %convert_element_type3A, %cond3A : i32
    scf.if %cond3A_1 {
      %lt3A = arith.constant 15 : i32
      %lt3A_35 = arith.cmpi slt, %arg1, %lt3A : i32
      %convert_element_type3A_36 = arith.extui %lt3A_35 : i1 to i32
      %cond3A_37 = arith.constant 0 : i32
      %cond3A_38 = arith.cmpi ne, %convert_element_type3A_36, %cond3A_37 : i32
      scf.if %cond3A_38 {
        %mul3A_44 = arith.constant 3128 : i32
        %mul3A_45 = arith.muli %arg1, %mul3A_44 : i32
        %mul3A_46 = arith.constant 3128 : i32
        %mul3A_47 = arith.muli %arg1, %mul3A_46 : i32
        "tpu.region"() ({
          %run_scoped3A_48 = tpu.sem_alloc : memref<!tpu.dma_semaphore, #tpu.memory_space<semaphore_mem>>
          %dma_start3A = arith.constant 0 : i32
          %dma_start3A_49 = tpu.memref_slice %arg13[%mul3A_47, %dma_start3A] : memref<50000x16xf32, #tpu.memory_space<vmem_shared>> -> memref<3128x16xf32, #tpu.memory_space<vmem_shared>>
          %dma_start3A_50 = arith.constant 0 : i32
          %dma_start3A_51 = tpu.memref_slice %arg4[%mul3A_45, %dma_start3A_50] : memref<50000x16xf32, #tpu.memory_space<hbm>> -> memref<3128x16xf32, #tpu.memory_space<hbm>>
          tpu.enqueue_dma source(%dma_start3A_51 : memref<3128x16xf32, #tpu.memory_space<hbm>>) target(%dma_start3A_49 : memref<3128x16xf32, #tpu.memory_space<vmem_shared>>) target_semaphore(%run_scoped3A_48 : memref<!tpu.dma_semaphore, #tpu.memory_space<semaphore_mem>>)
          %dma_wait3A = arith.constant 0 : i32
          %dma_wait3A_52 = tpu.memref_slice %arg13[%mul3A_47, %dma_wait3A] : memref<50000x16xf32, #tpu.memory_space<vmem_shared>> -> memref<3128x16xf32, #tpu.memory_space<vmem_shared>>
          %dma_wait3A_53 = arith.constant 0 : i32
          %dma_wait3A_54 = tpu.memref_slice %arg4[%mul3A_45, %dma_wait3A_53] : memref<50000x16xf32, #tpu.memory_space<hbm>> -> memref<3128x16xf32, #tpu.memory_space<hbm>>
          tpu.wait_dma2 semaphore(%run_scoped3A_48 : memref<!tpu.dma_semaphore, #tpu.memory_space<semaphore_mem>>) src(%dma_wait3A_54 : memref<3128x16xf32, #tpu.memory_space<hbm>>) dst(%dma_wait3A_52 : memref<3128x16xf32, #tpu.memory_space<vmem_shared>>)
          tpu.yield
        }) : () -> ()
      } else {
      }
      %eq3A_39 = arith.constant 15 : i32
      %eq3A_40 = arith.cmpi eq, %arg1, %eq3A_39 : i32
      %convert_element_type3A_41 = arith.extui %eq3A_40 : i1 to i32
      %cond3A_42 = arith.constant 0 : i32
      %cond3A_43 = arith.cmpi ne, %convert_element_type3A_41, %cond3A_42 : i32
      scf.if %cond3A_43 {
        "tpu.region"() ({
          %run_scoped3A_44 = tpu.sem_alloc : memref<!tpu.dma_semaphore, #tpu.memory_space<semaphore_mem>>
          %dma_start3A = arith.constant 46920 : i32
          %dma_start3A_45 = arith.constant 0 : i32
          %dma_start3A_46 = tpu.memref_slice %arg13[%dma_start3A, %dma_start3A_45] : memref<50000x16xf32, #tpu.memory_space<vmem_shared>> -> memref<3080x16xf32, #tpu.memory_space<vmem_shared>>
          %dma_start3A_47 = arith.constant 46920 : i32
          %dma_start3A_48 = arith.constant 0 : i32
          %dma_start3A_49 = tpu.memref_slice %arg4[%dma_start3A_47, %dma_start3A_48] : memref<50000x16xf32, #tpu.memory_space<hbm>> -> memref<3080x16xf32, #tpu.memory_space<hbm>>
          tpu.enqueue_dma source(%dma_start3A_49 : memref<3080x16xf32, #tpu.memory_space<hbm>>) target(%dma_start3A_46 : memref<3080x16xf32, #tpu.memory_space<vmem_shared>>) target_semaphore(%run_scoped3A_44 : memref<!tpu.dma_semaphore, #tpu.memory_space<semaphore_mem>>)
          %dma_wait3A = arith.constant 46920 : i32
          %dma_wait3A_50 = arith.constant 0 : i32
          %dma_wait3A_51 = tpu.memref_slice %arg13[%dma_wait3A, %dma_wait3A_50] : memref<50000x16xf32, #tpu.memory_space<vmem_shared>> -> memref<3080x16xf32, #tpu.memory_space<vmem_shared>>
          %dma_wait3A_52 = arith.constant 46920 : i32
          %dma_wait3A_53 = arith.constant 0 : i32
          %dma_wait3A_54 = tpu.memref_slice %arg4[%dma_wait3A_52, %dma_wait3A_53] : memref<50000x16xf32, #tpu.memory_space<hbm>> -> memref<3080x16xf32, #tpu.memory_space<hbm>>
          tpu.wait_dma2 semaphore(%run_scoped3A_44 : memref<!tpu.dma_semaphore, #tpu.memory_space<semaphore_mem>>) src(%dma_wait3A_54 : memref<3080x16xf32, #tpu.memory_space<hbm>>) dst(%dma_wait3A_51 : memref<3080x16xf32, #tpu.memory_space<vmem_shared>>)
          tpu.yield
        }) : () -> ()
      } else {
      }
    } else {
    }
    %eq3A_2 = arith.constant 1 : i32
    %eq3A_3 = arith.cmpi eq, %arg0, %eq3A_2 : i32
    %convert_element_type3A_4 = arith.extui %eq3A_3 : i1 to i32
    %cond3A_5 = arith.constant 0 : i32
    %cond3A_6 = arith.cmpi ne, %convert_element_type3A_4, %cond3A_5 : i32
    scf.if %cond3A_6 {
      %lt3A = arith.constant 15 : i32
      %lt3A_35 = arith.cmpi slt, %arg1, %lt3A : i32
      %convert_element_type3A_36 = arith.extui %lt3A_35 : i1 to i32
      %cond3A_37 = arith.constant 0 : i32
      %cond3A_38 = arith.cmpi ne, %convert_element_type3A_36, %cond3A_37 : i32
      scf.if %cond3A_38 {
        %mul3A_44 = arith.constant 3128 : i32
        %mul3A_45 = arith.muli %arg1, %mul3A_44 : i32
        %mul3A_46 = arith.constant 3128 : i32
        %mul3A_47 = arith.muli %arg1, %mul3A_46 : i32
        "tpu.region"() ({
          %run_scoped3A_48 = tpu.sem_alloc : memref<!tpu.dma_semaphore, #tpu.memory_space<semaphore_mem>>
          %dma_start3A = arith.constant 0 : i32
          %dma_start3A_49 = tpu.memref_slice %arg13[%mul3A_47, %dma_start3A] : memref<50000x16xf32, #tpu.memory_space<vmem_shared>> -> memref<3128x16xf32, #tpu.memory_space<vmem_shared>>
          %dma_start3A_50 = arith.constant 0 : i32
          %dma_start3A_51 = tpu.memref_slice %arg5[%mul3A_45, %dma_start3A_50] : memref<50000x16xf32, #tpu.memory_space<hbm>> -> memref<3128x16xf32, #tpu.memory_space<hbm>>
          tpu.enqueue_dma source(%dma_start3A_51 : memref<3128x16xf32, #tpu.memory_space<hbm>>) target(%dma_start3A_49 : memref<3128x16xf32, #tpu.memory_space<vmem_shared>>) target_semaphore(%run_scoped3A_48 : memref<!tpu.dma_semaphore, #tpu.memory_space<semaphore_mem>>)
          %dma_wait3A = arith.constant 0 : i32
          %dma_wait3A_52 = tpu.memref_slice %arg13[%mul3A_47, %dma_wait3A] : memref<50000x16xf32, #tpu.memory_space<vmem_shared>> -> memref<3128x16xf32, #tpu.memory_space<vmem_shared>>
          %dma_wait3A_53 = arith.constant 0 : i32
          %dma_wait3A_54 = tpu.memref_slice %arg5[%mul3A_45, %dma_wait3A_53] : memref<50000x16xf32, #tpu.memory_space<hbm>> -> memref<3128x16xf32, #tpu.memory_space<hbm>>
          tpu.wait_dma2 semaphore(%run_scoped3A_48 : memref<!tpu.dma_semaphore, #tpu.memory_space<semaphore_mem>>) src(%dma_wait3A_54 : memref<3128x16xf32, #tpu.memory_space<hbm>>) dst(%dma_wait3A_52 : memref<3128x16xf32, #tpu.memory_space<vmem_shared>>)
          tpu.yield
        }) : () -> ()
      } else {
      }
      %eq3A_39 = arith.constant 15 : i32
      %eq3A_40 = arith.cmpi eq, %arg1, %eq3A_39 : i32
      %convert_element_type3A_41 = arith.extui %eq3A_40 : i1 to i32
      %cond3A_42 = arith.constant 0 : i32
      %cond3A_43 = arith.cmpi ne, %convert_element_type3A_41, %cond3A_42 : i32
      scf.if %cond3A_43 {
        "tpu.region"() ({
          %run_scoped3A_44 = tpu.sem_alloc : memref<!tpu.dma_semaphore, #tpu.memory_space<semaphore_mem>>
          %dma_start3A = arith.constant 46920 : i32
          %dma_start3A_45 = arith.constant 0 : i32
          %dma_start3A_46 = tpu.memref_slice %arg13[%dma_start3A, %dma_start3A_45] : memref<50000x16xf32, #tpu.memory_space<vmem_shared>> -> memref<3080x16xf32, #tpu.memory_space<vmem_shared>>
          %dma_start3A_47 = arith.constant 46920 : i32
          %dma_start3A_48 = arith.constant 0 : i32
          %dma_start3A_49 = tpu.memref_slice %arg5[%dma_start3A_47, %dma_start3A_48] : memref<50000x16xf32, #tpu.memory_space<hbm>> -> memref<3080x16xf32, #tpu.memory_space<hbm>>
          tpu.enqueue_dma source(%dma_start3A_49 : memref<3080x16xf32, #tpu.memory_space<hbm>>) target(%dma_start3A_46 : memref<3080x16xf32, #tpu.memory_space<vmem_shared>>) target_semaphore(%run_scoped3A_44 : memref<!tpu.dma_semaphore, #tpu.memory_space<semaphore_mem>>)
          %dma_wait3A = arith.constant 46920 : i32
          %dma_wait3A_50 = arith.constant 0 : i32
          %dma_wait3A_51 = tpu.memref_slice %arg13[%dma_wait3A, %dma_wait3A_50] : memref<50000x16xf32, #tpu.memory_space<vmem_shared>> -> memref<3080x16xf32, #tpu.memory_space<vmem_shared>>
          %dma_wait3A_52 = arith.constant 46920 : i32
          %dma_wait3A_53 = arith.constant 0 : i32
          %dma_wait3A_54 = tpu.memref_slice %arg5[%dma_wait3A_52, %dma_wait3A_53] : memref<50000x16xf32, #tpu.memory_space<hbm>> -> memref<3080x16xf32, #tpu.memory_space<hbm>>
          tpu.wait_dma2 semaphore(%run_scoped3A_44 : memref<!tpu.dma_semaphore, #tpu.memory_space<semaphore_mem>>) src(%dma_wait3A_54 : memref<3080x16xf32, #tpu.memory_space<hbm>>) dst(%dma_wait3A_51 : memref<3080x16xf32, #tpu.memory_space<vmem_shared>>)
          tpu.yield
        }) : () -> ()
      } else {
      }
    } else {
    }
    %broadcast_in_dim3A = arith.constant 0.000000e+00 : f32
    %broadcast_in_dim3A_7 = vector.broadcast %broadcast_in_dim3A : f32 to vector<16xf32>
    %scan3A = arith.constant 0 : i32
    %scan3A_8 = arith.constant 0 : i32
    %scan3A_9 = arith.constant 0 : i32
    %scan3A_10 = arith.constant 128 : i32
    %scan3A_11 = arith.addi %scan3A_9, %scan3A_10 : i32
    %scan3A_12 = arith.constant 1 : i32
    scf.for %scan3A_35 = %scan3A_9 to %scan3A_11 step %scan3A_12  : i32 {
      %swap3A = arith.constant 0 : i32
      %swap3A_36 = arith.constant 0 : i32
      %swap3A_37 = tpu.memref_slice %arg9[%scan3A_8, %swap3A, %swap3A_36] : memref<4x128x16xf32, #tpu.memory_space<vmem>> -> memref<1x128x16xf32, #tpu.memory_space<vmem>>
      %swap3A_38 = tpu.memref_squeeze %swap3A_37 : memref<1x128x16xf32, #tpu.memory_space<vmem>> -> memref<128x16xf32, #tpu.memory_space<vmem>>
      %swap3A_39 = arith.index_cast %scan3A_35 : i32 to index
      %swap3A_40 = arith.constant 0 : index
      %swap3A_41 = tpu.vector_load %swap3A_38[%swap3A_39, %swap3A_40] {strides = array<i32>} : memref<128x16xf32, #tpu.memory_space<vmem>>, vector<1x16xf32>,
      %swap3A_42 = vector.shape_cast %swap3A_41 : vector<1x16xf32> to vector<16xf32>
      %swap3A_43 = vector.shape_cast %broadcast_in_dim3A_7 : vector<16xf32> to vector<1x16xf32>
      tpu.vector_store %swap3A_38[%swap3A_39, %swap3A_40], %swap3A_43 {strides = array<i32>} : memref<128x16xf32, #tpu.memory_space<vmem>>, vector<1x16xf32>,
    }
    %scan3A_13 = arith.constant 128 : i32
    %mul3A = arith.constant 3136 : i32
    %mul3A_14 = arith.muli %arg1, %mul3A : i32
    %scan3A_15 = arith.constant 0 : i32
    %scan3A_16 = arith.constant 0 : i32
    %scan3A_17 = arith.constant 0 : i32
    %scan3A_18 = arith.constant 24 : i32
    %scan3A_19 = arith.addi %scan3A_17, %scan3A_18 : i32
    %scan3A_20 = arith.constant 1 : i32
    scf.for %scan3A_35 = %scan3A_17 to %scan3A_19 step %scan3A_20  : i32 {
      %mul3A_36 = arith.constant 128 : i32
      %mul3A_37 = arith.muli %scan3A_35, %mul3A_36 : i32
      %add3A_38 = arith.addi %mul3A_14, %mul3A_37 : i32
      "tpu.region"() ({
        %run_scoped3A_39 = tpu.sem_alloc : memref<!tpu.dma_semaphore, #tpu.memory_space<semaphore_mem>>
        %dma_start3A = arith.constant 0 : i32
        %dma_start3A_40 = arith.constant 0 : i32
        %dma_start3A_41 = tpu.memref_slice %arg9[%scan3A_16, %dma_start3A, %dma_start3A_40] : memref<4x128x16xf32, #tpu.memory_space<vmem>> -> memref<1x128x16xf32, #tpu.memory_space<vmem>>
        %dma_start3A_42 = tpu.memref_squeeze %dma_start3A_41 : memref<1x128x16xf32, #tpu.memory_space<vmem>> -> memref<128x16xf32, #tpu.memory_space<vmem>>
        %dma_start3A_43 = arith.constant 0 : i32
        %dma_start3A_44 = tpu.memref_slice %arg10[%add3A_38, %dma_start3A_43] : memref<50176x16xf32, #tpu.memory_space<vmem_shared>> -> memref<128x16xf32, #tpu.memory_space<vmem_shared>>
        %dma_start3A_45 = arith.constant 0 : i32
        %dma_start3A_46 = tpu.memref_slice %arg10[%add3A_38, %dma_start3A_45] : memref<50176x16xf32, #tpu.memory_space<vmem_shared>> -> memref<128x16xf32, #tpu.memory_space<vmem_shared>>
        %dma_start3A_47 = arith.constant 0 : i32
        %dma_start3A_48 = arith.constant 0 : i32
        %dma_start3A_49 = tpu.memref_slice %arg9[%scan3A_16, %dma_start3A_47, %dma_start3A_48] : memref<4x128x16xf32, #tpu.memory_space<vmem>> -> memref<1x128x16xf32, #tpu.memory_space<vmem>>
        %dma_start3A_50 = tpu.memref_squeeze %dma_start3A_49 : memref<1x128x16xf32, #tpu.memory_space<vmem>> -> memref<128x16xf32, #tpu.memory_space<vmem>>
        tpu.enqueue_dma source(%dma_start3A_50 : memref<128x16xf32, #tpu.memory_space<vmem>>) target(%dma_start3A_46 : memref<128x16xf32, #tpu.memory_space<vmem_shared>>) target_semaphore(%run_scoped3A_39 : memref<!tpu.dma_semaphore, #tpu.memory_space<semaphore_mem>>)
        %dma_wait3A = arith.constant 0 : i32
        %dma_wait3A_51 = arith.constant 0 : i32
        %dma_wait3A_52 = tpu.memref_slice %arg9[%scan3A_16, %dma_wait3A, %dma_wait3A_51] : memref<4x128x16xf32, #tpu.memory_space<vmem>> -> memref<1x128x16xf32, #tpu.memory_space<vmem>>
        %dma_wait3A_53 = tpu.memref_squeeze %dma_wait3A_52 : memref<1x128x16xf32, #tpu.memory_space<vmem>> -> memref<128x16xf32, #tpu.memory_space<vmem>>
        %dma_wait3A_54 = arith.constant 0 : i32
        %dma_wait3A_55 = tpu.memref_slice %arg10[%add3A_38, %dma_wait3A_54] : memref<50176x16xf32, #tpu.memory_space<vmem_shared>> -> memref<128x16xf32, #tpu.memory_space<vmem_shared>>
        %dma_wait3A_56 = arith.constant 0 : i32
        %dma_wait3A_57 = tpu.memref_slice %arg10[%add3A_38, %dma_wait3A_56] : memref<50176x16xf32, #tpu.memory_space<vmem_shared>> -> memref<128x16xf32, #tpu.memory_space<vmem_shared>>
        %dma_wait3A_58 = arith.constant 0 : i32
        %dma_wait3A_59 = arith.constant 0 : i32
        %dma_wait3A_60 = tpu.memref_slice %arg9[%scan3A_16, %dma_wait3A_58, %dma_wait3A_59] : memref<4x128x16xf32, #tpu.memory_space<vmem>> -> memref<1x128x16xf32, #tpu.memory_space<vmem>>
        %dma_wait3A_61 = tpu.memref_squeeze %dma_wait3A_60 : memref<1x128x16xf32, #tpu.memory_space<vmem>> -> memref<128x16xf32, #tpu.memory_space<vmem>>
        tpu.wait_dma2 semaphore(%run_scoped3A_39 : memref<!tpu.dma_semaphore, #tpu.memory_space<semaphore_mem>>) src(%dma_wait3A_61 : memref<128x16xf32, #tpu.memory_space<vmem>>) dst(%dma_wait3A_57 : memref<128x16xf32, #tpu.memory_space<vmem_shared>>)
        tpu.yield
      }) : () -> ()
    }
    %scan3A_21 = arith.constant 24 : i32
    %add3A = arith.constant 3136 : i32
    %add3A_22 = arith.addi %mul3A_14, %add3A : i32
    %sub3A = arith.constant 128 : i32
    %sub3A_23 = arith.subi %add3A_22, %sub3A : i32
    %run_scoped3A = arith.constant 0 : i32
    "tpu.region"() ({
      %run_scoped3A_35 = tpu.sem_alloc : memref<!tpu.dma_semaphore, #tpu.memory_space<semaphore_mem>>
      %dma_start3A = arith.constant 0 : i32
      %dma_start3A_36 = arith.constant 0 : i32
      %dma_start3A_37 = tpu.memref_slice %arg9[%run_scoped3A, %dma_start3A, %dma_start3A_36] : memref<4x128x16xf32, #tpu.memory_space<vmem>> -> memref<1x128x16xf32, #tpu.memory_space<vmem>>
      %dma_start3A_38 = tpu.memref_squeeze %dma_start3A_37 : memref<1x128x16xf32, #tpu.memory_space<vmem>> -> memref<128x16xf32, #tpu.memory_space<vmem>>
      %dma_start3A_39 = arith.constant 0 : i32
      %dma_start3A_40 = tpu.memref_slice %arg10[%sub3A_23, %dma_start3A_39] : memref<50176x16xf32, #tpu.memory_space<vmem_shared>> -> memref<128x16xf32, #tpu.memory_space<vmem_shared>>
      %dma_start3A_41 = arith.constant 0 : i32
      %dma_start3A_42 = tpu.memref_slice %arg10[%sub3A_23, %dma_start3A_41] : memref<50176x16xf32, #tpu.memory_space<vmem_shared>> -> memref<128x16xf32, #tpu.memory_space<vmem_shared>>
      %dma_start3A_43 = arith.constant 0 : i32
      %dma_start3A_44 = arith.constant 0 : i32
      %dma_start3A_45 = tpu.memref_slice %arg9[%run_scoped3A, %dma_start3A_43, %dma_start3A_44] : memref<4x128x16xf32, #tpu.memory_space<vmem>> -> memref<1x128x16xf32, #tpu.memory_space<vmem>>
      %dma_start3A_46 = tpu.memref_squeeze %dma_start3A_45 : memref<1x128x16xf32, #tpu.memory_space<vmem>> -> memref<128x16xf32, #tpu.memory_space<vmem>>
      tpu.enqueue_dma source(%dma_start3A_46 : memref<128x16xf32, #tpu.memory_space<vmem>>) target(%dma_start3A_42 : memref<128x16xf32, #tpu.memory_space<vmem_shared>>) target_semaphore(%run_scoped3A_35 : memref<!tpu.dma_semaphore, #tpu.memory_space<semaphore_mem>>)
      %dma_wait3A = arith.constant 0 : i32
      %dma_wait3A_47 = arith.constant 0 : i32
      %dma_wait3A_48 = tpu.memref_slice %arg9[%run_scoped3A, %dma_wait3A, %dma_wait3A_47] : memref<4x128x16xf32, #tpu.memory_space<vmem>> -> memref<1x128x16xf32, #tpu.memory_space<vmem>>
      %dma_wait3A_49 = tpu.memref_squeeze %dma_wait3A_48 : memref<1x128x16xf32, #tpu.memory_space<vmem>> -> memref<128x16xf32, #tpu.memory_space<vmem>>
      %dma_wait3A_50 = arith.constant 0 : i32
      %dma_wait3A_51 = tpu.memref_slice %arg10[%sub3A_23, %dma_wait3A_50] : memref<50176x16xf32, #tpu.memory_space<vmem_shared>> -> memref<128x16xf32, #tpu.memory_space<vmem_shared>>
      %dma_wait3A_52 = arith.constant 0 : i32
      %dma_wait3A_53 = tpu.memref_slice %arg10[%sub3A_23, %dma_wait3A_52] : memref<50176x16xf32, #tpu.memory_space<vmem_shared>> -> memref<128x16xf32, #tpu.memory_space<vmem_shared>>
      %dma_wait3A_54 = arith.constant 0 : i32
      %dma_wait3A_55 = arith.constant 0 : i32
      %dma_wait3A_56 = tpu.memref_slice %arg9[%run_scoped3A, %dma_wait3A_54, %dma_wait3A_55] : memref<4x128x16xf32, #tpu.memory_space<vmem>> -> memref<1x128x16xf32, #tpu.memory_space<vmem>>
      %dma_wait3A_57 = tpu.memref_squeeze %dma_wait3A_56 : memref<1x128x16xf32, #tpu.memory_space<vmem>> -> memref<128x16xf32, #tpu.memory_space<vmem>>
      tpu.wait_dma2 semaphore(%run_scoped3A_35 : memref<!tpu.dma_semaphore, #tpu.memory_space<semaphore_mem>>) src(%dma_wait3A_57 : memref<128x16xf32, #tpu.memory_space<vmem>>) dst(%dma_wait3A_53 : memref<128x16xf32, #tpu.memory_space<vmem_shared>>)
      tpu.yield
    }) : () -> ()
    %barrier3A = arith.constant 0 : index
    tpu.barrier barrier_id(%barrier3A)
    %mul3A_24 = arith.constant 400 : i32
    %mul3A_25 = arith.muli %arg1, %mul3A_24 : i32
    %scan3A_26 = arith.constant 0 : i32
    %scan3A_27 = arith.constant 0 : i32
    %scan3A_28 = arith.constant 10 : i32
    %scan3A_29 = arith.addi %scan3A_27, %scan3A_28 : i32
    %scan3A_30 = arith.constant 1 : i32
    scf.for %scan3A_35 = %scan3A_27 to %scan3A_29 step %scan3A_30  : i32 {
      %mul3A_36 = arith.constant 40 : i32
      %mul3A_37 = arith.muli %scan3A_35, %mul3A_36 : i32
      %add3A_38 = arith.addi %mul3A_25, %mul3A_37 : i32
      "tpu.region"() ({
        %run_scoped3A_103 = tpu.sem_alloc : memref<!tpu.dma_semaphore, #tpu.memory_space<semaphore_mem>>
        %dma_start3A_104 = arith.constant 0 : i32
        %dma_start3A_105 = tpu.memref_slice %arg2[%add3A_38, %dma_start3A_104] : memref<6400x128xi32, #tpu.memory_space<hbm>> -> memref<40x128xi32, #tpu.memory_space<hbm>>
        %dma_start3A_106 = arith.constant 0 : i32
        %dma_start3A_107 = tpu.memref_slice %arg2[%add3A_38, %dma_start3A_106] : memref<6400x128xi32, #tpu.memory_space<hbm>> -> memref<40x128xi32, #tpu.memory_space<hbm>>
        tpu.enqueue_dma source(%dma_start3A_107 : memref<40x128xi32, #tpu.memory_space<hbm>>) target(%arg7 : memref<40x128xi32, #tpu.memory_space<vmem>>) target_semaphore(%run_scoped3A_103 : memref<!tpu.dma_semaphore, #tpu.memory_space<semaphore_mem>>)
        %dma_wait3A = arith.constant 0 : i32
        %dma_wait3A_108 = tpu.memref_slice %arg2[%add3A_38, %dma_wait3A] : memref<6400x128xi32, #tpu.memory_space<hbm>> -> memref<40x128xi32, #tpu.memory_space<hbm>>
        %dma_wait3A_109 = arith.constant 0 : i32
        %dma_wait3A_110 = tpu.memref_slice %arg2[%add3A_38, %dma_wait3A_109] : memref<6400x128xi32, #tpu.memory_space<hbm>> -> memref<40x128xi32, #tpu.memory_space<hbm>>
        tpu.wait_dma2 semaphore(%run_scoped3A_103 : memref<!tpu.dma_semaphore, #tpu.memory_space<semaphore_mem>>) src(%dma_wait3A_110 : memref<40x128xi32, #tpu.memory_space<hbm>>) dst(%arg7 : memref<40x128xi32, #tpu.memory_space<vmem>>)
        tpu.yield
      }) : () -> ()
      "tpu.region"() ({
        %run_scoped3A_103 = tpu.sem_alloc : memref<!tpu.dma_semaphore, #tpu.memory_space<semaphore_mem>>
        %dma_start3A_104 = arith.constant 0 : i32
        %dma_start3A_105 = tpu.memref_slice %arg3[%add3A_38, %dma_start3A_104] : memref<6400x128xi32, #tpu.memory_space<hbm>> -> memref<40x128xi32, #tpu.memory_space<hbm>>
        %dma_start3A_106 = arith.constant 0 : i32
        %dma_start3A_107 = tpu.memref_slice %arg3[%add3A_38, %dma_start3A_106] : memref<6400x128xi32, #tpu.memory_space<hbm>> -> memref<40x128xi32, #tpu.memory_space<hbm>>
        tpu.enqueue_dma source(%dma_start3A_107 : memref<40x128xi32, #tpu.memory_space<hbm>>) target(%arg8 : memref<40x128xi32, #tpu.memory_space<vmem>>) target_semaphore(%run_scoped3A_103 : memref<!tpu.dma_semaphore, #tpu.memory_space<semaphore_mem>>)
        %dma_wait3A = arith.constant 0 : i32
        %dma_wait3A_108 = tpu.memref_slice %arg3[%add3A_38, %dma_wait3A] : memref<6400x128xi32, #tpu.memory_space<hbm>> -> memref<40x128xi32, #tpu.memory_space<hbm>>
        %dma_wait3A_109 = arith.constant 0 : i32
        %dma_wait3A_110 = tpu.memref_slice %arg3[%add3A_38, %dma_wait3A_109] : memref<6400x128xi32, #tpu.memory_space<hbm>> -> memref<40x128xi32, #tpu.memory_space<hbm>>
        tpu.wait_dma2 semaphore(%run_scoped3A_103 : memref<!tpu.dma_semaphore, #tpu.memory_space<semaphore_mem>>) src(%dma_wait3A_110 : memref<40x128xi32, #tpu.memory_space<hbm>>) dst(%arg8 : memref<40x128xi32, #tpu.memory_space<vmem>>)
        tpu.yield
      }) : () -> ()
      %dma_start3A = arith.constant 0 : i32
      %dma_start3A_39 = arith.constant 0 : i32
      %dma_start3A_40 = arith.constant 0 : i32
      %dma_start3A_41 = arith.constant 0 : i32
      %dma_start3A_42 = arith.constant 0 : i32
      %dma_start3A_43 = tpu.memref_slice %arg9[%dma_start3A_39, %dma_start3A_41, %dma_start3A_42] : memref<4x128x16xf32, #tpu.memory_space<vmem>> -> memref<1x128x16xf32, #tpu.memory_space<vmem>>
      %dma_start3A_44 = tpu.memref_squeeze %dma_start3A_43 : memref<1x128x16xf32, #tpu.memory_space<vmem>> -> memref<128x16xf32, #tpu.memory_space<vmem>>
      %dma_start3A_45 = arith.constant 0 : i32
      %dma_start3A_46 = tpu.memref_slice %arg7[%dma_start3A, %dma_start3A_45] : memref<40x128xi32, #tpu.memory_space<vmem>> -> memref<1x128xi32, #tpu.memory_space<vmem>>
      %dma_start3A_47 = tpu.memref_squeeze %dma_start3A_46 : memref<1x128xi32, #tpu.memory_space<vmem>> -> memref<128xi32, #tpu.memory_space<vmem>>
      %dma_start3A_48 = arith.constant 0 : i32
      %dma_start3A_49 = arith.constant 0 : i32
      %dma_start3A_50 = tpu.memref_slice %arg13[%dma_start3A_48, %dma_start3A_49] : memref<50000x16xf32, #tpu.memory_space<vmem_shared>> -> memref<50000x16xf32, #tpu.memory_space<vmem_shared>>
      %dma_start3A_51 = tpu.memref_slice %arg11[%dma_start3A_40] : memref<4x!tpu.dma_semaphore, #tpu.memory_space<semaphore_mem>> -> memref<1x!tpu.dma_semaphore, #tpu.memory_space<semaphore_mem>>
      %dma_start3A_52 = tpu.memref_squeeze %dma_start3A_51 : memref<1x!tpu.dma_semaphore, #tpu.memory_space<semaphore_mem>> -> memref<!tpu.dma_semaphore, #tpu.memory_space<semaphore_mem>>
      tpu.enqueue_indirect_dma source(%dma_start3A_50 : memref<50000x16xf32, #tpu.memory_space<vmem_shared>>) target(%dma_start3A_44 : memref<128x16xf32, #tpu.memory_space<vmem>>) offsets(%dma_start3A_47 : memref<128xi32, #tpu.memory_space<vmem>>) semaphore(%dma_start3A_52 : memref<!tpu.dma_semaphore, #tpu.memory_space<semaphore_mem>>)
      %dma_start3A_53 = arith.constant 1 : i32
      %dma_start3A_54 = arith.constant 1 : i32
      %dma_start3A_55 = arith.constant 1 : i32
      %dma_start3A_56 = arith.constant 0 : i32
      %dma_start3A_57 = arith.constant 0 : i32
      %dma_start3A_58 = tpu.memref_slice %arg9[%dma_start3A_54, %dma_start3A_56, %dma_start3A_57] : memref<4x128x16xf32, #tpu.memory_space<vmem>> -> memref<1x128x16xf32, #tpu.memory_space<vmem>>
      %dma_start3A_59 = tpu.memref_squeeze %dma_start3A_58 : memref<1x128x16xf32, #tpu.memory_space<vmem>> -> memref<128x16xf32, #tpu.memory_space<vmem>>
      %dma_start3A_60 = arith.constant 0 : i32
      %dma_start3A_61 = tpu.memref_slice %arg7[%dma_start3A_53, %dma_start3A_60] : memref<40x128xi32, #tpu.memory_space<vmem>> -> memref<1x128xi32, #tpu.memory_space<vmem>>
      %dma_start3A_62 = tpu.memref_squeeze %dma_start3A_61 : memref<1x128xi32, #tpu.memory_space<vmem>> -> memref<128xi32, #tpu.memory_space<vmem>>
      %dma_start3A_63 = arith.constant 0 : i32
      %dma_start3A_64 = arith.constant 0 : i32
      %dma_start3A_65 = tpu.memref_slice %arg13[%dma_start3A_63, %dma_start3A_64] : memref<50000x16xf32, #tpu.memory_space<vmem_shared>> -> memref<50000x16xf32, #tpu.memory_space<vmem_shared>>
      %dma_start3A_66 = tpu.memref_slice %arg11[%dma_start3A_55] : memref<4x!tpu.dma_semaphore, #tpu.memory_space<semaphore_mem>> -> memref<1x!tpu.dma_semaphore, #tpu.memory_space<semaphore_mem>>
      %dma_start3A_67 = tpu.memref_squeeze %dma_start3A_66 : memref<1x!tpu.dma_semaphore, #tpu.memory_space<semaphore_mem>> -> memref<!tpu.dma_semaphore, #tpu.memory_space<semaphore_mem>>
      tpu.enqueue_indirect_dma source(%dma_start3A_65 : memref<50000x16xf32, #tpu.memory_space<vmem_shared>>) target(%dma_start3A_59 : memref<128x16xf32, #tpu.memory_space<vmem>>) offsets(%dma_start3A_62 : memref<128xi32, #tpu.memory_space<vmem>>) semaphore(%dma_start3A_67 : memref<!tpu.dma_semaphore, #tpu.memory_space<semaphore_mem>>)
      %dma_start3A_68 = arith.constant 2 : i32
      %dma_start3A_69 = arith.constant 2 : i32
      %dma_start3A_70 = arith.constant 2 : i32
      %dma_start3A_71 = arith.constant 0 : i32
      %dma_start3A_72 = arith.constant 0 : i32
      %dma_start3A_73 = tpu.memref_slice %arg9[%dma_start3A_69, %dma_start3A_71, %dma_start3A_72] : memref<4x128x16xf32, #tpu.memory_space<vmem>> -> memref<1x128x16xf32, #tpu.memory_space<vmem>>
      %dma_start3A_74 = tpu.memref_squeeze %dma_start3A_73 : memref<1x128x16xf32, #tpu.memory_space<vmem>> -> memref<128x16xf32, #tpu.memory_space<vmem>>
      %dma_start3A_75 = arith.constant 0 : i32
      %dma_start3A_76 = tpu.memref_slice %arg7[%dma_start3A_68, %dma_start3A_75] : memref<40x128xi32, #tpu.memory_space<vmem>> -> memref<1x128xi32, #tpu.memory_space<vmem>>
      %dma_start3A_77 = tpu.memref_squeeze %dma_start3A_76 : memref<1x128xi32, #tpu.memory_space<vmem>> -> memref<128xi32, #tpu.memory_space<vmem>>
      %dma_start3A_78 = arith.constant 0 : i32
      %dma_start3A_79 = arith.constant 0 : i32
      %dma_start3A_80 = tpu.memref_slice %arg13[%dma_start3A_78, %dma_start3A_79] : memref<50000x16xf32, #tpu.memory_space<vmem_shared>> -> memref<50000x16xf32, #tpu.memory_space<vmem_shared>>
      %dma_start3A_81 = tpu.memref_slice %arg11[%dma_start3A_70] : memref<4x!tpu.dma_semaphore, #tpu.memory_space<semaphore_mem>> -> memref<1x!tpu.dma_semaphore, #tpu.memory_space<semaphore_mem>>
      %dma_start3A_82 = tpu.memref_squeeze %dma_start3A_81 : memref<1x!tpu.dma_semaphore, #tpu.memory_space<semaphore_mem>> -> memref<!tpu.dma_semaphore, #tpu.memory_space<semaphore_mem>>
      tpu.enqueue_indirect_dma source(%dma_start3A_80 : memref<50000x16xf32, #tpu.memory_space<vmem_shared>>) target(%dma_start3A_74 : memref<128x16xf32, #tpu.memory_space<vmem>>) offsets(%dma_start3A_77 : memref<128xi32, #tpu.memory_space<vmem>>) semaphore(%dma_start3A_82 : memref<!tpu.dma_semaphore, #tpu.memory_space<semaphore_mem>>)
      %dma_start3A_83 = arith.constant 3 : i32
      %dma_start3A_84 = arith.constant 3 : i32
      %dma_start3A_85 = arith.constant 3 : i32
      %dma_start3A_86 = arith.constant 0 : i32
      %dma_start3A_87 = arith.constant 0 : i32
      %dma_start3A_88 = tpu.memref_slice %arg9[%dma_start3A_84, %dma_start3A_86, %dma_start3A_87] : memref<4x128x16xf32, #tpu.memory_space<vmem>> -> memref<1x128x16xf32, #tpu.memory_space<vmem>>
      %dma_start3A_89 = tpu.memref_squeeze %dma_start3A_88 : memref<1x128x16xf32, #tpu.memory_space<vmem>> -> memref<128x16xf32, #tpu.memory_space<vmem>>
      %dma_start3A_90 = arith.constant 0 : i32
      %dma_start3A_91 = tpu.memref_slice %arg7[%dma_start3A_83, %dma_start3A_90] : memref<40x128xi32, #tpu.memory_space<vmem>> -> memref<1x128xi32, #tpu.memory_space<vmem>>
      %dma_start3A_92 = tpu.memref_squeeze %dma_start3A_91 : memref<1x128xi32, #tpu.memory_space<vmem>> -> memref<128xi32, #tpu.memory_space<vmem>>
      %dma_start3A_93 = arith.constant 0 : i32
      %dma_start3A_94 = arith.constant 0 : i32
      %dma_start3A_95 = tpu.memref_slice %arg13[%dma_start3A_93, %dma_start3A_94] : memref<50000x16xf32, #tpu.memory_space<vmem_shared>> -> memref<50000x16xf32, #tpu.memory_space<vmem_shared>>
      %dma_start3A_96 = tpu.memref_slice %arg11[%dma_start3A_85] : memref<4x!tpu.dma_semaphore, #tpu.memory_space<semaphore_mem>> -> memref<1x!tpu.dma_semaphore, #tpu.memory_space<semaphore_mem>>
      %dma_start3A_97 = tpu.memref_squeeze %dma_start3A_96 : memref<1x!tpu.dma_semaphore, #tpu.memory_space<semaphore_mem>> -> memref<!tpu.dma_semaphore, #tpu.memory_space<semaphore_mem>>
      tpu.enqueue_indirect_dma source(%dma_start3A_95 : memref<50000x16xf32, #tpu.memory_space<vmem_shared>>) target(%dma_start3A_89 : memref<128x16xf32, #tpu.memory_space<vmem>>) offsets(%dma_start3A_92 : memref<128xi32, #tpu.memory_space<vmem>>) semaphore(%dma_start3A_97 : memref<!tpu.dma_semaphore, #tpu.memory_space<semaphore_mem>>)
      %scan3A_98 = arith.constant 0 : i32
      %scan3A_99 = arith.constant 10 : i32
      %scan3A_100 = arith.addi %scan3A_98, %scan3A_99 : i32
      %scan3A_101 = arith.constant 1 : i32
      scf.for %scan3A_103 = %scan3A_98 to %scan3A_100 step %scan3A_101  : i32 {
        %mul3A_104 = arith.constant 4 : i32
        %mul3A_105 = arith.muli %scan3A_103, %mul3A_104 : i32
        %add3A_106 = arith.constant 0 : i32
        %add3A_107 = arith.addi %mul3A_105, %add3A_106 : i32
        %dma_wait3A = arith.constant 0 : i32
        %dma_wait3A_108 = arith.constant 0 : i32
        %dma_wait3A_109 = arith.constant 0 : i32
        %dma_wait3A_110 = arith.constant 0 : i32
        %dma_wait3A_111 = tpu.memref_slice %arg9[%dma_wait3A, %dma_wait3A_109, %dma_wait3A_110] : memref<4x128x16xf32, #tpu.memory_space<vmem>> -> memref<1x128x16xf32, #tpu.memory_space<vmem>>
        %dma_wait3A_112 = tpu.memref_squeeze %dma_wait3A_111 : memref<1x128x16xf32, #tpu.memory_space<vmem>> -> memref<128x16xf32, #tpu.memory_space<vmem>>
        %dma_wait3A_113 = arith.constant 0 : i32
        %dma_wait3A_114 = tpu.memref_slice %arg7[%add3A_107, %dma_wait3A_113] : memref<40x128xi32, #tpu.memory_space<vmem>> -> memref<1x128xi32, #tpu.memory_space<vmem>>
        %dma_wait3A_115 = tpu.memref_squeeze %dma_wait3A_114 : memref<1x128xi32, #tpu.memory_space<vmem>> -> memref<128xi32, #tpu.memory_space<vmem>>
        %dma_wait3A_116 = arith.constant 0 : i32
        %dma_wait3A_117 = arith.constant 0 : i32
        %dma_wait3A_118 = tpu.memref_slice %arg13[%dma_wait3A_116, %dma_wait3A_117] : memref<50000x16xf32, #tpu.memory_space<vmem_shared>> -> memref<50000x16xf32, #tpu.memory_space<vmem_shared>>
        %dma_wait3A_119 = tpu.memref_slice %arg11[%dma_wait3A_108] : memref<4x!tpu.dma_semaphore, #tpu.memory_space<semaphore_mem>> -> memref<1x!tpu.dma_semaphore, #tpu.memory_space<semaphore_mem>>
        %dma_wait3A_120 = tpu.memref_squeeze %dma_wait3A_119 : memref<1x!tpu.dma_semaphore, #tpu.memory_space<semaphore_mem>> -> memref<!tpu.dma_semaphore, #tpu.memory_space<semaphore_mem>>
        tpu.wait_indirect_dma semaphore(%dma_wait3A_120 : memref<!tpu.dma_semaphore, #tpu.memory_space<semaphore_mem>>) src(%dma_wait3A_118 : memref<50000x16xf32, #tpu.memory_space<vmem_shared>>) dst(%dma_wait3A_112 : memref<128x16xf32, #tpu.memory_space<vmem>>)
        %add3A_121 = arith.constant 0 : i32
        %add3A_122 = arith.addi %mul3A_105, %add3A_121 : i32
        %dma_start3A_123 = arith.constant 0 : i32
        %dma_start3A_124 = arith.constant 0 : i32
        %dma_start3A_125 = arith.constant 0 : i32
        %dma_start3A_126 = arith.constant 0 : i32
        %dma_start3A_127 = tpu.memref_slice %arg9[%dma_start3A_123, %dma_start3A_125, %dma_start3A_126] : memref<4x128x16xf32, #tpu.memory_space<vmem>> -> memref<1x128x16xf32, #tpu.memory_space<vmem>>
        %dma_start3A_128 = tpu.memref_squeeze %dma_start3A_127 : memref<1x128x16xf32, #tpu.memory_space<vmem>> -> memref<128x16xf32, #tpu.memory_space<vmem>>
        %dma_start3A_129 = arith.constant 0 : i32
        %dma_start3A_130 = tpu.memref_slice %arg8[%add3A_122, %dma_start3A_129] : memref<40x128xi32, #tpu.memory_space<vmem>> -> memref<1x128xi32, #tpu.memory_space<vmem>>
        %dma_start3A_131 = tpu.memref_squeeze %dma_start3A_130 : memref<1x128xi32, #tpu.memory_space<vmem>> -> memref<128xi32, #tpu.memory_space<vmem>>
        %dma_start3A_132 = arith.constant 0 : i32
        %dma_start3A_133 = arith.constant 0 : i32
        %dma_start3A_134 = tpu.memref_slice %arg10[%dma_start3A_132, %dma_start3A_133] : memref<50176x16xf32, #tpu.memory_space<vmem_shared>> -> memref<50176x16xf32, #tpu.memory_space<vmem_shared>>
        %dma_start3A_135 = tpu.memref_slice %arg12[%dma_start3A_124] : memref<4x!tpu.dma_semaphore, #tpu.memory_space<semaphore_mem>> -> memref<1x!tpu.dma_semaphore, #tpu.memory_space<semaphore_mem>>
        %dma_start3A_136 = tpu.memref_squeeze %dma_start3A_135 : memref<1x!tpu.dma_semaphore, #tpu.memory_space<semaphore_mem>> -> memref<!tpu.dma_semaphore, #tpu.memory_space<semaphore_mem>>
        tpu.enqueue_indirect_dma source(%dma_start3A_128 : memref<128x16xf32, #tpu.memory_space<vmem>>) target(%dma_start3A_134 : memref<50176x16xf32, #tpu.memory_space<vmem_shared>>) offsets(%dma_start3A_131 : memref<128xi32, #tpu.memory_space<vmem>>) semaphore(%dma_start3A_136 : memref<!tpu.dma_semaphore, #tpu.memory_space<semaphore_mem>>) {add = true}
        %add3A_137 = arith.constant 1 : i32
        %add3A_138 = arith.addi %mul3A_105, %add3A_137 : i32
        %dma_wait3A_139 = arith.constant 1 : i32
        %dma_wait3A_140 = arith.constant 1 : i32
        %dma_wait3A_141 = arith.constant 0 : i32
        %dma_wait3A_142 = arith.constant 0 : i32
        %dma_wait3A_143 = tpu.memref_slice %arg9[%dma_wait3A_139, %dma_wait3A_141, %dma_wait3A_142] : memref<4x128x16xf32, #tpu.memory_space<vmem>> -> memref<1x128x16xf32, #tpu.memory_space<vmem>>
        %dma_wait3A_144 = tpu.memref_squeeze %dma_wait3A_143 : memref<1x128x16xf32, #tpu.memory_space<vmem>> -> memref<128x16xf32, #tpu.memory_space<vmem>>
        %dma_wait3A_145 = arith.constant 0 : i32
        %dma_wait3A_146 = tpu.memref_slice %arg7[%add3A_138, %dma_wait3A_145] : memref<40x128xi32, #tpu.memory_space<vmem>> -> memref<1x128xi32, #tpu.memory_space<vmem>>
        %dma_wait3A_147 = tpu.memref_squeeze %dma_wait3A_146 : memref<1x128xi32, #tpu.memory_space<vmem>> -> memref<128xi32, #tpu.memory_space<vmem>>
        %dma_wait3A_148 = arith.constant 0 : i32
        %dma_wait3A_149 = arith.constant 0 : i32
        %dma_wait3A_150 = tpu.memref_slice %arg13[%dma_wait3A_148, %dma_wait3A_149] : memref<50000x16xf32, #tpu.memory_space<vmem_shared>> -> memref<50000x16xf32, #tpu.memory_space<vmem_shared>>
        %dma_wait3A_151 = tpu.memref_slice %arg11[%dma_wait3A_140] : memref<4x!tpu.dma_semaphore, #tpu.memory_space<semaphore_mem>> -> memref<1x!tpu.dma_semaphore, #tpu.memory_space<semaphore_mem>>
        %dma_wait3A_152 = tpu.memref_squeeze %dma_wait3A_151 : memref<1x!tpu.dma_semaphore, #tpu.memory_space<semaphore_mem>> -> memref<!tpu.dma_semaphore, #tpu.memory_space<semaphore_mem>>
        tpu.wait_indirect_dma semaphore(%dma_wait3A_152 : memref<!tpu.dma_semaphore, #tpu.memory_space<semaphore_mem>>) src(%dma_wait3A_150 : memref<50000x16xf32, #tpu.memory_space<vmem_shared>>) dst(%dma_wait3A_144 : memref<128x16xf32, #tpu.memory_space<vmem>>)
        %add3A_153 = arith.constant 1 : i32
        %add3A_154 = arith.addi %mul3A_105, %add3A_153 : i32
        %dma_start3A_155 = arith.constant 1 : i32
        %dma_start3A_156 = arith.constant 1 : i32
        %dma_start3A_157 = arith.constant 0 : i32
        %dma_start3A_158 = arith.constant 0 : i32
        %dma_start3A_159 = tpu.memref_slice %arg9[%dma_start3A_155, %dma_start3A_157, %dma_start3A_158] : memref<4x128x16xf32, #tpu.memory_space<vmem>> -> memref<1x128x16xf32, #tpu.memory_space<vmem>>
        %dma_start3A_160 = tpu.memref_squeeze %dma_start3A_159 : memref<1x128x16xf32, #tpu.memory_space<vmem>> -> memref<128x16xf32, #tpu.memory_space<vmem>>
        %dma_start3A_161 = arith.constant 0 : i32
        %dma_start3A_162 = tpu.memref_slice %arg8[%add3A_154, %dma_start3A_161] : memref<40x128xi32, #tpu.memory_space<vmem>> -> memref<1x128xi32, #tpu.memory_space<vmem>>
        %dma_start3A_163 = tpu.memref_squeeze %dma_start3A_162 : memref<1x128xi32, #tpu.memory_space<vmem>> -> memref<128xi32, #tpu.memory_space<vmem>>
        %dma_start3A_164 = arith.constant 0 : i32
        %dma_start3A_165 = arith.constant 0 : i32
        %dma_start3A_166 = tpu.memref_slice %arg10[%dma_start3A_164, %dma_start3A_165] : memref<50176x16xf32, #tpu.memory_space<vmem_shared>> -> memref<50176x16xf32, #tpu.memory_space<vmem_shared>>
        %dma_start3A_167 = tpu.memref_slice %arg12[%dma_start3A_156] : memref<4x!tpu.dma_semaphore, #tpu.memory_space<semaphore_mem>> -> memref<1x!tpu.dma_semaphore, #tpu.memory_space<semaphore_mem>>
        %dma_start3A_168 = tpu.memref_squeeze %dma_start3A_167 : memref<1x!tpu.dma_semaphore, #tpu.memory_space<semaphore_mem>> -> memref<!tpu.dma_semaphore, #tpu.memory_space<semaphore_mem>>
        tpu.enqueue_indirect_dma source(%dma_start3A_160 : memref<128x16xf32, #tpu.memory_space<vmem>>) target(%dma_start3A_166 : memref<50176x16xf32, #tpu.memory_space<vmem_shared>>) offsets(%dma_start3A_163 : memref<128xi32, #tpu.memory_space<vmem>>) semaphore(%dma_start3A_168 : memref<!tpu.dma_semaphore, #tpu.memory_space<semaphore_mem>>) {add = true}
        %add3A_169 = arith.constant 2 : i32
        %add3A_170 = arith.addi %mul3A_105, %add3A_169 : i32
        %dma_wait3A_171 = arith.constant 2 : i32
        %dma_wait3A_172 = arith.constant 2 : i32
        %dma_wait3A_173 = arith.constant 0 : i32
        %dma_wait3A_174 = arith.constant 0 : i32
        %dma_wait3A_175 = tpu.memref_slice %arg9[%dma_wait3A_171, %dma_wait3A_173, %dma_wait3A_174] : memref<4x128x16xf32, #tpu.memory_space<vmem>> -> memref<1x128x16xf32, #tpu.memory_space<vmem>>
        %dma_wait3A_176 = tpu.memref_squeeze %dma_wait3A_175 : memref<1x128x16xf32, #tpu.memory_space<vmem>> -> memref<128x16xf32, #tpu.memory_space<vmem>>
        %dma_wait3A_177 = arith.constant 0 : i32
        %dma_wait3A_178 = tpu.memref_slice %arg7[%add3A_170, %dma_wait3A_177] : memref<40x128xi32, #tpu.memory_space<vmem>> -> memref<1x128xi32, #tpu.memory_space<vmem>>
        %dma_wait3A_179 = tpu.memref_squeeze %dma_wait3A_178 : memref<1x128xi32, #tpu.memory_space<vmem>> -> memref<128xi32, #tpu.memory_space<vmem>>
        %dma_wait3A_180 = arith.constant 0 : i32
        %dma_wait3A_181 = arith.constant 0 : i32
        %dma_wait3A_182 = tpu.memref_slice %arg13[%dma_wait3A_180, %dma_wait3A_181] : memref<50000x16xf32, #tpu.memory_space<vmem_shared>> -> memref<50000x16xf32, #tpu.memory_space<vmem_shared>>
        %dma_wait3A_183 = tpu.memref_slice %arg11[%dma_wait3A_172] : memref<4x!tpu.dma_semaphore, #tpu.memory_space<semaphore_mem>> -> memref<1x!tpu.dma_semaphore, #tpu.memory_space<semaphore_mem>>
        %dma_wait3A_184 = tpu.memref_squeeze %dma_wait3A_183 : memref<1x!tpu.dma_semaphore, #tpu.memory_space<semaphore_mem>> -> memref<!tpu.dma_semaphore, #tpu.memory_space<semaphore_mem>>
        tpu.wait_indirect_dma semaphore(%dma_wait3A_184 : memref<!tpu.dma_semaphore, #tpu.memory_space<semaphore_mem>>) src(%dma_wait3A_182 : memref<50000x16xf32, #tpu.memory_space<vmem_shared>>) dst(%dma_wait3A_176 : memref<128x16xf32, #tpu.memory_space<vmem>>)
        %add3A_185 = arith.constant 2 : i32
        %add3A_186 = arith.addi %mul3A_105, %add3A_185 : i32
        %dma_start3A_187 = arith.constant 2 : i32
        %dma_start3A_188 = arith.constant 2 : i32
        %dma_start3A_189 = arith.constant 0 : i32
        %dma_start3A_190 = arith.constant 0 : i32
        %dma_start3A_191 = tpu.memref_slice %arg9[%dma_start3A_187, %dma_start3A_189, %dma_start3A_190] : memref<4x128x16xf32, #tpu.memory_space<vmem>> -> memref<1x128x16xf32, #tpu.memory_space<vmem>>
        %dma_start3A_192 = tpu.memref_squeeze %dma_start3A_191 : memref<1x128x16xf32, #tpu.memory_space<vmem>> -> memref<128x16xf32, #tpu.memory_space<vmem>>
        %dma_start3A_193 = arith.constant 0 : i32
        %dma_start3A_194 = tpu.memref_slice %arg8[%add3A_186, %dma_start3A_193] : memref<40x128xi32, #tpu.memory_space<vmem>> -> memref<1x128xi32, #tpu.memory_space<vmem>>
        %dma_start3A_195 = tpu.memref_squeeze %dma_start3A_194 : memref<1x128xi32, #tpu.memory_space<vmem>> -> memref<128xi32, #tpu.memory_space<vmem>>
        %dma_start3A_196 = arith.constant 0 : i32
        %dma_start3A_197 = arith.constant 0 : i32
        %dma_start3A_198 = tpu.memref_slice %arg10[%dma_start3A_196, %dma_start3A_197] : memref<50176x16xf32, #tpu.memory_space<vmem_shared>> -> memref<50176x16xf32, #tpu.memory_space<vmem_shared>>
        %dma_start3A_199 = tpu.memref_slice %arg12[%dma_start3A_188] : memref<4x!tpu.dma_semaphore, #tpu.memory_space<semaphore_mem>> -> memref<1x!tpu.dma_semaphore, #tpu.memory_space<semaphore_mem>>
        %dma_start3A_200 = tpu.memref_squeeze %dma_start3A_199 : memref<1x!tpu.dma_semaphore, #tpu.memory_space<semaphore_mem>> -> memref<!tpu.dma_semaphore, #tpu.memory_space<semaphore_mem>>
        tpu.enqueue_indirect_dma source(%dma_start3A_192 : memref<128x16xf32, #tpu.memory_space<vmem>>) target(%dma_start3A_198 : memref<50176x16xf32, #tpu.memory_space<vmem_shared>>) offsets(%dma_start3A_195 : memref<128xi32, #tpu.memory_space<vmem>>) semaphore(%dma_start3A_200 : memref<!tpu.dma_semaphore, #tpu.memory_space<semaphore_mem>>) {add = true}
        %add3A_201 = arith.constant 3 : i32
        %add3A_202 = arith.addi %mul3A_105, %add3A_201 : i32
        %dma_wait3A_203 = arith.constant 3 : i32
        %dma_wait3A_204 = arith.constant 3 : i32
        %dma_wait3A_205 = arith.constant 0 : i32
        %dma_wait3A_206 = arith.constant 0 : i32
        %dma_wait3A_207 = tpu.memref_slice %arg9[%dma_wait3A_203, %dma_wait3A_205, %dma_wait3A_206] : memref<4x128x16xf32, #tpu.memory_space<vmem>> -> memref<1x128x16xf32, #tpu.memory_space<vmem>>
        %dma_wait3A_208 = tpu.memref_squeeze %dma_wait3A_207 : memref<1x128x16xf32, #tpu.memory_space<vmem>> -> memref<128x16xf32, #tpu.memory_space<vmem>>
        %dma_wait3A_209 = arith.constant 0 : i32
        %dma_wait3A_210 = tpu.memref_slice %arg7[%add3A_202, %dma_wait3A_209] : memref<40x128xi32, #tpu.memory_space<vmem>> -> memref<1x128xi32, #tpu.memory_space<vmem>>
        %dma_wait3A_211 = tpu.memref_squeeze %dma_wait3A_210 : memref<1x128xi32, #tpu.memory_space<vmem>> -> memref<128xi32, #tpu.memory_space<vmem>>
        %dma_wait3A_212 = arith.constant 0 : i32
        %dma_wait3A_213 = arith.constant 0 : i32
        %dma_wait3A_214 = tpu.memref_slice %arg13[%dma_wait3A_212, %dma_wait3A_213] : memref<50000x16xf32, #tpu.memory_space<vmem_shared>> -> memref<50000x16xf32, #tpu.memory_space<vmem_shared>>
        %dma_wait3A_215 = tpu.memref_slice %arg11[%dma_wait3A_204] : memref<4x!tpu.dma_semaphore, #tpu.memory_space<semaphore_mem>> -> memref<1x!tpu.dma_semaphore, #tpu.memory_space<semaphore_mem>>
        %dma_wait3A_216 = tpu.memref_squeeze %dma_wait3A_215 : memref<1x!tpu.dma_semaphore, #tpu.memory_space<semaphore_mem>> -> memref<!tpu.dma_semaphore, #tpu.memory_space<semaphore_mem>>
        tpu.wait_indirect_dma semaphore(%dma_wait3A_216 : memref<!tpu.dma_semaphore, #tpu.memory_space<semaphore_mem>>) src(%dma_wait3A_214 : memref<50000x16xf32, #tpu.memory_space<vmem_shared>>) dst(%dma_wait3A_208 : memref<128x16xf32, #tpu.memory_space<vmem>>)
        %add3A_217 = arith.constant 3 : i32
        %add3A_218 = arith.addi %mul3A_105, %add3A_217 : i32
        %dma_start3A_219 = arith.constant 3 : i32
        %dma_start3A_220 = arith.constant 3 : i32
        %dma_start3A_221 = arith.constant 0 : i32
        %dma_start3A_222 = arith.constant 0 : i32
        %dma_start3A_223 = tpu.memref_slice %arg9[%dma_start3A_219, %dma_start3A_221, %dma_start3A_222] : memref<4x128x16xf32, #tpu.memory_space<vmem>> -> memref<1x128x16xf32, #tpu.memory_space<vmem>>
        %dma_start3A_224 = tpu.memref_squeeze %dma_start3A_223 : memref<1x128x16xf32, #tpu.memory_space<vmem>> -> memref<128x16xf32, #tpu.memory_space<vmem>>
        %dma_start3A_225 = arith.constant 0 : i32
        %dma_start3A_226 = tpu.memref_slice %arg8[%add3A_218, %dma_start3A_225] : memref<40x128xi32, #tpu.memory_space<vmem>> -> memref<1x128xi32, #tpu.memory_space<vmem>>
        %dma_start3A_227 = tpu.memref_squeeze %dma_start3A_226 : memref<1x128xi32, #tpu.memory_space<vmem>> -> memref<128xi32, #tpu.memory_space<vmem>>
        %dma_start3A_228 = arith.constant 0 : i32
        %dma_start3A_229 = arith.constant 0 : i32
        %dma_start3A_230 = tpu.memref_slice %arg10[%dma_start3A_228, %dma_start3A_229] : memref<50176x16xf32, #tpu.memory_space<vmem_shared>> -> memref<50176x16xf32, #tpu.memory_space<vmem_shared>>
        %dma_start3A_231 = tpu.memref_slice %arg12[%dma_start3A_220] : memref<4x!tpu.dma_semaphore, #tpu.memory_space<semaphore_mem>> -> memref<1x!tpu.dma_semaphore, #tpu.memory_space<semaphore_mem>>
        %dma_start3A_232 = tpu.memref_squeeze %dma_start3A_231 : memref<1x!tpu.dma_semaphore, #tpu.memory_space<semaphore_mem>> -> memref<!tpu.dma_semaphore, #tpu.memory_space<semaphore_mem>>
        tpu.enqueue_indirect_dma source(%dma_start3A_224 : memref<128x16xf32, #tpu.memory_space<vmem>>) target(%dma_start3A_230 : memref<50176x16xf32, #tpu.memory_space<vmem_shared>>) offsets(%dma_start3A_227 : memref<128xi32, #tpu.memory_space<vmem>>) semaphore(%dma_start3A_232 : memref<!tpu.dma_semaphore, #tpu.memory_space<semaphore_mem>>) {add = true}
        %add3A_233 = arith.constant 0 : i32
        %add3A_234 = arith.addi %mul3A_105, %add3A_233 : i32
        %dma_wait3A_235 = arith.constant 0 : i32
        %dma_wait3A_236 = arith.constant 0 : i32
        %dma_wait3A_237 = arith.constant 0 : i32
        %dma_wait3A_238 = arith.constant 0 : i32
        %dma_wait3A_239 = tpu.memref_slice %arg9[%dma_wait3A_235, %dma_wait3A_237, %dma_wait3A_238] : memref<4x128x16xf32, #tpu.memory_space<vmem>> -> memref<1x128x16xf32, #tpu.memory_space<vmem>>
        %dma_wait3A_240 = tpu.memref_squeeze %dma_wait3A_239 : memref<1x128x16xf32, #tpu.memory_space<vmem>> -> memref<128x16xf32, #tpu.memory_space<vmem>>
        %dma_wait3A_241 = arith.constant 0 : i32
        %dma_wait3A_242 = tpu.memref_slice %arg8[%add3A_234, %dma_wait3A_241] : memref<40x128xi32, #tpu.memory_space<vmem>> -> memref<1x128xi32, #tpu.memory_space<vmem>>
        %dma_wait3A_243 = tpu.memref_squeeze %dma_wait3A_242 : memref<1x128xi32, #tpu.memory_space<vmem>> -> memref<128xi32, #tpu.memory_space<vmem>>
        %dma_wait3A_244 = arith.constant 0 : i32
        %dma_wait3A_245 = arith.constant 0 : i32
        %dma_wait3A_246 = tpu.memref_slice %arg10[%dma_wait3A_244, %dma_wait3A_245] : memref<50176x16xf32, #tpu.memory_space<vmem_shared>> -> memref<50176x16xf32, #tpu.memory_space<vmem_shared>>
        %dma_wait3A_247 = tpu.memref_slice %arg12[%dma_wait3A_236] : memref<4x!tpu.dma_semaphore, #tpu.memory_space<semaphore_mem>> -> memref<1x!tpu.dma_semaphore, #tpu.memory_space<semaphore_mem>>
        %dma_wait3A_248 = tpu.memref_squeeze %dma_wait3A_247 : memref<1x!tpu.dma_semaphore, #tpu.memory_space<semaphore_mem>> -> memref<!tpu.dma_semaphore, #tpu.memory_space<semaphore_mem>>
        tpu.wait_indirect_dma semaphore(%dma_wait3A_248 : memref<!tpu.dma_semaphore, #tpu.memory_space<semaphore_mem>>) src(%dma_wait3A_240 : memref<128x16xf32, #tpu.memory_space<vmem>>) dst(%dma_wait3A_246 : memref<50176x16xf32, #tpu.memory_space<vmem_shared>>)
        %add3A_249 = arith.constant 4 : i32
        %add3A_250 = arith.addi %mul3A_105, %add3A_249 : i32
        %add3A_251 = arith.constant 0 : i32
        %add3A_252 = arith.addi %add3A_250, %add3A_251 : i32
        %lt3A = arith.constant 40 : i32
        %lt3A_253 = arith.cmpi slt, %add3A_252, %lt3A : i32
        %convert_element_type3A_254 = arith.extui %lt3A_253 : i1 to i32
        %cond3A_255 = arith.constant 0 : i32
        %cond3A_256 = arith.cmpi ne, %convert_element_type3A_254, %cond3A_255 : i32
        scf.if %cond3A_256 {
          %add3A_332 = arith.constant 4 : i32
          %add3A_333 = arith.addi %mul3A_105, %add3A_332 : i32
          %add3A_334 = arith.constant 0 : i32
          %add3A_335 = arith.addi %add3A_333, %add3A_334 : i32
          %dma_start3A_336 = arith.constant 0 : i32
          %dma_start3A_337 = arith.constant 0 : i32
          %dma_start3A_338 = arith.constant 0 : i32
          %dma_start3A_339 = arith.constant 0 : i32
          %dma_start3A_340 = tpu.memref_slice %arg9[%dma_start3A_336, %dma_start3A_338, %dma_start3A_339] : memref<4x128x16xf32, #tpu.memory_space<vmem>> -> memref<1x128x16xf32, #tpu.memory_space<vmem>>
          %dma_start3A_341 = tpu.memref_squeeze %dma_start3A_340 : memref<1x128x16xf32, #tpu.memory_space<vmem>> -> memref<128x16xf32, #tpu.memory_space<vmem>>
          %dma_start3A_342 = arith.constant 0 : i32
          %dma_start3A_343 = tpu.memref_slice %arg7[%add3A_335, %dma_start3A_342] : memref<40x128xi32, #tpu.memory_space<vmem>> -> memref<1x128xi32, #tpu.memory_space<vmem>>
          %dma_start3A_344 = tpu.memref_squeeze %dma_start3A_343 : memref<1x128xi32, #tpu.memory_space<vmem>> -> memref<128xi32, #tpu.memory_space<vmem>>
          %dma_start3A_345 = arith.constant 0 : i32
          %dma_start3A_346 = arith.constant 0 : i32
          %dma_start3A_347 = tpu.memref_slice %arg13[%dma_start3A_345, %dma_start3A_346] : memref<50000x16xf32, #tpu.memory_space<vmem_shared>> -> memref<50000x16xf32, #tpu.memory_space<vmem_shared>>
          %dma_start3A_348 = tpu.memref_slice %arg11[%dma_start3A_337] : memref<4x!tpu.dma_semaphore, #tpu.memory_space<semaphore_mem>> -> memref<1x!tpu.dma_semaphore, #tpu.memory_space<semaphore_mem>>
          %dma_start3A_349 = tpu.memref_squeeze %dma_start3A_348 : memref<1x!tpu.dma_semaphore, #tpu.memory_space<semaphore_mem>> -> memref<!tpu.dma_semaphore, #tpu.memory_space<semaphore_mem>>
          tpu.enqueue_indirect_dma source(%dma_start3A_347 : memref<50000x16xf32, #tpu.memory_space<vmem_shared>>) target(%dma_start3A_341 : memref<128x16xf32, #tpu.memory_space<vmem>>) offsets(%dma_start3A_344 : memref<128xi32, #tpu.memory_space<vmem>>) semaphore(%dma_start3A_349 : memref<!tpu.dma_semaphore, #tpu.memory_space<semaphore_mem>>)
        } else {
        }
        %add3A_257 = arith.constant 1 : i32
        %add3A_258 = arith.addi %mul3A_105, %add3A_257 : i32
        %dma_wait3A_259 = arith.constant 1 : i32
        %dma_wait3A_260 = arith.constant 1 : i32
        %dma_wait3A_261 = arith.constant 0 : i32
        %dma_wait3A_262 = arith.constant 0 : i32
        %dma_wait3A_263 = tpu.memref_slice %arg9[%dma_wait3A_259, %dma_wait3A_261, %dma_wait3A_262] : memref<4x128x16xf32, #tpu.memory_space<vmem>> -> memref<1x128x16xf32, #tpu.memory_space<vmem>>
        %dma_wait3A_264 = tpu.memref_squeeze %dma_wait3A_263 : memref<1x128x16xf32, #tpu.memory_space<vmem>> -> memref<128x16xf32, #tpu.memory_space<vmem>>
        %dma_wait3A_265 = arith.constant 0 : i32
        %dma_wait3A_266 = tpu.memref_slice %arg8[%add3A_258, %dma_wait3A_265] : memref<40x128xi32, #tpu.memory_space<vmem>> -> memref<1x128xi32, #tpu.memory_space<vmem>>
        %dma_wait3A_267 = tpu.memref_squeeze %dma_wait3A_266 : memref<1x128xi32, #tpu.memory_space<vmem>> -> memref<128xi32, #tpu.memory_space<vmem>>
        %dma_wait3A_268 = arith.constant 0 : i32
        %dma_wait3A_269 = arith.constant 0 : i32
        %dma_wait3A_270 = tpu.memref_slice %arg10[%dma_wait3A_268, %dma_wait3A_269] : memref<50176x16xf32, #tpu.memory_space<vmem_shared>> -> memref<50176x16xf32, #tpu.memory_space<vmem_shared>>
        %dma_wait3A_271 = tpu.memref_slice %arg12[%dma_wait3A_260] : memref<4x!tpu.dma_semaphore, #tpu.memory_space<semaphore_mem>> -> memref<1x!tpu.dma_semaphore, #tpu.memory_space<semaphore_mem>>
        %dma_wait3A_272 = tpu.memref_squeeze %dma_wait3A_271 : memref<1x!tpu.dma_semaphore, #tpu.memory_space<semaphore_mem>> -> memref<!tpu.dma_semaphore, #tpu.memory_space<semaphore_mem>>
        tpu.wait_indirect_dma semaphore(%dma_wait3A_272 : memref<!tpu.dma_semaphore, #tpu.memory_space<semaphore_mem>>) src(%dma_wait3A_264 : memref<128x16xf32, #tpu.memory_space<vmem>>) dst(%dma_wait3A_270 : memref<50176x16xf32, #tpu.memory_space<vmem_shared>>)
        %add3A_273 = arith.constant 4 : i32
        %add3A_274 = arith.addi %mul3A_105, %add3A_273 : i32
        %add3A_275 = arith.constant 1 : i32
        %add3A_276 = arith.addi %add3A_274, %add3A_275 : i32
        %lt3A_277 = arith.constant 40 : i32
        %lt3A_278 = arith.cmpi slt, %add3A_276, %lt3A_277 : i32
        %convert_element_type3A_279 = arith.extui %lt3A_278 : i1 to i32
        %cond3A_280 = arith.constant 0 : i32
        %cond3A_281 = arith.cmpi ne, %convert_element_type3A_279, %cond3A_280 : i32
        scf.if %cond3A_281 {
          %add3A_332 = arith.constant 4 : i32
          %add3A_333 = arith.addi %mul3A_105, %add3A_332 : i32
          %add3A_334 = arith.constant 1 : i32
          %add3A_335 = arith.addi %add3A_333, %add3A_334 : i32
          %dma_start3A_336 = arith.constant 1 : i32
          %dma_start3A_337 = arith.constant 1 : i32
          %dma_start3A_338 = arith.constant 0 : i32
          %dma_start3A_339 = arith.constant 0 : i32
          %dma_start3A_340 = tpu.memref_slice %arg9[%dma_start3A_336, %dma_start3A_338, %dma_start3A_339] : memref<4x128x16xf32, #tpu.memory_space<vmem>> -> memref<1x128x16xf32, #tpu.memory_space<vmem>>
          %dma_start3A_341 = tpu.memref_squeeze %dma_start3A_340 : memref<1x128x16xf32, #tpu.memory_space<vmem>> -> memref<128x16xf32, #tpu.memory_space<vmem>>
          %dma_start3A_342 = arith.constant 0 : i32
          %dma_start3A_343 = tpu.memref_slice %arg7[%add3A_335, %dma_start3A_342] : memref<40x128xi32, #tpu.memory_space<vmem>> -> memref<1x128xi32, #tpu.memory_space<vmem>>
          %dma_start3A_344 = tpu.memref_squeeze %dma_start3A_343 : memref<1x128xi32, #tpu.memory_space<vmem>> -> memref<128xi32, #tpu.memory_space<vmem>>
          %dma_start3A_345 = arith.constant 0 : i32
          %dma_start3A_346 = arith.constant 0 : i32
          %dma_start3A_347 = tpu.memref_slice %arg13[%dma_start3A_345, %dma_start3A_346] : memref<50000x16xf32, #tpu.memory_space<vmem_shared>> -> memref<50000x16xf32, #tpu.memory_space<vmem_shared>>
          %dma_start3A_348 = tpu.memref_slice %arg11[%dma_start3A_337] : memref<4x!tpu.dma_semaphore, #tpu.memory_space<semaphore_mem>> -> memref<1x!tpu.dma_semaphore, #tpu.memory_space<semaphore_mem>>
          %dma_start3A_349 = tpu.memref_squeeze %dma_start3A_348 : memref<1x!tpu.dma_semaphore, #tpu.memory_space<semaphore_mem>> -> memref<!tpu.dma_semaphore, #tpu.memory_space<semaphore_mem>>
          tpu.enqueue_indirect_dma source(%dma_start3A_347 : memref<50000x16xf32, #tpu.memory_space<vmem_shared>>) target(%dma_start3A_341 : memref<128x16xf32, #tpu.memory_space<vmem>>) offsets(%dma_start3A_344 : memref<128xi32, #tpu.memory_space<vmem>>) semaphore(%dma_start3A_349 : memref<!tpu.dma_semaphore, #tpu.memory_space<semaphore_mem>>)
        } else {
        }
        %add3A_282 = arith.constant 2 : i32
        %add3A_283 = arith.addi %mul3A_105, %add3A_282 : i32
        %dma_wait3A_284 = arith.constant 2 : i32
        %dma_wait3A_285 = arith.constant 2 : i32
        %dma_wait3A_286 = arith.constant 0 : i32
        %dma_wait3A_287 = arith.constant 0 : i32
        %dma_wait3A_288 = tpu.memref_slice %arg9[%dma_wait3A_284, %dma_wait3A_286, %dma_wait3A_287] : memref<4x128x16xf32, #tpu.memory_space<vmem>> -> memref<1x128x16xf32, #tpu.memory_space<vmem>>
        %dma_wait3A_289 = tpu.memref_squeeze %dma_wait3A_288 : memref<1x128x16xf32, #tpu.memory_space<vmem>> -> memref<128x16xf32, #tpu.memory_space<vmem>>
        %dma_wait3A_290 = arith.constant 0 : i32
        %dma_wait3A_291 = tpu.memref_slice %arg8[%add3A_283, %dma_wait3A_290] : memref<40x128xi32, #tpu.memory_space<vmem>> -> memref<1x128xi32, #tpu.memory_space<vmem>>
        %dma_wait3A_292 = tpu.memref_squeeze %dma_wait3A_291 : memref<1x128xi32, #tpu.memory_space<vmem>> -> memref<128xi32, #tpu.memory_space<vmem>>
        %dma_wait3A_293 = arith.constant 0 : i32
        %dma_wait3A_294 = arith.constant 0 : i32
        %dma_wait3A_295 = tpu.memref_slice %arg10[%dma_wait3A_293, %dma_wait3A_294] : memref<50176x16xf32, #tpu.memory_space<vmem_shared>> -> memref<50176x16xf32, #tpu.memory_space<vmem_shared>>
        %dma_wait3A_296 = tpu.memref_slice %arg12[%dma_wait3A_285] : memref<4x!tpu.dma_semaphore, #tpu.memory_space<semaphore_mem>> -> memref<1x!tpu.dma_semaphore, #tpu.memory_space<semaphore_mem>>
        %dma_wait3A_297 = tpu.memref_squeeze %dma_wait3A_296 : memref<1x!tpu.dma_semaphore, #tpu.memory_space<semaphore_mem>> -> memref<!tpu.dma_semaphore, #tpu.memory_space<semaphore_mem>>
        tpu.wait_indirect_dma semaphore(%dma_wait3A_297 : memref<!tpu.dma_semaphore, #tpu.memory_space<semaphore_mem>>) src(%dma_wait3A_289 : memref<128x16xf32, #tpu.memory_space<vmem>>) dst(%dma_wait3A_295 : memref<50176x16xf32, #tpu.memory_space<vmem_shared>>)
        %add3A_298 = arith.constant 4 : i32
        %add3A_299 = arith.addi %mul3A_105, %add3A_298 : i32
        %add3A_300 = arith.constant 2 : i32
        %add3A_301 = arith.addi %add3A_299, %add3A_300 : i32
        %lt3A_302 = arith.constant 40 : i32
        %lt3A_303 = arith.cmpi slt, %add3A_301, %lt3A_302 : i32
        %convert_element_type3A_304 = arith.extui %lt3A_303 : i1 to i32
        %cond3A_305 = arith.constant 0 : i32
        %cond3A_306 = arith.cmpi ne, %convert_element_type3A_304, %cond3A_305 : i32
        scf.if %cond3A_306 {
          %add3A_332 = arith.constant 4 : i32
          %add3A_333 = arith.addi %mul3A_105, %add3A_332 : i32
          %add3A_334 = arith.constant 2 : i32
          %add3A_335 = arith.addi %add3A_333, %add3A_334 : i32
          %dma_start3A_336 = arith.constant 2 : i32
          %dma_start3A_337 = arith.constant 2 : i32
          %dma_start3A_338 = arith.constant 0 : i32
          %dma_start3A_339 = arith.constant 0 : i32
          %dma_start3A_340 = tpu.memref_slice %arg9[%dma_start3A_336, %dma_start3A_338, %dma_start3A_339] : memref<4x128x16xf32, #tpu.memory_space<vmem>> -> memref<1x128x16xf32, #tpu.memory_space<vmem>>
          %dma_start3A_341 = tpu.memref_squeeze %dma_start3A_340 : memref<1x128x16xf32, #tpu.memory_space<vmem>> -> memref<128x16xf32, #tpu.memory_space<vmem>>
          %dma_start3A_342 = arith.constant 0 : i32
          %dma_start3A_343 = tpu.memref_slice %arg7[%add3A_335, %dma_start3A_342] : memref<40x128xi32, #tpu.memory_space<vmem>> -> memref<1x128xi32, #tpu.memory_space<vmem>>
          %dma_start3A_344 = tpu.memref_squeeze %dma_start3A_343 : memref<1x128xi32, #tpu.memory_space<vmem>> -> memref<128xi32, #tpu.memory_space<vmem>>
          %dma_start3A_345 = arith.constant 0 : i32
          %dma_start3A_346 = arith.constant 0 : i32
          %dma_start3A_347 = tpu.memref_slice %arg13[%dma_start3A_345, %dma_start3A_346] : memref<50000x16xf32, #tpu.memory_space<vmem_shared>> -> memref<50000x16xf32, #tpu.memory_space<vmem_shared>>
          %dma_start3A_348 = tpu.memref_slice %arg11[%dma_start3A_337] : memref<4x!tpu.dma_semaphore, #tpu.memory_space<semaphore_mem>> -> memref<1x!tpu.dma_semaphore, #tpu.memory_space<semaphore_mem>>
          %dma_start3A_349 = tpu.memref_squeeze %dma_start3A_348 : memref<1x!tpu.dma_semaphore, #tpu.memory_space<semaphore_mem>> -> memref<!tpu.dma_semaphore, #tpu.memory_space<semaphore_mem>>
          tpu.enqueue_indirect_dma source(%dma_start3A_347 : memref<50000x16xf32, #tpu.memory_space<vmem_shared>>) target(%dma_start3A_341 : memref<128x16xf32, #tpu.memory_space<vmem>>) offsets(%dma_start3A_344 : memref<128xi32, #tpu.memory_space<vmem>>) semaphore(%dma_start3A_349 : memref<!tpu.dma_semaphore, #tpu.memory_space<semaphore_mem>>)
        } else {
        }
        %add3A_307 = arith.constant 3 : i32
        %add3A_308 = arith.addi %mul3A_105, %add3A_307 : i32
        %dma_wait3A_309 = arith.constant 3 : i32
        %dma_wait3A_310 = arith.constant 3 : i32
        %dma_wait3A_311 = arith.constant 0 : i32
        %dma_wait3A_312 = arith.constant 0 : i32
        %dma_wait3A_313 = tpu.memref_slice %arg9[%dma_wait3A_309, %dma_wait3A_311, %dma_wait3A_312] : memref<4x128x16xf32, #tpu.memory_space<vmem>> -> memref<1x128x16xf32, #tpu.memory_space<vmem>>
        %dma_wait3A_314 = tpu.memref_squeeze %dma_wait3A_313 : memref<1x128x16xf32, #tpu.memory_space<vmem>> -> memref<128x16xf32, #tpu.memory_space<vmem>>
        %dma_wait3A_315 = arith.constant 0 : i32
        %dma_wait3A_316 = tpu.memref_slice %arg8[%add3A_308, %dma_wait3A_315] : memref<40x128xi32, #tpu.memory_space<vmem>> -> memref<1x128xi32, #tpu.memory_space<vmem>>
        %dma_wait3A_317 = tpu.memref_squeeze %dma_wait3A_316 : memref<1x128xi32, #tpu.memory_space<vmem>> -> memref<128xi32, #tpu.memory_space<vmem>>
        %dma_wait3A_318 = arith.constant 0 : i32
        %dma_wait3A_319 = arith.constant 0 : i32
        %dma_wait3A_320 = tpu.memref_slice %arg10[%dma_wait3A_318, %dma_wait3A_319] : memref<50176x16xf32, #tpu.memory_space<vmem_shared>> -> memref<50176x16xf32, #tpu.memory_space<vmem_shared>>
        %dma_wait3A_321 = tpu.memref_slice %arg12[%dma_wait3A_310] : memref<4x!tpu.dma_semaphore, #tpu.memory_space<semaphore_mem>> -> memref<1x!tpu.dma_semaphore, #tpu.memory_space<semaphore_mem>>
        %dma_wait3A_322 = tpu.memref_squeeze %dma_wait3A_321 : memref<1x!tpu.dma_semaphore, #tpu.memory_space<semaphore_mem>> -> memref<!tpu.dma_semaphore, #tpu.memory_space<semaphore_mem>>
        tpu.wait_indirect_dma semaphore(%dma_wait3A_322 : memref<!tpu.dma_semaphore, #tpu.memory_space<semaphore_mem>>) src(%dma_wait3A_314 : memref<128x16xf32, #tpu.memory_space<vmem>>) dst(%dma_wait3A_320 : memref<50176x16xf32, #tpu.memory_space<vmem_shared>>)
        %add3A_323 = arith.constant 4 : i32
        %add3A_324 = arith.addi %mul3A_105, %add3A_323 : i32
        %add3A_325 = arith.constant 3 : i32
        %add3A_326 = arith.addi %add3A_324, %add3A_325 : i32
        %lt3A_327 = arith.constant 40 : i32
        %lt3A_328 = arith.cmpi slt, %add3A_326, %lt3A_327 : i32
        %convert_element_type3A_329 = arith.extui %lt3A_328 : i1 to i32
        %cond3A_330 = arith.constant 0 : i32
        %cond3A_331 = arith.cmpi ne, %convert_element_type3A_329, %cond3A_330 : i32
        scf.if %cond3A_331 {
          %add3A_332 = arith.constant 4 : i32
          %add3A_333 = arith.addi %mul3A_105, %add3A_332 : i32
          %add3A_334 = arith.constant 3 : i32
          %add3A_335 = arith.addi %add3A_333, %add3A_334 : i32
          %dma_start3A_336 = arith.constant 3 : i32
          %dma_start3A_337 = arith.constant 3 : i32
          %dma_start3A_338 = arith.constant 0 : i32
          %dma_start3A_339 = arith.constant 0 : i32
          %dma_start3A_340 = tpu.memref_slice %arg9[%dma_start3A_336, %dma_start3A_338, %dma_start3A_339] : memref<4x128x16xf32, #tpu.memory_space<vmem>> -> memref<1x128x16xf32, #tpu.memory_space<vmem>>
          %dma_start3A_341 = tpu.memref_squeeze %dma_start3A_340 : memref<1x128x16xf32, #tpu.memory_space<vmem>> -> memref<128x16xf32, #tpu.memory_space<vmem>>
          %dma_start3A_342 = arith.constant 0 : i32
          %dma_start3A_343 = tpu.memref_slice %arg7[%add3A_335, %dma_start3A_342] : memref<40x128xi32, #tpu.memory_space<vmem>> -> memref<1x128xi32, #tpu.memory_space<vmem>>
          %dma_start3A_344 = tpu.memref_squeeze %dma_start3A_343 : memref<1x128xi32, #tpu.memory_space<vmem>> -> memref<128xi32, #tpu.memory_space<vmem>>
          %dma_start3A_345 = arith.constant 0 : i32
          %dma_start3A_346 = arith.constant 0 : i32
          %dma_start3A_347 = tpu.memref_slice %arg13[%dma_start3A_345, %dma_start3A_346] : memref<50000x16xf32, #tpu.memory_space<vmem_shared>> -> memref<50000x16xf32, #tpu.memory_space<vmem_shared>>
          %dma_start3A_348 = tpu.memref_slice %arg11[%dma_start3A_337] : memref<4x!tpu.dma_semaphore, #tpu.memory_space<semaphore_mem>> -> memref<1x!tpu.dma_semaphore, #tpu.memory_space<semaphore_mem>>
          %dma_start3A_349 = tpu.memref_squeeze %dma_start3A_348 : memref<1x!tpu.dma_semaphore, #tpu.memory_space<semaphore_mem>> -> memref<!tpu.dma_semaphore, #tpu.memory_space<semaphore_mem>>
          tpu.enqueue_indirect_dma source(%dma_start3A_347 : memref<50000x16xf32, #tpu.memory_space<vmem_shared>>) target(%dma_start3A_341 : memref<128x16xf32, #tpu.memory_space<vmem>>) offsets(%dma_start3A_344 : memref<128xi32, #tpu.memory_space<vmem>>) semaphore(%dma_start3A_349 : memref<!tpu.dma_semaphore, #tpu.memory_space<semaphore_mem>>)
        } else {
        }
      }
      %scan3A_102 = arith.constant 10 : i32
    }
    %scan3A_31 = arith.constant 10 : i32
    %barrier3A_32 = arith.constant 0 : index
    tpu.barrier barrier_id(%barrier3A_32)
    %mul3A_33 = arith.constant 3136 : i32
    %mul3A_34 = arith.muli %arg1, %mul3A_33 : i32
    "tpu.region"() ({
      %run_scoped3A_35 = tpu.sem_alloc : memref<!tpu.dma_semaphore, #tpu.memory_space<semaphore_mem>>
      %dma_start3A = arith.constant 0 : i32
      %dma_start3A_36 = tpu.memref_slice %arg6[%arg0, %mul3A_34, %dma_start3A] : memref<2x50176x16xf32, #tpu.memory_space<hbm>> -> memref<1x3136x16xf32, #tpu.memory_space<hbm>>
      %dma_start3A_37 = tpu.memref_squeeze %dma_start3A_36 : memref<1x3136x16xf32, #tpu.memory_space<hbm>> -> memref<3136x16xf32, #tpu.memory_space<hbm>>
      %dma_start3A_38 = arith.constant 0 : i32
      %dma_start3A_39 = tpu.memref_slice %arg10[%mul3A_34, %dma_start3A_38] : memref<50176x16xf32, #tpu.memory_space<vmem_shared>> -> memref<3136x16xf32, #tpu.memory_space<vmem_shared>>
      tpu.enqueue_dma source(%dma_start3A_39 : memref<3136x16xf32, #tpu.memory_space<vmem_shared>>) target(%dma_start3A_37 : memref<3136x16xf32, #tpu.memory_space<hbm>>) target_semaphore(%run_scoped3A_35 : memref<!tpu.dma_semaphore, #tpu.memory_space<semaphore_mem>>)
      %dma_wait3A = arith.constant 0 : i32
      %dma_wait3A_40 = tpu.memref_slice %arg6[%arg0, %mul3A_34, %dma_wait3A] : memref<2x50176x16xf32, #tpu.memory_space<hbm>> -> memref<1x3136x16xf32, #tpu.memory_space<hbm>>
      %dma_wait3A_41 = tpu.memref_squeeze %dma_wait3A_40 : memref<1x3136x16xf32, #tpu.memory_space<hbm>> -> memref<3136x16xf32, #tpu.memory_space<hbm>>
      %dma_wait3A_42 = arith.constant 0 : i32
      %dma_wait3A_43 = tpu.memref_slice %arg10[%mul3A_34, %dma_wait3A_42] : memref<50176x16xf32, #tpu.memory_space<vmem_shared>> -> memref<3136x16xf32, #tpu.memory_space<vmem_shared>>
      tpu.wait_dma2 semaphore(%run_scoped3A_35 : memref<!tpu.dma_semaphore, #tpu.memory_space<semaphore_mem>>) src(%dma_wait3A_43 : memref<3136x16xf32, #tpu.memory_space<vmem_shared>>) dst(%dma_wait3A_41 : memref<3136x16xf32, #tpu.memory_space<hbm>>)
      tpu.yield
    }) : () -> ()
    return
  }
}

#map = affine_map<(d0, d1) -> (0, 0)>
#map1 = affine_map<(d0, d1) -> (0, 0, 0)>
module attributes {stable_mosaic.version = 14 : i64} {
  func.func @seg(%arg0: i32, %arg1: i32, %arg2: memref<6400x128xi32, #tpu.memory_space<hbm>>, %arg3: memref<6400x128xi32, #tpu.memory_space<hbm>>, %arg4: memref<50000x16xf32, #tpu.memory_space<hbm>>, %arg5: memref<50000x16xf32, #tpu.memory_space<hbm>>, %arg6: memref<2x50176x16xf32, #tpu.memory_space<hbm>>, %arg7: memref<40x128xi32, #tpu.memory_space<vmem>>, %arg8: memref<40x128xi32, #tpu.memory_space<vmem>>, %arg9: memref<4x128x16xf32, #tpu.memory_space<vmem>>, %arg10: memref<50176x16xf32, #tpu.memory_space<vmem_shared>>, %arg11: memref<4x!tpu.dma_semaphore, #tpu.memory_space<semaphore_mem>>, %arg12: memref<4x!tpu.dma_semaphore, #tpu.memory_space<semaphore_mem>>, %arg13: memref<50000x16xf32, #tpu.memory_space<vmem_shared>>) attributes {dimension_semantics = [#tpu.dimension_semantics<core_parallel>, #tpu.dimension_semantics<subcore_parallel>], iteration_bounds = array<i64: 2, 16>, scalar_prefetch = 0 : i64, scratch_operands = 7 : i64, tpu.core_type = #tpu.core_type<sc_vector_subcore>, window_params = [{transform_indices = #map}, {transform_indices = #map}, {transform_indices = #map}, {transform_indices = #map}, {transform_indices = #map1}]} {
    %eq3A = arith.constant 0 : i32
    %eq3A_0 = arith.cmpi eq, %arg0, %eq3A : i32
    %convert_element_type3A = arith.extui %eq3A_0 : i1 to i32
    %cond3A = arith.constant 0 : i32
    %cond3A_1 = arith.cmpi ne, %convert_element_type3A, %cond3A : i32
    scf.if %cond3A_1 {
      %lt3A = arith.constant 15 : i32
      %lt3A_35 = arith.cmpi slt, %arg1, %lt3A : i32
      %convert_element_type3A_36 = arith.extui %lt3A_35 : i1 to i32
      %cond3A_37 = arith.constant 0 : i32
      %cond3A_38 = arith.cmpi ne, %convert_element_type3A_36, %cond3A_37 : i32
      scf.if %cond3A_38 {
        %mul3A_44 = arith.constant 3128 : i32
        %mul3A_45 = arith.muli %arg1, %mul3A_44 : i32
        %mul3A_46 = arith.constant 3128 : i32
        %mul3A_47 = arith.muli %arg1, %mul3A_46 : i32
        "tpu.region"() ({
          %run_scoped3A_48 = tpu.sem_alloc : memref<!tpu.dma_semaphore, #tpu.memory_space<semaphore_mem>>
          %dma_start3A = arith.constant 0 : i32
          %dma_start3A_49 = tpu.memref_slice %arg13[%mul3A_47, %dma_start3A] : memref<50000x16xf32, #tpu.memory_space<vmem_shared>> -> memref<3128x16xf32, #tpu.memory_space<vmem_shared>>
          %dma_start3A_50 = arith.constant 0 : i32
          %dma_start3A_51 = tpu.memref_slice %arg4[%mul3A_45, %dma_start3A_50] : memref<50000x16xf32, #tpu.memory_space<hbm>> -> memref<3128x16xf32, #tpu.memory_space<hbm>>
          tpu.enqueue_dma source(%dma_start3A_51 : memref<3128x16xf32, #tpu.memory_space<hbm>>) target(%dma_start3A_49 : memref<3128x16xf32, #tpu.memory_space<vmem_shared>>) target_semaphore(%run_scoped3A_48 : memref<!tpu.dma_semaphore, #tpu.memory_space<semaphore_mem>>)
          %dma_wait3A = arith.constant 0 : i32
          %dma_wait3A_52 = tpu.memref_slice %arg13[%mul3A_47, %dma_wait3A] : memref<50000x16xf32, #tpu.memory_space<vmem_shared>> -> memref<3128x16xf32, #tpu.memory_space<vmem_shared>>
          %dma_wait3A_53 = arith.constant 0 : i32
          %dma_wait3A_54 = tpu.memref_slice %arg4[%mul3A_45, %dma_wait3A_53] : memref<50000x16xf32, #tpu.memory_space<hbm>> -> memref<3128x16xf32, #tpu.memory_space<hbm>>
          tpu.wait_dma2 semaphore(%run_scoped3A_48 : memref<!tpu.dma_semaphore, #tpu.memory_space<semaphore_mem>>) src(%dma_wait3A_54 : memref<3128x16xf32, #tpu.memory_space<hbm>>) dst(%dma_wait3A_52 : memref<3128x16xf32, #tpu.memory_space<vmem_shared>>)
          tpu.yield
        }) : () -> ()
      } else {
      }
      %eq3A_39 = arith.constant 15 : i32
      %eq3A_40 = arith.cmpi eq, %arg1, %eq3A_39 : i32
      %convert_element_type3A_41 = arith.extui %eq3A_40 : i1 to i32
      %cond3A_42 = arith.constant 0 : i32
      %cond3A_43 = arith.cmpi ne, %convert_element_type3A_41, %cond3A_42 : i32
      scf.if %cond3A_43 {
        "tpu.region"() ({
          %run_scoped3A_44 = tpu.sem_alloc : memref<!tpu.dma_semaphore, #tpu.memory_space<semaphore_mem>>
          %dma_start3A = arith.constant 46920 : i32
          %dma_start3A_45 = arith.constant 0 : i32
          %dma_start3A_46 = tpu.memref_slice %arg13[%dma_start3A, %dma_start3A_45] : memref<50000x16xf32, #tpu.memory_space<vmem_shared>> -> memref<3080x16xf32, #tpu.memory_space<vmem_shared>>
          %dma_start3A_47 = arith.constant 46920 : i32
          %dma_start3A_48 = arith.constant 0 : i32
          %dma_start3A_49 = tpu.memref_slice %arg4[%dma_start3A_47, %dma_start3A_48] : memref<50000x16xf32, #tpu.memory_space<hbm>> -> memref<3080x16xf32, #tpu.memory_space<hbm>>
          tpu.enqueue_dma source(%dma_start3A_49 : memref<3080x16xf32, #tpu.memory_space<hbm>>) target(%dma_start3A_46 : memref<3080x16xf32, #tpu.memory_space<vmem_shared>>) target_semaphore(%run_scoped3A_44 : memref<!tpu.dma_semaphore, #tpu.memory_space<semaphore_mem>>)
          %dma_wait3A = arith.constant 46920 : i32
          %dma_wait3A_50 = arith.constant 0 : i32
          %dma_wait3A_51 = tpu.memref_slice %arg13[%dma_wait3A, %dma_wait3A_50] : memref<50000x16xf32, #tpu.memory_space<vmem_shared>> -> memref<3080x16xf32, #tpu.memory_space<vmem_shared>>
          %dma_wait3A_52 = arith.constant 46920 : i32
          %dma_wait3A_53 = arith.constant 0 : i32
          %dma_wait3A_54 = tpu.memref_slice %arg4[%dma_wait3A_52, %dma_wait3A_53] : memref<50000x16xf32, #tpu.memory_space<hbm>> -> memref<3080x16xf32, #tpu.memory_space<hbm>>
          tpu.wait_dma2 semaphore(%run_scoped3A_44 : memref<!tpu.dma_semaphore, #tpu.memory_space<semaphore_mem>>) src(%dma_wait3A_54 : memref<3080x16xf32, #tpu.memory_space<hbm>>) dst(%dma_wait3A_51 : memref<3080x16xf32, #tpu.memory_space<vmem_shared>>)
          tpu.yield
        }) : () -> ()
      } else {
      }
    } else {
    }
    %eq3A_2 = arith.constant 1 : i32
    %eq3A_3 = arith.cmpi eq, %arg0, %eq3A_2 : i32
    %convert_element_type3A_4 = arith.extui %eq3A_3 : i1 to i32
    %cond3A_5 = arith.constant 0 : i32
    %cond3A_6 = arith.cmpi ne, %convert_element_type3A_4, %cond3A_5 : i32
    scf.if %cond3A_6 {
      %lt3A = arith.constant 15 : i32
      %lt3A_35 = arith.cmpi slt, %arg1, %lt3A : i32
      %convert_element_type3A_36 = arith.extui %lt3A_35 : i1 to i32
      %cond3A_37 = arith.constant 0 : i32
      %cond3A_38 = arith.cmpi ne, %convert_element_type3A_36, %cond3A_37 : i32
      scf.if %cond3A_38 {
        %mul3A_44 = arith.constant 3128 : i32
        %mul3A_45 = arith.muli %arg1, %mul3A_44 : i32
        %mul3A_46 = arith.constant 3128 : i32
        %mul3A_47 = arith.muli %arg1, %mul3A_46 : i32
        "tpu.region"() ({
          %run_scoped3A_48 = tpu.sem_alloc : memref<!tpu.dma_semaphore, #tpu.memory_space<semaphore_mem>>
          %dma_start3A = arith.constant 0 : i32
          %dma_start3A_49 = tpu.memref_slice %arg13[%mul3A_47, %dma_start3A] : memref<50000x16xf32, #tpu.memory_space<vmem_shared>> -> memref<3128x16xf32, #tpu.memory_space<vmem_shared>>
          %dma_start3A_50 = arith.constant 0 : i32
          %dma_start3A_51 = tpu.memref_slice %arg5[%mul3A_45, %dma_start3A_50] : memref<50000x16xf32, #tpu.memory_space<hbm>> -> memref<3128x16xf32, #tpu.memory_space<hbm>>
          tpu.enqueue_dma source(%dma_start3A_51 : memref<3128x16xf32, #tpu.memory_space<hbm>>) target(%dma_start3A_49 : memref<3128x16xf32, #tpu.memory_space<vmem_shared>>) target_semaphore(%run_scoped3A_48 : memref<!tpu.dma_semaphore, #tpu.memory_space<semaphore_mem>>)
          %dma_wait3A = arith.constant 0 : i32
          %dma_wait3A_52 = tpu.memref_slice %arg13[%mul3A_47, %dma_wait3A] : memref<50000x16xf32, #tpu.memory_space<vmem_shared>> -> memref<3128x16xf32, #tpu.memory_space<vmem_shared>>
          %dma_wait3A_53 = arith.constant 0 : i32
          %dma_wait3A_54 = tpu.memref_slice %arg5[%mul3A_45, %dma_wait3A_53] : memref<50000x16xf32, #tpu.memory_space<hbm>> -> memref<3128x16xf32, #tpu.memory_space<hbm>>
          tpu.wait_dma2 semaphore(%run_scoped3A_48 : memref<!tpu.dma_semaphore, #tpu.memory_space<semaphore_mem>>) src(%dma_wait3A_54 : memref<3128x16xf32, #tpu.memory_space<hbm>>) dst(%dma_wait3A_52 : memref<3128x16xf32, #tpu.memory_space<vmem_shared>>)
          tpu.yield
        }) : () -> ()
      } else {
      }
      %eq3A_39 = arith.constant 15 : i32
      %eq3A_40 = arith.cmpi eq, %arg1, %eq3A_39 : i32
      %convert_element_type3A_41 = arith.extui %eq3A_40 : i1 to i32
      %cond3A_42 = arith.constant 0 : i32
      %cond3A_43 = arith.cmpi ne, %convert_element_type3A_41, %cond3A_42 : i32
      scf.if %cond3A_43 {
        "tpu.region"() ({
          %run_scoped3A_44 = tpu.sem_alloc : memref<!tpu.dma_semaphore, #tpu.memory_space<semaphore_mem>>
          %dma_start3A = arith.constant 46920 : i32
          %dma_start3A_45 = arith.constant 0 : i32
          %dma_start3A_46 = tpu.memref_slice %arg13[%dma_start3A, %dma_start3A_45] : memref<50000x16xf32, #tpu.memory_space<vmem_shared>> -> memref<3080x16xf32, #tpu.memory_space<vmem_shared>>
          %dma_start3A_47 = arith.constant 46920 : i32
          %dma_start3A_48 = arith.constant 0 : i32
          %dma_start3A_49 = tpu.memref_slice %arg5[%dma_start3A_47, %dma_start3A_48] : memref<50000x16xf32, #tpu.memory_space<hbm>> -> memref<3080x16xf32, #tpu.memory_space<hbm>>
          tpu.enqueue_dma source(%dma_start3A_49 : memref<3080x16xf32, #tpu.memory_space<hbm>>) target(%dma_start3A_46 : memref<3080x16xf32, #tpu.memory_space<vmem_shared>>) target_semaphore(%run_scoped3A_44 : memref<!tpu.dma_semaphore, #tpu.memory_space<semaphore_mem>>)
          %dma_wait3A = arith.constant 46920 : i32
          %dma_wait3A_50 = arith.constant 0 : i32
          %dma_wait3A_51 = tpu.memref_slice %arg13[%dma_wait3A, %dma_wait3A_50] : memref<50000x16xf32, #tpu.memory_space<vmem_shared>> -> memref<3080x16xf32, #tpu.memory_space<vmem_shared>>
          %dma_wait3A_52 = arith.constant 46920 : i32
          %dma_wait3A_53 = arith.constant 0 : i32
          %dma_wait3A_54 = tpu.memref_slice %arg5[%dma_wait3A_52, %dma_wait3A_53] : memref<50000x16xf32, #tpu.memory_space<hbm>> -> memref<3080x16xf32, #tpu.memory_space<hbm>>
          tpu.wait_dma2 semaphore(%run_scoped3A_44 : memref<!tpu.dma_semaphore, #tpu.memory_space<semaphore_mem>>) src(%dma_wait3A_54 : memref<3080x16xf32, #tpu.memory_space<hbm>>) dst(%dma_wait3A_51 : memref<3080x16xf32, #tpu.memory_space<vmem_shared>>)
          tpu.yield
        }) : () -> ()
      } else {
      }
    } else {
    }
    %broadcast_in_dim3A = arith.constant 0.000000e+00 : f32
    %broadcast_in_dim3A_7 = vector.broadcast %broadcast_in_dim3A : f32 to vector<16xf32>
    %scan3A = arith.constant 0 : i32
    %scan3A_8 = arith.constant 0 : i32
    %scan3A_9 = arith.constant 0 : i32
    %scan3A_10 = arith.constant 128 : i32
    %scan3A_11 = arith.addi %scan3A_9, %scan3A_10 : i32
    %scan3A_12 = arith.constant 1 : i32
    scf.for %scan3A_35 = %scan3A_9 to %scan3A_11 step %scan3A_12  : i32 {
      %swap3A = arith.constant 0 : i32
      %swap3A_36 = arith.constant 0 : i32
      %swap3A_37 = tpu.memref_slice %arg9[%scan3A_8, %swap3A, %swap3A_36] : memref<4x128x16xf32, #tpu.memory_space<vmem>> -> memref<1x128x16xf32, #tpu.memory_space<vmem>>
      %swap3A_38 = tpu.memref_squeeze %swap3A_37 : memref<1x128x16xf32, #tpu.memory_space<vmem>> -> memref<128x16xf32, #tpu.memory_space<vmem>>
      %swap3A_39 = arith.index_cast %scan3A_35 : i32 to index
      %swap3A_40 = arith.constant 0 : index
      %swap3A_41 = tpu.vector_load %swap3A_38[%swap3A_39, %swap3A_40] {strides = array<i32>} : memref<128x16xf32, #tpu.memory_space<vmem>>, vector<1x16xf32>,
      %swap3A_42 = vector.shape_cast %swap3A_41 : vector<1x16xf32> to vector<16xf32>
      %swap3A_43 = vector.shape_cast %broadcast_in_dim3A_7 : vector<16xf32> to vector<1x16xf32>
      tpu.vector_store %swap3A_38[%swap3A_39, %swap3A_40], %swap3A_43 {strides = array<i32>} : memref<128x16xf32, #tpu.memory_space<vmem>>, vector<1x16xf32>,
    }
    %scan3A_13 = arith.constant 128 : i32
    %mul3A = arith.constant 3136 : i32
    %mul3A_14 = arith.muli %arg1, %mul3A : i32
    %scan3A_15 = arith.constant 0 : i32
    %scan3A_16 = arith.constant 0 : i32
    %scan3A_17 = arith.constant 0 : i32
    %scan3A_18 = arith.constant 24 : i32
    %scan3A_19 = arith.addi %scan3A_17, %scan3A_18 : i32
    %scan3A_20 = arith.constant 1 : i32
    scf.for %scan3A_35 = %scan3A_17 to %scan3A_19 step %scan3A_20  : i32 {
      %mul3A_36 = arith.constant 128 : i32
      %mul3A_37 = arith.muli %scan3A_35, %mul3A_36 : i32
      %add3A_38 = arith.addi %mul3A_14, %mul3A_37 : i32
      "tpu.region"() ({
        %run_scoped3A_39 = tpu.sem_alloc : memref<!tpu.dma_semaphore, #tpu.memory_space<semaphore_mem>>
        %dma_start3A = arith.constant 0 : i32
        %dma_start3A_40 = arith.constant 0 : i32
        %dma_start3A_41 = tpu.memref_slice %arg9[%scan3A_16, %dma_start3A, %dma_start3A_40] : memref<4x128x16xf32, #tpu.memory_space<vmem>> -> memref<1x128x16xf32, #tpu.memory_space<vmem>>
        %dma_start3A_42 = tpu.memref_squeeze %dma_start3A_41 : memref<1x128x16xf32, #tpu.memory_space<vmem>> -> memref<128x16xf32, #tpu.memory_space<vmem>>
        %dma_start3A_43 = arith.constant 0 : i32
        %dma_start3A_44 = tpu.memref_slice %arg10[%add3A_38, %dma_start3A_43] : memref<50176x16xf32, #tpu.memory_space<vmem_shared>> -> memref<128x16xf32, #tpu.memory_space<vmem_shared>>
        %dma_start3A_45 = arith.constant 0 : i32
        %dma_start3A_46 = tpu.memref_slice %arg10[%add3A_38, %dma_start3A_45] : memref<50176x16xf32, #tpu.memory_space<vmem_shared>> -> memref<128x16xf32, #tpu.memory_space<vmem_shared>>
        %dma_start3A_47 = arith.constant 0 : i32
        %dma_start3A_48 = arith.constant 0 : i32
        %dma_start3A_49 = tpu.memref_slice %arg9[%scan3A_16, %dma_start3A_47, %dma_start3A_48] : memref<4x128x16xf32, #tpu.memory_space<vmem>> -> memref<1x128x16xf32, #tpu.memory_space<vmem>>
        %dma_start3A_50 = tpu.memref_squeeze %dma_start3A_49 : memref<1x128x16xf32, #tpu.memory_space<vmem>> -> memref<128x16xf32, #tpu.memory_space<vmem>>
        tpu.enqueue_dma source(%dma_start3A_50 : memref<128x16xf32, #tpu.memory_space<vmem>>) target(%dma_start3A_46 : memref<128x16xf32, #tpu.memory_space<vmem_shared>>) target_semaphore(%run_scoped3A_39 : memref<!tpu.dma_semaphore, #tpu.memory_space<semaphore_mem>>)
        %dma_wait3A = arith.constant 0 : i32
        %dma_wait3A_51 = arith.constant 0 : i32
        %dma_wait3A_52 = tpu.memref_slice %arg9[%scan3A_16, %dma_wait3A, %dma_wait3A_51] : memref<4x128x16xf32, #tpu.memory_space<vmem>> -> memref<1x128x16xf32, #tpu.memory_space<vmem>>
        %dma_wait3A_53 = tpu.memref_squeeze %dma_wait3A_52 : memref<1x128x16xf32, #tpu.memory_space<vmem>> -> memref<128x16xf32, #tpu.memory_space<vmem>>
        %dma_wait3A_54 = arith.constant 0 : i32
        %dma_wait3A_55 = tpu.memref_slice %arg10[%add3A_38, %dma_wait3A_54] : memref<50176x16xf32, #tpu.memory_space<vmem_shared>> -> memref<128x16xf32, #tpu.memory_space<vmem_shared>>
        %dma_wait3A_56 = arith.constant 0 : i32
        %dma_wait3A_57 = tpu.memref_slice %arg10[%add3A_38, %dma_wait3A_56] : memref<50176x16xf32, #tpu.memory_space<vmem_shared>> -> memref<128x16xf32, #tpu.memory_space<vmem_shared>>
        %dma_wait3A_58 = arith.constant 0 : i32
        %dma_wait3A_59 = arith.constant 0 : i32
        %dma_wait3A_60 = tpu.memref_slice %arg9[%scan3A_16, %dma_wait3A_58, %dma_wait3A_59] : memref<4x128x16xf32, #tpu.memory_space<vmem>> -> memref<1x128x16xf32, #tpu.memory_space<vmem>>
        %dma_wait3A_61 = tpu.memref_squeeze %dma_wait3A_60 : memref<1x128x16xf32, #tpu.memory_space<vmem>> -> memref<128x16xf32, #tpu.memory_space<vmem>>
        tpu.wait_dma2 semaphore(%run_scoped3A_39 : memref<!tpu.dma_semaphore, #tpu.memory_space<semaphore_mem>>) src(%dma_wait3A_61 : memref<128x16xf32, #tpu.memory_space<vmem>>) dst(%dma_wait3A_57 : memref<128x16xf32, #tpu.memory_space<vmem_shared>>)
        tpu.yield
      }) : () -> ()
    }
    %scan3A_21 = arith.constant 24 : i32
    %add3A = arith.constant 3136 : i32
    %add3A_22 = arith.addi %mul3A_14, %add3A : i32
    %sub3A = arith.constant 128 : i32
    %sub3A_23 = arith.subi %add3A_22, %sub3A : i32
    %run_scoped3A = arith.constant 0 : i32
    "tpu.region"() ({
      %run_scoped3A_35 = tpu.sem_alloc : memref<!tpu.dma_semaphore, #tpu.memory_space<semaphore_mem>>
      %dma_start3A = arith.constant 0 : i32
      %dma_start3A_36 = arith.constant 0 : i32
      %dma_start3A_37 = tpu.memref_slice %arg9[%run_scoped3A, %dma_start3A, %dma_start3A_36] : memref<4x128x16xf32, #tpu.memory_space<vmem>> -> memref<1x128x16xf32, #tpu.memory_space<vmem>>
      %dma_start3A_38 = tpu.memref_squeeze %dma_start3A_37 : memref<1x128x16xf32, #tpu.memory_space<vmem>> -> memref<128x16xf32, #tpu.memory_space<vmem>>
      %dma_start3A_39 = arith.constant 0 : i32
      %dma_start3A_40 = tpu.memref_slice %arg10[%sub3A_23, %dma_start3A_39] : memref<50176x16xf32, #tpu.memory_space<vmem_shared>> -> memref<128x16xf32, #tpu.memory_space<vmem_shared>>
      %dma_start3A_41 = arith.constant 0 : i32
      %dma_start3A_42 = tpu.memref_slice %arg10[%sub3A_23, %dma_start3A_41] : memref<50176x16xf32, #tpu.memory_space<vmem_shared>> -> memref<128x16xf32, #tpu.memory_space<vmem_shared>>
      %dma_start3A_43 = arith.constant 0 : i32
      %dma_start3A_44 = arith.constant 0 : i32
      %dma_start3A_45 = tpu.memref_slice %arg9[%run_scoped3A, %dma_start3A_43, %dma_start3A_44] : memref<4x128x16xf32, #tpu.memory_space<vmem>> -> memref<1x128x16xf32, #tpu.memory_space<vmem>>
      %dma_start3A_46 = tpu.memref_squeeze %dma_start3A_45 : memref<1x128x16xf32, #tpu.memory_space<vmem>> -> memref<128x16xf32, #tpu.memory_space<vmem>>
      tpu.enqueue_dma source(%dma_start3A_46 : memref<128x16xf32, #tpu.memory_space<vmem>>) target(%dma_start3A_42 : memref<128x16xf32, #tpu.memory_space<vmem_shared>>) target_semaphore(%run_scoped3A_35 : memref<!tpu.dma_semaphore, #tpu.memory_space<semaphore_mem>>)
      %dma_wait3A = arith.constant 0 : i32
      %dma_wait3A_47 = arith.constant 0 : i32
      %dma_wait3A_48 = tpu.memref_slice %arg9[%run_scoped3A, %dma_wait3A, %dma_wait3A_47] : memref<4x128x16xf32, #tpu.memory_space<vmem>> -> memref<1x128x16xf32, #tpu.memory_space<vmem>>
      %dma_wait3A_49 = tpu.memref_squeeze %dma_wait3A_48 : memref<1x128x16xf32, #tpu.memory_space<vmem>> -> memref<128x16xf32, #tpu.memory_space<vmem>>
      %dma_wait3A_50 = arith.constant 0 : i32
      %dma_wait3A_51 = tpu.memref_slice %arg10[%sub3A_23, %dma_wait3A_50] : memref<50176x16xf32, #tpu.memory_space<vmem_shared>> -> memref<128x16xf32, #tpu.memory_space<vmem_shared>>
      %dma_wait3A_52 = arith.constant 0 : i32
      %dma_wait3A_53 = tpu.memref_slice %arg10[%sub3A_23, %dma_wait3A_52] : memref<50176x16xf32, #tpu.memory_space<vmem_shared>> -> memref<128x16xf32, #tpu.memory_space<vmem_shared>>
      %dma_wait3A_54 = arith.constant 0 : i32
      %dma_wait3A_55 = arith.constant 0 : i32
      %dma_wait3A_56 = tpu.memref_slice %arg9[%run_scoped3A, %dma_wait3A_54, %dma_wait3A_55] : memref<4x128x16xf32, #tpu.memory_space<vmem>> -> memref<1x128x16xf32, #tpu.memory_space<vmem>>
      %dma_wait3A_57 = tpu.memref_squeeze %dma_wait3A_56 : memref<1x128x16xf32, #tpu.memory_space<vmem>> -> memref<128x16xf32, #tpu.memory_space<vmem>>
      tpu.wait_dma2 semaphore(%run_scoped3A_35 : memref<!tpu.dma_semaphore, #tpu.memory_space<semaphore_mem>>) src(%dma_wait3A_57 : memref<128x16xf32, #tpu.memory_space<vmem>>) dst(%dma_wait3A_53 : memref<128x16xf32, #tpu.memory_space<vmem_shared>>)
      tpu.yield
    }) : () -> ()
    %barrier3A = arith.constant 0 : index
    tpu.barrier barrier_id(%barrier3A)
    %mul3A_24 = arith.constant 400 : i32
    %mul3A_25 = arith.muli %arg1, %mul3A_24 : i32
    %scan3A_26 = arith.constant 0 : i32
    %scan3A_27 = arith.constant 0 : i32
    %scan3A_28 = arith.constant 10 : i32
    %scan3A_29 = arith.addi %scan3A_27, %scan3A_28 : i32
    %scan3A_30 = arith.constant 1 : i32
    scf.for %scan3A_35 = %scan3A_27 to %scan3A_29 step %scan3A_30  : i32 {
      %mul3A_36 = arith.constant 40 : i32
      %mul3A_37 = arith.muli %scan3A_35, %mul3A_36 : i32
      %add3A_38 = arith.addi %mul3A_25, %mul3A_37 : i32
      "tpu.region"() ({
        %run_scoped3A_103 = tpu.sem_alloc : memref<!tpu.dma_semaphore, #tpu.memory_space<semaphore_mem>>
        %dma_start3A_104 = arith.constant 0 : i32
        %dma_start3A_105 = tpu.memref_slice %arg2[%add3A_38, %dma_start3A_104] : memref<6400x128xi32, #tpu.memory_space<hbm>> -> memref<40x128xi32, #tpu.memory_space<hbm>>
        %dma_start3A_106 = arith.constant 0 : i32
        %dma_start3A_107 = tpu.memref_slice %arg2[%add3A_38, %dma_start3A_106] : memref<6400x128xi32, #tpu.memory_space<hbm>> -> memref<40x128xi32, #tpu.memory_space<hbm>>
        tpu.enqueue_dma source(%dma_start3A_107 : memref<40x128xi32, #tpu.memory_space<hbm>>) target(%arg7 : memref<40x128xi32, #tpu.memory_space<vmem>>) target_semaphore(%run_scoped3A_103 : memref<!tpu.dma_semaphore, #tpu.memory_space<semaphore_mem>>)
        %dma_wait3A = arith.constant 0 : i32
        %dma_wait3A_108 = tpu.memref_slice %arg2[%add3A_38, %dma_wait3A] : memref<6400x128xi32, #tpu.memory_space<hbm>> -> memref<40x128xi32, #tpu.memory_space<hbm>>
        %dma_wait3A_109 = arith.constant 0 : i32
        %dma_wait3A_110 = tpu.memref_slice %arg2[%add3A_38, %dma_wait3A_109] : memref<6400x128xi32, #tpu.memory_space<hbm>> -> memref<40x128xi32, #tpu.memory_space<hbm>>
        tpu.wait_dma2 semaphore(%run_scoped3A_103 : memref<!tpu.dma_semaphore, #tpu.memory_space<semaphore_mem>>) src(%dma_wait3A_110 : memref<40x128xi32, #tpu.memory_space<hbm>>) dst(%arg7 : memref<40x128xi32, #tpu.memory_space<vmem>>)
        tpu.yield
      }) : () -> ()
      "tpu.region"() ({
        %run_scoped3A_103 = tpu.sem_alloc : memref<!tpu.dma_semaphore, #tpu.memory_space<semaphore_mem>>
        %dma_start3A_104 = arith.constant 0 : i32
        %dma_start3A_105 = tpu.memref_slice %arg3[%add3A_38, %dma_start3A_104] : memref<6400x128xi32, #tpu.memory_space<hbm>> -> memref<40x128xi32, #tpu.memory_space<hbm>>
        %dma_start3A_106 = arith.constant 0 : i32
        %dma_start3A_107 = tpu.memref_slice %arg3[%add3A_38, %dma_start3A_106] : memref<6400x128xi32, #tpu.memory_space<hbm>> -> memref<40x128xi32, #tpu.memory_space<hbm>>
        tpu.enqueue_dma source(%dma_start3A_107 : memref<40x128xi32, #tpu.memory_space<hbm>>) target(%arg8 : memref<40x128xi32, #tpu.memory_space<vmem>>) target_semaphore(%run_scoped3A_103 : memref<!tpu.dma_semaphore, #tpu.memory_space<semaphore_mem>>)
        %dma_wait3A = arith.constant 0 : i32
        %dma_wait3A_108 = tpu.memref_slice %arg3[%add3A_38, %dma_wait3A] : memref<6400x128xi32, #tpu.memory_space<hbm>> -> memref<40x128xi32, #tpu.memory_space<hbm>>
        %dma_wait3A_109 = arith.constant 0 : i32
        %dma_wait3A_110 = tpu.memref_slice %arg3[%add3A_38, %dma_wait3A_109] : memref<6400x128xi32, #tpu.memory_space<hbm>> -> memref<40x128xi32, #tpu.memory_space<hbm>>
        tpu.wait_dma2 semaphore(%run_scoped3A_103 : memref<!tpu.dma_semaphore, #tpu.memory_space<semaphore_mem>>) src(%dma_wait3A_110 : memref<40x128xi32, #tpu.memory_space<hbm>>) dst(%arg8 : memref<40x128xi32, #tpu.memory_space<vmem>>)
        tpu.yield
      }) : () -> ()
      %dma_start3A = arith.constant 0 : i32
      %dma_start3A_39 = arith.constant 0 : i32
      %dma_start3A_40 = arith.constant 0 : i32
      %dma_start3A_41 = arith.constant 0 : i32
      %dma_start3A_42 = arith.constant 0 : i32
      %dma_start3A_43 = tpu.memref_slice %arg9[%dma_start3A_39, %dma_start3A_41, %dma_start3A_42] : memref<4x128x16xf32, #tpu.memory_space<vmem>> -> memref<1x128x16xf32, #tpu.memory_space<vmem>>
      %dma_start3A_44 = tpu.memref_squeeze %dma_start3A_43 : memref<1x128x16xf32, #tpu.memory_space<vmem>> -> memref<128x16xf32, #tpu.memory_space<vmem>>
      %dma_start3A_45 = arith.constant 0 : i32
      %dma_start3A_46 = tpu.memref_slice %arg7[%dma_start3A, %dma_start3A_45] : memref<40x128xi32, #tpu.memory_space<vmem>> -> memref<1x128xi32, #tpu.memory_space<vmem>>
      %dma_start3A_47 = tpu.memref_squeeze %dma_start3A_46 : memref<1x128xi32, #tpu.memory_space<vmem>> -> memref<128xi32, #tpu.memory_space<vmem>>
      %dma_start3A_48 = arith.constant 0 : i32
      %dma_start3A_49 = arith.constant 0 : i32
      %dma_start3A_50 = tpu.memref_slice %arg13[%dma_start3A_48, %dma_start3A_49] : memref<50000x16xf32, #tpu.memory_space<vmem_shared>> -> memref<50000x16xf32, #tpu.memory_space<vmem_shared>>
      %dma_start3A_51 = tpu.memref_slice %arg11[%dma_start3A_40] : memref<4x!tpu.dma_semaphore, #tpu.memory_space<semaphore_mem>> -> memref<1x!tpu.dma_semaphore, #tpu.memory_space<semaphore_mem>>
      %dma_start3A_52 = tpu.memref_squeeze %dma_start3A_51 : memref<1x!tpu.dma_semaphore, #tpu.memory_space<semaphore_mem>> -> memref<!tpu.dma_semaphore, #tpu.memory_space<semaphore_mem>>
      tpu.enqueue_indirect_dma source(%dma_start3A_50 : memref<50000x16xf32, #tpu.memory_space<vmem_shared>>) target(%dma_start3A_44 : memref<128x16xf32, #tpu.memory_space<vmem>>) offsets(%dma_start3A_47 : memref<128xi32, #tpu.memory_space<vmem>>) semaphore(%dma_start3A_52 : memref<!tpu.dma_semaphore, #tpu.memory_space<semaphore_mem>>)
      %dma_start3A_53 = arith.constant 1 : i32
      %dma_start3A_54 = arith.constant 1 : i32
      %dma_start3A_55 = arith.constant 1 : i32
      %dma_start3A_56 = arith.constant 0 : i32
      %dma_start3A_57 = arith.constant 0 : i32
      %dma_start3A_58 = tpu.memref_slice %arg9[%dma_start3A_54, %dma_start3A_56, %dma_start3A_57] : memref<4x128x16xf32, #tpu.memory_space<vmem>> -> memref<1x128x16xf32, #tpu.memory_space<vmem>>
      %dma_start3A_59 = tpu.memref_squeeze %dma_start3A_58 : memref<1x128x16xf32, #tpu.memory_space<vmem>> -> memref<128x16xf32, #tpu.memory_space<vmem>>
      %dma_start3A_60 = arith.constant 0 : i32
      %dma_start3A_61 = tpu.memref_slice %arg7[%dma_start3A_53, %dma_start3A_60] : memref<40x128xi32, #tpu.memory_space<vmem>> -> memref<1x128xi32, #tpu.memory_space<vmem>>
      %dma_start3A_62 = tpu.memref_squeeze %dma_start3A_61 : memref<1x128xi32, #tpu.memory_space<vmem>> -> memref<128xi32, #tpu.memory_space<vmem>>
      %dma_start3A_63 = arith.constant 0 : i32
      %dma_start3A_64 = arith.constant 0 : i32
      %dma_start3A_65 = tpu.memref_slice %arg13[%dma_start3A_63, %dma_start3A_64] : memref<50000x16xf32, #tpu.memory_space<vmem_shared>> -> memref<50000x16xf32, #tpu.memory_space<vmem_shared>>
      %dma_start3A_66 = tpu.memref_slice %arg11[%dma_start3A_55] : memref<4x!tpu.dma_semaphore, #tpu.memory_space<semaphore_mem>> -> memref<1x!tpu.dma_semaphore, #tpu.memory_space<semaphore_mem>>
      %dma_start3A_67 = tpu.memref_squeeze %dma_start3A_66 : memref<1x!tpu.dma_semaphore, #tpu.memory_space<semaphore_mem>> -> memref<!tpu.dma_semaphore, #tpu.memory_space<semaphore_mem>>
      tpu.enqueue_indirect_dma source(%dma_start3A_65 : memref<50000x16xf32, #tpu.memory_space<vmem_shared>>) target(%dma_start3A_59 : memref<128x16xf32, #tpu.memory_space<vmem>>) offsets(%dma_start3A_62 : memref<128xi32, #tpu.memory_space<vmem>>) semaphore(%dma_start3A_67 : memref<!tpu.dma_semaphore, #tpu.memory_space<semaphore_mem>>)
      %dma_start3A_68 = arith.constant 2 : i32
      %dma_start3A_69 = arith.constant 2 : i32
      %dma_start3A_70 = arith.constant 2 : i32
      %dma_start3A_71 = arith.constant 0 : i32
      %dma_start3A_72 = arith.constant 0 : i32
      %dma_start3A_73 = tpu.memref_slice %arg9[%dma_start3A_69, %dma_start3A_71, %dma_start3A_72] : memref<4x128x16xf32, #tpu.memory_space<vmem>> -> memref<1x128x16xf32, #tpu.memory_space<vmem>>
      %dma_start3A_74 = tpu.memref_squeeze %dma_start3A_73 : memref<1x128x16xf32, #tpu.memory_space<vmem>> -> memref<128x16xf32, #tpu.memory_space<vmem>>
      %dma_start3A_75 = arith.constant 0 : i32
      %dma_start3A_76 = tpu.memref_slice %arg7[%dma_start3A_68, %dma_start3A_75] : memref<40x128xi32, #tpu.memory_space<vmem>> -> memref<1x128xi32, #tpu.memory_space<vmem>>
      %dma_start3A_77 = tpu.memref_squeeze %dma_start3A_76 : memref<1x128xi32, #tpu.memory_space<vmem>> -> memref<128xi32, #tpu.memory_space<vmem>>
      %dma_start3A_78 = arith.constant 0 : i32
      %dma_start3A_79 = arith.constant 0 : i32
      %dma_start3A_80 = tpu.memref_slice %arg13[%dma_start3A_78, %dma_start3A_79] : memref<50000x16xf32, #tpu.memory_space<vmem_shared>> -> memref<50000x16xf32, #tpu.memory_space<vmem_shared>>
      %dma_start3A_81 = tpu.memref_slice %arg11[%dma_start3A_70] : memref<4x!tpu.dma_semaphore, #tpu.memory_space<semaphore_mem>> -> memref<1x!tpu.dma_semaphore, #tpu.memory_space<semaphore_mem>>
      %dma_start3A_82 = tpu.memref_squeeze %dma_start3A_81 : memref<1x!tpu.dma_semaphore, #tpu.memory_space<semaphore_mem>> -> memref<!tpu.dma_semaphore, #tpu.memory_space<semaphore_mem>>
      tpu.enqueue_indirect_dma source(%dma_start3A_80 : memref<50000x16xf32, #tpu.memory_space<vmem_shared>>) target(%dma_start3A_74 : memref<128x16xf32, #tpu.memory_space<vmem>>) offsets(%dma_start3A_77 : memref<128xi32, #tpu.memory_space<vmem>>) semaphore(%dma_start3A_82 : memref<!tpu.dma_semaphore, #tpu.memory_space<semaphore_mem>>)
      %dma_start3A_83 = arith.constant 3 : i32
      %dma_start3A_84 = arith.constant 3 : i32
      %dma_start3A_85 = arith.constant 3 : i32
      %dma_start3A_86 = arith.constant 0 : i32
      %dma_start3A_87 = arith.constant 0 : i32
      %dma_start3A_88 = tpu.memref_slice %arg9[%dma_start3A_84, %dma_start3A_86, %dma_start3A_87] : memref<4x128x16xf32, #tpu.memory_space<vmem>> -> memref<1x128x16xf32, #tpu.memory_space<vmem>>
      %dma_start3A_89 = tpu.memref_squeeze %dma_start3A_88 : memref<1x128x16xf32, #tpu.memory_space<vmem>> -> memref<128x16xf32, #tpu.memory_space<vmem>>
      %dma_start3A_90 = arith.constant 0 : i32
      %dma_start3A_91 = tpu.memref_slice %arg7[%dma_start3A_83, %dma_start3A_90] : memref<40x128xi32, #tpu.memory_space<vmem>> -> memref<1x128xi32, #tpu.memory_space<vmem>>
      %dma_start3A_92 = tpu.memref_squeeze %dma_start3A_91 : memref<1x128xi32, #tpu.memory_space<vmem>> -> memref<128xi32, #tpu.memory_space<vmem>>
      %dma_start3A_93 = arith.constant 0 : i32
      %dma_start3A_94 = arith.constant 0 : i32
      %dma_start3A_95 = tpu.memref_slice %arg13[%dma_start3A_93, %dma_start3A_94] : memref<50000x16xf32, #tpu.memory_space<vmem_shared>> -> memref<50000x16xf32, #tpu.memory_space<vmem_shared>>
      %dma_start3A_96 = tpu.memref_slice %arg11[%dma_start3A_85] : memref<4x!tpu.dma_semaphore, #tpu.memory_space<semaphore_mem>> -> memref<1x!tpu.dma_semaphore, #tpu.memory_space<semaphore_mem>>
      %dma_start3A_97 = tpu.memref_squeeze %dma_start3A_96 : memref<1x!tpu.dma_semaphore, #tpu.memory_space<semaphore_mem>> -> memref<!tpu.dma_semaphore, #tpu.memory_space<semaphore_mem>>
      tpu.enqueue_indirect_dma source(%dma_start3A_95 : memref<50000x16xf32, #tpu.memory_space<vmem_shared>>) target(%dma_start3A_89 : memref<128x16xf32, #tpu.memory_space<vmem>>) offsets(%dma_start3A_92 : memref<128xi32, #tpu.memory_space<vmem>>) semaphore(%dma_start3A_97 : memref<!tpu.dma_semaphore, #tpu.memory_space<semaphore_mem>>)
      %scan3A_98 = arith.constant 0 : i32
      %scan3A_99 = arith.constant 10 : i32
      %scan3A_100 = arith.addi %scan3A_98, %scan3A_99 : i32
      %scan3A_101 = arith.constant 1 : i32
      scf.for %scan3A_103 = %scan3A_98 to %scan3A_100 step %scan3A_101  : i32 {
        %mul3A_104 = arith.constant 4 : i32
        %mul3A_105 = arith.muli %scan3A_103, %mul3A_104 : i32
        %add3A_106 = arith.constant 0 : i32
        %add3A_107 = arith.addi %mul3A_105, %add3A_106 : i32
        %dma_wait3A = arith.constant 0 : i32
        %dma_wait3A_108 = arith.constant 0 : i32
        %dma_wait3A_109 = arith.constant 0 : i32
        %dma_wait3A_110 = arith.constant 0 : i32
        %dma_wait3A_111 = tpu.memref_slice %arg9[%dma_wait3A, %dma_wait3A_109, %dma_wait3A_110] : memref<4x128x16xf32, #tpu.memory_space<vmem>> -> memref<1x128x16xf32, #tpu.memory_space<vmem>>
        %dma_wait3A_112 = tpu.memref_squeeze %dma_wait3A_111 : memref<1x128x16xf32, #tpu.memory_space<vmem>> -> memref<128x16xf32, #tpu.memory_space<vmem>>
        %dma_wait3A_113 = arith.constant 0 : i32
        %dma_wait3A_114 = tpu.memref_slice %arg7[%add3A_107, %dma_wait3A_113] : memref<40x128xi32, #tpu.memory_space<vmem>> -> memref<1x128xi32, #tpu.memory_space<vmem>>
        %dma_wait3A_115 = tpu.memref_squeeze %dma_wait3A_114 : memref<1x128xi32, #tpu.memory_space<vmem>> -> memref<128xi32, #tpu.memory_space<vmem>>
        %dma_wait3A_116 = arith.constant 0 : i32
        %dma_wait3A_117 = arith.constant 0 : i32
        %dma_wait3A_118 = tpu.memref_slice %arg13[%dma_wait3A_116, %dma_wait3A_117] : memref<50000x16xf32, #tpu.memory_space<vmem_shared>> -> memref<50000x16xf32, #tpu.memory_space<vmem_shared>>
        %dma_wait3A_119 = tpu.memref_slice %arg11[%dma_wait3A_108] : memref<4x!tpu.dma_semaphore, #tpu.memory_space<semaphore_mem>> -> memref<1x!tpu.dma_semaphore, #tpu.memory_space<semaphore_mem>>
        %dma_wait3A_120 = tpu.memref_squeeze %dma_wait3A_119 : memref<1x!tpu.dma_semaphore, #tpu.memory_space<semaphore_mem>> -> memref<!tpu.dma_semaphore, #tpu.memory_space<semaphore_mem>>
        tpu.wait_indirect_dma semaphore(%dma_wait3A_120 : memref<!tpu.dma_semaphore, #tpu.memory_space<semaphore_mem>>) src(%dma_wait3A_118 : memref<50000x16xf32, #tpu.memory_space<vmem_shared>>) dst(%dma_wait3A_112 : memref<128x16xf32, #tpu.memory_space<vmem>>)
        %add3A_121 = arith.constant 0 : i32
        %add3A_122 = arith.addi %mul3A_105, %add3A_121 : i32
        %dma_start3A_123 = arith.constant 0 : i32
        %dma_start3A_124 = arith.constant 0 : i32
        %dma_start3A_125 = arith.constant 0 : i32
        %dma_start3A_126 = arith.constant 0 : i32
        %dma_start3A_127 = tpu.memref_slice %arg9[%dma_start3A_123, %dma_start3A_125, %dma_start3A_126] : memref<4x128x16xf32, #tpu.memory_space<vmem>> -> memref<1x128x16xf32, #tpu.memory_space<vmem>>
        %dma_start3A_128 = tpu.memref_squeeze %dma_start3A_127 : memref<1x128x16xf32, #tpu.memory_space<vmem>> -> memref<128x16xf32, #tpu.memory_space<vmem>>
        %dma_start3A_129 = arith.constant 0 : i32
        %dma_start3A_130 = tpu.memref_slice %arg8[%add3A_122, %dma_start3A_129] : memref<40x128xi32, #tpu.memory_space<vmem>> -> memref<1x128xi32, #tpu.memory_space<vmem>>
        %dma_start3A_131 = tpu.memref_squeeze %dma_start3A_130 : memref<1x128xi32, #tpu.memory_space<vmem>> -> memref<128xi32, #tpu.memory_space<vmem>>
        %dma_start3A_132 = arith.constant 0 : i32
        %dma_start3A_133 = arith.constant 0 : i32
        %dma_start3A_134 = tpu.memref_slice %arg10[%dma_start3A_132, %dma_start3A_133] : memref<50176x16xf32, #tpu.memory_space<vmem_shared>> -> memref<50176x16xf32, #tpu.memory_space<vmem_shared>>
        %dma_start3A_135 = tpu.memref_slice %arg12[%dma_start3A_124] : memref<4x!tpu.dma_semaphore, #tpu.memory_space<semaphore_mem>> -> memref<1x!tpu.dma_semaphore, #tpu.memory_space<semaphore_mem>>
        %dma_start3A_136 = tpu.memref_squeeze %dma_start3A_135 : memref<1x!tpu.dma_semaphore, #tpu.memory_space<semaphore_mem>> -> memref<!tpu.dma_semaphore, #tpu.memory_space<semaphore_mem>>
        tpu.enqueue_indirect_dma source(%dma_start3A_128 : memref<128x16xf32, #tpu.memory_space<vmem>>) target(%dma_start3A_134 : memref<50176x16xf32, #tpu.memory_space<vmem_shared>>) offsets(%dma_start3A_131 : memref<128xi32, #tpu.memory_space<vmem>>) semaphore(%dma_start3A_136 : memref<!tpu.dma_semaphore, #tpu.memory_space<semaphore_mem>>) {add = true}
        %add3A_137 = arith.constant 1 : i32
        %add3A_138 = arith.addi %mul3A_105, %add3A_137 : i32
        %dma_wait3A_139 = arith.constant 1 : i32
        %dma_wait3A_140 = arith.constant 1 : i32
        %dma_wait3A_141 = arith.constant 0 : i32
        %dma_wait3A_142 = arith.constant 0 : i32
        %dma_wait3A_143 = tpu.memref_slice %arg9[%dma_wait3A_139, %dma_wait3A_141, %dma_wait3A_142] : memref<4x128x16xf32, #tpu.memory_space<vmem>> -> memref<1x128x16xf32, #tpu.memory_space<vmem>>
        %dma_wait3A_144 = tpu.memref_squeeze %dma_wait3A_143 : memref<1x128x16xf32, #tpu.memory_space<vmem>> -> memref<128x16xf32, #tpu.memory_space<vmem>>
        %dma_wait3A_145 = arith.constant 0 : i32
        %dma_wait3A_146 = tpu.memref_slice %arg7[%add3A_138, %dma_wait3A_145] : memref<40x128xi32, #tpu.memory_space<vmem>> -> memref<1x128xi32, #tpu.memory_space<vmem>>
        %dma_wait3A_147 = tpu.memref_squeeze %dma_wait3A_146 : memref<1x128xi32, #tpu.memory_space<vmem>> -> memref<128xi32, #tpu.memory_space<vmem>>
        %dma_wait3A_148 = arith.constant 0 : i32
        %dma_wait3A_149 = arith.constant 0 : i32
        %dma_wait3A_150 = tpu.memref_slice %arg13[%dma_wait3A_148, %dma_wait3A_149] : memref<50000x16xf32, #tpu.memory_space<vmem_shared>> -> memref<50000x16xf32, #tpu.memory_space<vmem_shared>>
        %dma_wait3A_151 = tpu.memref_slice %arg11[%dma_wait3A_140] : memref<4x!tpu.dma_semaphore, #tpu.memory_space<semaphore_mem>> -> memref<1x!tpu.dma_semaphore, #tpu.memory_space<semaphore_mem>>
        %dma_wait3A_152 = tpu.memref_squeeze %dma_wait3A_151 : memref<1x!tpu.dma_semaphore, #tpu.memory_space<semaphore_mem>> -> memref<!tpu.dma_semaphore, #tpu.memory_space<semaphore_mem>>
        tpu.wait_indirect_dma semaphore(%dma_wait3A_152 : memref<!tpu.dma_semaphore, #tpu.memory_space<semaphore_mem>>) src(%dma_wait3A_150 : memref<50000x16xf32, #tpu.memory_space<vmem_shared>>) dst(%dma_wait3A_144 : memref<128x16xf32, #tpu.memory_space<vmem>>)
        %add3A_153 = arith.constant 1 : i32
        %add3A_154 = arith.addi %mul3A_105, %add3A_153 : i32
        %dma_start3A_155 = arith.constant 1 : i32
        %dma_start3A_156 = arith.constant 1 : i32
        %dma_start3A_157 = arith.constant 0 : i32
        %dma_start3A_158 = arith.constant 0 : i32
        %dma_start3A_159 = tpu.memref_slice %arg9[%dma_start3A_155, %dma_start3A_157, %dma_start3A_158] : memref<4x128x16xf32, #tpu.memory_space<vmem>> -> memref<1x128x16xf32, #tpu.memory_space<vmem>>
        %dma_start3A_160 = tpu.memref_squeeze %dma_start3A_159 : memref<1x128x16xf32, #tpu.memory_space<vmem>> -> memref<128x16xf32, #tpu.memory_space<vmem>>
        %dma_start3A_161 = arith.constant 0 : i32
        %dma_start3A_162 = tpu.memref_slice %arg8[%add3A_154, %dma_start3A_161] : memref<40x128xi32, #tpu.memory_space<vmem>> -> memref<1x128xi32, #tpu.memory_space<vmem>>
        %dma_start3A_163 = tpu.memref_squeeze %dma_start3A_162 : memref<1x128xi32, #tpu.memory_space<vmem>> -> memref<128xi32, #tpu.memory_space<vmem>>
        %dma_start3A_164 = arith.constant 0 : i32
        %dma_start3A_165 = arith.constant 0 : i32
        %dma_start3A_166 = tpu.memref_slice %arg10[%dma_start3A_164, %dma_start3A_165] : memref<50176x16xf32, #tpu.memory_space<vmem_shared>> -> memref<50176x16xf32, #tpu.memory_space<vmem_shared>>
        %dma_start3A_167 = tpu.memref_slice %arg12[%dma_start3A_156] : memref<4x!tpu.dma_semaphore, #tpu.memory_space<semaphore_mem>> -> memref<1x!tpu.dma_semaphore, #tpu.memory_space<semaphore_mem>>
        %dma_start3A_168 = tpu.memref_squeeze %dma_start3A_167 : memref<1x!tpu.dma_semaphore, #tpu.memory_space<semaphore_mem>> -> memref<!tpu.dma_semaphore, #tpu.memory_space<semaphore_mem>>
        tpu.enqueue_indirect_dma source(%dma_start3A_160 : memref<128x16xf32, #tpu.memory_space<vmem>>) target(%dma_start3A_166 : memref<50176x16xf32, #tpu.memory_space<vmem_shared>>) offsets(%dma_start3A_163 : memref<128xi32, #tpu.memory_space<vmem>>) semaphore(%dma_start3A_168 : memref<!tpu.dma_semaphore, #tpu.memory_space<semaphore_mem>>) {add = true}
        %add3A_169 = arith.constant 2 : i32
        %add3A_170 = arith.addi %mul3A_105, %add3A_169 : i32
        %dma_wait3A_171 = arith.constant 2 : i32
        %dma_wait3A_172 = arith.constant 2 : i32
        %dma_wait3A_173 = arith.constant 0 : i32
        %dma_wait3A_174 = arith.constant 0 : i32
        %dma_wait3A_175 = tpu.memref_slice %arg9[%dma_wait3A_171, %dma_wait3A_173, %dma_wait3A_174] : memref<4x128x16xf32, #tpu.memory_space<vmem>> -> memref<1x128x16xf32, #tpu.memory_space<vmem>>
        %dma_wait3A_176 = tpu.memref_squeeze %dma_wait3A_175 : memref<1x128x16xf32, #tpu.memory_space<vmem>> -> memref<128x16xf32, #tpu.memory_space<vmem>>
        %dma_wait3A_177 = arith.constant 0 : i32
        %dma_wait3A_178 = tpu.memref_slice %arg7[%add3A_170, %dma_wait3A_177] : memref<40x128xi32, #tpu.memory_space<vmem>> -> memref<1x128xi32, #tpu.memory_space<vmem>>
        %dma_wait3A_179 = tpu.memref_squeeze %dma_wait3A_178 : memref<1x128xi32, #tpu.memory_space<vmem>> -> memref<128xi32, #tpu.memory_space<vmem>>
        %dma_wait3A_180 = arith.constant 0 : i32
        %dma_wait3A_181 = arith.constant 0 : i32
        %dma_wait3A_182 = tpu.memref_slice %arg13[%dma_wait3A_180, %dma_wait3A_181] : memref<50000x16xf32, #tpu.memory_space<vmem_shared>> -> memref<50000x16xf32, #tpu.memory_space<vmem_shared>>
        %dma_wait3A_183 = tpu.memref_slice %arg11[%dma_wait3A_172] : memref<4x!tpu.dma_semaphore, #tpu.memory_space<semaphore_mem>> -> memref<1x!tpu.dma_semaphore, #tpu.memory_space<semaphore_mem>>
        %dma_wait3A_184 = tpu.memref_squeeze %dma_wait3A_183 : memref<1x!tpu.dma_semaphore, #tpu.memory_space<semaphore_mem>> -> memref<!tpu.dma_semaphore, #tpu.memory_space<semaphore_mem>>
        tpu.wait_indirect_dma semaphore(%dma_wait3A_184 : memref<!tpu.dma_semaphore, #tpu.memory_space<semaphore_mem>>) src(%dma_wait3A_182 : memref<50000x16xf32, #tpu.memory_space<vmem_shared>>) dst(%dma_wait3A_176 : memref<128x16xf32, #tpu.memory_space<vmem>>)
        %add3A_185 = arith.constant 2 : i32
        %add3A_186 = arith.addi %mul3A_105, %add3A_185 : i32
        %dma_start3A_187 = arith.constant 2 : i32
        %dma_start3A_188 = arith.constant 2 : i32
        %dma_start3A_189 = arith.constant 0 : i32
        %dma_start3A_190 = arith.constant 0 : i32
        %dma_start3A_191 = tpu.memref_slice %arg9[%dma_start3A_187, %dma_start3A_189, %dma_start3A_190] : memref<4x128x16xf32, #tpu.memory_space<vmem>> -> memref<1x128x16xf32, #tpu.memory_space<vmem>>
        %dma_start3A_192 = tpu.memref_squeeze %dma_start3A_191 : memref<1x128x16xf32, #tpu.memory_space<vmem>> -> memref<128x16xf32, #tpu.memory_space<vmem>>
        %dma_start3A_193 = arith.constant 0 : i32
        %dma_start3A_194 = tpu.memref_slice %arg8[%add3A_186, %dma_start3A_193] : memref<40x128xi32, #tpu.memory_space<vmem>> -> memref<1x128xi32, #tpu.memory_space<vmem>>
        %dma_start3A_195 = tpu.memref_squeeze %dma_start3A_194 : memref<1x128xi32, #tpu.memory_space<vmem>> -> memref<128xi32, #tpu.memory_space<vmem>>
        %dma_start3A_196 = arith.constant 0 : i32
        %dma_start3A_197 = arith.constant 0 : i32
        %dma_start3A_198 = tpu.memref_slice %arg10[%dma_start3A_196, %dma_start3A_197] : memref<50176x16xf32, #tpu.memory_space<vmem_shared>> -> memref<50176x16xf32, #tpu.memory_space<vmem_shared>>
        %dma_start3A_199 = tpu.memref_slice %arg12[%dma_start3A_188] : memref<4x!tpu.dma_semaphore, #tpu.memory_space<semaphore_mem>> -> memref<1x!tpu.dma_semaphore, #tpu.memory_space<semaphore_mem>>
        %dma_start3A_200 = tpu.memref_squeeze %dma_start3A_199 : memref<1x!tpu.dma_semaphore, #tpu.memory_space<semaphore_mem>> -> memref<!tpu.dma_semaphore, #tpu.memory_space<semaphore_mem>>
        tpu.enqueue_indirect_dma source(%dma_start3A_192 : memref<128x16xf32, #tpu.memory_space<vmem>>) target(%dma_start3A_198 : memref<50176x16xf32, #tpu.memory_space<vmem_shared>>) offsets(%dma_start3A_195 : memref<128xi32, #tpu.memory_space<vmem>>) semaphore(%dma_start3A_200 : memref<!tpu.dma_semaphore, #tpu.memory_space<semaphore_mem>>) {add = true}
        %add3A_201 = arith.constant 3 : i32
        %add3A_202 = arith.addi %mul3A_105, %add3A_201 : i32
        %dma_wait3A_203 = arith.constant 3 : i32
        %dma_wait3A_204 = arith.constant 3 : i32
        %dma_wait3A_205 = arith.constant 0 : i32
        %dma_wait3A_206 = arith.constant 0 : i32
        %dma_wait3A_207 = tpu.memref_slice %arg9[%dma_wait3A_203, %dma_wait3A_205, %dma_wait3A_206] : memref<4x128x16xf32, #tpu.memory_space<vmem>> -> memref<1x128x16xf32, #tpu.memory_space<vmem>>
        %dma_wait3A_208 = tpu.memref_squeeze %dma_wait3A_207 : memref<1x128x16xf32, #tpu.memory_space<vmem>> -> memref<128x16xf32, #tpu.memory_space<vmem>>
        %dma_wait3A_209 = arith.constant 0 : i32
        %dma_wait3A_210 = tpu.memref_slice %arg7[%add3A_202, %dma_wait3A_209] : memref<40x128xi32, #tpu.memory_space<vmem>> -> memref<1x128xi32, #tpu.memory_space<vmem>>
        %dma_wait3A_211 = tpu.memref_squeeze %dma_wait3A_210 : memref<1x128xi32, #tpu.memory_space<vmem>> -> memref<128xi32, #tpu.memory_space<vmem>>
        %dma_wait3A_212 = arith.constant 0 : i32
        %dma_wait3A_213 = arith.constant 0 : i32
        %dma_wait3A_214 = tpu.memref_slice %arg13[%dma_wait3A_212, %dma_wait3A_213] : memref<50000x16xf32, #tpu.memory_space<vmem_shared>> -> memref<50000x16xf32, #tpu.memory_space<vmem_shared>>
        %dma_wait3A_215 = tpu.memref_slice %arg11[%dma_wait3A_204] : memref<4x!tpu.dma_semaphore, #tpu.memory_space<semaphore_mem>> -> memref<1x!tpu.dma_semaphore, #tpu.memory_space<semaphore_mem>>
        %dma_wait3A_216 = tpu.memref_squeeze %dma_wait3A_215 : memref<1x!tpu.dma_semaphore, #tpu.memory_space<semaphore_mem>> -> memref<!tpu.dma_semaphore, #tpu.memory_space<semaphore_mem>>
        tpu.wait_indirect_dma semaphore(%dma_wait3A_216 : memref<!tpu.dma_semaphore, #tpu.memory_space<semaphore_mem>>) src(%dma_wait3A_214 : memref<50000x16xf32, #tpu.memory_space<vmem_shared>>) dst(%dma_wait3A_208 : memref<128x16xf32, #tpu.memory_space<vmem>>)
        %add3A_217 = arith.constant 3 : i32
        %add3A_218 = arith.addi %mul3A_105, %add3A_217 : i32
        %dma_start3A_219 = arith.constant 3 : i32
        %dma_start3A_220 = arith.constant 3 : i32
        %dma_start3A_221 = arith.constant 0 : i32
        %dma_start3A_222 = arith.constant 0 : i32
        %dma_start3A_223 = tpu.memref_slice %arg9[%dma_start3A_219, %dma_start3A_221, %dma_start3A_222] : memref<4x128x16xf32, #tpu.memory_space<vmem>> -> memref<1x128x16xf32, #tpu.memory_space<vmem>>
        %dma_start3A_224 = tpu.memref_squeeze %dma_start3A_223 : memref<1x128x16xf32, #tpu.memory_space<vmem>> -> memref<128x16xf32, #tpu.memory_space<vmem>>
        %dma_start3A_225 = arith.constant 0 : i32
        %dma_start3A_226 = tpu.memref_slice %arg8[%add3A_218, %dma_start3A_225] : memref<40x128xi32, #tpu.memory_space<vmem>> -> memref<1x128xi32, #tpu.memory_space<vmem>>
        %dma_start3A_227 = tpu.memref_squeeze %dma_start3A_226 : memref<1x128xi32, #tpu.memory_space<vmem>> -> memref<128xi32, #tpu.memory_space<vmem>>
        %dma_start3A_228 = arith.constant 0 : i32
        %dma_start3A_229 = arith.constant 0 : i32
        %dma_start3A_230 = tpu.memref_slice %arg10[%dma_start3A_228, %dma_start3A_229] : memref<50176x16xf32, #tpu.memory_space<vmem_shared>> -> memref<50176x16xf32, #tpu.memory_space<vmem_shared>>
        %dma_start3A_231 = tpu.memref_slice %arg12[%dma_start3A_220] : memref<4x!tpu.dma_semaphore, #tpu.memory_space<semaphore_mem>> -> memref<1x!tpu.dma_semaphore, #tpu.memory_space<semaphore_mem>>
        %dma_start3A_232 = tpu.memref_squeeze %dma_start3A_231 : memref<1x!tpu.dma_semaphore, #tpu.memory_space<semaphore_mem>> -> memref<!tpu.dma_semaphore, #tpu.memory_space<semaphore_mem>>
        tpu.enqueue_indirect_dma source(%dma_start3A_224 : memref<128x16xf32, #tpu.memory_space<vmem>>) target(%dma_start3A_230 : memref<50176x16xf32, #tpu.memory_space<vmem_shared>>) offsets(%dma_start3A_227 : memref<128xi32, #tpu.memory_space<vmem>>) semaphore(%dma_start3A_232 : memref<!tpu.dma_semaphore, #tpu.memory_space<semaphore_mem>>) {add = true}
        %add3A_233 = arith.constant 0 : i32
        %add3A_234 = arith.addi %mul3A_105, %add3A_233 : i32
        %dma_wait3A_235 = arith.constant 0 : i32
        %dma_wait3A_236 = arith.constant 0 : i32
        %dma_wait3A_237 = arith.constant 0 : i32
        %dma_wait3A_238 = arith.constant 0 : i32
        %dma_wait3A_239 = tpu.memref_slice %arg9[%dma_wait3A_235, %dma_wait3A_237, %dma_wait3A_238] : memref<4x128x16xf32, #tpu.memory_space<vmem>> -> memref<1x128x16xf32, #tpu.memory_space<vmem>>
        %dma_wait3A_240 = tpu.memref_squeeze %dma_wait3A_239 : memref<1x128x16xf32, #tpu.memory_space<vmem>> -> memref<128x16xf32, #tpu.memory_space<vmem>>
        %dma_wait3A_241 = arith.constant 0 : i32
        %dma_wait3A_242 = tpu.memref_slice %arg8[%add3A_234, %dma_wait3A_241] : memref<40x128xi32, #tpu.memory_space<vmem>> -> memref<1x128xi32, #tpu.memory_space<vmem>>
        %dma_wait3A_243 = tpu.memref_squeeze %dma_wait3A_242 : memref<1x128xi32, #tpu.memory_space<vmem>> -> memref<128xi32, #tpu.memory_space<vmem>>
        %dma_wait3A_244 = arith.constant 0 : i32
        %dma_wait3A_245 = arith.constant 0 : i32
        %dma_wait3A_246 = tpu.memref_slice %arg10[%dma_wait3A_244, %dma_wait3A_245] : memref<50176x16xf32, #tpu.memory_space<vmem_shared>> -> memref<50176x16xf32, #tpu.memory_space<vmem_shared>>
        %dma_wait3A_247 = tpu.memref_slice %arg12[%dma_wait3A_236] : memref<4x!tpu.dma_semaphore, #tpu.memory_space<semaphore_mem>> -> memref<1x!tpu.dma_semaphore, #tpu.memory_space<semaphore_mem>>
        %dma_wait3A_248 = tpu.memref_squeeze %dma_wait3A_247 : memref<1x!tpu.dma_semaphore, #tpu.memory_space<semaphore_mem>> -> memref<!tpu.dma_semaphore, #tpu.memory_space<semaphore_mem>>
        tpu.wait_indirect_dma semaphore(%dma_wait3A_248 : memref<!tpu.dma_semaphore, #tpu.memory_space<semaphore_mem>>) src(%dma_wait3A_240 : memref<128x16xf32, #tpu.memory_space<vmem>>) dst(%dma_wait3A_246 : memref<50176x16xf32, #tpu.memory_space<vmem_shared>>)
        %add3A_249 = arith.constant 4 : i32
        %add3A_250 = arith.addi %mul3A_105, %add3A_249 : i32
        %add3A_251 = arith.constant 0 : i32
        %add3A_252 = arith.addi %add3A_250, %add3A_251 : i32
        %lt3A = arith.constant 40 : i32
        %lt3A_253 = arith.cmpi slt, %add3A_252, %lt3A : i32
        %convert_element_type3A_254 = arith.extui %lt3A_253 : i1 to i32
        %cond3A_255 = arith.constant 0 : i32
        %cond3A_256 = arith.cmpi ne, %convert_element_type3A_254, %cond3A_255 : i32
        scf.if %cond3A_256 {
          %add3A_332 = arith.constant 4 : i32
          %add3A_333 = arith.addi %mul3A_105, %add3A_332 : i32
          %add3A_334 = arith.constant 0 : i32
          %add3A_335 = arith.addi %add3A_333, %add3A_334 : i32
          %dma_start3A_336 = arith.constant 0 : i32
          %dma_start3A_337 = arith.constant 0 : i32
          %dma_start3A_338 = arith.constant 0 : i32
          %dma_start3A_339 = arith.constant 0 : i32
          %dma_start3A_340 = tpu.memref_slice %arg9[%dma_start3A_336, %dma_start3A_338, %dma_start3A_339] : memref<4x128x16xf32, #tpu.memory_space<vmem>> -> memref<1x128x16xf32, #tpu.memory_space<vmem>>
          %dma_start3A_341 = tpu.memref_squeeze %dma_start3A_340 : memref<1x128x16xf32, #tpu.memory_space<vmem>> -> memref<128x16xf32, #tpu.memory_space<vmem>>
          %dma_start3A_342 = arith.constant 0 : i32
          %dma_start3A_343 = tpu.memref_slice %arg7[%add3A_335, %dma_start3A_342] : memref<40x128xi32, #tpu.memory_space<vmem>> -> memref<1x128xi32, #tpu.memory_space<vmem>>
          %dma_start3A_344 = tpu.memref_squeeze %dma_start3A_343 : memref<1x128xi32, #tpu.memory_space<vmem>> -> memref<128xi32, #tpu.memory_space<vmem>>
          %dma_start3A_345 = arith.constant 0 : i32
          %dma_start3A_346 = arith.constant 0 : i32
          %dma_start3A_347 = tpu.memref_slice %arg13[%dma_start3A_345, %dma_start3A_346] : memref<50000x16xf32, #tpu.memory_space<vmem_shared>> -> memref<50000x16xf32, #tpu.memory_space<vmem_shared>>
          %dma_start3A_348 = tpu.memref_slice %arg11[%dma_start3A_337] : memref<4x!tpu.dma_semaphore, #tpu.memory_space<semaphore_mem>> -> memref<1x!tpu.dma_semaphore, #tpu.memory_space<semaphore_mem>>
          %dma_start3A_349 = tpu.memref_squeeze %dma_start3A_348 : memref<1x!tpu.dma_semaphore, #tpu.memory_space<semaphore_mem>> -> memref<!tpu.dma_semaphore, #tpu.memory_space<semaphore_mem>>
          tpu.enqueue_indirect_dma source(%dma_start3A_347 : memref<50000x16xf32, #tpu.memory_space<vmem_shared>>) target(%dma_start3A_341 : memref<128x16xf32, #tpu.memory_space<vmem>>) offsets(%dma_start3A_344 : memref<128xi32, #tpu.memory_space<vmem>>) semaphore(%dma_start3A_349 : memref<!tpu.dma_semaphore, #tpu.memory_space<semaphore_mem>>)
        } else {
        }
        %add3A_257 = arith.constant 1 : i32
        %add3A_258 = arith.addi %mul3A_105, %add3A_257 : i32
        %dma_wait3A_259 = arith.constant 1 : i32
        %dma_wait3A_260 = arith.constant 1 : i32
        %dma_wait3A_261 = arith.constant 0 : i32
        %dma_wait3A_262 = arith.constant 0 : i32
        %dma_wait3A_263 = tpu.memref_slice %arg9[%dma_wait3A_259, %dma_wait3A_261, %dma_wait3A_262] : memref<4x128x16xf32, #tpu.memory_space<vmem>> -> memref<1x128x16xf32, #tpu.memory_space<vmem>>
        %dma_wait3A_264 = tpu.memref_squeeze %dma_wait3A_263 : memref<1x128x16xf32, #tpu.memory_space<vmem>> -> memref<128x16xf32, #tpu.memory_space<vmem>>
        %dma_wait3A_265 = arith.constant 0 : i32
        %dma_wait3A_266 = tpu.memref_slice %arg8[%add3A_258, %dma_wait3A_265] : memref<40x128xi32, #tpu.memory_space<vmem>> -> memref<1x128xi32, #tpu.memory_space<vmem>>
        %dma_wait3A_267 = tpu.memref_squeeze %dma_wait3A_266 : memref<1x128xi32, #tpu.memory_space<vmem>> -> memref<128xi32, #tpu.memory_space<vmem>>
        %dma_wait3A_268 = arith.constant 0 : i32
        %dma_wait3A_269 = arith.constant 0 : i32
        %dma_wait3A_270 = tpu.memref_slice %arg10[%dma_wait3A_268, %dma_wait3A_269] : memref<50176x16xf32, #tpu.memory_space<vmem_shared>> -> memref<50176x16xf32, #tpu.memory_space<vmem_shared>>
        %dma_wait3A_271 = tpu.memref_slice %arg12[%dma_wait3A_260] : memref<4x!tpu.dma_semaphore, #tpu.memory_space<semaphore_mem>> -> memref<1x!tpu.dma_semaphore, #tpu.memory_space<semaphore_mem>>
        %dma_wait3A_272 = tpu.memref_squeeze %dma_wait3A_271 : memref<1x!tpu.dma_semaphore, #tpu.memory_space<semaphore_mem>> -> memref<!tpu.dma_semaphore, #tpu.memory_space<semaphore_mem>>
        tpu.wait_indirect_dma semaphore(%dma_wait3A_272 : memref<!tpu.dma_semaphore, #tpu.memory_space<semaphore_mem>>) src(%dma_wait3A_264 : memref<128x16xf32, #tpu.memory_space<vmem>>) dst(%dma_wait3A_270 : memref<50176x16xf32, #tpu.memory_space<vmem_shared>>)
        %add3A_273 = arith.constant 4 : i32
        %add3A_274 = arith.addi %mul3A_105, %add3A_273 : i32
        %add3A_275 = arith.constant 1 : i32
        %add3A_276 = arith.addi %add3A_274, %add3A_275 : i32
        %lt3A_277 = arith.constant 40 : i32
        %lt3A_278 = arith.cmpi slt, %add3A_276, %lt3A_277 : i32
        %convert_element_type3A_279 = arith.extui %lt3A_278 : i1 to i32
        %cond3A_280 = arith.constant 0 : i32
        %cond3A_281 = arith.cmpi ne, %convert_element_type3A_279, %cond3A_280 : i32
        scf.if %cond3A_281 {
          %add3A_332 = arith.constant 4 : i32
          %add3A_333 = arith.addi %mul3A_105, %add3A_332 : i32
          %add3A_334 = arith.constant 1 : i32
          %add3A_335 = arith.addi %add3A_333, %add3A_334 : i32
          %dma_start3A_336 = arith.constant 1 : i32
          %dma_start3A_337 = arith.constant 1 : i32
          %dma_start3A_338 = arith.constant 0 : i32
          %dma_start3A_339 = arith.constant 0 : i32
          %dma_start3A_340 = tpu.memref_slice %arg9[%dma_start3A_336, %dma_start3A_338, %dma_start3A_339] : memref<4x128x16xf32, #tpu.memory_space<vmem>> -> memref<1x128x16xf32, #tpu.memory_space<vmem>>
          %dma_start3A_341 = tpu.memref_squeeze %dma_start3A_340 : memref<1x128x16xf32, #tpu.memory_space<vmem>> -> memref<128x16xf32, #tpu.memory_space<vmem>>
          %dma_start3A_342 = arith.constant 0 : i32
          %dma_start3A_343 = tpu.memref_slice %arg7[%add3A_335, %dma_start3A_342] : memref<40x128xi32, #tpu.memory_space<vmem>> -> memref<1x128xi32, #tpu.memory_space<vmem>>
          %dma_start3A_344 = tpu.memref_squeeze %dma_start3A_343 : memref<1x128xi32, #tpu.memory_space<vmem>> -> memref<128xi32, #tpu.memory_space<vmem>>
          %dma_start3A_345 = arith.constant 0 : i32
          %dma_start3A_346 = arith.constant 0 : i32
          %dma_start3A_347 = tpu.memref_slice %arg13[%dma_start3A_345, %dma_start3A_346] : memref<50000x16xf32, #tpu.memory_space<vmem_shared>> -> memref<50000x16xf32, #tpu.memory_space<vmem_shared>>
          %dma_start3A_348 = tpu.memref_slice %arg11[%dma_start3A_337] : memref<4x!tpu.dma_semaphore, #tpu.memory_space<semaphore_mem>> -> memref<1x!tpu.dma_semaphore, #tpu.memory_space<semaphore_mem>>
          %dma_start3A_349 = tpu.memref_squeeze %dma_start3A_348 : memref<1x!tpu.dma_semaphore, #tpu.memory_space<semaphore_mem>> -> memref<!tpu.dma_semaphore, #tpu.memory_space<semaphore_mem>>
          tpu.enqueue_indirect_dma source(%dma_start3A_347 : memref<50000x16xf32, #tpu.memory_space<vmem_shared>>) target(%dma_start3A_341 : memref<128x16xf32, #tpu.memory_space<vmem>>) offsets(%dma_start3A_344 : memref<128xi32, #tpu.memory_space<vmem>>) semaphore(%dma_start3A_349 : memref<!tpu.dma_semaphore, #tpu.memory_space<semaphore_mem>>)
        } else {
        }
        %add3A_282 = arith.constant 2 : i32
        %add3A_283 = arith.addi %mul3A_105, %add3A_282 : i32
        %dma_wait3A_284 = arith.constant 2 : i32
        %dma_wait3A_285 = arith.constant 2 : i32
        %dma_wait3A_286 = arith.constant 0 : i32
        %dma_wait3A_287 = arith.constant 0 : i32
        %dma_wait3A_288 = tpu.memref_slice %arg9[%dma_wait3A_284, %dma_wait3A_286, %dma_wait3A_287] : memref<4x128x16xf32, #tpu.memory_space<vmem>> -> memref<1x128x16xf32, #tpu.memory_space<vmem>>
        %dma_wait3A_289 = tpu.memref_squeeze %dma_wait3A_288 : memref<1x128x16xf32, #tpu.memory_space<vmem>> -> memref<128x16xf32, #tpu.memory_space<vmem>>
        %dma_wait3A_290 = arith.constant 0 : i32
        %dma_wait3A_291 = tpu.memref_slice %arg8[%add3A_283, %dma_wait3A_290] : memref<40x128xi32, #tpu.memory_space<vmem>> -> memref<1x128xi32, #tpu.memory_space<vmem>>
        %dma_wait3A_292 = tpu.memref_squeeze %dma_wait3A_291 : memref<1x128xi32, #tpu.memory_space<vmem>> -> memref<128xi32, #tpu.memory_space<vmem>>
        %dma_wait3A_293 = arith.constant 0 : i32
        %dma_wait3A_294 = arith.constant 0 : i32
        %dma_wait3A_295 = tpu.memref_slice %arg10[%dma_wait3A_293, %dma_wait3A_294] : memref<50176x16xf32, #tpu.memory_space<vmem_shared>> -> memref<50176x16xf32, #tpu.memory_space<vmem_shared>>
        %dma_wait3A_296 = tpu.memref_slice %arg12[%dma_wait3A_285] : memref<4x!tpu.dma_semaphore, #tpu.memory_space<semaphore_mem>> -> memref<1x!tpu.dma_semaphore, #tpu.memory_space<semaphore_mem>>
        %dma_wait3A_297 = tpu.memref_squeeze %dma_wait3A_296 : memref<1x!tpu.dma_semaphore, #tpu.memory_space<semaphore_mem>> -> memref<!tpu.dma_semaphore, #tpu.memory_space<semaphore_mem>>
        tpu.wait_indirect_dma semaphore(%dma_wait3A_297 : memref<!tpu.dma_semaphore, #tpu.memory_space<semaphore_mem>>) src(%dma_wait3A_289 : memref<128x16xf32, #tpu.memory_space<vmem>>) dst(%dma_wait3A_295 : memref<50176x16xf32, #tpu.memory_space<vmem_shared>>)
        %add3A_298 = arith.constant 4 : i32
        %add3A_299 = arith.addi %mul3A_105, %add3A_298 : i32
        %add3A_300 = arith.constant 2 : i32
        %add3A_301 = arith.addi %add3A_299, %add3A_300 : i32
        %lt3A_302 = arith.constant 40 : i32
        %lt3A_303 = arith.cmpi slt, %add3A_301, %lt3A_302 : i32
        %convert_element_type3A_304 = arith.extui %lt3A_303 : i1 to i32
        %cond3A_305 = arith.constant 0 : i32
        %cond3A_306 = arith.cmpi ne, %convert_element_type3A_304, %cond3A_305 : i32
        scf.if %cond3A_306 {
          %add3A_332 = arith.constant 4 : i32
          %add3A_333 = arith.addi %mul3A_105, %add3A_332 : i32
          %add3A_334 = arith.constant 2 : i32
          %add3A_335 = arith.addi %add3A_333, %add3A_334 : i32
          %dma_start3A_336 = arith.constant 2 : i32
          %dma_start3A_337 = arith.constant 2 : i32
          %dma_start3A_338 = arith.constant 0 : i32
          %dma_start3A_339 = arith.constant 0 : i32
          %dma_start3A_340 = tpu.memref_slice %arg9[%dma_start3A_336, %dma_start3A_338, %dma_start3A_339] : memref<4x128x16xf32, #tpu.memory_space<vmem>> -> memref<1x128x16xf32, #tpu.memory_space<vmem>>
          %dma_start3A_341 = tpu.memref_squeeze %dma_start3A_340 : memref<1x128x16xf32, #tpu.memory_space<vmem>> -> memref<128x16xf32, #tpu.memory_space<vmem>>
          %dma_start3A_342 = arith.constant 0 : i32
          %dma_start3A_343 = tpu.memref_slice %arg7[%add3A_335, %dma_start3A_342] : memref<40x128xi32, #tpu.memory_space<vmem>> -> memref<1x128xi32, #tpu.memory_space<vmem>>
          %dma_start3A_344 = tpu.memref_squeeze %dma_start3A_343 : memref<1x128xi32, #tpu.memory_space<vmem>> -> memref<128xi32, #tpu.memory_space<vmem>>
          %dma_start3A_345 = arith.constant 0 : i32
          %dma_start3A_346 = arith.constant 0 : i32
          %dma_start3A_347 = tpu.memref_slice %arg13[%dma_start3A_345, %dma_start3A_346] : memref<50000x16xf32, #tpu.memory_space<vmem_shared>> -> memref<50000x16xf32, #tpu.memory_space<vmem_shared>>
          %dma_start3A_348 = tpu.memref_slice %arg11[%dma_start3A_337] : memref<4x!tpu.dma_semaphore, #tpu.memory_space<semaphore_mem>> -> memref<1x!tpu.dma_semaphore, #tpu.memory_space<semaphore_mem>>
          %dma_start3A_349 = tpu.memref_squeeze %dma_start3A_348 : memref<1x!tpu.dma_semaphore, #tpu.memory_space<semaphore_mem>> -> memref<!tpu.dma_semaphore, #tpu.memory_space<semaphore_mem>>
          tpu.enqueue_indirect_dma source(%dma_start3A_347 : memref<50000x16xf32, #tpu.memory_space<vmem_shared>>) target(%dma_start3A_341 : memref<128x16xf32, #tpu.memory_space<vmem>>) offsets(%dma_start3A_344 : memref<128xi32, #tpu.memory_space<vmem>>) semaphore(%dma_start3A_349 : memref<!tpu.dma_semaphore, #tpu.memory_space<semaphore_mem>>)
        } else {
        }
        %add3A_307 = arith.constant 3 : i32
        %add3A_308 = arith.addi %mul3A_105, %add3A_307 : i32
        %dma_wait3A_309 = arith.constant 3 : i32
        %dma_wait3A_310 = arith.constant 3 : i32
        %dma_wait3A_311 = arith.constant 0 : i32
        %dma_wait3A_312 = arith.constant 0 : i32
        %dma_wait3A_313 = tpu.memref_slice %arg9[%dma_wait3A_309, %dma_wait3A_311, %dma_wait3A_312] : memref<4x128x16xf32, #tpu.memory_space<vmem>> -> memref<1x128x16xf32, #tpu.memory_space<vmem>>
        %dma_wait3A_314 = tpu.memref_squeeze %dma_wait3A_313 : memref<1x128x16xf32, #tpu.memory_space<vmem>> -> memref<128x16xf32, #tpu.memory_space<vmem>>
        %dma_wait3A_315 = arith.constant 0 : i32
        %dma_wait3A_316 = tpu.memref_slice %arg8[%add3A_308, %dma_wait3A_315] : memref<40x128xi32, #tpu.memory_space<vmem>> -> memref<1x128xi32, #tpu.memory_space<vmem>>
        %dma_wait3A_317 = tpu.memref_squeeze %dma_wait3A_316 : memref<1x128xi32, #tpu.memory_space<vmem>> -> memref<128xi32, #tpu.memory_space<vmem>>
        %dma_wait3A_318 = arith.constant 0 : i32
        %dma_wait3A_319 = arith.constant 0 : i32
        %dma_wait3A_320 = tpu.memref_slice %arg10[%dma_wait3A_318, %dma_wait3A_319] : memref<50176x16xf32, #tpu.memory_space<vmem_shared>> -> memref<50176x16xf32, #tpu.memory_space<vmem_shared>>
        %dma_wait3A_321 = tpu.memref_slice %arg12[%dma_wait3A_310] : memref<4x!tpu.dma_semaphore, #tpu.memory_space<semaphore_mem>> -> memref<1x!tpu.dma_semaphore, #tpu.memory_space<semaphore_mem>>
        %dma_wait3A_322 = tpu.memref_squeeze %dma_wait3A_321 : memref<1x!tpu.dma_semaphore, #tpu.memory_space<semaphore_mem>> -> memref<!tpu.dma_semaphore, #tpu.memory_space<semaphore_mem>>
        tpu.wait_indirect_dma semaphore(%dma_wait3A_322 : memref<!tpu.dma_semaphore, #tpu.memory_space<semaphore_mem>>) src(%dma_wait3A_314 : memref<128x16xf32, #tpu.memory_space<vmem>>) dst(%dma_wait3A_320 : memref<50176x16xf32, #tpu.memory_space<vmem_shared>>)
        %add3A_323 = arith.constant 4 : i32
        %add3A_324 = arith.addi %mul3A_105, %add3A_323 : i32
        %add3A_325 = arith.constant 3 : i32
        %add3A_326 = arith.addi %add3A_324, %add3A_325 : i32
        %lt3A_327 = arith.constant 40 : i32
        %lt3A_328 = arith.cmpi slt, %add3A_326, %lt3A_327 : i32
        %convert_element_type3A_329 = arith.extui %lt3A_328 : i1 to i32
        %cond3A_330 = arith.constant 0 : i32
        %cond3A_331 = arith.cmpi ne, %convert_element_type3A_329, %cond3A_330 : i32
        scf.if %cond3A_331 {
          %add3A_332 = arith.constant 4 : i32
          %add3A_333 = arith.addi %mul3A_105, %add3A_332 : i32
          %add3A_334 = arith.constant 3 : i32
          %add3A_335 = arith.addi %add3A_333, %add3A_334 : i32
          %dma_start3A_336 = arith.constant 3 : i32
          %dma_start3A_337 = arith.constant 3 : i32
          %dma_start3A_338 = arith.constant 0 : i32
          %dma_start3A_339 = arith.constant 0 : i32
          %dma_start3A_340 = tpu.memref_slice %arg9[%dma_start3A_336, %dma_start3A_338, %dma_start3A_339] : memref<4x128x16xf32, #tpu.memory_space<vmem>> -> memref<1x128x16xf32, #tpu.memory_space<vmem>>
          %dma_start3A_341 = tpu.memref_squeeze %dma_start3A_340 : memref<1x128x16xf32, #tpu.memory_space<vmem>> -> memref<128x16xf32, #tpu.memory_space<vmem>>
          %dma_start3A_342 = arith.constant 0 : i32
          %dma_start3A_343 = tpu.memref_slice %arg7[%add3A_335, %dma_start3A_342] : memref<40x128xi32, #tpu.memory_space<vmem>> -> memref<1x128xi32, #tpu.memory_space<vmem>>
          %dma_start3A_344 = tpu.memref_squeeze %dma_start3A_343 : memref<1x128xi32, #tpu.memory_space<vmem>> -> memref<128xi32, #tpu.memory_space<vmem>>
          %dma_start3A_345 = arith.constant 0 : i32
          %dma_start3A_346 = arith.constant 0 : i32
          %dma_start3A_347 = tpu.memref_slice %arg13[%dma_start3A_345, %dma_start3A_346] : memref<50000x16xf32, #tpu.memory_space<vmem_shared>> -> memref<50000x16xf32, #tpu.memory_space<vmem_shared>>
          %dma_start3A_348 = tpu.memref_slice %arg11[%dma_start3A_337] : memref<4x!tpu.dma_semaphore, #tpu.memory_space<semaphore_mem>> -> memref<1x!tpu.dma_semaphore, #tpu.memory_space<semaphore_mem>>
          %dma_start3A_349 = tpu.memref_squeeze %dma_start3A_348 : memref<1x!tpu.dma_semaphore, #tpu.memory_space<semaphore_mem>> -> memref<!tpu.dma_semaphore, #tpu.memory_space<semaphore_mem>>
          tpu.enqueue_indirect_dma source(%dma_start3A_347 : memref<50000x16xf32, #tpu.memory_space<vmem_shared>>) target(%dma_start3A_341 : memref<128x16xf32, #tpu.memory_space<vmem>>) offsets(%dma_start3A_344 : memref<128xi32, #tpu.memory_space<vmem>>) semaphore(%dma_start3A_349 : memref<!tpu.dma_semaphore, #tpu.memory_space<semaphore_mem>>)
        } else {
        }
      }
      %scan3A_102 = arith.constant 10 : i32
    }
    %scan3A_31 = arith.constant 10 : i32
    %barrier3A_32 = arith.constant 0 : index
    tpu.barrier barrier_id(%barrier3A_32)
    %mul3A_33 = arith.constant 3136 : i32
    %mul3A_34 = arith.muli %arg1, %mul3A_33 : i32
    "tpu.region"() ({
      %run_scoped3A_35 = tpu.sem_alloc : memref<!tpu.dma_semaphore, #tpu.memory_space<semaphore_mem>>
      %dma_start3A = arith.constant 0 : i32
      %dma_start3A_36 = tpu.memref_slice %arg6[%arg0, %mul3A_34, %dma_start3A] : memref<2x50176x16xf32, #tpu.memory_space<hbm>> -> memref<1x3136x16xf32, #tpu.memory_space<hbm>>
      %dma_start3A_37 = tpu.memref_squeeze %dma_start3A_36 : memref<1x3136x16xf32, #tpu.memory_space<hbm>> -> memref<3136x16xf32, #tpu.memory_space<hbm>>
      %dma_start3A_38 = arith.constant 0 : i32
      %dma_start3A_39 = tpu.memref_slice %arg10[%mul3A_34, %dma_start3A_38] : memref<50176x16xf32, #tpu.memory_space<vmem_shared>> -> memref<3136x16xf32, #tpu.memory_space<vmem_shared>>
      tpu.enqueue_dma source(%dma_start3A_39 : memref<3136x16xf32, #tpu.memory_space<vmem_shared>>) target(%dma_start3A_37 : memref<3136x16xf32, #tpu.memory_space<hbm>>) target_semaphore(%run_scoped3A_35 : memref<!tpu.dma_semaphore, #tpu.memory_space<semaphore_mem>>)
      %dma_wait3A = arith.constant 0 : i32
      %dma_wait3A_40 = tpu.memref_slice %arg6[%arg0, %mul3A_34, %dma_wait3A] : memref<2x50176x16xf32, #tpu.memory_space<hbm>> -> memref<1x3136x16xf32, #tpu.memory_space<hbm>>
      %dma_wait3A_41 = tpu.memref_squeeze %dma_wait3A_40 : memref<1x3136x16xf32, #tpu.memory_space<hbm>> -> memref<3136x16xf32, #tpu.memory_space<hbm>>
      %dma_wait3A_42 = arith.constant 0 : i32
      %dma_wait3A_43 = tpu.memref_slice %arg10[%mul3A_34, %dma_wait3A_42] : memref<50176x16xf32, #tpu.memory_space<vmem_shared>> -> memref<3136x16xf32, #tpu.memory_space<vmem_shared>>
      tpu.wait_dma2 semaphore(%run_scoped3A_35 : memref<!tpu.dma_semaphore, #tpu.memory_space<semaphore_mem>>) src(%dma_wait3A_43 : memref<3136x16xf32, #tpu.memory_space<vmem_shared>>) dst(%dma_wait3A_41 : memref<3136x16xf32, #tpu.memory_space<hbm>>)
      tpu.yield
    }) : () -> ()
    return
  }
}

#map = affine_map<(d0, d1) -> (0, 0)>
#map1 = affine_map<(d0, d1) -> (0, 0, 0)>
module attributes {stable_mosaic.version = 14 : i64} {
  func.func @seg(%arg0: i32, %arg1: i32, %arg2: memref<6400x128xi32, #tpu.memory_space<hbm>>, %arg3: memref<6400x128xi32, #tpu.memory_space<hbm>>, %arg4: memref<50000x16xf32, #tpu.memory_space<hbm>>, %arg5: memref<50000x16xf32, #tpu.memory_space<hbm>>, %arg6: memref<2x50176x16xf32, #tpu.memory_space<hbm>>, %arg7: memref<40x128xi32, #tpu.memory_space<vmem>>, %arg8: memref<40x128xi32, #tpu.memory_space<vmem>>, %arg9: memref<4x128x16xf32, #tpu.memory_space<vmem>>, %arg10: memref<50176x16xf32, #tpu.memory_space<vmem_shared>>, %arg11: memref<4x!tpu.dma_semaphore, #tpu.memory_space<semaphore_mem>>, %arg12: memref<4x!tpu.dma_semaphore, #tpu.memory_space<semaphore_mem>>, %arg13: memref<50000x16xf32, #tpu.memory_space<vmem_shared>>) attributes {dimension_semantics = [#tpu.dimension_semantics<core_parallel>, #tpu.dimension_semantics<subcore_parallel>], iteration_bounds = array<i64: 2, 16>, scalar_prefetch = 0 : i64, scratch_operands = 7 : i64, tpu.core_type = #tpu.core_type<sc_vector_subcore>, window_params = [{transform_indices = #map}, {transform_indices = #map}, {transform_indices = #map}, {transform_indices = #map}, {transform_indices = #map1}]} {
    %eq3A = arith.constant 0 : i32
    %eq3A_0 = arith.cmpi eq, %arg0, %eq3A : i32
    %convert_element_type3A = arith.extui %eq3A_0 : i1 to i32
    %cond3A = arith.constant 0 : i32
    %cond3A_1 = arith.cmpi ne, %convert_element_type3A, %cond3A : i32
    scf.if %cond3A_1 {
      %lt3A = arith.constant 15 : i32
      %lt3A_35 = arith.cmpi slt, %arg1, %lt3A : i32
      %convert_element_type3A_36 = arith.extui %lt3A_35 : i1 to i32
      %cond3A_37 = arith.constant 0 : i32
      %cond3A_38 = arith.cmpi ne, %convert_element_type3A_36, %cond3A_37 : i32
      scf.if %cond3A_38 {
        %mul3A_44 = arith.constant 3128 : i32
        %mul3A_45 = arith.muli %arg1, %mul3A_44 : i32
        %mul3A_46 = arith.constant 3128 : i32
        %mul3A_47 = arith.muli %arg1, %mul3A_46 : i32
        "tpu.region"() ({
          %run_scoped3A_48 = tpu.sem_alloc : memref<!tpu.dma_semaphore, #tpu.memory_space<semaphore_mem>>
          %dma_start3A = arith.constant 0 : i32
          %dma_start3A_49 = tpu.memref_slice %arg13[%mul3A_47, %dma_start3A] : memref<50000x16xf32, #tpu.memory_space<vmem_shared>> -> memref<3128x16xf32, #tpu.memory_space<vmem_shared>>
          %dma_start3A_50 = arith.constant 0 : i32
          %dma_start3A_51 = tpu.memref_slice %arg4[%mul3A_45, %dma_start3A_50] : memref<50000x16xf32, #tpu.memory_space<hbm>> -> memref<3128x16xf32, #tpu.memory_space<hbm>>
          tpu.enqueue_dma source(%dma_start3A_51 : memref<3128x16xf32, #tpu.memory_space<hbm>>) target(%dma_start3A_49 : memref<3128x16xf32, #tpu.memory_space<vmem_shared>>) target_semaphore(%run_scoped3A_48 : memref<!tpu.dma_semaphore, #tpu.memory_space<semaphore_mem>>)
          %dma_wait3A = arith.constant 0 : i32
          %dma_wait3A_52 = tpu.memref_slice %arg13[%mul3A_47, %dma_wait3A] : memref<50000x16xf32, #tpu.memory_space<vmem_shared>> -> memref<3128x16xf32, #tpu.memory_space<vmem_shared>>
          %dma_wait3A_53 = arith.constant 0 : i32
          %dma_wait3A_54 = tpu.memref_slice %arg4[%mul3A_45, %dma_wait3A_53] : memref<50000x16xf32, #tpu.memory_space<hbm>> -> memref<3128x16xf32, #tpu.memory_space<hbm>>
          tpu.wait_dma2 semaphore(%run_scoped3A_48 : memref<!tpu.dma_semaphore, #tpu.memory_space<semaphore_mem>>) src(%dma_wait3A_54 : memref<3128x16xf32, #tpu.memory_space<hbm>>) dst(%dma_wait3A_52 : memref<3128x16xf32, #tpu.memory_space<vmem_shared>>)
          tpu.yield
        }) : () -> ()
      } else {
      }
      %eq3A_39 = arith.constant 15 : i32
      %eq3A_40 = arith.cmpi eq, %arg1, %eq3A_39 : i32
      %convert_element_type3A_41 = arith.extui %eq3A_40 : i1 to i32
      %cond3A_42 = arith.constant 0 : i32
      %cond3A_43 = arith.cmpi ne, %convert_element_type3A_41, %cond3A_42 : i32
      scf.if %cond3A_43 {
        "tpu.region"() ({
          %run_scoped3A_44 = tpu.sem_alloc : memref<!tpu.dma_semaphore, #tpu.memory_space<semaphore_mem>>
          %dma_start3A = arith.constant 46920 : i32
          %dma_start3A_45 = arith.constant 0 : i32
          %dma_start3A_46 = tpu.memref_slice %arg13[%dma_start3A, %dma_start3A_45] : memref<50000x16xf32, #tpu.memory_space<vmem_shared>> -> memref<3080x16xf32, #tpu.memory_space<vmem_shared>>
          %dma_start3A_47 = arith.constant 46920 : i32
          %dma_start3A_48 = arith.constant 0 : i32
          %dma_start3A_49 = tpu.memref_slice %arg4[%dma_start3A_47, %dma_start3A_48] : memref<50000x16xf32, #tpu.memory_space<hbm>> -> memref<3080x16xf32, #tpu.memory_space<hbm>>
          tpu.enqueue_dma source(%dma_start3A_49 : memref<3080x16xf32, #tpu.memory_space<hbm>>) target(%dma_start3A_46 : memref<3080x16xf32, #tpu.memory_space<vmem_shared>>) target_semaphore(%run_scoped3A_44 : memref<!tpu.dma_semaphore, #tpu.memory_space<semaphore_mem>>)
          %dma_wait3A = arith.constant 46920 : i32
          %dma_wait3A_50 = arith.constant 0 : i32
          %dma_wait3A_51 = tpu.memref_slice %arg13[%dma_wait3A, %dma_wait3A_50] : memref<50000x16xf32, #tpu.memory_space<vmem_shared>> -> memref<3080x16xf32, #tpu.memory_space<vmem_shared>>
          %dma_wait3A_52 = arith.constant 46920 : i32
          %dma_wait3A_53 = arith.constant 0 : i32
          %dma_wait3A_54 = tpu.memref_slice %arg4[%dma_wait3A_52, %dma_wait3A_53] : memref<50000x16xf32, #tpu.memory_space<hbm>> -> memref<3080x16xf32, #tpu.memory_space<hbm>>
          tpu.wait_dma2 semaphore(%run_scoped3A_44 : memref<!tpu.dma_semaphore, #tpu.memory_space<semaphore_mem>>) src(%dma_wait3A_54 : memref<3080x16xf32, #tpu.memory_space<hbm>>) dst(%dma_wait3A_51 : memref<3080x16xf32, #tpu.memory_space<vmem_shared>>)
          tpu.yield
        }) : () -> ()
      } else {
      }
    } else {
    }
    %eq3A_2 = arith.constant 1 : i32
    %eq3A_3 = arith.cmpi eq, %arg0, %eq3A_2 : i32
    %convert_element_type3A_4 = arith.extui %eq3A_3 : i1 to i32
    %cond3A_5 = arith.constant 0 : i32
    %cond3A_6 = arith.cmpi ne, %convert_element_type3A_4, %cond3A_5 : i32
    scf.if %cond3A_6 {
      %lt3A = arith.constant 15 : i32
      %lt3A_35 = arith.cmpi slt, %arg1, %lt3A : i32
      %convert_element_type3A_36 = arith.extui %lt3A_35 : i1 to i32
      %cond3A_37 = arith.constant 0 : i32
      %cond3A_38 = arith.cmpi ne, %convert_element_type3A_36, %cond3A_37 : i32
      scf.if %cond3A_38 {
        %mul3A_44 = arith.constant 3128 : i32
        %mul3A_45 = arith.muli %arg1, %mul3A_44 : i32
        %mul3A_46 = arith.constant 3128 : i32
        %mul3A_47 = arith.muli %arg1, %mul3A_46 : i32
        "tpu.region"() ({
          %run_scoped3A_48 = tpu.sem_alloc : memref<!tpu.dma_semaphore, #tpu.memory_space<semaphore_mem>>
          %dma_start3A = arith.constant 0 : i32
          %dma_start3A_49 = tpu.memref_slice %arg13[%mul3A_47, %dma_start3A] : memref<50000x16xf32, #tpu.memory_space<vmem_shared>> -> memref<3128x16xf32, #tpu.memory_space<vmem_shared>>
          %dma_start3A_50 = arith.constant 0 : i32
          %dma_start3A_51 = tpu.memref_slice %arg5[%mul3A_45, %dma_start3A_50] : memref<50000x16xf32, #tpu.memory_space<hbm>> -> memref<3128x16xf32, #tpu.memory_space<hbm>>
          tpu.enqueue_dma source(%dma_start3A_51 : memref<3128x16xf32, #tpu.memory_space<hbm>>) target(%dma_start3A_49 : memref<3128x16xf32, #tpu.memory_space<vmem_shared>>) target_semaphore(%run_scoped3A_48 : memref<!tpu.dma_semaphore, #tpu.memory_space<semaphore_mem>>)
          %dma_wait3A = arith.constant 0 : i32
          %dma_wait3A_52 = tpu.memref_slice %arg13[%mul3A_47, %dma_wait3A] : memref<50000x16xf32, #tpu.memory_space<vmem_shared>> -> memref<3128x16xf32, #tpu.memory_space<vmem_shared>>
          %dma_wait3A_53 = arith.constant 0 : i32
          %dma_wait3A_54 = tpu.memref_slice %arg5[%mul3A_45, %dma_wait3A_53] : memref<50000x16xf32, #tpu.memory_space<hbm>> -> memref<3128x16xf32, #tpu.memory_space<hbm>>
          tpu.wait_dma2 semaphore(%run_scoped3A_48 : memref<!tpu.dma_semaphore, #tpu.memory_space<semaphore_mem>>) src(%dma_wait3A_54 : memref<3128x16xf32, #tpu.memory_space<hbm>>) dst(%dma_wait3A_52 : memref<3128x16xf32, #tpu.memory_space<vmem_shared>>)
          tpu.yield
        }) : () -> ()
      } else {
      }
      %eq3A_39 = arith.constant 15 : i32
      %eq3A_40 = arith.cmpi eq, %arg1, %eq3A_39 : i32
      %convert_element_type3A_41 = arith.extui %eq3A_40 : i1 to i32
      %cond3A_42 = arith.constant 0 : i32
      %cond3A_43 = arith.cmpi ne, %convert_element_type3A_41, %cond3A_42 : i32
      scf.if %cond3A_43 {
        "tpu.region"() ({
          %run_scoped3A_44 = tpu.sem_alloc : memref<!tpu.dma_semaphore, #tpu.memory_space<semaphore_mem>>
          %dma_start3A = arith.constant 46920 : i32
          %dma_start3A_45 = arith.constant 0 : i32
          %dma_start3A_46 = tpu.memref_slice %arg13[%dma_start3A, %dma_start3A_45] : memref<50000x16xf32, #tpu.memory_space<vmem_shared>> -> memref<3080x16xf32, #tpu.memory_space<vmem_shared>>
          %dma_start3A_47 = arith.constant 46920 : i32
          %dma_start3A_48 = arith.constant 0 : i32
          %dma_start3A_49 = tpu.memref_slice %arg5[%dma_start3A_47, %dma_start3A_48] : memref<50000x16xf32, #tpu.memory_space<hbm>> -> memref<3080x16xf32, #tpu.memory_space<hbm>>
          tpu.enqueue_dma source(%dma_start3A_49 : memref<3080x16xf32, #tpu.memory_space<hbm>>) target(%dma_start3A_46 : memref<3080x16xf32, #tpu.memory_space<vmem_shared>>) target_semaphore(%run_scoped3A_44 : memref<!tpu.dma_semaphore, #tpu.memory_space<semaphore_mem>>)
          %dma_wait3A = arith.constant 46920 : i32
          %dma_wait3A_50 = arith.constant 0 : i32
          %dma_wait3A_51 = tpu.memref_slice %arg13[%dma_wait3A, %dma_wait3A_50] : memref<50000x16xf32, #tpu.memory_space<vmem_shared>> -> memref<3080x16xf32, #tpu.memory_space<vmem_shared>>
          %dma_wait3A_52 = arith.constant 46920 : i32
          %dma_wait3A_53 = arith.constant 0 : i32
          %dma_wait3A_54 = tpu.memref_slice %arg5[%dma_wait3A_52, %dma_wait3A_53] : memref<50000x16xf32, #tpu.memory_space<hbm>> -> memref<3080x16xf32, #tpu.memory_space<hbm>>
          tpu.wait_dma2 semaphore(%run_scoped3A_44 : memref<!tpu.dma_semaphore, #tpu.memory_space<semaphore_mem>>) src(%dma_wait3A_54 : memref<3080x16xf32, #tpu.memory_space<hbm>>) dst(%dma_wait3A_51 : memref<3080x16xf32, #tpu.memory_space<vmem_shared>>)
          tpu.yield
        }) : () -> ()
      } else {
      }
    } else {
    }
    %broadcast_in_dim3A = arith.constant 0.000000e+00 : f32
    %broadcast_in_dim3A_7 = vector.broadcast %broadcast_in_dim3A : f32 to vector<16xf32>
    %scan3A = arith.constant 0 : i32
    %scan3A_8 = arith.constant 0 : i32
    %scan3A_9 = arith.constant 0 : i32
    %scan3A_10 = arith.constant 128 : i32
    %scan3A_11 = arith.addi %scan3A_9, %scan3A_10 : i32
    %scan3A_12 = arith.constant 1 : i32
    scf.for %scan3A_35 = %scan3A_9 to %scan3A_11 step %scan3A_12  : i32 {
      %swap3A = arith.constant 0 : i32
      %swap3A_36 = arith.constant 0 : i32
      %swap3A_37 = tpu.memref_slice %arg9[%scan3A_8, %swap3A, %swap3A_36] : memref<4x128x16xf32, #tpu.memory_space<vmem>> -> memref<1x128x16xf32, #tpu.memory_space<vmem>>
      %swap3A_38 = tpu.memref_squeeze %swap3A_37 : memref<1x128x16xf32, #tpu.memory_space<vmem>> -> memref<128x16xf32, #tpu.memory_space<vmem>>
      %swap3A_39 = arith.index_cast %scan3A_35 : i32 to index
      %swap3A_40 = arith.constant 0 : index
      %swap3A_41 = tpu.vector_load %swap3A_38[%swap3A_39, %swap3A_40] {strides = array<i32>} : memref<128x16xf32, #tpu.memory_space<vmem>>, vector<1x16xf32>,
      %swap3A_42 = vector.shape_cast %swap3A_41 : vector<1x16xf32> to vector<16xf32>
      %swap3A_43 = vector.shape_cast %broadcast_in_dim3A_7 : vector<16xf32> to vector<1x16xf32>
      tpu.vector_store %swap3A_38[%swap3A_39, %swap3A_40], %swap3A_43 {strides = array<i32>} : memref<128x16xf32, #tpu.memory_space<vmem>>, vector<1x16xf32>,
    }
    %scan3A_13 = arith.constant 128 : i32
    %mul3A = arith.constant 3136 : i32
    %mul3A_14 = arith.muli %arg1, %mul3A : i32
    %scan3A_15 = arith.constant 0 : i32
    %scan3A_16 = arith.constant 0 : i32
    %scan3A_17 = arith.constant 0 : i32
    %scan3A_18 = arith.constant 24 : i32
    %scan3A_19 = arith.addi %scan3A_17, %scan3A_18 : i32
    %scan3A_20 = arith.constant 1 : i32
    scf.for %scan3A_35 = %scan3A_17 to %scan3A_19 step %scan3A_20  : i32 {
      %mul3A_36 = arith.constant 128 : i32
      %mul3A_37 = arith.muli %scan3A_35, %mul3A_36 : i32
      %add3A_38 = arith.addi %mul3A_14, %mul3A_37 : i32
      "tpu.region"() ({
        %run_scoped3A_39 = tpu.sem_alloc : memref<!tpu.dma_semaphore, #tpu.memory_space<semaphore_mem>>
        %dma_start3A = arith.constant 0 : i32
        %dma_start3A_40 = arith.constant 0 : i32
        %dma_start3A_41 = tpu.memref_slice %arg9[%scan3A_16, %dma_start3A, %dma_start3A_40] : memref<4x128x16xf32, #tpu.memory_space<vmem>> -> memref<1x128x16xf32, #tpu.memory_space<vmem>>
        %dma_start3A_42 = tpu.memref_squeeze %dma_start3A_41 : memref<1x128x16xf32, #tpu.memory_space<vmem>> -> memref<128x16xf32, #tpu.memory_space<vmem>>
        %dma_start3A_43 = arith.constant 0 : i32
        %dma_start3A_44 = tpu.memref_slice %arg10[%add3A_38, %dma_start3A_43] : memref<50176x16xf32, #tpu.memory_space<vmem_shared>> -> memref<128x16xf32, #tpu.memory_space<vmem_shared>>
        %dma_start3A_45 = arith.constant 0 : i32
        %dma_start3A_46 = tpu.memref_slice %arg10[%add3A_38, %dma_start3A_45] : memref<50176x16xf32, #tpu.memory_space<vmem_shared>> -> memref<128x16xf32, #tpu.memory_space<vmem_shared>>
        %dma_start3A_47 = arith.constant 0 : i32
        %dma_start3A_48 = arith.constant 0 : i32
        %dma_start3A_49 = tpu.memref_slice %arg9[%scan3A_16, %dma_start3A_47, %dma_start3A_48] : memref<4x128x16xf32, #tpu.memory_space<vmem>> -> memref<1x128x16xf32, #tpu.memory_space<vmem>>
        %dma_start3A_50 = tpu.memref_squeeze %dma_start3A_49 : memref<1x128x16xf32, #tpu.memory_space<vmem>> -> memref<128x16xf32, #tpu.memory_space<vmem>>
        tpu.enqueue_dma source(%dma_start3A_50 : memref<128x16xf32, #tpu.memory_space<vmem>>) target(%dma_start3A_46 : memref<128x16xf32, #tpu.memory_space<vmem_shared>>) target_semaphore(%run_scoped3A_39 : memref<!tpu.dma_semaphore, #tpu.memory_space<semaphore_mem>>)
        %dma_wait3A = arith.constant 0 : i32
        %dma_wait3A_51 = arith.constant 0 : i32
        %dma_wait3A_52 = tpu.memref_slice %arg9[%scan3A_16, %dma_wait3A, %dma_wait3A_51] : memref<4x128x16xf32, #tpu.memory_space<vmem>> -> memref<1x128x16xf32, #tpu.memory_space<vmem>>
        %dma_wait3A_53 = tpu.memref_squeeze %dma_wait3A_52 : memref<1x128x16xf32, #tpu.memory_space<vmem>> -> memref<128x16xf32, #tpu.memory_space<vmem>>
        %dma_wait3A_54 = arith.constant 0 : i32
        %dma_wait3A_55 = tpu.memref_slice %arg10[%add3A_38, %dma_wait3A_54] : memref<50176x16xf32, #tpu.memory_space<vmem_shared>> -> memref<128x16xf32, #tpu.memory_space<vmem_shared>>
        %dma_wait3A_56 = arith.constant 0 : i32
        %dma_wait3A_57 = tpu.memref_slice %arg10[%add3A_38, %dma_wait3A_56] : memref<50176x16xf32, #tpu.memory_space<vmem_shared>> -> memref<128x16xf32, #tpu.memory_space<vmem_shared>>
        %dma_wait3A_58 = arith.constant 0 : i32
        %dma_wait3A_59 = arith.constant 0 : i32
        %dma_wait3A_60 = tpu.memref_slice %arg9[%scan3A_16, %dma_wait3A_58, %dma_wait3A_59] : memref<4x128x16xf32, #tpu.memory_space<vmem>> -> memref<1x128x16xf32, #tpu.memory_space<vmem>>
        %dma_wait3A_61 = tpu.memref_squeeze %dma_wait3A_60 : memref<1x128x16xf32, #tpu.memory_space<vmem>> -> memref<128x16xf32, #tpu.memory_space<vmem>>
        tpu.wait_dma2 semaphore(%run_scoped3A_39 : memref<!tpu.dma_semaphore, #tpu.memory_space<semaphore_mem>>) src(%dma_wait3A_61 : memref<128x16xf32, #tpu.memory_space<vmem>>) dst(%dma_wait3A_57 : memref<128x16xf32, #tpu.memory_space<vmem_shared>>)
        tpu.yield
      }) : () -> ()
    }
    %scan3A_21 = arith.constant 24 : i32
    %add3A = arith.constant 3136 : i32
    %add3A_22 = arith.addi %mul3A_14, %add3A : i32
    %sub3A = arith.constant 128 : i32
    %sub3A_23 = arith.subi %add3A_22, %sub3A : i32
    %run_scoped3A = arith.constant 0 : i32
    "tpu.region"() ({
      %run_scoped3A_35 = tpu.sem_alloc : memref<!tpu.dma_semaphore, #tpu.memory_space<semaphore_mem>>
      %dma_start3A = arith.constant 0 : i32
      %dma_start3A_36 = arith.constant 0 : i32
      %dma_start3A_37 = tpu.memref_slice %arg9[%run_scoped3A, %dma_start3A, %dma_start3A_36] : memref<4x128x16xf32, #tpu.memory_space<vmem>> -> memref<1x128x16xf32, #tpu.memory_space<vmem>>
      %dma_start3A_38 = tpu.memref_squeeze %dma_start3A_37 : memref<1x128x16xf32, #tpu.memory_space<vmem>> -> memref<128x16xf32, #tpu.memory_space<vmem>>
      %dma_start3A_39 = arith.constant 0 : i32
      %dma_start3A_40 = tpu.memref_slice %arg10[%sub3A_23, %dma_start3A_39] : memref<50176x16xf32, #tpu.memory_space<vmem_shared>> -> memref<128x16xf32, #tpu.memory_space<vmem_shared>>
      %dma_start3A_41 = arith.constant 0 : i32
      %dma_start3A_42 = tpu.memref_slice %arg10[%sub3A_23, %dma_start3A_41] : memref<50176x16xf32, #tpu.memory_space<vmem_shared>> -> memref<128x16xf32, #tpu.memory_space<vmem_shared>>
      %dma_start3A_43 = arith.constant 0 : i32
      %dma_start3A_44 = arith.constant 0 : i32
      %dma_start3A_45 = tpu.memref_slice %arg9[%run_scoped3A, %dma_start3A_43, %dma_start3A_44] : memref<4x128x16xf32, #tpu.memory_space<vmem>> -> memref<1x128x16xf32, #tpu.memory_space<vmem>>
      %dma_start3A_46 = tpu.memref_squeeze %dma_start3A_45 : memref<1x128x16xf32, #tpu.memory_space<vmem>> -> memref<128x16xf32, #tpu.memory_space<vmem>>
      tpu.enqueue_dma source(%dma_start3A_46 : memref<128x16xf32, #tpu.memory_space<vmem>>) target(%dma_start3A_42 : memref<128x16xf32, #tpu.memory_space<vmem_shared>>) target_semaphore(%run_scoped3A_35 : memref<!tpu.dma_semaphore, #tpu.memory_space<semaphore_mem>>)
      %dma_wait3A = arith.constant 0 : i32
      %dma_wait3A_47 = arith.constant 0 : i32
      %dma_wait3A_48 = tpu.memref_slice %arg9[%run_scoped3A, %dma_wait3A, %dma_wait3A_47] : memref<4x128x16xf32, #tpu.memory_space<vmem>> -> memref<1x128x16xf32, #tpu.memory_space<vmem>>
      %dma_wait3A_49 = tpu.memref_squeeze %dma_wait3A_48 : memref<1x128x16xf32, #tpu.memory_space<vmem>> -> memref<128x16xf32, #tpu.memory_space<vmem>>
      %dma_wait3A_50 = arith.constant 0 : i32
      %dma_wait3A_51 = tpu.memref_slice %arg10[%sub3A_23, %dma_wait3A_50] : memref<50176x16xf32, #tpu.memory_space<vmem_shared>> -> memref<128x16xf32, #tpu.memory_space<vmem_shared>>
      %dma_wait3A_52 = arith.constant 0 : i32
      %dma_wait3A_53 = tpu.memref_slice %arg10[%sub3A_23, %dma_wait3A_52] : memref<50176x16xf32, #tpu.memory_space<vmem_shared>> -> memref<128x16xf32, #tpu.memory_space<vmem_shared>>
      %dma_wait3A_54 = arith.constant 0 : i32
      %dma_wait3A_55 = arith.constant 0 : i32
      %dma_wait3A_56 = tpu.memref_slice %arg9[%run_scoped3A, %dma_wait3A_54, %dma_wait3A_55] : memref<4x128x16xf32, #tpu.memory_space<vmem>> -> memref<1x128x16xf32, #tpu.memory_space<vmem>>
      %dma_wait3A_57 = tpu.memref_squeeze %dma_wait3A_56 : memref<1x128x16xf32, #tpu.memory_space<vmem>> -> memref<128x16xf32, #tpu.memory_space<vmem>>
      tpu.wait_dma2 semaphore(%run_scoped3A_35 : memref<!tpu.dma_semaphore, #tpu.memory_space<semaphore_mem>>) src(%dma_wait3A_57 : memref<128x16xf32, #tpu.memory_space<vmem>>) dst(%dma_wait3A_53 : memref<128x16xf32, #tpu.memory_space<vmem_shared>>)
      tpu.yield
    }) : () -> ()
    %barrier3A = arith.constant 0 : index
    tpu.barrier barrier_id(%barrier3A)
    %mul3A_24 = arith.constant 400 : i32
    %mul3A_25 = arith.muli %arg1, %mul3A_24 : i32
    %scan3A_26 = arith.constant 0 : i32
    %scan3A_27 = arith.constant 0 : i32
    %scan3A_28 = arith.constant 10 : i32
    %scan3A_29 = arith.addi %scan3A_27, %scan3A_28 : i32
    %scan3A_30 = arith.constant 1 : i32
    scf.for %scan3A_35 = %scan3A_27 to %scan3A_29 step %scan3A_30  : i32 {
      %mul3A_36 = arith.constant 40 : i32
      %mul3A_37 = arith.muli %scan3A_35, %mul3A_36 : i32
      %add3A_38 = arith.addi %mul3A_25, %mul3A_37 : i32
      "tpu.region"() ({
        %run_scoped3A_103 = tpu.sem_alloc : memref<!tpu.dma_semaphore, #tpu.memory_space<semaphore_mem>>
        %dma_start3A_104 = arith.constant 0 : i32
        %dma_start3A_105 = tpu.memref_slice %arg2[%add3A_38, %dma_start3A_104] : memref<6400x128xi32, #tpu.memory_space<hbm>> -> memref<40x128xi32, #tpu.memory_space<hbm>>
        %dma_start3A_106 = arith.constant 0 : i32
        %dma_start3A_107 = tpu.memref_slice %arg2[%add3A_38, %dma_start3A_106] : memref<6400x128xi32, #tpu.memory_space<hbm>> -> memref<40x128xi32, #tpu.memory_space<hbm>>
        tpu.enqueue_dma source(%dma_start3A_107 : memref<40x128xi32, #tpu.memory_space<hbm>>) target(%arg7 : memref<40x128xi32, #tpu.memory_space<vmem>>) target_semaphore(%run_scoped3A_103 : memref<!tpu.dma_semaphore, #tpu.memory_space<semaphore_mem>>)
        %dma_wait3A = arith.constant 0 : i32
        %dma_wait3A_108 = tpu.memref_slice %arg2[%add3A_38, %dma_wait3A] : memref<6400x128xi32, #tpu.memory_space<hbm>> -> memref<40x128xi32, #tpu.memory_space<hbm>>
        %dma_wait3A_109 = arith.constant 0 : i32
        %dma_wait3A_110 = tpu.memref_slice %arg2[%add3A_38, %dma_wait3A_109] : memref<6400x128xi32, #tpu.memory_space<hbm>> -> memref<40x128xi32, #tpu.memory_space<hbm>>
        tpu.wait_dma2 semaphore(%run_scoped3A_103 : memref<!tpu.dma_semaphore, #tpu.memory_space<semaphore_mem>>) src(%dma_wait3A_110 : memref<40x128xi32, #tpu.memory_space<hbm>>) dst(%arg7 : memref<40x128xi32, #tpu.memory_space<vmem>>)
        tpu.yield
      }) : () -> ()
      "tpu.region"() ({
        %run_scoped3A_103 = tpu.sem_alloc : memref<!tpu.dma_semaphore, #tpu.memory_space<semaphore_mem>>
        %dma_start3A_104 = arith.constant 0 : i32
        %dma_start3A_105 = tpu.memref_slice %arg3[%add3A_38, %dma_start3A_104] : memref<6400x128xi32, #tpu.memory_space<hbm>> -> memref<40x128xi32, #tpu.memory_space<hbm>>
        %dma_start3A_106 = arith.constant 0 : i32
        %dma_start3A_107 = tpu.memref_slice %arg3[%add3A_38, %dma_start3A_106] : memref<6400x128xi32, #tpu.memory_space<hbm>> -> memref<40x128xi32, #tpu.memory_space<hbm>>
        tpu.enqueue_dma source(%dma_start3A_107 : memref<40x128xi32, #tpu.memory_space<hbm>>) target(%arg8 : memref<40x128xi32, #tpu.memory_space<vmem>>) target_semaphore(%run_scoped3A_103 : memref<!tpu.dma_semaphore, #tpu.memory_space<semaphore_mem>>)
        %dma_wait3A = arith.constant 0 : i32
        %dma_wait3A_108 = tpu.memref_slice %arg3[%add3A_38, %dma_wait3A] : memref<6400x128xi32, #tpu.memory_space<hbm>> -> memref<40x128xi32, #tpu.memory_space<hbm>>
        %dma_wait3A_109 = arith.constant 0 : i32
        %dma_wait3A_110 = tpu.memref_slice %arg3[%add3A_38, %dma_wait3A_109] : memref<6400x128xi32, #tpu.memory_space<hbm>> -> memref<40x128xi32, #tpu.memory_space<hbm>>
        tpu.wait_dma2 semaphore(%run_scoped3A_103 : memref<!tpu.dma_semaphore, #tpu.memory_space<semaphore_mem>>) src(%dma_wait3A_110 : memref<40x128xi32, #tpu.memory_space<hbm>>) dst(%arg8 : memref<40x128xi32, #tpu.memory_space<vmem>>)
        tpu.yield
      }) : () -> ()
      %dma_start3A = arith.constant 0 : i32
      %dma_start3A_39 = arith.constant 0 : i32
      %dma_start3A_40 = arith.constant 0 : i32
      %dma_start3A_41 = arith.constant 0 : i32
      %dma_start3A_42 = arith.constant 0 : i32
      %dma_start3A_43 = tpu.memref_slice %arg9[%dma_start3A_39, %dma_start3A_41, %dma_start3A_42] : memref<4x128x16xf32, #tpu.memory_space<vmem>> -> memref<1x128x16xf32, #tpu.memory_space<vmem>>
      %dma_start3A_44 = tpu.memref_squeeze %dma_start3A_43 : memref<1x128x16xf32, #tpu.memory_space<vmem>> -> memref<128x16xf32, #tpu.memory_space<vmem>>
      %dma_start3A_45 = arith.constant 0 : i32
      %dma_start3A_46 = tpu.memref_slice %arg7[%dma_start3A, %dma_start3A_45] : memref<40x128xi32, #tpu.memory_space<vmem>> -> memref<1x128xi32, #tpu.memory_space<vmem>>
      %dma_start3A_47 = tpu.memref_squeeze %dma_start3A_46 : memref<1x128xi32, #tpu.memory_space<vmem>> -> memref<128xi32, #tpu.memory_space<vmem>>
      %dma_start3A_48 = arith.constant 0 : i32
      %dma_start3A_49 = arith.constant 0 : i32
      %dma_start3A_50 = tpu.memref_slice %arg13[%dma_start3A_48, %dma_start3A_49] : memref<50000x16xf32, #tpu.memory_space<vmem_shared>> -> memref<50000x16xf32, #tpu.memory_space<vmem_shared>>
      %dma_start3A_51 = tpu.memref_slice %arg11[%dma_start3A_40] : memref<4x!tpu.dma_semaphore, #tpu.memory_space<semaphore_mem>> -> memref<1x!tpu.dma_semaphore, #tpu.memory_space<semaphore_mem>>
      %dma_start3A_52 = tpu.memref_squeeze %dma_start3A_51 : memref<1x!tpu.dma_semaphore, #tpu.memory_space<semaphore_mem>> -> memref<!tpu.dma_semaphore, #tpu.memory_space<semaphore_mem>>
      tpu.enqueue_indirect_dma source(%dma_start3A_50 : memref<50000x16xf32, #tpu.memory_space<vmem_shared>>) target(%dma_start3A_44 : memref<128x16xf32, #tpu.memory_space<vmem>>) offsets(%dma_start3A_47 : memref<128xi32, #tpu.memory_space<vmem>>) semaphore(%dma_start3A_52 : memref<!tpu.dma_semaphore, #tpu.memory_space<semaphore_mem>>)
      %dma_start3A_53 = arith.constant 1 : i32
      %dma_start3A_54 = arith.constant 1 : i32
      %dma_start3A_55 = arith.constant 1 : i32
      %dma_start3A_56 = arith.constant 0 : i32
      %dma_start3A_57 = arith.constant 0 : i32
      %dma_start3A_58 = tpu.memref_slice %arg9[%dma_start3A_54, %dma_start3A_56, %dma_start3A_57] : memref<4x128x16xf32, #tpu.memory_space<vmem>> -> memref<1x128x16xf32, #tpu.memory_space<vmem>>
      %dma_start3A_59 = tpu.memref_squeeze %dma_start3A_58 : memref<1x128x16xf32, #tpu.memory_space<vmem>> -> memref<128x16xf32, #tpu.memory_space<vmem>>
      %dma_start3A_60 = arith.constant 0 : i32
      %dma_start3A_61 = tpu.memref_slice %arg7[%dma_start3A_53, %dma_start3A_60] : memref<40x128xi32, #tpu.memory_space<vmem>> -> memref<1x128xi32, #tpu.memory_space<vmem>>
      %dma_start3A_62 = tpu.memref_squeeze %dma_start3A_61 : memref<1x128xi32, #tpu.memory_space<vmem>> -> memref<128xi32, #tpu.memory_space<vmem>>
      %dma_start3A_63 = arith.constant 0 : i32
      %dma_start3A_64 = arith.constant 0 : i32
      %dma_start3A_65 = tpu.memref_slice %arg13[%dma_start3A_63, %dma_start3A_64] : memref<50000x16xf32, #tpu.memory_space<vmem_shared>> -> memref<50000x16xf32, #tpu.memory_space<vmem_shared>>
      %dma_start3A_66 = tpu.memref_slice %arg11[%dma_start3A_55] : memref<4x!tpu.dma_semaphore, #tpu.memory_space<semaphore_mem>> -> memref<1x!tpu.dma_semaphore, #tpu.memory_space<semaphore_mem>>
      %dma_start3A_67 = tpu.memref_squeeze %dma_start3A_66 : memref<1x!tpu.dma_semaphore, #tpu.memory_space<semaphore_mem>> -> memref<!tpu.dma_semaphore, #tpu.memory_space<semaphore_mem>>
      tpu.enqueue_indirect_dma source(%dma_start3A_65 : memref<50000x16xf32, #tpu.memory_space<vmem_shared>>) target(%dma_start3A_59 : memref<128x16xf32, #tpu.memory_space<vmem>>) offsets(%dma_start3A_62 : memref<128xi32, #tpu.memory_space<vmem>>) semaphore(%dma_start3A_67 : memref<!tpu.dma_semaphore, #tpu.memory_space<semaphore_mem>>)
      %dma_start3A_68 = arith.constant 2 : i32
      %dma_start3A_69 = arith.constant 2 : i32
      %dma_start3A_70 = arith.constant 2 : i32
      %dma_start3A_71 = arith.constant 0 : i32
      %dma_start3A_72 = arith.constant 0 : i32
      %dma_start3A_73 = tpu.memref_slice %arg9[%dma_start3A_69, %dma_start3A_71, %dma_start3A_72] : memref<4x128x16xf32, #tpu.memory_space<vmem>> -> memref<1x128x16xf32, #tpu.memory_space<vmem>>
      %dma_start3A_74 = tpu.memref_squeeze %dma_start3A_73 : memref<1x128x16xf32, #tpu.memory_space<vmem>> -> memref<128x16xf32, #tpu.memory_space<vmem>>
      %dma_start3A_75 = arith.constant 0 : i32
      %dma_start3A_76 = tpu.memref_slice %arg7[%dma_start3A_68, %dma_start3A_75] : memref<40x128xi32, #tpu.memory_space<vmem>> -> memref<1x128xi32, #tpu.memory_space<vmem>>
      %dma_start3A_77 = tpu.memref_squeeze %dma_start3A_76 : memref<1x128xi32, #tpu.memory_space<vmem>> -> memref<128xi32, #tpu.memory_space<vmem>>
      %dma_start3A_78 = arith.constant 0 : i32
      %dma_start3A_79 = arith.constant 0 : i32
      %dma_start3A_80 = tpu.memref_slice %arg13[%dma_start3A_78, %dma_start3A_79] : memref<50000x16xf32, #tpu.memory_space<vmem_shared>> -> memref<50000x16xf32, #tpu.memory_space<vmem_shared>>
      %dma_start3A_81 = tpu.memref_slice %arg11[%dma_start3A_70] : memref<4x!tpu.dma_semaphore, #tpu.memory_space<semaphore_mem>> -> memref<1x!tpu.dma_semaphore, #tpu.memory_space<semaphore_mem>>
      %dma_start3A_82 = tpu.memref_squeeze %dma_start3A_81 : memref<1x!tpu.dma_semaphore, #tpu.memory_space<semaphore_mem>> -> memref<!tpu.dma_semaphore, #tpu.memory_space<semaphore_mem>>
      tpu.enqueue_indirect_dma source(%dma_start3A_80 : memref<50000x16xf32, #tpu.memory_space<vmem_shared>>) target(%dma_start3A_74 : memref<128x16xf32, #tpu.memory_space<vmem>>) offsets(%dma_start3A_77 : memref<128xi32, #tpu.memory_space<vmem>>) semaphore(%dma_start3A_82 : memref<!tpu.dma_semaphore, #tpu.memory_space<semaphore_mem>>)
      %dma_start3A_83 = arith.constant 3 : i32
      %dma_start3A_84 = arith.constant 3 : i32
      %dma_start3A_85 = arith.constant 3 : i32
      %dma_start3A_86 = arith.constant 0 : i32
      %dma_start3A_87 = arith.constant 0 : i32
      %dma_start3A_88 = tpu.memref_slice %arg9[%dma_start3A_84, %dma_start3A_86, %dma_start3A_87] : memref<4x128x16xf32, #tpu.memory_space<vmem>> -> memref<1x128x16xf32, #tpu.memory_space<vmem>>
      %dma_start3A_89 = tpu.memref_squeeze %dma_start3A_88 : memref<1x128x16xf32, #tpu.memory_space<vmem>> -> memref<128x16xf32, #tpu.memory_space<vmem>>
      %dma_start3A_90 = arith.constant 0 : i32
      %dma_start3A_91 = tpu.memref_slice %arg7[%dma_start3A_83, %dma_start3A_90] : memref<40x128xi32, #tpu.memory_space<vmem>> -> memref<1x128xi32, #tpu.memory_space<vmem>>
      %dma_start3A_92 = tpu.memref_squeeze %dma_start3A_91 : memref<1x128xi32, #tpu.memory_space<vmem>> -> memref<128xi32, #tpu.memory_space<vmem>>
      %dma_start3A_93 = arith.constant 0 : i32
      %dma_start3A_94 = arith.constant 0 : i32
      %dma_start3A_95 = tpu.memref_slice %arg13[%dma_start3A_93, %dma_start3A_94] : memref<50000x16xf32, #tpu.memory_space<vmem_shared>> -> memref<50000x16xf32, #tpu.memory_space<vmem_shared>>
      %dma_start3A_96 = tpu.memref_slice %arg11[%dma_start3A_85] : memref<4x!tpu.dma_semaphore, #tpu.memory_space<semaphore_mem>> -> memref<1x!tpu.dma_semaphore, #tpu.memory_space<semaphore_mem>>
      %dma_start3A_97 = tpu.memref_squeeze %dma_start3A_96 : memref<1x!tpu.dma_semaphore, #tpu.memory_space<semaphore_mem>> -> memref<!tpu.dma_semaphore, #tpu.memory_space<semaphore_mem>>
      tpu.enqueue_indirect_dma source(%dma_start3A_95 : memref<50000x16xf32, #tpu.memory_space<vmem_shared>>) target(%dma_start3A_89 : memref<128x16xf32, #tpu.memory_space<vmem>>) offsets(%dma_start3A_92 : memref<128xi32, #tpu.memory_space<vmem>>) semaphore(%dma_start3A_97 : memref<!tpu.dma_semaphore, #tpu.memory_space<semaphore_mem>>)
      %scan3A_98 = arith.constant 0 : i32
      %scan3A_99 = arith.constant 10 : i32
      %scan3A_100 = arith.addi %scan3A_98, %scan3A_99 : i32
      %scan3A_101 = arith.constant 1 : i32
      scf.for %scan3A_103 = %scan3A_98 to %scan3A_100 step %scan3A_101  : i32 {
        %mul3A_104 = arith.constant 4 : i32
        %mul3A_105 = arith.muli %scan3A_103, %mul3A_104 : i32
        %add3A_106 = arith.constant 0 : i32
        %add3A_107 = arith.addi %mul3A_105, %add3A_106 : i32
        %dma_wait3A = arith.constant 0 : i32
        %dma_wait3A_108 = arith.constant 0 : i32
        %dma_wait3A_109 = arith.constant 0 : i32
        %dma_wait3A_110 = arith.constant 0 : i32
        %dma_wait3A_111 = tpu.memref_slice %arg9[%dma_wait3A, %dma_wait3A_109, %dma_wait3A_110] : memref<4x128x16xf32, #tpu.memory_space<vmem>> -> memref<1x128x16xf32, #tpu.memory_space<vmem>>
        %dma_wait3A_112 = tpu.memref_squeeze %dma_wait3A_111 : memref<1x128x16xf32, #tpu.memory_space<vmem>> -> memref<128x16xf32, #tpu.memory_space<vmem>>
        %dma_wait3A_113 = arith.constant 0 : i32
        %dma_wait3A_114 = tpu.memref_slice %arg7[%add3A_107, %dma_wait3A_113] : memref<40x128xi32, #tpu.memory_space<vmem>> -> memref<1x128xi32, #tpu.memory_space<vmem>>
        %dma_wait3A_115 = tpu.memref_squeeze %dma_wait3A_114 : memref<1x128xi32, #tpu.memory_space<vmem>> -> memref<128xi32, #tpu.memory_space<vmem>>
        %dma_wait3A_116 = arith.constant 0 : i32
        %dma_wait3A_117 = arith.constant 0 : i32
        %dma_wait3A_118 = tpu.memref_slice %arg13[%dma_wait3A_116, %dma_wait3A_117] : memref<50000x16xf32, #tpu.memory_space<vmem_shared>> -> memref<50000x16xf32, #tpu.memory_space<vmem_shared>>
        %dma_wait3A_119 = tpu.memref_slice %arg11[%dma_wait3A_108] : memref<4x!tpu.dma_semaphore, #tpu.memory_space<semaphore_mem>> -> memref<1x!tpu.dma_semaphore, #tpu.memory_space<semaphore_mem>>
        %dma_wait3A_120 = tpu.memref_squeeze %dma_wait3A_119 : memref<1x!tpu.dma_semaphore, #tpu.memory_space<semaphore_mem>> -> memref<!tpu.dma_semaphore, #tpu.memory_space<semaphore_mem>>
        tpu.wait_indirect_dma semaphore(%dma_wait3A_120 : memref<!tpu.dma_semaphore, #tpu.memory_space<semaphore_mem>>) src(%dma_wait3A_118 : memref<50000x16xf32, #tpu.memory_space<vmem_shared>>) dst(%dma_wait3A_112 : memref<128x16xf32, #tpu.memory_space<vmem>>)
        %add3A_121 = arith.constant 0 : i32
        %add3A_122 = arith.addi %mul3A_105, %add3A_121 : i32
        %dma_start3A_123 = arith.constant 0 : i32
        %dma_start3A_124 = arith.constant 0 : i32
        %dma_start3A_125 = arith.constant 0 : i32
        %dma_start3A_126 = arith.constant 0 : i32
        %dma_start3A_127 = tpu.memref_slice %arg9[%dma_start3A_123, %dma_start3A_125, %dma_start3A_126] : memref<4x128x16xf32, #tpu.memory_space<vmem>> -> memref<1x128x16xf32, #tpu.memory_space<vmem>>
        %dma_start3A_128 = tpu.memref_squeeze %dma_start3A_127 : memref<1x128x16xf32, #tpu.memory_space<vmem>> -> memref<128x16xf32, #tpu.memory_space<vmem>>
        %dma_start3A_129 = arith.constant 0 : i32
        %dma_start3A_130 = tpu.memref_slice %arg8[%add3A_122, %dma_start3A_129] : memref<40x128xi32, #tpu.memory_space<vmem>> -> memref<1x128xi32, #tpu.memory_space<vmem>>
        %dma_start3A_131 = tpu.memref_squeeze %dma_start3A_130 : memref<1x128xi32, #tpu.memory_space<vmem>> -> memref<128xi32, #tpu.memory_space<vmem>>
        %dma_start3A_132 = arith.constant 0 : i32
        %dma_start3A_133 = arith.constant 0 : i32
        %dma_start3A_134 = tpu.memref_slice %arg10[%dma_start3A_132, %dma_start3A_133] : memref<50176x16xf32, #tpu.memory_space<vmem_shared>> -> memref<50176x16xf32, #tpu.memory_space<vmem_shared>>
        %dma_start3A_135 = tpu.memref_slice %arg12[%dma_start3A_124] : memref<4x!tpu.dma_semaphore, #tpu.memory_space<semaphore_mem>> -> memref<1x!tpu.dma_semaphore, #tpu.memory_space<semaphore_mem>>
        %dma_start3A_136 = tpu.memref_squeeze %dma_start3A_135 : memref<1x!tpu.dma_semaphore, #tpu.memory_space<semaphore_mem>> -> memref<!tpu.dma_semaphore, #tpu.memory_space<semaphore_mem>>
        tpu.enqueue_indirect_dma source(%dma_start3A_128 : memref<128x16xf32, #tpu.memory_space<vmem>>) target(%dma_start3A_134 : memref<50176x16xf32, #tpu.memory_space<vmem_shared>>) offsets(%dma_start3A_131 : memref<128xi32, #tpu.memory_space<vmem>>) semaphore(%dma_start3A_136 : memref<!tpu.dma_semaphore, #tpu.memory_space<semaphore_mem>>) {add = true}
        %add3A_137 = arith.constant 1 : i32
        %add3A_138 = arith.addi %mul3A_105, %add3A_137 : i32
        %dma_wait3A_139 = arith.constant 1 : i32
        %dma_wait3A_140 = arith.constant 1 : i32
        %dma_wait3A_141 = arith.constant 0 : i32
        %dma_wait3A_142 = arith.constant 0 : i32
        %dma_wait3A_143 = tpu.memref_slice %arg9[%dma_wait3A_139, %dma_wait3A_141, %dma_wait3A_142] : memref<4x128x16xf32, #tpu.memory_space<vmem>> -> memref<1x128x16xf32, #tpu.memory_space<vmem>>
        %dma_wait3A_144 = tpu.memref_squeeze %dma_wait3A_143 : memref<1x128x16xf32, #tpu.memory_space<vmem>> -> memref<128x16xf32, #tpu.memory_space<vmem>>
        %dma_wait3A_145 = arith.constant 0 : i32
        %dma_wait3A_146 = tpu.memref_slice %arg7[%add3A_138, %dma_wait3A_145] : memref<40x128xi32, #tpu.memory_space<vmem>> -> memref<1x128xi32, #tpu.memory_space<vmem>>
        %dma_wait3A_147 = tpu.memref_squeeze %dma_wait3A_146 : memref<1x128xi32, #tpu.memory_space<vmem>> -> memref<128xi32, #tpu.memory_space<vmem>>
        %dma_wait3A_148 = arith.constant 0 : i32
        %dma_wait3A_149 = arith.constant 0 : i32
        %dma_wait3A_150 = tpu.memref_slice %arg13[%dma_wait3A_148, %dma_wait3A_149] : memref<50000x16xf32, #tpu.memory_space<vmem_shared>> -> memref<50000x16xf32, #tpu.memory_space<vmem_shared>>
        %dma_wait3A_151 = tpu.memref_slice %arg11[%dma_wait3A_140] : memref<4x!tpu.dma_semaphore, #tpu.memory_space<semaphore_mem>> -> memref<1x!tpu.dma_semaphore, #tpu.memory_space<semaphore_mem>>
        %dma_wait3A_152 = tpu.memref_squeeze %dma_wait3A_151 : memref<1x!tpu.dma_semaphore, #tpu.memory_space<semaphore_mem>> -> memref<!tpu.dma_semaphore, #tpu.memory_space<semaphore_mem>>
        tpu.wait_indirect_dma semaphore(%dma_wait3A_152 : memref<!tpu.dma_semaphore, #tpu.memory_space<semaphore_mem>>) src(%dma_wait3A_150 : memref<50000x16xf32, #tpu.memory_space<vmem_shared>>) dst(%dma_wait3A_144 : memref<128x16xf32, #tpu.memory_space<vmem>>)
        %add3A_153 = arith.constant 1 : i32
        %add3A_154 = arith.addi %mul3A_105, %add3A_153 : i32
        %dma_start3A_155 = arith.constant 1 : i32
        %dma_start3A_156 = arith.constant 1 : i32
        %dma_start3A_157 = arith.constant 0 : i32
        %dma_start3A_158 = arith.constant 0 : i32
        %dma_start3A_159 = tpu.memref_slice %arg9[%dma_start3A_155, %dma_start3A_157, %dma_start3A_158] : memref<4x128x16xf32, #tpu.memory_space<vmem>> -> memref<1x128x16xf32, #tpu.memory_space<vmem>>
        %dma_start3A_160 = tpu.memref_squeeze %dma_start3A_159 : memref<1x128x16xf32, #tpu.memory_space<vmem>> -> memref<128x16xf32, #tpu.memory_space<vmem>>
        %dma_start3A_161 = arith.constant 0 : i32
        %dma_start3A_162 = tpu.memref_slice %arg8[%add3A_154, %dma_start3A_161] : memref<40x128xi32, #tpu.memory_space<vmem>> -> memref<1x128xi32, #tpu.memory_space<vmem>>
        %dma_start3A_163 = tpu.memref_squeeze %dma_start3A_162 : memref<1x128xi32, #tpu.memory_space<vmem>> -> memref<128xi32, #tpu.memory_space<vmem>>
        %dma_start3A_164 = arith.constant 0 : i32
        %dma_start3A_165 = arith.constant 0 : i32
        %dma_start3A_166 = tpu.memref_slice %arg10[%dma_start3A_164, %dma_start3A_165] : memref<50176x16xf32, #tpu.memory_space<vmem_shared>> -> memref<50176x16xf32, #tpu.memory_space<vmem_shared>>
        %dma_start3A_167 = tpu.memref_slice %arg12[%dma_start3A_156] : memref<4x!tpu.dma_semaphore, #tpu.memory_space<semaphore_mem>> -> memref<1x!tpu.dma_semaphore, #tpu.memory_space<semaphore_mem>>
        %dma_start3A_168 = tpu.memref_squeeze %dma_start3A_167 : memref<1x!tpu.dma_semaphore, #tpu.memory_space<semaphore_mem>> -> memref<!tpu.dma_semaphore, #tpu.memory_space<semaphore_mem>>
        tpu.enqueue_indirect_dma source(%dma_start3A_160 : memref<128x16xf32, #tpu.memory_space<vmem>>) target(%dma_start3A_166 : memref<50176x16xf32, #tpu.memory_space<vmem_shared>>) offsets(%dma_start3A_163 : memref<128xi32, #tpu.memory_space<vmem>>) semaphore(%dma_start3A_168 : memref<!tpu.dma_semaphore, #tpu.memory_space<semaphore_mem>>) {add = true}
        %add3A_169 = arith.constant 2 : i32
        %add3A_170 = arith.addi %mul3A_105, %add3A_169 : i32
        %dma_wait3A_171 = arith.constant 2 : i32
        %dma_wait3A_172 = arith.constant 2 : i32
        %dma_wait3A_173 = arith.constant 0 : i32
        %dma_wait3A_174 = arith.constant 0 : i32
        %dma_wait3A_175 = tpu.memref_slice %arg9[%dma_wait3A_171, %dma_wait3A_173, %dma_wait3A_174] : memref<4x128x16xf32, #tpu.memory_space<vmem>> -> memref<1x128x16xf32, #tpu.memory_space<vmem>>
        %dma_wait3A_176 = tpu.memref_squeeze %dma_wait3A_175 : memref<1x128x16xf32, #tpu.memory_space<vmem>> -> memref<128x16xf32, #tpu.memory_space<vmem>>
        %dma_wait3A_177 = arith.constant 0 : i32
        %dma_wait3A_178 = tpu.memref_slice %arg7[%add3A_170, %dma_wait3A_177] : memref<40x128xi32, #tpu.memory_space<vmem>> -> memref<1x128xi32, #tpu.memory_space<vmem>>
        %dma_wait3A_179 = tpu.memref_squeeze %dma_wait3A_178 : memref<1x128xi32, #tpu.memory_space<vmem>> -> memref<128xi32, #tpu.memory_space<vmem>>
        %dma_wait3A_180 = arith.constant 0 : i32
        %dma_wait3A_181 = arith.constant 0 : i32
        %dma_wait3A_182 = tpu.memref_slice %arg13[%dma_wait3A_180, %dma_wait3A_181] : memref<50000x16xf32, #tpu.memory_space<vmem_shared>> -> memref<50000x16xf32, #tpu.memory_space<vmem_shared>>
        %dma_wait3A_183 = tpu.memref_slice %arg11[%dma_wait3A_172] : memref<4x!tpu.dma_semaphore, #tpu.memory_space<semaphore_mem>> -> memref<1x!tpu.dma_semaphore, #tpu.memory_space<semaphore_mem>>
        %dma_wait3A_184 = tpu.memref_squeeze %dma_wait3A_183 : memref<1x!tpu.dma_semaphore, #tpu.memory_space<semaphore_mem>> -> memref<!tpu.dma_semaphore, #tpu.memory_space<semaphore_mem>>
        tpu.wait_indirect_dma semaphore(%dma_wait3A_184 : memref<!tpu.dma_semaphore, #tpu.memory_space<semaphore_mem>>) src(%dma_wait3A_182 : memref<50000x16xf32, #tpu.memory_space<vmem_shared>>) dst(%dma_wait3A_176 : memref<128x16xf32, #tpu.memory_space<vmem>>)
        %add3A_185 = arith.constant 2 : i32
        %add3A_186 = arith.addi %mul3A_105, %add3A_185 : i32
        %dma_start3A_187 = arith.constant 2 : i32
        %dma_start3A_188 = arith.constant 2 : i32
        %dma_start3A_189 = arith.constant 0 : i32
        %dma_start3A_190 = arith.constant 0 : i32
        %dma_start3A_191 = tpu.memref_slice %arg9[%dma_start3A_187, %dma_start3A_189, %dma_start3A_190] : memref<4x128x16xf32, #tpu.memory_space<vmem>> -> memref<1x128x16xf32, #tpu.memory_space<vmem>>
        %dma_start3A_192 = tpu.memref_squeeze %dma_start3A_191 : memref<1x128x16xf32, #tpu.memory_space<vmem>> -> memref<128x16xf32, #tpu.memory_space<vmem>>
        %dma_start3A_193 = arith.constant 0 : i32
        %dma_start3A_194 = tpu.memref_slice %arg8[%add3A_186, %dma_start3A_193] : memref<40x128xi32, #tpu.memory_space<vmem>> -> memref<1x128xi32, #tpu.memory_space<vmem>>
        %dma_start3A_195 = tpu.memref_squeeze %dma_start3A_194 : memref<1x128xi32, #tpu.memory_space<vmem>> -> memref<128xi32, #tpu.memory_space<vmem>>
        %dma_start3A_196 = arith.constant 0 : i32
        %dma_start3A_197 = arith.constant 0 : i32
        %dma_start3A_198 = tpu.memref_slice %arg10[%dma_start3A_196, %dma_start3A_197] : memref<50176x16xf32, #tpu.memory_space<vmem_shared>> -> memref<50176x16xf32, #tpu.memory_space<vmem_shared>>
        %dma_start3A_199 = tpu.memref_slice %arg12[%dma_start3A_188] : memref<4x!tpu.dma_semaphore, #tpu.memory_space<semaphore_mem>> -> memref<1x!tpu.dma_semaphore, #tpu.memory_space<semaphore_mem>>
        %dma_start3A_200 = tpu.memref_squeeze %dma_start3A_199 : memref<1x!tpu.dma_semaphore, #tpu.memory_space<semaphore_mem>> -> memref<!tpu.dma_semaphore, #tpu.memory_space<semaphore_mem>>
        tpu.enqueue_indirect_dma source(%dma_start3A_192 : memref<128x16xf32, #tpu.memory_space<vmem>>) target(%dma_start3A_198 : memref<50176x16xf32, #tpu.memory_space<vmem_shared>>) offsets(%dma_start3A_195 : memref<128xi32, #tpu.memory_space<vmem>>) semaphore(%dma_start3A_200 : memref<!tpu.dma_semaphore, #tpu.memory_space<semaphore_mem>>) {add = true}
        %add3A_201 = arith.constant 3 : i32
        %add3A_202 = arith.addi %mul3A_105, %add3A_201 : i32
        %dma_wait3A_203 = arith.constant 3 : i32
        %dma_wait3A_204 = arith.constant 3 : i32
        %dma_wait3A_205 = arith.constant 0 : i32
        %dma_wait3A_206 = arith.constant 0 : i32
        %dma_wait3A_207 = tpu.memref_slice %arg9[%dma_wait3A_203, %dma_wait3A_205, %dma_wait3A_206] : memref<4x128x16xf32, #tpu.memory_space<vmem>> -> memref<1x128x16xf32, #tpu.memory_space<vmem>>
        %dma_wait3A_208 = tpu.memref_squeeze %dma_wait3A_207 : memref<1x128x16xf32, #tpu.memory_space<vmem>> -> memref<128x16xf32, #tpu.memory_space<vmem>>
        %dma_wait3A_209 = arith.constant 0 : i32
        %dma_wait3A_210 = tpu.memref_slice %arg7[%add3A_202, %dma_wait3A_209] : memref<40x128xi32, #tpu.memory_space<vmem>> -> memref<1x128xi32, #tpu.memory_space<vmem>>
        %dma_wait3A_211 = tpu.memref_squeeze %dma_wait3A_210 : memref<1x128xi32, #tpu.memory_space<vmem>> -> memref<128xi32, #tpu.memory_space<vmem>>
        %dma_wait3A_212 = arith.constant 0 : i32
        %dma_wait3A_213 = arith.constant 0 : i32
        %dma_wait3A_214 = tpu.memref_slice %arg13[%dma_wait3A_212, %dma_wait3A_213] : memref<50000x16xf32, #tpu.memory_space<vmem_shared>> -> memref<50000x16xf32, #tpu.memory_space<vmem_shared>>
        %dma_wait3A_215 = tpu.memref_slice %arg11[%dma_wait3A_204] : memref<4x!tpu.dma_semaphore, #tpu.memory_space<semaphore_mem>> -> memref<1x!tpu.dma_semaphore, #tpu.memory_space<semaphore_mem>>
        %dma_wait3A_216 = tpu.memref_squeeze %dma_wait3A_215 : memref<1x!tpu.dma_semaphore, #tpu.memory_space<semaphore_mem>> -> memref<!tpu.dma_semaphore, #tpu.memory_space<semaphore_mem>>
        tpu.wait_indirect_dma semaphore(%dma_wait3A_216 : memref<!tpu.dma_semaphore, #tpu.memory_space<semaphore_mem>>) src(%dma_wait3A_214 : memref<50000x16xf32, #tpu.memory_space<vmem_shared>>) dst(%dma_wait3A_208 : memref<128x16xf32, #tpu.memory_space<vmem>>)
        %add3A_217 = arith.constant 3 : i32
        %add3A_218 = arith.addi %mul3A_105, %add3A_217 : i32
        %dma_start3A_219 = arith.constant 3 : i32
        %dma_start3A_220 = arith.constant 3 : i32
        %dma_start3A_221 = arith.constant 0 : i32
        %dma_start3A_222 = arith.constant 0 : i32
        %dma_start3A_223 = tpu.memref_slice %arg9[%dma_start3A_219, %dma_start3A_221, %dma_start3A_222] : memref<4x128x16xf32, #tpu.memory_space<vmem>> -> memref<1x128x16xf32, #tpu.memory_space<vmem>>
        %dma_start3A_224 = tpu.memref_squeeze %dma_start3A_223 : memref<1x128x16xf32, #tpu.memory_space<vmem>> -> memref<128x16xf32, #tpu.memory_space<vmem>>
        %dma_start3A_225 = arith.constant 0 : i32
        %dma_start3A_226 = tpu.memref_slice %arg8[%add3A_218, %dma_start3A_225] : memref<40x128xi32, #tpu.memory_space<vmem>> -> memref<1x128xi32, #tpu.memory_space<vmem>>
        %dma_start3A_227 = tpu.memref_squeeze %dma_start3A_226 : memref<1x128xi32, #tpu.memory_space<vmem>> -> memref<128xi32, #tpu.memory_space<vmem>>
        %dma_start3A_228 = arith.constant 0 : i32
        %dma_start3A_229 = arith.constant 0 : i32
        %dma_start3A_230 = tpu.memref_slice %arg10[%dma_start3A_228, %dma_start3A_229] : memref<50176x16xf32, #tpu.memory_space<vmem_shared>> -> memref<50176x16xf32, #tpu.memory_space<vmem_shared>>
        %dma_start3A_231 = tpu.memref_slice %arg12[%dma_start3A_220] : memref<4x!tpu.dma_semaphore, #tpu.memory_space<semaphore_mem>> -> memref<1x!tpu.dma_semaphore, #tpu.memory_space<semaphore_mem>>
        %dma_start3A_232 = tpu.memref_squeeze %dma_start3A_231 : memref<1x!tpu.dma_semaphore, #tpu.memory_space<semaphore_mem>> -> memref<!tpu.dma_semaphore, #tpu.memory_space<semaphore_mem>>
        tpu.enqueue_indirect_dma source(%dma_start3A_224 : memref<128x16xf32, #tpu.memory_space<vmem>>) target(%dma_start3A_230 : memref<50176x16xf32, #tpu.memory_space<vmem_shared>>) offsets(%dma_start3A_227 : memref<128xi32, #tpu.memory_space<vmem>>) semaphore(%dma_start3A_232 : memref<!tpu.dma_semaphore, #tpu.memory_space<semaphore_mem>>) {add = true}
        %add3A_233 = arith.constant 0 : i32
        %add3A_234 = arith.addi %mul3A_105, %add3A_233 : i32
        %dma_wait3A_235 = arith.constant 0 : i32
        %dma_wait3A_236 = arith.constant 0 : i32
        %dma_wait3A_237 = arith.constant 0 : i32
        %dma_wait3A_238 = arith.constant 0 : i32
        %dma_wait3A_239 = tpu.memref_slice %arg9[%dma_wait3A_235, %dma_wait3A_237, %dma_wait3A_238] : memref<4x128x16xf32, #tpu.memory_space<vmem>> -> memref<1x128x16xf32, #tpu.memory_space<vmem>>
        %dma_wait3A_240 = tpu.memref_squeeze %dma_wait3A_239 : memref<1x128x16xf32, #tpu.memory_space<vmem>> -> memref<128x16xf32, #tpu.memory_space<vmem>>
        %dma_wait3A_241 = arith.constant 0 : i32
        %dma_wait3A_242 = tpu.memref_slice %arg8[%add3A_234, %dma_wait3A_241] : memref<40x128xi32, #tpu.memory_space<vmem>> -> memref<1x128xi32, #tpu.memory_space<vmem>>
        %dma_wait3A_243 = tpu.memref_squeeze %dma_wait3A_242 : memref<1x128xi32, #tpu.memory_space<vmem>> -> memref<128xi32, #tpu.memory_space<vmem>>
        %dma_wait3A_244 = arith.constant 0 : i32
        %dma_wait3A_245 = arith.constant 0 : i32
        %dma_wait3A_246 = tpu.memref_slice %arg10[%dma_wait3A_244, %dma_wait3A_245] : memref<50176x16xf32, #tpu.memory_space<vmem_shared>> -> memref<50176x16xf32, #tpu.memory_space<vmem_shared>>
        %dma_wait3A_247 = tpu.memref_slice %arg12[%dma_wait3A_236] : memref<4x!tpu.dma_semaphore, #tpu.memory_space<semaphore_mem>> -> memref<1x!tpu.dma_semaphore, #tpu.memory_space<semaphore_mem>>
        %dma_wait3A_248 = tpu.memref_squeeze %dma_wait3A_247 : memref<1x!tpu.dma_semaphore, #tpu.memory_space<semaphore_mem>> -> memref<!tpu.dma_semaphore, #tpu.memory_space<semaphore_mem>>
        tpu.wait_indirect_dma semaphore(%dma_wait3A_248 : memref<!tpu.dma_semaphore, #tpu.memory_space<semaphore_mem>>) src(%dma_wait3A_240 : memref<128x16xf32, #tpu.memory_space<vmem>>) dst(%dma_wait3A_246 : memref<50176x16xf32, #tpu.memory_space<vmem_shared>>)
        %add3A_249 = arith.constant 4 : i32
        %add3A_250 = arith.addi %mul3A_105, %add3A_249 : i32
        %add3A_251 = arith.constant 0 : i32
        %add3A_252 = arith.addi %add3A_250, %add3A_251 : i32
        %lt3A = arith.constant 40 : i32
        %lt3A_253 = arith.cmpi slt, %add3A_252, %lt3A : i32
        %convert_element_type3A_254 = arith.extui %lt3A_253 : i1 to i32
        %cond3A_255 = arith.constant 0 : i32
        %cond3A_256 = arith.cmpi ne, %convert_element_type3A_254, %cond3A_255 : i32
        scf.if %cond3A_256 {
          %add3A_332 = arith.constant 4 : i32
          %add3A_333 = arith.addi %mul3A_105, %add3A_332 : i32
          %add3A_334 = arith.constant 0 : i32
          %add3A_335 = arith.addi %add3A_333, %add3A_334 : i32
          %dma_start3A_336 = arith.constant 0 : i32
          %dma_start3A_337 = arith.constant 0 : i32
          %dma_start3A_338 = arith.constant 0 : i32
          %dma_start3A_339 = arith.constant 0 : i32
          %dma_start3A_340 = tpu.memref_slice %arg9[%dma_start3A_336, %dma_start3A_338, %dma_start3A_339] : memref<4x128x16xf32, #tpu.memory_space<vmem>> -> memref<1x128x16xf32, #tpu.memory_space<vmem>>
          %dma_start3A_341 = tpu.memref_squeeze %dma_start3A_340 : memref<1x128x16xf32, #tpu.memory_space<vmem>> -> memref<128x16xf32, #tpu.memory_space<vmem>>
          %dma_start3A_342 = arith.constant 0 : i32
          %dma_start3A_343 = tpu.memref_slice %arg7[%add3A_335, %dma_start3A_342] : memref<40x128xi32, #tpu.memory_space<vmem>> -> memref<1x128xi32, #tpu.memory_space<vmem>>
          %dma_start3A_344 = tpu.memref_squeeze %dma_start3A_343 : memref<1x128xi32, #tpu.memory_space<vmem>> -> memref<128xi32, #tpu.memory_space<vmem>>
          %dma_start3A_345 = arith.constant 0 : i32
          %dma_start3A_346 = arith.constant 0 : i32
          %dma_start3A_347 = tpu.memref_slice %arg13[%dma_start3A_345, %dma_start3A_346] : memref<50000x16xf32, #tpu.memory_space<vmem_shared>> -> memref<50000x16xf32, #tpu.memory_space<vmem_shared>>
          %dma_start3A_348 = tpu.memref_slice %arg11[%dma_start3A_337] : memref<4x!tpu.dma_semaphore, #tpu.memory_space<semaphore_mem>> -> memref<1x!tpu.dma_semaphore, #tpu.memory_space<semaphore_mem>>
          %dma_start3A_349 = tpu.memref_squeeze %dma_start3A_348 : memref<1x!tpu.dma_semaphore, #tpu.memory_space<semaphore_mem>> -> memref<!tpu.dma_semaphore, #tpu.memory_space<semaphore_mem>>
          tpu.enqueue_indirect_dma source(%dma_start3A_347 : memref<50000x16xf32, #tpu.memory_space<vmem_shared>>) target(%dma_start3A_341 : memref<128x16xf32, #tpu.memory_space<vmem>>) offsets(%dma_start3A_344 : memref<128xi32, #tpu.memory_space<vmem>>) semaphore(%dma_start3A_349 : memref<!tpu.dma_semaphore, #tpu.memory_space<semaphore_mem>>)
        } else {
        }
        %add3A_257 = arith.constant 1 : i32
        %add3A_258 = arith.addi %mul3A_105, %add3A_257 : i32
        %dma_wait3A_259 = arith.constant 1 : i32
        %dma_wait3A_260 = arith.constant 1 : i32
        %dma_wait3A_261 = arith.constant 0 : i32
        %dma_wait3A_262 = arith.constant 0 : i32
        %dma_wait3A_263 = tpu.memref_slice %arg9[%dma_wait3A_259, %dma_wait3A_261, %dma_wait3A_262] : memref<4x128x16xf32, #tpu.memory_space<vmem>> -> memref<1x128x16xf32, #tpu.memory_space<vmem>>
        %dma_wait3A_264 = tpu.memref_squeeze %dma_wait3A_263 : memref<1x128x16xf32, #tpu.memory_space<vmem>> -> memref<128x16xf32, #tpu.memory_space<vmem>>
        %dma_wait3A_265 = arith.constant 0 : i32
        %dma_wait3A_266 = tpu.memref_slice %arg8[%add3A_258, %dma_wait3A_265] : memref<40x128xi32, #tpu.memory_space<vmem>> -> memref<1x128xi32, #tpu.memory_space<vmem>>
        %dma_wait3A_267 = tpu.memref_squeeze %dma_wait3A_266 : memref<1x128xi32, #tpu.memory_space<vmem>> -> memref<128xi32, #tpu.memory_space<vmem>>
        %dma_wait3A_268 = arith.constant 0 : i32
        %dma_wait3A_269 = arith.constant 0 : i32
        %dma_wait3A_270 = tpu.memref_slice %arg10[%dma_wait3A_268, %dma_wait3A_269] : memref<50176x16xf32, #tpu.memory_space<vmem_shared>> -> memref<50176x16xf32, #tpu.memory_space<vmem_shared>>
        %dma_wait3A_271 = tpu.memref_slice %arg12[%dma_wait3A_260] : memref<4x!tpu.dma_semaphore, #tpu.memory_space<semaphore_mem>> -> memref<1x!tpu.dma_semaphore, #tpu.memory_space<semaphore_mem>>
        %dma_wait3A_272 = tpu.memref_squeeze %dma_wait3A_271 : memref<1x!tpu.dma_semaphore, #tpu.memory_space<semaphore_mem>> -> memref<!tpu.dma_semaphore, #tpu.memory_space<semaphore_mem>>
        tpu.wait_indirect_dma semaphore(%dma_wait3A_272 : memref<!tpu.dma_semaphore, #tpu.memory_space<semaphore_mem>>) src(%dma_wait3A_264 : memref<128x16xf32, #tpu.memory_space<vmem>>) dst(%dma_wait3A_270 : memref<50176x16xf32, #tpu.memory_space<vmem_shared>>)
        %add3A_273 = arith.constant 4 : i32
        %add3A_274 = arith.addi %mul3A_105, %add3A_273 : i32
        %add3A_275 = arith.constant 1 : i32
        %add3A_276 = arith.addi %add3A_274, %add3A_275 : i32
        %lt3A_277 = arith.constant 40 : i32
        %lt3A_278 = arith.cmpi slt, %add3A_276, %lt3A_277 : i32
        %convert_element_type3A_279 = arith.extui %lt3A_278 : i1 to i32
        %cond3A_280 = arith.constant 0 : i32
        %cond3A_281 = arith.cmpi ne, %convert_element_type3A_279, %cond3A_280 : i32
        scf.if %cond3A_281 {
          %add3A_332 = arith.constant 4 : i32
          %add3A_333 = arith.addi %mul3A_105, %add3A_332 : i32
          %add3A_334 = arith.constant 1 : i32
          %add3A_335 = arith.addi %add3A_333, %add3A_334 : i32
          %dma_start3A_336 = arith.constant 1 : i32
          %dma_start3A_337 = arith.constant 1 : i32
          %dma_start3A_338 = arith.constant 0 : i32
          %dma_start3A_339 = arith.constant 0 : i32
          %dma_start3A_340 = tpu.memref_slice %arg9[%dma_start3A_336, %dma_start3A_338, %dma_start3A_339] : memref<4x128x16xf32, #tpu.memory_space<vmem>> -> memref<1x128x16xf32, #tpu.memory_space<vmem>>
          %dma_start3A_341 = tpu.memref_squeeze %dma_start3A_340 : memref<1x128x16xf32, #tpu.memory_space<vmem>> -> memref<128x16xf32, #tpu.memory_space<vmem>>
          %dma_start3A_342 = arith.constant 0 : i32
          %dma_start3A_343 = tpu.memref_slice %arg7[%add3A_335, %dma_start3A_342] : memref<40x128xi32, #tpu.memory_space<vmem>> -> memref<1x128xi32, #tpu.memory_space<vmem>>
          %dma_start3A_344 = tpu.memref_squeeze %dma_start3A_343 : memref<1x128xi32, #tpu.memory_space<vmem>> -> memref<128xi32, #tpu.memory_space<vmem>>
          %dma_start3A_345 = arith.constant 0 : i32
          %dma_start3A_346 = arith.constant 0 : i32
          %dma_start3A_347 = tpu.memref_slice %arg13[%dma_start3A_345, %dma_start3A_346] : memref<50000x16xf32, #tpu.memory_space<vmem_shared>> -> memref<50000x16xf32, #tpu.memory_space<vmem_shared>>
          %dma_start3A_348 = tpu.memref_slice %arg11[%dma_start3A_337] : memref<4x!tpu.dma_semaphore, #tpu.memory_space<semaphore_mem>> -> memref<1x!tpu.dma_semaphore, #tpu.memory_space<semaphore_mem>>
          %dma_start3A_349 = tpu.memref_squeeze %dma_start3A_348 : memref<1x!tpu.dma_semaphore, #tpu.memory_space<semaphore_mem>> -> memref<!tpu.dma_semaphore, #tpu.memory_space<semaphore_mem>>
          tpu.enqueue_indirect_dma source(%dma_start3A_347 : memref<50000x16xf32, #tpu.memory_space<vmem_shared>>) target(%dma_start3A_341 : memref<128x16xf32, #tpu.memory_space<vmem>>) offsets(%dma_start3A_344 : memref<128xi32, #tpu.memory_space<vmem>>) semaphore(%dma_start3A_349 : memref<!tpu.dma_semaphore, #tpu.memory_space<semaphore_mem>>)
        } else {
        }
        %add3A_282 = arith.constant 2 : i32
        %add3A_283 = arith.addi %mul3A_105, %add3A_282 : i32
        %dma_wait3A_284 = arith.constant 2 : i32
        %dma_wait3A_285 = arith.constant 2 : i32
        %dma_wait3A_286 = arith.constant 0 : i32
        %dma_wait3A_287 = arith.constant 0 : i32
        %dma_wait3A_288 = tpu.memref_slice %arg9[%dma_wait3A_284, %dma_wait3A_286, %dma_wait3A_287] : memref<4x128x16xf32, #tpu.memory_space<vmem>> -> memref<1x128x16xf32, #tpu.memory_space<vmem>>
        %dma_wait3A_289 = tpu.memref_squeeze %dma_wait3A_288 : memref<1x128x16xf32, #tpu.memory_space<vmem>> -> memref<128x16xf32, #tpu.memory_space<vmem>>
        %dma_wait3A_290 = arith.constant 0 : i32
        %dma_wait3A_291 = tpu.memref_slice %arg8[%add3A_283, %dma_wait3A_290] : memref<40x128xi32, #tpu.memory_space<vmem>> -> memref<1x128xi32, #tpu.memory_space<vmem>>
        %dma_wait3A_292 = tpu.memref_squeeze %dma_wait3A_291 : memref<1x128xi32, #tpu.memory_space<vmem>> -> memref<128xi32, #tpu.memory_space<vmem>>
        %dma_wait3A_293 = arith.constant 0 : i32
        %dma_wait3A_294 = arith.constant 0 : i32
        %dma_wait3A_295 = tpu.memref_slice %arg10[%dma_wait3A_293, %dma_wait3A_294] : memref<50176x16xf32, #tpu.memory_space<vmem_shared>> -> memref<50176x16xf32, #tpu.memory_space<vmem_shared>>
        %dma_wait3A_296 = tpu.memref_slice %arg12[%dma_wait3A_285] : memref<4x!tpu.dma_semaphore, #tpu.memory_space<semaphore_mem>> -> memref<1x!tpu.dma_semaphore, #tpu.memory_space<semaphore_mem>>
        %dma_wait3A_297 = tpu.memref_squeeze %dma_wait3A_296 : memref<1x!tpu.dma_semaphore, #tpu.memory_space<semaphore_mem>> -> memref<!tpu.dma_semaphore, #tpu.memory_space<semaphore_mem>>
        tpu.wait_indirect_dma semaphore(%dma_wait3A_297 : memref<!tpu.dma_semaphore, #tpu.memory_space<semaphore_mem>>) src(%dma_wait3A_289 : memref<128x16xf32, #tpu.memory_space<vmem>>) dst(%dma_wait3A_295 : memref<50176x16xf32, #tpu.memory_space<vmem_shared>>)
        %add3A_298 = arith.constant 4 : i32
        %add3A_299 = arith.addi %mul3A_105, %add3A_298 : i32
        %add3A_300 = arith.constant 2 : i32
        %add3A_301 = arith.addi %add3A_299, %add3A_300 : i32
        %lt3A_302 = arith.constant 40 : i32
        %lt3A_303 = arith.cmpi slt, %add3A_301, %lt3A_302 : i32
        %convert_element_type3A_304 = arith.extui %lt3A_303 : i1 to i32
        %cond3A_305 = arith.constant 0 : i32
        %cond3A_306 = arith.cmpi ne, %convert_element_type3A_304, %cond3A_305 : i32
        scf.if %cond3A_306 {
          %add3A_332 = arith.constant 4 : i32
          %add3A_333 = arith.addi %mul3A_105, %add3A_332 : i32
          %add3A_334 = arith.constant 2 : i32
          %add3A_335 = arith.addi %add3A_333, %add3A_334 : i32
          %dma_start3A_336 = arith.constant 2 : i32
          %dma_start3A_337 = arith.constant 2 : i32
          %dma_start3A_338 = arith.constant 0 : i32
          %dma_start3A_339 = arith.constant 0 : i32
          %dma_start3A_340 = tpu.memref_slice %arg9[%dma_start3A_336, %dma_start3A_338, %dma_start3A_339] : memref<4x128x16xf32, #tpu.memory_space<vmem>> -> memref<1x128x16xf32, #tpu.memory_space<vmem>>
          %dma_start3A_341 = tpu.memref_squeeze %dma_start3A_340 : memref<1x128x16xf32, #tpu.memory_space<vmem>> -> memref<128x16xf32, #tpu.memory_space<vmem>>
          %dma_start3A_342 = arith.constant 0 : i32
          %dma_start3A_343 = tpu.memref_slice %arg7[%add3A_335, %dma_start3A_342] : memref<40x128xi32, #tpu.memory_space<vmem>> -> memref<1x128xi32, #tpu.memory_space<vmem>>
          %dma_start3A_344 = tpu.memref_squeeze %dma_start3A_343 : memref<1x128xi32, #tpu.memory_space<vmem>> -> memref<128xi32, #tpu.memory_space<vmem>>
          %dma_start3A_345 = arith.constant 0 : i32
          %dma_start3A_346 = arith.constant 0 : i32
          %dma_start3A_347 = tpu.memref_slice %arg13[%dma_start3A_345, %dma_start3A_346] : memref<50000x16xf32, #tpu.memory_space<vmem_shared>> -> memref<50000x16xf32, #tpu.memory_space<vmem_shared>>
          %dma_start3A_348 = tpu.memref_slice %arg11[%dma_start3A_337] : memref<4x!tpu.dma_semaphore, #tpu.memory_space<semaphore_mem>> -> memref<1x!tpu.dma_semaphore, #tpu.memory_space<semaphore_mem>>
          %dma_start3A_349 = tpu.memref_squeeze %dma_start3A_348 : memref<1x!tpu.dma_semaphore, #tpu.memory_space<semaphore_mem>> -> memref<!tpu.dma_semaphore, #tpu.memory_space<semaphore_mem>>
          tpu.enqueue_indirect_dma source(%dma_start3A_347 : memref<50000x16xf32, #tpu.memory_space<vmem_shared>>) target(%dma_start3A_341 : memref<128x16xf32, #tpu.memory_space<vmem>>) offsets(%dma_start3A_344 : memref<128xi32, #tpu.memory_space<vmem>>) semaphore(%dma_start3A_349 : memref<!tpu.dma_semaphore, #tpu.memory_space<semaphore_mem>>)
        } else {
        }
        %add3A_307 = arith.constant 3 : i32
        %add3A_308 = arith.addi %mul3A_105, %add3A_307 : i32
        %dma_wait3A_309 = arith.constant 3 : i32
        %dma_wait3A_310 = arith.constant 3 : i32
        %dma_wait3A_311 = arith.constant 0 : i32
        %dma_wait3A_312 = arith.constant 0 : i32
        %dma_wait3A_313 = tpu.memref_slice %arg9[%dma_wait3A_309, %dma_wait3A_311, %dma_wait3A_312] : memref<4x128x16xf32, #tpu.memory_space<vmem>> -> memref<1x128x16xf32, #tpu.memory_space<vmem>>
        %dma_wait3A_314 = tpu.memref_squeeze %dma_wait3A_313 : memref<1x128x16xf32, #tpu.memory_space<vmem>> -> memref<128x16xf32, #tpu.memory_space<vmem>>
        %dma_wait3A_315 = arith.constant 0 : i32
        %dma_wait3A_316 = tpu.memref_slice %arg8[%add3A_308, %dma_wait3A_315] : memref<40x128xi32, #tpu.memory_space<vmem>> -> memref<1x128xi32, #tpu.memory_space<vmem>>
        %dma_wait3A_317 = tpu.memref_squeeze %dma_wait3A_316 : memref<1x128xi32, #tpu.memory_space<vmem>> -> memref<128xi32, #tpu.memory_space<vmem>>
        %dma_wait3A_318 = arith.constant 0 : i32
        %dma_wait3A_319 = arith.constant 0 : i32
        %dma_wait3A_320 = tpu.memref_slice %arg10[%dma_wait3A_318, %dma_wait3A_319] : memref<50176x16xf32, #tpu.memory_space<vmem_shared>> -> memref<50176x16xf32, #tpu.memory_space<vmem_shared>>
        %dma_wait3A_321 = tpu.memref_slice %arg12[%dma_wait3A_310] : memref<4x!tpu.dma_semaphore, #tpu.memory_space<semaphore_mem>> -> memref<1x!tpu.dma_semaphore, #tpu.memory_space<semaphore_mem>>
        %dma_wait3A_322 = tpu.memref_squeeze %dma_wait3A_321 : memref<1x!tpu.dma_semaphore, #tpu.memory_space<semaphore_mem>> -> memref<!tpu.dma_semaphore, #tpu.memory_space<semaphore_mem>>
        tpu.wait_indirect_dma semaphore(%dma_wait3A_322 : memref<!tpu.dma_semaphore, #tpu.memory_space<semaphore_mem>>) src(%dma_wait3A_314 : memref<128x16xf32, #tpu.memory_space<vmem>>) dst(%dma_wait3A_320 : memref<50176x16xf32, #tpu.memory_space<vmem_shared>>)
        %add3A_323 = arith.constant 4 : i32
        %add3A_324 = arith.addi %mul3A_105, %add3A_323 : i32
        %add3A_325 = arith.constant 3 : i32
        %add3A_326 = arith.addi %add3A_324, %add3A_325 : i32
        %lt3A_327 = arith.constant 40 : i32
        %lt3A_328 = arith.cmpi slt, %add3A_326, %lt3A_327 : i32
        %convert_element_type3A_329 = arith.extui %lt3A_328 : i1 to i32
        %cond3A_330 = arith.constant 0 : i32
        %cond3A_331 = arith.cmpi ne, %convert_element_type3A_329, %cond3A_330 : i32
        scf.if %cond3A_331 {
          %add3A_332 = arith.constant 4 : i32
          %add3A_333 = arith.addi %mul3A_105, %add3A_332 : i32
          %add3A_334 = arith.constant 3 : i32
          %add3A_335 = arith.addi %add3A_333, %add3A_334 : i32
          %dma_start3A_336 = arith.constant 3 : i32
          %dma_start3A_337 = arith.constant 3 : i32
          %dma_start3A_338 = arith.constant 0 : i32
          %dma_start3A_339 = arith.constant 0 : i32
          %dma_start3A_340 = tpu.memref_slice %arg9[%dma_start3A_336, %dma_start3A_338, %dma_start3A_339] : memref<4x128x16xf32, #tpu.memory_space<vmem>> -> memref<1x128x16xf32, #tpu.memory_space<vmem>>
          %dma_start3A_341 = tpu.memref_squeeze %dma_start3A_340 : memref<1x128x16xf32, #tpu.memory_space<vmem>> -> memref<128x16xf32, #tpu.memory_space<vmem>>
          %dma_start3A_342 = arith.constant 0 : i32
          %dma_start3A_343 = tpu.memref_slice %arg7[%add3A_335, %dma_start3A_342] : memref<40x128xi32, #tpu.memory_space<vmem>> -> memref<1x128xi32, #tpu.memory_space<vmem>>
          %dma_start3A_344 = tpu.memref_squeeze %dma_start3A_343 : memref<1x128xi32, #tpu.memory_space<vmem>> -> memref<128xi32, #tpu.memory_space<vmem>>
          %dma_start3A_345 = arith.constant 0 : i32
          %dma_start3A_346 = arith.constant 0 : i32
          %dma_start3A_347 = tpu.memref_slice %arg13[%dma_start3A_345, %dma_start3A_346] : memref<50000x16xf32, #tpu.memory_space<vmem_shared>> -> memref<50000x16xf32, #tpu.memory_space<vmem_shared>>
          %dma_start3A_348 = tpu.memref_slice %arg11[%dma_start3A_337] : memref<4x!tpu.dma_semaphore, #tpu.memory_space<semaphore_mem>> -> memref<1x!tpu.dma_semaphore, #tpu.memory_space<semaphore_mem>>
          %dma_start3A_349 = tpu.memref_squeeze %dma_start3A_348 : memref<1x!tpu.dma_semaphore, #tpu.memory_space<semaphore_mem>> -> memref<!tpu.dma_semaphore, #tpu.memory_space<semaphore_mem>>
          tpu.enqueue_indirect_dma source(%dma_start3A_347 : memref<50000x16xf32, #tpu.memory_space<vmem_shared>>) target(%dma_start3A_341 : memref<128x16xf32, #tpu.memory_space<vmem>>) offsets(%dma_start3A_344 : memref<128xi32, #tpu.memory_space<vmem>>) semaphore(%dma_start3A_349 : memref<!tpu.dma_semaphore, #tpu.memory_space<semaphore_mem>>)
        } else {
        }
      }
      %scan3A_102 = arith.constant 10 : i32
    }
    %scan3A_31 = arith.constant 10 : i32
    %barrier3A_32 = arith.constant 0 : index
    tpu.barrier barrier_id(%barrier3A_32)
    %mul3A_33 = arith.constant 3136 : i32
    %mul3A_34 = arith.muli %arg1, %mul3A_33 : i32
    "tpu.region"() ({
      %run_scoped3A_35 = tpu.sem_alloc : memref<!tpu.dma_semaphore, #tpu.memory_space<semaphore_mem>>
      %dma_start3A = arith.constant 0 : i32
      %dma_start3A_36 = tpu.memref_slice %arg6[%arg0, %mul3A_34, %dma_start3A] : memref<2x50176x16xf32, #tpu.memory_space<hbm>> -> memref<1x3136x16xf32, #tpu.memory_space<hbm>>
      %dma_start3A_37 = tpu.memref_squeeze %dma_start3A_36 : memref<1x3136x16xf32, #tpu.memory_space<hbm>> -> memref<3136x16xf32, #tpu.memory_space<hbm>>
      %dma_start3A_38 = arith.constant 0 : i32
      %dma_start3A_39 = tpu.memref_slice %arg10[%mul3A_34, %dma_start3A_38] : memref<50176x16xf32, #tpu.memory_space<vmem_shared>> -> memref<3136x16xf32, #tpu.memory_space<vmem_shared>>
      tpu.enqueue_dma source(%dma_start3A_39 : memref<3136x16xf32, #tpu.memory_space<vmem_shared>>) target(%dma_start3A_37 : memref<3136x16xf32, #tpu.memory_space<hbm>>) target_semaphore(%run_scoped3A_35 : memref<!tpu.dma_semaphore, #tpu.memory_space<semaphore_mem>>)
      %dma_wait3A = arith.constant 0 : i32
      %dma_wait3A_40 = tpu.memref_slice %arg6[%arg0, %mul3A_34, %dma_wait3A] : memref<2x50176x16xf32, #tpu.memory_space<hbm>> -> memref<1x3136x16xf32, #tpu.memory_space<hbm>>
      %dma_wait3A_41 = tpu.memref_squeeze %dma_wait3A_40 : memref<1x3136x16xf32, #tpu.memory_space<hbm>> -> memref<3136x16xf32, #tpu.memory_space<hbm>>
      %dma_wait3A_42 = arith.constant 0 : i32
      %dma_wait3A_43 = tpu.memref_slice %arg10[%mul3A_34, %dma_wait3A_42] : memref<50176x16xf32, #tpu.memory_space<vmem_shared>> -> memref<3136x16xf32, #tpu.memory_space<vmem_shared>>
      tpu.wait_dma2 semaphore(%run_scoped3A_35 : memref<!tpu.dma_semaphore, #tpu.memory_space<semaphore_mem>>) src(%dma_wait3A_43 : memref<3136x16xf32, #tpu.memory_space<vmem_shared>>) dst(%dma_wait3A_41 : memref<3136x16xf32, #tpu.memory_space<hbm>>)
      tpu.yield
    }) : () -> ()
    return
  }
}

#map = affine_map<(d0, d1) -> (0, 0)>
#map1 = affine_map<(d0, d1) -> (0, 0, 0)>
module attributes {stable_mosaic.version = 14 : i64} {
  func.func @seg(%arg0: i32, %arg1: i32, %arg2: memref<6400x128xi32, #tpu.memory_space<hbm>>, %arg3: memref<6400x128xi32, #tpu.memory_space<hbm>>, %arg4: memref<50000x16xf32, #tpu.memory_space<hbm>>, %arg5: memref<2x50176x16xf32, #tpu.memory_space<hbm>>, %arg6: memref<40x128xi32, #tpu.memory_space<vmem>>, %arg7: memref<40x128xi32, #tpu.memory_space<vmem>>, %arg8: memref<4x128x16xf32, #tpu.memory_space<vmem>>, %arg9: memref<50176x16xf32, #tpu.memory_space<vmem_shared>>, %arg10: memref<4x!tpu.dma_semaphore, #tpu.memory_space<semaphore_mem>>, %arg11: memref<4x!tpu.dma_semaphore, #tpu.memory_space<semaphore_mem>>, %arg12: memref<50000x16xf32, #tpu.memory_space<vmem_shared>>) attributes {dimension_semantics = [#tpu.dimension_semantics<core_parallel>, #tpu.dimension_semantics<subcore_parallel>], iteration_bounds = array<i64: 2, 16>, scalar_prefetch = 0 : i64, scratch_operands = 7 : i64, tpu.core_type = #tpu.core_type<sc_vector_subcore>, window_params = [{transform_indices = #map}, {transform_indices = #map}, {transform_indices = #map}, {transform_indices = #map1}]} {
    %lt3A = arith.constant 15 : i32
    %lt3A_0 = arith.cmpi slt, %arg1, %lt3A : i32
    %convert_element_type3A = arith.extui %lt3A_0 : i1 to i32
    %cond3A = arith.constant 0 : i32
    %cond3A_1 = arith.cmpi ne, %convert_element_type3A, %cond3A : i32
    scf.if %cond3A_1 {
      %mul3A_37 = arith.constant 3128 : i32
      %mul3A_38 = arith.muli %arg1, %mul3A_37 : i32
      %mul3A_39 = arith.constant 3128 : i32
      %mul3A_40 = arith.muli %arg1, %mul3A_39 : i32
      "tpu.region"() ({
        %run_scoped3A_41 = tpu.sem_alloc : memref<!tpu.dma_semaphore, #tpu.memory_space<semaphore_mem>>
        %dma_start3A = arith.constant 0 : i32
        %dma_start3A_42 = tpu.memref_slice %arg12[%mul3A_40, %dma_start3A] : memref<50000x16xf32, #tpu.memory_space<vmem_shared>> -> memref<3128x16xf32, #tpu.memory_space<vmem_shared>>
        %dma_start3A_43 = arith.constant 0 : i32
        %dma_start3A_44 = tpu.memref_slice %arg4[%mul3A_38, %dma_start3A_43] : memref<50000x16xf32, #tpu.memory_space<hbm>> -> memref<3128x16xf32, #tpu.memory_space<hbm>>
        tpu.enqueue_dma source(%dma_start3A_44 : memref<3128x16xf32, #tpu.memory_space<hbm>>) target(%dma_start3A_42 : memref<3128x16xf32, #tpu.memory_space<vmem_shared>>) target_semaphore(%run_scoped3A_41 : memref<!tpu.dma_semaphore, #tpu.memory_space<semaphore_mem>>)
        %dma_wait3A = arith.constant 0 : i32
        %dma_wait3A_45 = tpu.memref_slice %arg12[%mul3A_40, %dma_wait3A] : memref<50000x16xf32, #tpu.memory_space<vmem_shared>> -> memref<3128x16xf32, #tpu.memory_space<vmem_shared>>
        %dma_wait3A_46 = arith.constant 0 : i32
        %dma_wait3A_47 = tpu.memref_slice %arg4[%mul3A_38, %dma_wait3A_46] : memref<50000x16xf32, #tpu.memory_space<hbm>> -> memref<3128x16xf32, #tpu.memory_space<hbm>>
        tpu.wait_dma2 semaphore(%run_scoped3A_41 : memref<!tpu.dma_semaphore, #tpu.memory_space<semaphore_mem>>) src(%dma_wait3A_47 : memref<3128x16xf32, #tpu.memory_space<hbm>>) dst(%dma_wait3A_45 : memref<3128x16xf32, #tpu.memory_space<vmem_shared>>)
        tpu.yield
      }) : () -> ()
    } else {
    }
    %eq3A = arith.constant 15 : i32
    %eq3A_2 = arith.cmpi eq, %arg1, %eq3A : i32
    %convert_element_type3A_3 = arith.extui %eq3A_2 : i1 to i32
    %cond3A_4 = arith.constant 0 : i32
    %cond3A_5 = arith.cmpi ne, %convert_element_type3A_3, %cond3A_4 : i32
    scf.if %cond3A_5 {
      "tpu.region"() ({
        %run_scoped3A_37 = tpu.sem_alloc : memref<!tpu.dma_semaphore, #tpu.memory_space<semaphore_mem>>
        %dma_start3A = arith.constant 46920 : i32
        %dma_start3A_38 = arith.constant 0 : i32
        %dma_start3A_39 = tpu.memref_slice %arg12[%dma_start3A, %dma_start3A_38] : memref<50000x16xf32, #tpu.memory_space<vmem_shared>> -> memref<3080x16xf32, #tpu.memory_space<vmem_shared>>
        %dma_start3A_40 = arith.constant 46920 : i32
        %dma_start3A_41 = arith.constant 0 : i32
        %dma_start3A_42 = tpu.memref_slice %arg4[%dma_start3A_40, %dma_start3A_41] : memref<50000x16xf32, #tpu.memory_space<hbm>> -> memref<3080x16xf32, #tpu.memory_space<hbm>>
        tpu.enqueue_dma source(%dma_start3A_42 : memref<3080x16xf32, #tpu.memory_space<hbm>>) target(%dma_start3A_39 : memref<3080x16xf32, #tpu.memory_space<vmem_shared>>) target_semaphore(%run_scoped3A_37 : memref<!tpu.dma_semaphore, #tpu.memory_space<semaphore_mem>>)
        %dma_wait3A = arith.constant 46920 : i32
        %dma_wait3A_43 = arith.constant 0 : i32
        %dma_wait3A_44 = tpu.memref_slice %arg12[%dma_wait3A, %dma_wait3A_43] : memref<50000x16xf32, #tpu.memory_space<vmem_shared>> -> memref<3080x16xf32, #tpu.memory_space<vmem_shared>>
        %dma_wait3A_45 = arith.constant 46920 : i32
        %dma_wait3A_46 = arith.constant 0 : i32
        %dma_wait3A_47 = tpu.memref_slice %arg4[%dma_wait3A_45, %dma_wait3A_46] : memref<50000x16xf32, #tpu.memory_space<hbm>> -> memref<3080x16xf32, #tpu.memory_space<hbm>>
        tpu.wait_dma2 semaphore(%run_scoped3A_37 : memref<!tpu.dma_semaphore, #tpu.memory_space<semaphore_mem>>) src(%dma_wait3A_47 : memref<3080x16xf32, #tpu.memory_space<hbm>>) dst(%dma_wait3A_44 : memref<3080x16xf32, #tpu.memory_space<vmem_shared>>)
        tpu.yield
      }) : () -> ()
    } else {
    }
    %broadcast_in_dim3A = arith.constant 0.000000e+00 : f32
    %broadcast_in_dim3A_6 = vector.broadcast %broadcast_in_dim3A : f32 to vector<16xf32>
    %scan3A = arith.constant 0 : i32
    %scan3A_7 = arith.constant 0 : i32
    %scan3A_8 = arith.constant 0 : i32
    %scan3A_9 = arith.constant 128 : i32
    %scan3A_10 = arith.addi %scan3A_8, %scan3A_9 : i32
    %scan3A_11 = arith.constant 1 : i32
    scf.for %scan3A_37 = %scan3A_8 to %scan3A_10 step %scan3A_11  : i32 {
      %swap3A = arith.constant 0 : i32
      %swap3A_38 = arith.constant 0 : i32
      %swap3A_39 = tpu.memref_slice %arg8[%scan3A_7, %swap3A, %swap3A_38] : memref<4x128x16xf32, #tpu.memory_space<vmem>> -> memref<1x128x16xf32, #tpu.memory_space<vmem>>
      %swap3A_40 = tpu.memref_squeeze %swap3A_39 : memref<1x128x16xf32, #tpu.memory_space<vmem>> -> memref<128x16xf32, #tpu.memory_space<vmem>>
      %swap3A_41 = arith.index_cast %scan3A_37 : i32 to index
      %swap3A_42 = arith.constant 0 : index
      %swap3A_43 = tpu.vector_load %swap3A_40[%swap3A_41, %swap3A_42] {strides = array<i32>} : memref<128x16xf32, #tpu.memory_space<vmem>>, vector<1x16xf32>,
      %swap3A_44 = vector.shape_cast %swap3A_43 : vector<1x16xf32> to vector<16xf32>
      %swap3A_45 = vector.shape_cast %broadcast_in_dim3A_6 : vector<16xf32> to vector<1x16xf32>
      tpu.vector_store %swap3A_40[%swap3A_41, %swap3A_42], %swap3A_45 {strides = array<i32>} : memref<128x16xf32, #tpu.memory_space<vmem>>, vector<1x16xf32>,
    }
    %scan3A_12 = arith.constant 128 : i32
    %mul3A = arith.constant 3136 : i32
    %mul3A_13 = arith.muli %arg1, %mul3A : i32
    %scan3A_14 = arith.constant 0 : i32
    %scan3A_15 = arith.constant 0 : i32
    %scan3A_16 = arith.constant 0 : i32
    %scan3A_17 = arith.constant 24 : i32
    %scan3A_18 = arith.addi %scan3A_16, %scan3A_17 : i32
    %scan3A_19 = arith.constant 1 : i32
    scf.for %scan3A_37 = %scan3A_16 to %scan3A_18 step %scan3A_19  : i32 {
      %mul3A_38 = arith.constant 128 : i32
      %mul3A_39 = arith.muli %scan3A_37, %mul3A_38 : i32
      %add3A_40 = arith.addi %mul3A_13, %mul3A_39 : i32
      "tpu.region"() ({
        %run_scoped3A_41 = tpu.sem_alloc : memref<!tpu.dma_semaphore, #tpu.memory_space<semaphore_mem>>
        %dma_start3A = arith.constant 0 : i32
        %dma_start3A_42 = arith.constant 0 : i32
        %dma_start3A_43 = tpu.memref_slice %arg8[%scan3A_15, %dma_start3A, %dma_start3A_42] : memref<4x128x16xf32, #tpu.memory_space<vmem>> -> memref<1x128x16xf32, #tpu.memory_space<vmem>>
        %dma_start3A_44 = tpu.memref_squeeze %dma_start3A_43 : memref<1x128x16xf32, #tpu.memory_space<vmem>> -> memref<128x16xf32, #tpu.memory_space<vmem>>
        %dma_start3A_45 = arith.constant 0 : i32
        %dma_start3A_46 = tpu.memref_slice %arg9[%add3A_40, %dma_start3A_45] : memref<50176x16xf32, #tpu.memory_space<vmem_shared>> -> memref<128x16xf32, #tpu.memory_space<vmem_shared>>
        %dma_start3A_47 = arith.constant 0 : i32
        %dma_start3A_48 = tpu.memref_slice %arg9[%add3A_40, %dma_start3A_47] : memref<50176x16xf32, #tpu.memory_space<vmem_shared>> -> memref<128x16xf32, #tpu.memory_space<vmem_shared>>
        %dma_start3A_49 = arith.constant 0 : i32
        %dma_start3A_50 = arith.constant 0 : i32
        %dma_start3A_51 = tpu.memref_slice %arg8[%scan3A_15, %dma_start3A_49, %dma_start3A_50] : memref<4x128x16xf32, #tpu.memory_space<vmem>> -> memref<1x128x16xf32, #tpu.memory_space<vmem>>
        %dma_start3A_52 = tpu.memref_squeeze %dma_start3A_51 : memref<1x128x16xf32, #tpu.memory_space<vmem>> -> memref<128x16xf32, #tpu.memory_space<vmem>>
        tpu.enqueue_dma source(%dma_start3A_52 : memref<128x16xf32, #tpu.memory_space<vmem>>) target(%dma_start3A_48 : memref<128x16xf32, #tpu.memory_space<vmem_shared>>) target_semaphore(%run_scoped3A_41 : memref<!tpu.dma_semaphore, #tpu.memory_space<semaphore_mem>>)
        %dma_wait3A = arith.constant 0 : i32
        %dma_wait3A_53 = arith.constant 0 : i32
        %dma_wait3A_54 = tpu.memref_slice %arg8[%scan3A_15, %dma_wait3A, %dma_wait3A_53] : memref<4x128x16xf32, #tpu.memory_space<vmem>> -> memref<1x128x16xf32, #tpu.memory_space<vmem>>
        %dma_wait3A_55 = tpu.memref_squeeze %dma_wait3A_54 : memref<1x128x16xf32, #tpu.memory_space<vmem>> -> memref<128x16xf32, #tpu.memory_space<vmem>>
        %dma_wait3A_56 = arith.constant 0 : i32
        %dma_wait3A_57 = tpu.memref_slice %arg9[%add3A_40, %dma_wait3A_56] : memref<50176x16xf32, #tpu.memory_space<vmem_shared>> -> memref<128x16xf32, #tpu.memory_space<vmem_shared>>
        %dma_wait3A_58 = arith.constant 0 : i32
        %dma_wait3A_59 = tpu.memref_slice %arg9[%add3A_40, %dma_wait3A_58] : memref<50176x16xf32, #tpu.memory_space<vmem_shared>> -> memref<128x16xf32, #tpu.memory_space<vmem_shared>>
        %dma_wait3A_60 = arith.constant 0 : i32
        %dma_wait3A_61 = arith.constant 0 : i32
        %dma_wait3A_62 = tpu.memref_slice %arg8[%scan3A_15, %dma_wait3A_60, %dma_wait3A_61] : memref<4x128x16xf32, #tpu.memory_space<vmem>> -> memref<1x128x16xf32, #tpu.memory_space<vmem>>
        %dma_wait3A_63 = tpu.memref_squeeze %dma_wait3A_62 : memref<1x128x16xf32, #tpu.memory_space<vmem>> -> memref<128x16xf32, #tpu.memory_space<vmem>>
        tpu.wait_dma2 semaphore(%run_scoped3A_41 : memref<!tpu.dma_semaphore, #tpu.memory_space<semaphore_mem>>) src(%dma_wait3A_63 : memref<128x16xf32, #tpu.memory_space<vmem>>) dst(%dma_wait3A_59 : memref<128x16xf32, #tpu.memory_space<vmem_shared>>)
        tpu.yield
      }) : () -> ()
    }
    %scan3A_20 = arith.constant 24 : i32
    %add3A = arith.constant 3136 : i32
    %add3A_21 = arith.addi %mul3A_13, %add3A : i32
    %sub3A = arith.constant 128 : i32
    %sub3A_22 = arith.subi %add3A_21, %sub3A : i32
    %run_scoped3A = arith.constant 0 : i32
    "tpu.region"() ({
      %run_scoped3A_37 = tpu.sem_alloc : memref<!tpu.dma_semaphore, #tpu.memory_space<semaphore_mem>>
      %dma_start3A = arith.constant 0 : i32
      %dma_start3A_38 = arith.constant 0 : i32
      %dma_start3A_39 = tpu.memref_slice %arg8[%run_scoped3A, %dma_start3A, %dma_start3A_38] : memref<4x128x16xf32, #tpu.memory_space<vmem>> -> memref<1x128x16xf32, #tpu.memory_space<vmem>>
      %dma_start3A_40 = tpu.memref_squeeze %dma_start3A_39 : memref<1x128x16xf32, #tpu.memory_space<vmem>> -> memref<128x16xf32, #tpu.memory_space<vmem>>
      %dma_start3A_41 = arith.constant 0 : i32
      %dma_start3A_42 = tpu.memref_slice %arg9[%sub3A_22, %dma_start3A_41] : memref<50176x16xf32, #tpu.memory_space<vmem_shared>> -> memref<128x16xf32, #tpu.memory_space<vmem_shared>>
      %dma_start3A_43 = arith.constant 0 : i32
      %dma_start3A_44 = tpu.memref_slice %arg9[%sub3A_22, %dma_start3A_43] : memref<50176x16xf32, #tpu.memory_space<vmem_shared>> -> memref<128x16xf32, #tpu.memory_space<vmem_shared>>
      %dma_start3A_45 = arith.constant 0 : i32
      %dma_start3A_46 = arith.constant 0 : i32
      %dma_start3A_47 = tpu.memref_slice %arg8[%run_scoped3A, %dma_start3A_45, %dma_start3A_46] : memref<4x128x16xf32, #tpu.memory_space<vmem>> -> memref<1x128x16xf32, #tpu.memory_space<vmem>>
      %dma_start3A_48 = tpu.memref_squeeze %dma_start3A_47 : memref<1x128x16xf32, #tpu.memory_space<vmem>> -> memref<128x16xf32, #tpu.memory_space<vmem>>
      tpu.enqueue_dma source(%dma_start3A_48 : memref<128x16xf32, #tpu.memory_space<vmem>>) target(%dma_start3A_44 : memref<128x16xf32, #tpu.memory_space<vmem_shared>>) target_semaphore(%run_scoped3A_37 : memref<!tpu.dma_semaphore, #tpu.memory_space<semaphore_mem>>)
      %dma_wait3A = arith.constant 0 : i32
      %dma_wait3A_49 = arith.constant 0 : i32
      %dma_wait3A_50 = tpu.memref_slice %arg8[%run_scoped3A, %dma_wait3A, %dma_wait3A_49] : memref<4x128x16xf32, #tpu.memory_space<vmem>> -> memref<1x128x16xf32, #tpu.memory_space<vmem>>
      %dma_wait3A_51 = tpu.memref_squeeze %dma_wait3A_50 : memref<1x128x16xf32, #tpu.memory_space<vmem>> -> memref<128x16xf32, #tpu.memory_space<vmem>>
      %dma_wait3A_52 = arith.constant 0 : i32
      %dma_wait3A_53 = tpu.memref_slice %arg9[%sub3A_22, %dma_wait3A_52] : memref<50176x16xf32, #tpu.memory_space<vmem_shared>> -> memref<128x16xf32, #tpu.memory_space<vmem_shared>>
      %dma_wait3A_54 = arith.constant 0 : i32
      %dma_wait3A_55 = tpu.memref_slice %arg9[%sub3A_22, %dma_wait3A_54] : memref<50176x16xf32, #tpu.memory_space<vmem_shared>> -> memref<128x16xf32, #tpu.memory_space<vmem_shared>>
      %dma_wait3A_56 = arith.constant 0 : i32
      %dma_wait3A_57 = arith.constant 0 : i32
      %dma_wait3A_58 = tpu.memref_slice %arg8[%run_scoped3A, %dma_wait3A_56, %dma_wait3A_57] : memref<4x128x16xf32, #tpu.memory_space<vmem>> -> memref<1x128x16xf32, #tpu.memory_space<vmem>>
      %dma_wait3A_59 = tpu.memref_squeeze %dma_wait3A_58 : memref<1x128x16xf32, #tpu.memory_space<vmem>> -> memref<128x16xf32, #tpu.memory_space<vmem>>
      tpu.wait_dma2 semaphore(%run_scoped3A_37 : memref<!tpu.dma_semaphore, #tpu.memory_space<semaphore_mem>>) src(%dma_wait3A_59 : memref<128x16xf32, #tpu.memory_space<vmem>>) dst(%dma_wait3A_55 : memref<128x16xf32, #tpu.memory_space<vmem_shared>>)
      tpu.yield
    }) : () -> ()
    %barrier3A = arith.constant 0 : index
    tpu.barrier barrier_id(%barrier3A)
    %mul3A_23 = arith.constant 16 : i32
    %mul3A_24 = arith.muli %arg0, %mul3A_23 : i32
    %add3A_25 = arith.addi %mul3A_24, %arg1 : i32
    %mul3A_26 = arith.constant 200 : i32
    %mul3A_27 = arith.muli %add3A_25, %mul3A_26 : i32
    %scan3A_28 = arith.constant 0 : i32
    %scan3A_29 = arith.constant 0 : i32
    %scan3A_30 = arith.constant 5 : i32
    %scan3A_31 = arith.addi %scan3A_29, %scan3A_30 : i32
    %scan3A_32 = arith.constant 1 : i32
    scf.for %scan3A_37 = %scan3A_29 to %scan3A_31 step %scan3A_32  : i32 {
      %mul3A_38 = arith.constant 40 : i32
      %mul3A_39 = arith.muli %scan3A_37, %mul3A_38 : i32
      %add3A_40 = arith.addi %mul3A_27, %mul3A_39 : i32
      "tpu.region"() ({
        %run_scoped3A_105 = tpu.sem_alloc : memref<!tpu.dma_semaphore, #tpu.memory_space<semaphore_mem>>
        %dma_start3A_106 = arith.constant 0 : i32
        %dma_start3A_107 = tpu.memref_slice %arg2[%add3A_40, %dma_start3A_106] : memref<6400x128xi32, #tpu.memory_space<hbm>> -> memref<40x128xi32, #tpu.memory_space<hbm>>
        %dma_start3A_108 = arith.constant 0 : i32
        %dma_start3A_109 = tpu.memref_slice %arg2[%add3A_40, %dma_start3A_108] : memref<6400x128xi32, #tpu.memory_space<hbm>> -> memref<40x128xi32, #tpu.memory_space<hbm>>
        tpu.enqueue_dma source(%dma_start3A_109 : memref<40x128xi32, #tpu.memory_space<hbm>>) target(%arg6 : memref<40x128xi32, #tpu.memory_space<vmem>>) target_semaphore(%run_scoped3A_105 : memref<!tpu.dma_semaphore, #tpu.memory_space<semaphore_mem>>)
        %dma_wait3A = arith.constant 0 : i32
        %dma_wait3A_110 = tpu.memref_slice %arg2[%add3A_40, %dma_wait3A] : memref<6400x128xi32, #tpu.memory_space<hbm>> -> memref<40x128xi32, #tpu.memory_space<hbm>>
        %dma_wait3A_111 = arith.constant 0 : i32
        %dma_wait3A_112 = tpu.memref_slice %arg2[%add3A_40, %dma_wait3A_111] : memref<6400x128xi32, #tpu.memory_space<hbm>> -> memref<40x128xi32, #tpu.memory_space<hbm>>
        tpu.wait_dma2 semaphore(%run_scoped3A_105 : memref<!tpu.dma_semaphore, #tpu.memory_space<semaphore_mem>>) src(%dma_wait3A_112 : memref<40x128xi32, #tpu.memory_space<hbm>>) dst(%arg6 : memref<40x128xi32, #tpu.memory_space<vmem>>)
        tpu.yield
      }) : () -> ()
      "tpu.region"() ({
        %run_scoped3A_105 = tpu.sem_alloc : memref<!tpu.dma_semaphore, #tpu.memory_space<semaphore_mem>>
        %dma_start3A_106 = arith.constant 0 : i32
        %dma_start3A_107 = tpu.memref_slice %arg3[%add3A_40, %dma_start3A_106] : memref<6400x128xi32, #tpu.memory_space<hbm>> -> memref<40x128xi32, #tpu.memory_space<hbm>>
        %dma_start3A_108 = arith.constant 0 : i32
        %dma_start3A_109 = tpu.memref_slice %arg3[%add3A_40, %dma_start3A_108] : memref<6400x128xi32, #tpu.memory_space<hbm>> -> memref<40x128xi32, #tpu.memory_space<hbm>>
        tpu.enqueue_dma source(%dma_start3A_109 : memref<40x128xi32, #tpu.memory_space<hbm>>) target(%arg7 : memref<40x128xi32, #tpu.memory_space<vmem>>) target_semaphore(%run_scoped3A_105 : memref<!tpu.dma_semaphore, #tpu.memory_space<semaphore_mem>>)
        %dma_wait3A = arith.constant 0 : i32
        %dma_wait3A_110 = tpu.memref_slice %arg3[%add3A_40, %dma_wait3A] : memref<6400x128xi32, #tpu.memory_space<hbm>> -> memref<40x128xi32, #tpu.memory_space<hbm>>
        %dma_wait3A_111 = arith.constant 0 : i32
        %dma_wait3A_112 = tpu.memref_slice %arg3[%add3A_40, %dma_wait3A_111] : memref<6400x128xi32, #tpu.memory_space<hbm>> -> memref<40x128xi32, #tpu.memory_space<hbm>>
        tpu.wait_dma2 semaphore(%run_scoped3A_105 : memref<!tpu.dma_semaphore, #tpu.memory_space<semaphore_mem>>) src(%dma_wait3A_112 : memref<40x128xi32, #tpu.memory_space<hbm>>) dst(%arg7 : memref<40x128xi32, #tpu.memory_space<vmem>>)
        tpu.yield
      }) : () -> ()
      %dma_start3A = arith.constant 0 : i32
      %dma_start3A_41 = arith.constant 0 : i32
      %dma_start3A_42 = arith.constant 0 : i32
      %dma_start3A_43 = arith.constant 0 : i32
      %dma_start3A_44 = arith.constant 0 : i32
      %dma_start3A_45 = tpu.memref_slice %arg8[%dma_start3A_41, %dma_start3A_43, %dma_start3A_44] : memref<4x128x16xf32, #tpu.memory_space<vmem>> -> memref<1x128x16xf32, #tpu.memory_space<vmem>>
      %dma_start3A_46 = tpu.memref_squeeze %dma_start3A_45 : memref<1x128x16xf32, #tpu.memory_space<vmem>> -> memref<128x16xf32, #tpu.memory_space<vmem>>
      %dma_start3A_47 = arith.constant 0 : i32
      %dma_start3A_48 = tpu.memref_slice %arg6[%dma_start3A, %dma_start3A_47] : memref<40x128xi32, #tpu.memory_space<vmem>> -> memref<1x128xi32, #tpu.memory_space<vmem>>
      %dma_start3A_49 = tpu.memref_squeeze %dma_start3A_48 : memref<1x128xi32, #tpu.memory_space<vmem>> -> memref<128xi32, #tpu.memory_space<vmem>>
      %dma_start3A_50 = arith.constant 0 : i32
      %dma_start3A_51 = arith.constant 0 : i32
      %dma_start3A_52 = tpu.memref_slice %arg12[%dma_start3A_50, %dma_start3A_51] : memref<50000x16xf32, #tpu.memory_space<vmem_shared>> -> memref<50000x16xf32, #tpu.memory_space<vmem_shared>>
      %dma_start3A_53 = tpu.memref_slice %arg10[%dma_start3A_42] : memref<4x!tpu.dma_semaphore, #tpu.memory_space<semaphore_mem>> -> memref<1x!tpu.dma_semaphore, #tpu.memory_space<semaphore_mem>>
      %dma_start3A_54 = tpu.memref_squeeze %dma_start3A_53 : memref<1x!tpu.dma_semaphore, #tpu.memory_space<semaphore_mem>> -> memref<!tpu.dma_semaphore, #tpu.memory_space<semaphore_mem>>
      tpu.enqueue_indirect_dma source(%dma_start3A_52 : memref<50000x16xf32, #tpu.memory_space<vmem_shared>>) target(%dma_start3A_46 : memref<128x16xf32, #tpu.memory_space<vmem>>) offsets(%dma_start3A_49 : memref<128xi32, #tpu.memory_space<vmem>>) semaphore(%dma_start3A_54 : memref<!tpu.dma_semaphore, #tpu.memory_space<semaphore_mem>>)
      %dma_start3A_55 = arith.constant 1 : i32
      %dma_start3A_56 = arith.constant 1 : i32
      %dma_start3A_57 = arith.constant 1 : i32
      %dma_start3A_58 = arith.constant 0 : i32
      %dma_start3A_59 = arith.constant 0 : i32
      %dma_start3A_60 = tpu.memref_slice %arg8[%dma_start3A_56, %dma_start3A_58, %dma_start3A_59] : memref<4x128x16xf32, #tpu.memory_space<vmem>> -> memref<1x128x16xf32, #tpu.memory_space<vmem>>
      %dma_start3A_61 = tpu.memref_squeeze %dma_start3A_60 : memref<1x128x16xf32, #tpu.memory_space<vmem>> -> memref<128x16xf32, #tpu.memory_space<vmem>>
      %dma_start3A_62 = arith.constant 0 : i32
      %dma_start3A_63 = tpu.memref_slice %arg6[%dma_start3A_55, %dma_start3A_62] : memref<40x128xi32, #tpu.memory_space<vmem>> -> memref<1x128xi32, #tpu.memory_space<vmem>>
      %dma_start3A_64 = tpu.memref_squeeze %dma_start3A_63 : memref<1x128xi32, #tpu.memory_space<vmem>> -> memref<128xi32, #tpu.memory_space<vmem>>
      %dma_start3A_65 = arith.constant 0 : i32
      %dma_start3A_66 = arith.constant 0 : i32
      %dma_start3A_67 = tpu.memref_slice %arg12[%dma_start3A_65, %dma_start3A_66] : memref<50000x16xf32, #tpu.memory_space<vmem_shared>> -> memref<50000x16xf32, #tpu.memory_space<vmem_shared>>
      %dma_start3A_68 = tpu.memref_slice %arg10[%dma_start3A_57] : memref<4x!tpu.dma_semaphore, #tpu.memory_space<semaphore_mem>> -> memref<1x!tpu.dma_semaphore, #tpu.memory_space<semaphore_mem>>
      %dma_start3A_69 = tpu.memref_squeeze %dma_start3A_68 : memref<1x!tpu.dma_semaphore, #tpu.memory_space<semaphore_mem>> -> memref<!tpu.dma_semaphore, #tpu.memory_space<semaphore_mem>>
      tpu.enqueue_indirect_dma source(%dma_start3A_67 : memref<50000x16xf32, #tpu.memory_space<vmem_shared>>) target(%dma_start3A_61 : memref<128x16xf32, #tpu.memory_space<vmem>>) offsets(%dma_start3A_64 : memref<128xi32, #tpu.memory_space<vmem>>) semaphore(%dma_start3A_69 : memref<!tpu.dma_semaphore, #tpu.memory_space<semaphore_mem>>)
      %dma_start3A_70 = arith.constant 2 : i32
      %dma_start3A_71 = arith.constant 2 : i32
      %dma_start3A_72 = arith.constant 2 : i32
      %dma_start3A_73 = arith.constant 0 : i32
      %dma_start3A_74 = arith.constant 0 : i32
      %dma_start3A_75 = tpu.memref_slice %arg8[%dma_start3A_71, %dma_start3A_73, %dma_start3A_74] : memref<4x128x16xf32, #tpu.memory_space<vmem>> -> memref<1x128x16xf32, #tpu.memory_space<vmem>>
      %dma_start3A_76 = tpu.memref_squeeze %dma_start3A_75 : memref<1x128x16xf32, #tpu.memory_space<vmem>> -> memref<128x16xf32, #tpu.memory_space<vmem>>
      %dma_start3A_77 = arith.constant 0 : i32
      %dma_start3A_78 = tpu.memref_slice %arg6[%dma_start3A_70, %dma_start3A_77] : memref<40x128xi32, #tpu.memory_space<vmem>> -> memref<1x128xi32, #tpu.memory_space<vmem>>
      %dma_start3A_79 = tpu.memref_squeeze %dma_start3A_78 : memref<1x128xi32, #tpu.memory_space<vmem>> -> memref<128xi32, #tpu.memory_space<vmem>>
      %dma_start3A_80 = arith.constant 0 : i32
      %dma_start3A_81 = arith.constant 0 : i32
      %dma_start3A_82 = tpu.memref_slice %arg12[%dma_start3A_80, %dma_start3A_81] : memref<50000x16xf32, #tpu.memory_space<vmem_shared>> -> memref<50000x16xf32, #tpu.memory_space<vmem_shared>>
      %dma_start3A_83 = tpu.memref_slice %arg10[%dma_start3A_72] : memref<4x!tpu.dma_semaphore, #tpu.memory_space<semaphore_mem>> -> memref<1x!tpu.dma_semaphore, #tpu.memory_space<semaphore_mem>>
      %dma_start3A_84 = tpu.memref_squeeze %dma_start3A_83 : memref<1x!tpu.dma_semaphore, #tpu.memory_space<semaphore_mem>> -> memref<!tpu.dma_semaphore, #tpu.memory_space<semaphore_mem>>
      tpu.enqueue_indirect_dma source(%dma_start3A_82 : memref<50000x16xf32, #tpu.memory_space<vmem_shared>>) target(%dma_start3A_76 : memref<128x16xf32, #tpu.memory_space<vmem>>) offsets(%dma_start3A_79 : memref<128xi32, #tpu.memory_space<vmem>>) semaphore(%dma_start3A_84 : memref<!tpu.dma_semaphore, #tpu.memory_space<semaphore_mem>>)
      %dma_start3A_85 = arith.constant 3 : i32
      %dma_start3A_86 = arith.constant 3 : i32
      %dma_start3A_87 = arith.constant 3 : i32
      %dma_start3A_88 = arith.constant 0 : i32
      %dma_start3A_89 = arith.constant 0 : i32
      %dma_start3A_90 = tpu.memref_slice %arg8[%dma_start3A_86, %dma_start3A_88, %dma_start3A_89] : memref<4x128x16xf32, #tpu.memory_space<vmem>> -> memref<1x128x16xf32, #tpu.memory_space<vmem>>
      %dma_start3A_91 = tpu.memref_squeeze %dma_start3A_90 : memref<1x128x16xf32, #tpu.memory_space<vmem>> -> memref<128x16xf32, #tpu.memory_space<vmem>>
      %dma_start3A_92 = arith.constant 0 : i32
      %dma_start3A_93 = tpu.memref_slice %arg6[%dma_start3A_85, %dma_start3A_92] : memref<40x128xi32, #tpu.memory_space<vmem>> -> memref<1x128xi32, #tpu.memory_space<vmem>>
      %dma_start3A_94 = tpu.memref_squeeze %dma_start3A_93 : memref<1x128xi32, #tpu.memory_space<vmem>> -> memref<128xi32, #tpu.memory_space<vmem>>
      %dma_start3A_95 = arith.constant 0 : i32
      %dma_start3A_96 = arith.constant 0 : i32
      %dma_start3A_97 = tpu.memref_slice %arg12[%dma_start3A_95, %dma_start3A_96] : memref<50000x16xf32, #tpu.memory_space<vmem_shared>> -> memref<50000x16xf32, #tpu.memory_space<vmem_shared>>
      %dma_start3A_98 = tpu.memref_slice %arg10[%dma_start3A_87] : memref<4x!tpu.dma_semaphore, #tpu.memory_space<semaphore_mem>> -> memref<1x!tpu.dma_semaphore, #tpu.memory_space<semaphore_mem>>
      %dma_start3A_99 = tpu.memref_squeeze %dma_start3A_98 : memref<1x!tpu.dma_semaphore, #tpu.memory_space<semaphore_mem>> -> memref<!tpu.dma_semaphore, #tpu.memory_space<semaphore_mem>>
      tpu.enqueue_indirect_dma source(%dma_start3A_97 : memref<50000x16xf32, #tpu.memory_space<vmem_shared>>) target(%dma_start3A_91 : memref<128x16xf32, #tpu.memory_space<vmem>>) offsets(%dma_start3A_94 : memref<128xi32, #tpu.memory_space<vmem>>) semaphore(%dma_start3A_99 : memref<!tpu.dma_semaphore, #tpu.memory_space<semaphore_mem>>)
      %scan3A_100 = arith.constant 0 : i32
      %scan3A_101 = arith.constant 10 : i32
      %scan3A_102 = arith.addi %scan3A_100, %scan3A_101 : i32
      %scan3A_103 = arith.constant 1 : i32
      scf.for %scan3A_105 = %scan3A_100 to %scan3A_102 step %scan3A_103  : i32 {
        %mul3A_106 = arith.constant 4 : i32
        %mul3A_107 = arith.muli %scan3A_105, %mul3A_106 : i32
        %add3A_108 = arith.constant 0 : i32
        %add3A_109 = arith.addi %mul3A_107, %add3A_108 : i32
        %dma_wait3A = arith.constant 0 : i32
        %dma_wait3A_110 = arith.constant 0 : i32
        %dma_wait3A_111 = arith.constant 0 : i32
        %dma_wait3A_112 = arith.constant 0 : i32
        %dma_wait3A_113 = tpu.memref_slice %arg8[%dma_wait3A, %dma_wait3A_111, %dma_wait3A_112] : memref<4x128x16xf32, #tpu.memory_space<vmem>> -> memref<1x128x16xf32, #tpu.memory_space<vmem>>
        %dma_wait3A_114 = tpu.memref_squeeze %dma_wait3A_113 : memref<1x128x16xf32, #tpu.memory_space<vmem>> -> memref<128x16xf32, #tpu.memory_space<vmem>>
        %dma_wait3A_115 = arith.constant 0 : i32
        %dma_wait3A_116 = tpu.memref_slice %arg6[%add3A_109, %dma_wait3A_115] : memref<40x128xi32, #tpu.memory_space<vmem>> -> memref<1x128xi32, #tpu.memory_space<vmem>>
        %dma_wait3A_117 = tpu.memref_squeeze %dma_wait3A_116 : memref<1x128xi32, #tpu.memory_space<vmem>> -> memref<128xi32, #tpu.memory_space<vmem>>
        %dma_wait3A_118 = arith.constant 0 : i32
        %dma_wait3A_119 = arith.constant 0 : i32
        %dma_wait3A_120 = tpu.memref_slice %arg12[%dma_wait3A_118, %dma_wait3A_119] : memref<50000x16xf32, #tpu.memory_space<vmem_shared>> -> memref<50000x16xf32, #tpu.memory_space<vmem_shared>>
        %dma_wait3A_121 = tpu.memref_slice %arg10[%dma_wait3A_110] : memref<4x!tpu.dma_semaphore, #tpu.memory_space<semaphore_mem>> -> memref<1x!tpu.dma_semaphore, #tpu.memory_space<semaphore_mem>>
        %dma_wait3A_122 = tpu.memref_squeeze %dma_wait3A_121 : memref<1x!tpu.dma_semaphore, #tpu.memory_space<semaphore_mem>> -> memref<!tpu.dma_semaphore, #tpu.memory_space<semaphore_mem>>
        tpu.wait_indirect_dma semaphore(%dma_wait3A_122 : memref<!tpu.dma_semaphore, #tpu.memory_space<semaphore_mem>>) src(%dma_wait3A_120 : memref<50000x16xf32, #tpu.memory_space<vmem_shared>>) dst(%dma_wait3A_114 : memref<128x16xf32, #tpu.memory_space<vmem>>)
        %add3A_123 = arith.constant 0 : i32
        %add3A_124 = arith.addi %mul3A_107, %add3A_123 : i32
        %dma_start3A_125 = arith.constant 0 : i32
        %dma_start3A_126 = arith.constant 0 : i32
        %dma_start3A_127 = arith.constant 0 : i32
        %dma_start3A_128 = arith.constant 0 : i32
        %dma_start3A_129 = tpu.memref_slice %arg8[%dma_start3A_125, %dma_start3A_127, %dma_start3A_128] : memref<4x128x16xf32, #tpu.memory_space<vmem>> -> memref<1x128x16xf32, #tpu.memory_space<vmem>>
        %dma_start3A_130 = tpu.memref_squeeze %dma_start3A_129 : memref<1x128x16xf32, #tpu.memory_space<vmem>> -> memref<128x16xf32, #tpu.memory_space<vmem>>
        %dma_start3A_131 = arith.constant 0 : i32
        %dma_start3A_132 = tpu.memref_slice %arg7[%add3A_124, %dma_start3A_131] : memref<40x128xi32, #tpu.memory_space<vmem>> -> memref<1x128xi32, #tpu.memory_space<vmem>>
        %dma_start3A_133 = tpu.memref_squeeze %dma_start3A_132 : memref<1x128xi32, #tpu.memory_space<vmem>> -> memref<128xi32, #tpu.memory_space<vmem>>
        %dma_start3A_134 = arith.constant 0 : i32
        %dma_start3A_135 = arith.constant 0 : i32
        %dma_start3A_136 = tpu.memref_slice %arg9[%dma_start3A_134, %dma_start3A_135] : memref<50176x16xf32, #tpu.memory_space<vmem_shared>> -> memref<50176x16xf32, #tpu.memory_space<vmem_shared>>
        %dma_start3A_137 = tpu.memref_slice %arg11[%dma_start3A_126] : memref<4x!tpu.dma_semaphore, #tpu.memory_space<semaphore_mem>> -> memref<1x!tpu.dma_semaphore, #tpu.memory_space<semaphore_mem>>
        %dma_start3A_138 = tpu.memref_squeeze %dma_start3A_137 : memref<1x!tpu.dma_semaphore, #tpu.memory_space<semaphore_mem>> -> memref<!tpu.dma_semaphore, #tpu.memory_space<semaphore_mem>>
        tpu.enqueue_indirect_dma source(%dma_start3A_130 : memref<128x16xf32, #tpu.memory_space<vmem>>) target(%dma_start3A_136 : memref<50176x16xf32, #tpu.memory_space<vmem_shared>>) offsets(%dma_start3A_133 : memref<128xi32, #tpu.memory_space<vmem>>) semaphore(%dma_start3A_138 : memref<!tpu.dma_semaphore, #tpu.memory_space<semaphore_mem>>) {add = true}
        %add3A_139 = arith.constant 1 : i32
        %add3A_140 = arith.addi %mul3A_107, %add3A_139 : i32
        %dma_wait3A_141 = arith.constant 1 : i32
        %dma_wait3A_142 = arith.constant 1 : i32
        %dma_wait3A_143 = arith.constant 0 : i32
        %dma_wait3A_144 = arith.constant 0 : i32
        %dma_wait3A_145 = tpu.memref_slice %arg8[%dma_wait3A_141, %dma_wait3A_143, %dma_wait3A_144] : memref<4x128x16xf32, #tpu.memory_space<vmem>> -> memref<1x128x16xf32, #tpu.memory_space<vmem>>
        %dma_wait3A_146 = tpu.memref_squeeze %dma_wait3A_145 : memref<1x128x16xf32, #tpu.memory_space<vmem>> -> memref<128x16xf32, #tpu.memory_space<vmem>>
        %dma_wait3A_147 = arith.constant 0 : i32
        %dma_wait3A_148 = tpu.memref_slice %arg6[%add3A_140, %dma_wait3A_147] : memref<40x128xi32, #tpu.memory_space<vmem>> -> memref<1x128xi32, #tpu.memory_space<vmem>>
        %dma_wait3A_149 = tpu.memref_squeeze %dma_wait3A_148 : memref<1x128xi32, #tpu.memory_space<vmem>> -> memref<128xi32, #tpu.memory_space<vmem>>
        %dma_wait3A_150 = arith.constant 0 : i32
        %dma_wait3A_151 = arith.constant 0 : i32
        %dma_wait3A_152 = tpu.memref_slice %arg12[%dma_wait3A_150, %dma_wait3A_151] : memref<50000x16xf32, #tpu.memory_space<vmem_shared>> -> memref<50000x16xf32, #tpu.memory_space<vmem_shared>>
        %dma_wait3A_153 = tpu.memref_slice %arg10[%dma_wait3A_142] : memref<4x!tpu.dma_semaphore, #tpu.memory_space<semaphore_mem>> -> memref<1x!tpu.dma_semaphore, #tpu.memory_space<semaphore_mem>>
        %dma_wait3A_154 = tpu.memref_squeeze %dma_wait3A_153 : memref<1x!tpu.dma_semaphore, #tpu.memory_space<semaphore_mem>> -> memref<!tpu.dma_semaphore, #tpu.memory_space<semaphore_mem>>
        tpu.wait_indirect_dma semaphore(%dma_wait3A_154 : memref<!tpu.dma_semaphore, #tpu.memory_space<semaphore_mem>>) src(%dma_wait3A_152 : memref<50000x16xf32, #tpu.memory_space<vmem_shared>>) dst(%dma_wait3A_146 : memref<128x16xf32, #tpu.memory_space<vmem>>)
        %add3A_155 = arith.constant 1 : i32
        %add3A_156 = arith.addi %mul3A_107, %add3A_155 : i32
        %dma_start3A_157 = arith.constant 1 : i32
        %dma_start3A_158 = arith.constant 1 : i32
        %dma_start3A_159 = arith.constant 0 : i32
        %dma_start3A_160 = arith.constant 0 : i32
        %dma_start3A_161 = tpu.memref_slice %arg8[%dma_start3A_157, %dma_start3A_159, %dma_start3A_160] : memref<4x128x16xf32, #tpu.memory_space<vmem>> -> memref<1x128x16xf32, #tpu.memory_space<vmem>>
        %dma_start3A_162 = tpu.memref_squeeze %dma_start3A_161 : memref<1x128x16xf32, #tpu.memory_space<vmem>> -> memref<128x16xf32, #tpu.memory_space<vmem>>
        %dma_start3A_163 = arith.constant 0 : i32
        %dma_start3A_164 = tpu.memref_slice %arg7[%add3A_156, %dma_start3A_163] : memref<40x128xi32, #tpu.memory_space<vmem>> -> memref<1x128xi32, #tpu.memory_space<vmem>>
        %dma_start3A_165 = tpu.memref_squeeze %dma_start3A_164 : memref<1x128xi32, #tpu.memory_space<vmem>> -> memref<128xi32, #tpu.memory_space<vmem>>
        %dma_start3A_166 = arith.constant 0 : i32
        %dma_start3A_167 = arith.constant 0 : i32
        %dma_start3A_168 = tpu.memref_slice %arg9[%dma_start3A_166, %dma_start3A_167] : memref<50176x16xf32, #tpu.memory_space<vmem_shared>> -> memref<50176x16xf32, #tpu.memory_space<vmem_shared>>
        %dma_start3A_169 = tpu.memref_slice %arg11[%dma_start3A_158] : memref<4x!tpu.dma_semaphore, #tpu.memory_space<semaphore_mem>> -> memref<1x!tpu.dma_semaphore, #tpu.memory_space<semaphore_mem>>
        %dma_start3A_170 = tpu.memref_squeeze %dma_start3A_169 : memref<1x!tpu.dma_semaphore, #tpu.memory_space<semaphore_mem>> -> memref<!tpu.dma_semaphore, #tpu.memory_space<semaphore_mem>>
        tpu.enqueue_indirect_dma source(%dma_start3A_162 : memref<128x16xf32, #tpu.memory_space<vmem>>) target(%dma_start3A_168 : memref<50176x16xf32, #tpu.memory_space<vmem_shared>>) offsets(%dma_start3A_165 : memref<128xi32, #tpu.memory_space<vmem>>) semaphore(%dma_start3A_170 : memref<!tpu.dma_semaphore, #tpu.memory_space<semaphore_mem>>) {add = true}
        %add3A_171 = arith.constant 2 : i32
        %add3A_172 = arith.addi %mul3A_107, %add3A_171 : i32
        %dma_wait3A_173 = arith.constant 2 : i32
        %dma_wait3A_174 = arith.constant 2 : i32
        %dma_wait3A_175 = arith.constant 0 : i32
        %dma_wait3A_176 = arith.constant 0 : i32
        %dma_wait3A_177 = tpu.memref_slice %arg8[%dma_wait3A_173, %dma_wait3A_175, %dma_wait3A_176] : memref<4x128x16xf32, #tpu.memory_space<vmem>> -> memref<1x128x16xf32, #tpu.memory_space<vmem>>
        %dma_wait3A_178 = tpu.memref_squeeze %dma_wait3A_177 : memref<1x128x16xf32, #tpu.memory_space<vmem>> -> memref<128x16xf32, #tpu.memory_space<vmem>>
        %dma_wait3A_179 = arith.constant 0 : i32
        %dma_wait3A_180 = tpu.memref_slice %arg6[%add3A_172, %dma_wait3A_179] : memref<40x128xi32, #tpu.memory_space<vmem>> -> memref<1x128xi32, #tpu.memory_space<vmem>>
        %dma_wait3A_181 = tpu.memref_squeeze %dma_wait3A_180 : memref<1x128xi32, #tpu.memory_space<vmem>> -> memref<128xi32, #tpu.memory_space<vmem>>
        %dma_wait3A_182 = arith.constant 0 : i32
        %dma_wait3A_183 = arith.constant 0 : i32
        %dma_wait3A_184 = tpu.memref_slice %arg12[%dma_wait3A_182, %dma_wait3A_183] : memref<50000x16xf32, #tpu.memory_space<vmem_shared>> -> memref<50000x16xf32, #tpu.memory_space<vmem_shared>>
        %dma_wait3A_185 = tpu.memref_slice %arg10[%dma_wait3A_174] : memref<4x!tpu.dma_semaphore, #tpu.memory_space<semaphore_mem>> -> memref<1x!tpu.dma_semaphore, #tpu.memory_space<semaphore_mem>>
        %dma_wait3A_186 = tpu.memref_squeeze %dma_wait3A_185 : memref<1x!tpu.dma_semaphore, #tpu.memory_space<semaphore_mem>> -> memref<!tpu.dma_semaphore, #tpu.memory_space<semaphore_mem>>
        tpu.wait_indirect_dma semaphore(%dma_wait3A_186 : memref<!tpu.dma_semaphore, #tpu.memory_space<semaphore_mem>>) src(%dma_wait3A_184 : memref<50000x16xf32, #tpu.memory_space<vmem_shared>>) dst(%dma_wait3A_178 : memref<128x16xf32, #tpu.memory_space<vmem>>)
        %add3A_187 = arith.constant 2 : i32
        %add3A_188 = arith.addi %mul3A_107, %add3A_187 : i32
        %dma_start3A_189 = arith.constant 2 : i32
        %dma_start3A_190 = arith.constant 2 : i32
        %dma_start3A_191 = arith.constant 0 : i32
        %dma_start3A_192 = arith.constant 0 : i32
        %dma_start3A_193 = tpu.memref_slice %arg8[%dma_start3A_189, %dma_start3A_191, %dma_start3A_192] : memref<4x128x16xf32, #tpu.memory_space<vmem>> -> memref<1x128x16xf32, #tpu.memory_space<vmem>>
        %dma_start3A_194 = tpu.memref_squeeze %dma_start3A_193 : memref<1x128x16xf32, #tpu.memory_space<vmem>> -> memref<128x16xf32, #tpu.memory_space<vmem>>
        %dma_start3A_195 = arith.constant 0 : i32
        %dma_start3A_196 = tpu.memref_slice %arg7[%add3A_188, %dma_start3A_195] : memref<40x128xi32, #tpu.memory_space<vmem>> -> memref<1x128xi32, #tpu.memory_space<vmem>>
        %dma_start3A_197 = tpu.memref_squeeze %dma_start3A_196 : memref<1x128xi32, #tpu.memory_space<vmem>> -> memref<128xi32, #tpu.memory_space<vmem>>
        %dma_start3A_198 = arith.constant 0 : i32
        %dma_start3A_199 = arith.constant 0 : i32
        %dma_start3A_200 = tpu.memref_slice %arg9[%dma_start3A_198, %dma_start3A_199] : memref<50176x16xf32, #tpu.memory_space<vmem_shared>> -> memref<50176x16xf32, #tpu.memory_space<vmem_shared>>
        %dma_start3A_201 = tpu.memref_slice %arg11[%dma_start3A_190] : memref<4x!tpu.dma_semaphore, #tpu.memory_space<semaphore_mem>> -> memref<1x!tpu.dma_semaphore, #tpu.memory_space<semaphore_mem>>
        %dma_start3A_202 = tpu.memref_squeeze %dma_start3A_201 : memref<1x!tpu.dma_semaphore, #tpu.memory_space<semaphore_mem>> -> memref<!tpu.dma_semaphore, #tpu.memory_space<semaphore_mem>>
        tpu.enqueue_indirect_dma source(%dma_start3A_194 : memref<128x16xf32, #tpu.memory_space<vmem>>) target(%dma_start3A_200 : memref<50176x16xf32, #tpu.memory_space<vmem_shared>>) offsets(%dma_start3A_197 : memref<128xi32, #tpu.memory_space<vmem>>) semaphore(%dma_start3A_202 : memref<!tpu.dma_semaphore, #tpu.memory_space<semaphore_mem>>) {add = true}
        %add3A_203 = arith.constant 3 : i32
        %add3A_204 = arith.addi %mul3A_107, %add3A_203 : i32
        %dma_wait3A_205 = arith.constant 3 : i32
        %dma_wait3A_206 = arith.constant 3 : i32
        %dma_wait3A_207 = arith.constant 0 : i32
        %dma_wait3A_208 = arith.constant 0 : i32
        %dma_wait3A_209 = tpu.memref_slice %arg8[%dma_wait3A_205, %dma_wait3A_207, %dma_wait3A_208] : memref<4x128x16xf32, #tpu.memory_space<vmem>> -> memref<1x128x16xf32, #tpu.memory_space<vmem>>
        %dma_wait3A_210 = tpu.memref_squeeze %dma_wait3A_209 : memref<1x128x16xf32, #tpu.memory_space<vmem>> -> memref<128x16xf32, #tpu.memory_space<vmem>>
        %dma_wait3A_211 = arith.constant 0 : i32
        %dma_wait3A_212 = tpu.memref_slice %arg6[%add3A_204, %dma_wait3A_211] : memref<40x128xi32, #tpu.memory_space<vmem>> -> memref<1x128xi32, #tpu.memory_space<vmem>>
        %dma_wait3A_213 = tpu.memref_squeeze %dma_wait3A_212 : memref<1x128xi32, #tpu.memory_space<vmem>> -> memref<128xi32, #tpu.memory_space<vmem>>
        %dma_wait3A_214 = arith.constant 0 : i32
        %dma_wait3A_215 = arith.constant 0 : i32
        %dma_wait3A_216 = tpu.memref_slice %arg12[%dma_wait3A_214, %dma_wait3A_215] : memref<50000x16xf32, #tpu.memory_space<vmem_shared>> -> memref<50000x16xf32, #tpu.memory_space<vmem_shared>>
        %dma_wait3A_217 = tpu.memref_slice %arg10[%dma_wait3A_206] : memref<4x!tpu.dma_semaphore, #tpu.memory_space<semaphore_mem>> -> memref<1x!tpu.dma_semaphore, #tpu.memory_space<semaphore_mem>>
        %dma_wait3A_218 = tpu.memref_squeeze %dma_wait3A_217 : memref<1x!tpu.dma_semaphore, #tpu.memory_space<semaphore_mem>> -> memref<!tpu.dma_semaphore, #tpu.memory_space<semaphore_mem>>
        tpu.wait_indirect_dma semaphore(%dma_wait3A_218 : memref<!tpu.dma_semaphore, #tpu.memory_space<semaphore_mem>>) src(%dma_wait3A_216 : memref<50000x16xf32, #tpu.memory_space<vmem_shared>>) dst(%dma_wait3A_210 : memref<128x16xf32, #tpu.memory_space<vmem>>)
        %add3A_219 = arith.constant 3 : i32
        %add3A_220 = arith.addi %mul3A_107, %add3A_219 : i32
        %dma_start3A_221 = arith.constant 3 : i32
        %dma_start3A_222 = arith.constant 3 : i32
        %dma_start3A_223 = arith.constant 0 : i32
        %dma_start3A_224 = arith.constant 0 : i32
        %dma_start3A_225 = tpu.memref_slice %arg8[%dma_start3A_221, %dma_start3A_223, %dma_start3A_224] : memref<4x128x16xf32, #tpu.memory_space<vmem>> -> memref<1x128x16xf32, #tpu.memory_space<vmem>>
        %dma_start3A_226 = tpu.memref_squeeze %dma_start3A_225 : memref<1x128x16xf32, #tpu.memory_space<vmem>> -> memref<128x16xf32, #tpu.memory_space<vmem>>
        %dma_start3A_227 = arith.constant 0 : i32
        %dma_start3A_228 = tpu.memref_slice %arg7[%add3A_220, %dma_start3A_227] : memref<40x128xi32, #tpu.memory_space<vmem>> -> memref<1x128xi32, #tpu.memory_space<vmem>>
        %dma_start3A_229 = tpu.memref_squeeze %dma_start3A_228 : memref<1x128xi32, #tpu.memory_space<vmem>> -> memref<128xi32, #tpu.memory_space<vmem>>
        %dma_start3A_230 = arith.constant 0 : i32
        %dma_start3A_231 = arith.constant 0 : i32
        %dma_start3A_232 = tpu.memref_slice %arg9[%dma_start3A_230, %dma_start3A_231] : memref<50176x16xf32, #tpu.memory_space<vmem_shared>> -> memref<50176x16xf32, #tpu.memory_space<vmem_shared>>
        %dma_start3A_233 = tpu.memref_slice %arg11[%dma_start3A_222] : memref<4x!tpu.dma_semaphore, #tpu.memory_space<semaphore_mem>> -> memref<1x!tpu.dma_semaphore, #tpu.memory_space<semaphore_mem>>
        %dma_start3A_234 = tpu.memref_squeeze %dma_start3A_233 : memref<1x!tpu.dma_semaphore, #tpu.memory_space<semaphore_mem>> -> memref<!tpu.dma_semaphore, #tpu.memory_space<semaphore_mem>>
        tpu.enqueue_indirect_dma source(%dma_start3A_226 : memref<128x16xf32, #tpu.memory_space<vmem>>) target(%dma_start3A_232 : memref<50176x16xf32, #tpu.memory_space<vmem_shared>>) offsets(%dma_start3A_229 : memref<128xi32, #tpu.memory_space<vmem>>) semaphore(%dma_start3A_234 : memref<!tpu.dma_semaphore, #tpu.memory_space<semaphore_mem>>) {add = true}
        %add3A_235 = arith.constant 0 : i32
        %add3A_236 = arith.addi %mul3A_107, %add3A_235 : i32
        %dma_wait3A_237 = arith.constant 0 : i32
        %dma_wait3A_238 = arith.constant 0 : i32
        %dma_wait3A_239 = arith.constant 0 : i32
        %dma_wait3A_240 = arith.constant 0 : i32
        %dma_wait3A_241 = tpu.memref_slice %arg8[%dma_wait3A_237, %dma_wait3A_239, %dma_wait3A_240] : memref<4x128x16xf32, #tpu.memory_space<vmem>> -> memref<1x128x16xf32, #tpu.memory_space<vmem>>
        %dma_wait3A_242 = tpu.memref_squeeze %dma_wait3A_241 : memref<1x128x16xf32, #tpu.memory_space<vmem>> -> memref<128x16xf32, #tpu.memory_space<vmem>>
        %dma_wait3A_243 = arith.constant 0 : i32
        %dma_wait3A_244 = tpu.memref_slice %arg7[%add3A_236, %dma_wait3A_243] : memref<40x128xi32, #tpu.memory_space<vmem>> -> memref<1x128xi32, #tpu.memory_space<vmem>>
        %dma_wait3A_245 = tpu.memref_squeeze %dma_wait3A_244 : memref<1x128xi32, #tpu.memory_space<vmem>> -> memref<128xi32, #tpu.memory_space<vmem>>
        %dma_wait3A_246 = arith.constant 0 : i32
        %dma_wait3A_247 = arith.constant 0 : i32
        %dma_wait3A_248 = tpu.memref_slice %arg9[%dma_wait3A_246, %dma_wait3A_247] : memref<50176x16xf32, #tpu.memory_space<vmem_shared>> -> memref<50176x16xf32, #tpu.memory_space<vmem_shared>>
        %dma_wait3A_249 = tpu.memref_slice %arg11[%dma_wait3A_238] : memref<4x!tpu.dma_semaphore, #tpu.memory_space<semaphore_mem>> -> memref<1x!tpu.dma_semaphore, #tpu.memory_space<semaphore_mem>>
        %dma_wait3A_250 = tpu.memref_squeeze %dma_wait3A_249 : memref<1x!tpu.dma_semaphore, #tpu.memory_space<semaphore_mem>> -> memref<!tpu.dma_semaphore, #tpu.memory_space<semaphore_mem>>
        tpu.wait_indirect_dma semaphore(%dma_wait3A_250 : memref<!tpu.dma_semaphore, #tpu.memory_space<semaphore_mem>>) src(%dma_wait3A_242 : memref<128x16xf32, #tpu.memory_space<vmem>>) dst(%dma_wait3A_248 : memref<50176x16xf32, #tpu.memory_space<vmem_shared>>)
        %add3A_251 = arith.constant 4 : i32
        %add3A_252 = arith.addi %mul3A_107, %add3A_251 : i32
        %add3A_253 = arith.constant 0 : i32
        %add3A_254 = arith.addi %add3A_252, %add3A_253 : i32
        %lt3A_255 = arith.constant 40 : i32
        %lt3A_256 = arith.cmpi slt, %add3A_254, %lt3A_255 : i32
        %convert_element_type3A_257 = arith.extui %lt3A_256 : i1 to i32
        %cond3A_258 = arith.constant 0 : i32
        %cond3A_259 = arith.cmpi ne, %convert_element_type3A_257, %cond3A_258 : i32
        scf.if %cond3A_259 {
          %add3A_335 = arith.constant 4 : i32
          %add3A_336 = arith.addi %mul3A_107, %add3A_335 : i32
          %add3A_337 = arith.constant 0 : i32
          %add3A_338 = arith.addi %add3A_336, %add3A_337 : i32
          %dma_start3A_339 = arith.constant 0 : i32
          %dma_start3A_340 = arith.constant 0 : i32
          %dma_start3A_341 = arith.constant 0 : i32
          %dma_start3A_342 = arith.constant 0 : i32
          %dma_start3A_343 = tpu.memref_slice %arg8[%dma_start3A_339, %dma_start3A_341, %dma_start3A_342] : memref<4x128x16xf32, #tpu.memory_space<vmem>> -> memref<1x128x16xf32, #tpu.memory_space<vmem>>
          %dma_start3A_344 = tpu.memref_squeeze %dma_start3A_343 : memref<1x128x16xf32, #tpu.memory_space<vmem>> -> memref<128x16xf32, #tpu.memory_space<vmem>>
          %dma_start3A_345 = arith.constant 0 : i32
          %dma_start3A_346 = tpu.memref_slice %arg6[%add3A_338, %dma_start3A_345] : memref<40x128xi32, #tpu.memory_space<vmem>> -> memref<1x128xi32, #tpu.memory_space<vmem>>
          %dma_start3A_347 = tpu.memref_squeeze %dma_start3A_346 : memref<1x128xi32, #tpu.memory_space<vmem>> -> memref<128xi32, #tpu.memory_space<vmem>>
          %dma_start3A_348 = arith.constant 0 : i32
          %dma_start3A_349 = arith.constant 0 : i32
          %dma_start3A_350 = tpu.memref_slice %arg12[%dma_start3A_348, %dma_start3A_349] : memref<50000x16xf32, #tpu.memory_space<vmem_shared>> -> memref<50000x16xf32, #tpu.memory_space<vmem_shared>>
          %dma_start3A_351 = tpu.memref_slice %arg10[%dma_start3A_340] : memref<4x!tpu.dma_semaphore, #tpu.memory_space<semaphore_mem>> -> memref<1x!tpu.dma_semaphore, #tpu.memory_space<semaphore_mem>>
          %dma_start3A_352 = tpu.memref_squeeze %dma_start3A_351 : memref<1x!tpu.dma_semaphore, #tpu.memory_space<semaphore_mem>> -> memref<!tpu.dma_semaphore, #tpu.memory_space<semaphore_mem>>
          tpu.enqueue_indirect_dma source(%dma_start3A_350 : memref<50000x16xf32, #tpu.memory_space<vmem_shared>>) target(%dma_start3A_344 : memref<128x16xf32, #tpu.memory_space<vmem>>) offsets(%dma_start3A_347 : memref<128xi32, #tpu.memory_space<vmem>>) semaphore(%dma_start3A_352 : memref<!tpu.dma_semaphore, #tpu.memory_space<semaphore_mem>>)
        } else {
        }
        %add3A_260 = arith.constant 1 : i32
        %add3A_261 = arith.addi %mul3A_107, %add3A_260 : i32
        %dma_wait3A_262 = arith.constant 1 : i32
        %dma_wait3A_263 = arith.constant 1 : i32
        %dma_wait3A_264 = arith.constant 0 : i32
        %dma_wait3A_265 = arith.constant 0 : i32
        %dma_wait3A_266 = tpu.memref_slice %arg8[%dma_wait3A_262, %dma_wait3A_264, %dma_wait3A_265] : memref<4x128x16xf32, #tpu.memory_space<vmem>> -> memref<1x128x16xf32, #tpu.memory_space<vmem>>
        %dma_wait3A_267 = tpu.memref_squeeze %dma_wait3A_266 : memref<1x128x16xf32, #tpu.memory_space<vmem>> -> memref<128x16xf32, #tpu.memory_space<vmem>>
        %dma_wait3A_268 = arith.constant 0 : i32
        %dma_wait3A_269 = tpu.memref_slice %arg7[%add3A_261, %dma_wait3A_268] : memref<40x128xi32, #tpu.memory_space<vmem>> -> memref<1x128xi32, #tpu.memory_space<vmem>>
        %dma_wait3A_270 = tpu.memref_squeeze %dma_wait3A_269 : memref<1x128xi32, #tpu.memory_space<vmem>> -> memref<128xi32, #tpu.memory_space<vmem>>
        %dma_wait3A_271 = arith.constant 0 : i32
        %dma_wait3A_272 = arith.constant 0 : i32
        %dma_wait3A_273 = tpu.memref_slice %arg9[%dma_wait3A_271, %dma_wait3A_272] : memref<50176x16xf32, #tpu.memory_space<vmem_shared>> -> memref<50176x16xf32, #tpu.memory_space<vmem_shared>>
        %dma_wait3A_274 = tpu.memref_slice %arg11[%dma_wait3A_263] : memref<4x!tpu.dma_semaphore, #tpu.memory_space<semaphore_mem>> -> memref<1x!tpu.dma_semaphore, #tpu.memory_space<semaphore_mem>>
        %dma_wait3A_275 = tpu.memref_squeeze %dma_wait3A_274 : memref<1x!tpu.dma_semaphore, #tpu.memory_space<semaphore_mem>> -> memref<!tpu.dma_semaphore, #tpu.memory_space<semaphore_mem>>
        tpu.wait_indirect_dma semaphore(%dma_wait3A_275 : memref<!tpu.dma_semaphore, #tpu.memory_space<semaphore_mem>>) src(%dma_wait3A_267 : memref<128x16xf32, #tpu.memory_space<vmem>>) dst(%dma_wait3A_273 : memref<50176x16xf32, #tpu.memory_space<vmem_shared>>)
        %add3A_276 = arith.constant 4 : i32
        %add3A_277 = arith.addi %mul3A_107, %add3A_276 : i32
        %add3A_278 = arith.constant 1 : i32
        %add3A_279 = arith.addi %add3A_277, %add3A_278 : i32
        %lt3A_280 = arith.constant 40 : i32
        %lt3A_281 = arith.cmpi slt, %add3A_279, %lt3A_280 : i32
        %convert_element_type3A_282 = arith.extui %lt3A_281 : i1 to i32
        %cond3A_283 = arith.constant 0 : i32
        %cond3A_284 = arith.cmpi ne, %convert_element_type3A_282, %cond3A_283 : i32
        scf.if %cond3A_284 {
          %add3A_335 = arith.constant 4 : i32
          %add3A_336 = arith.addi %mul3A_107, %add3A_335 : i32
          %add3A_337 = arith.constant 1 : i32
          %add3A_338 = arith.addi %add3A_336, %add3A_337 : i32
          %dma_start3A_339 = arith.constant 1 : i32
          %dma_start3A_340 = arith.constant 1 : i32
          %dma_start3A_341 = arith.constant 0 : i32
          %dma_start3A_342 = arith.constant 0 : i32
          %dma_start3A_343 = tpu.memref_slice %arg8[%dma_start3A_339, %dma_start3A_341, %dma_start3A_342] : memref<4x128x16xf32, #tpu.memory_space<vmem>> -> memref<1x128x16xf32, #tpu.memory_space<vmem>>
          %dma_start3A_344 = tpu.memref_squeeze %dma_start3A_343 : memref<1x128x16xf32, #tpu.memory_space<vmem>> -> memref<128x16xf32, #tpu.memory_space<vmem>>
          %dma_start3A_345 = arith.constant 0 : i32
          %dma_start3A_346 = tpu.memref_slice %arg6[%add3A_338, %dma_start3A_345] : memref<40x128xi32, #tpu.memory_space<vmem>> -> memref<1x128xi32, #tpu.memory_space<vmem>>
          %dma_start3A_347 = tpu.memref_squeeze %dma_start3A_346 : memref<1x128xi32, #tpu.memory_space<vmem>> -> memref<128xi32, #tpu.memory_space<vmem>>
          %dma_start3A_348 = arith.constant 0 : i32
          %dma_start3A_349 = arith.constant 0 : i32
          %dma_start3A_350 = tpu.memref_slice %arg12[%dma_start3A_348, %dma_start3A_349] : memref<50000x16xf32, #tpu.memory_space<vmem_shared>> -> memref<50000x16xf32, #tpu.memory_space<vmem_shared>>
          %dma_start3A_351 = tpu.memref_slice %arg10[%dma_start3A_340] : memref<4x!tpu.dma_semaphore, #tpu.memory_space<semaphore_mem>> -> memref<1x!tpu.dma_semaphore, #tpu.memory_space<semaphore_mem>>
          %dma_start3A_352 = tpu.memref_squeeze %dma_start3A_351 : memref<1x!tpu.dma_semaphore, #tpu.memory_space<semaphore_mem>> -> memref<!tpu.dma_semaphore, #tpu.memory_space<semaphore_mem>>
          tpu.enqueue_indirect_dma source(%dma_start3A_350 : memref<50000x16xf32, #tpu.memory_space<vmem_shared>>) target(%dma_start3A_344 : memref<128x16xf32, #tpu.memory_space<vmem>>) offsets(%dma_start3A_347 : memref<128xi32, #tpu.memory_space<vmem>>) semaphore(%dma_start3A_352 : memref<!tpu.dma_semaphore, #tpu.memory_space<semaphore_mem>>)
        } else {
        }
        %add3A_285 = arith.constant 2 : i32
        %add3A_286 = arith.addi %mul3A_107, %add3A_285 : i32
        %dma_wait3A_287 = arith.constant 2 : i32
        %dma_wait3A_288 = arith.constant 2 : i32
        %dma_wait3A_289 = arith.constant 0 : i32
        %dma_wait3A_290 = arith.constant 0 : i32
        %dma_wait3A_291 = tpu.memref_slice %arg8[%dma_wait3A_287, %dma_wait3A_289, %dma_wait3A_290] : memref<4x128x16xf32, #tpu.memory_space<vmem>> -> memref<1x128x16xf32, #tpu.memory_space<vmem>>
        %dma_wait3A_292 = tpu.memref_squeeze %dma_wait3A_291 : memref<1x128x16xf32, #tpu.memory_space<vmem>> -> memref<128x16xf32, #tpu.memory_space<vmem>>
        %dma_wait3A_293 = arith.constant 0 : i32
        %dma_wait3A_294 = tpu.memref_slice %arg7[%add3A_286, %dma_wait3A_293] : memref<40x128xi32, #tpu.memory_space<vmem>> -> memref<1x128xi32, #tpu.memory_space<vmem>>
        %dma_wait3A_295 = tpu.memref_squeeze %dma_wait3A_294 : memref<1x128xi32, #tpu.memory_space<vmem>> -> memref<128xi32, #tpu.memory_space<vmem>>
        %dma_wait3A_296 = arith.constant 0 : i32
        %dma_wait3A_297 = arith.constant 0 : i32
        %dma_wait3A_298 = tpu.memref_slice %arg9[%dma_wait3A_296, %dma_wait3A_297] : memref<50176x16xf32, #tpu.memory_space<vmem_shared>> -> memref<50176x16xf32, #tpu.memory_space<vmem_shared>>
        %dma_wait3A_299 = tpu.memref_slice %arg11[%dma_wait3A_288] : memref<4x!tpu.dma_semaphore, #tpu.memory_space<semaphore_mem>> -> memref<1x!tpu.dma_semaphore, #tpu.memory_space<semaphore_mem>>
        %dma_wait3A_300 = tpu.memref_squeeze %dma_wait3A_299 : memref<1x!tpu.dma_semaphore, #tpu.memory_space<semaphore_mem>> -> memref<!tpu.dma_semaphore, #tpu.memory_space<semaphore_mem>>
        tpu.wait_indirect_dma semaphore(%dma_wait3A_300 : memref<!tpu.dma_semaphore, #tpu.memory_space<semaphore_mem>>) src(%dma_wait3A_292 : memref<128x16xf32, #tpu.memory_space<vmem>>) dst(%dma_wait3A_298 : memref<50176x16xf32, #tpu.memory_space<vmem_shared>>)
        %add3A_301 = arith.constant 4 : i32
        %add3A_302 = arith.addi %mul3A_107, %add3A_301 : i32
        %add3A_303 = arith.constant 2 : i32
        %add3A_304 = arith.addi %add3A_302, %add3A_303 : i32
        %lt3A_305 = arith.constant 40 : i32
        %lt3A_306 = arith.cmpi slt, %add3A_304, %lt3A_305 : i32
        %convert_element_type3A_307 = arith.extui %lt3A_306 : i1 to i32
        %cond3A_308 = arith.constant 0 : i32
        %cond3A_309 = arith.cmpi ne, %convert_element_type3A_307, %cond3A_308 : i32
        scf.if %cond3A_309 {
          %add3A_335 = arith.constant 4 : i32
          %add3A_336 = arith.addi %mul3A_107, %add3A_335 : i32
          %add3A_337 = arith.constant 2 : i32
          %add3A_338 = arith.addi %add3A_336, %add3A_337 : i32
          %dma_start3A_339 = arith.constant 2 : i32
          %dma_start3A_340 = arith.constant 2 : i32
          %dma_start3A_341 = arith.constant 0 : i32
          %dma_start3A_342 = arith.constant 0 : i32
          %dma_start3A_343 = tpu.memref_slice %arg8[%dma_start3A_339, %dma_start3A_341, %dma_start3A_342] : memref<4x128x16xf32, #tpu.memory_space<vmem>> -> memref<1x128x16xf32, #tpu.memory_space<vmem>>
          %dma_start3A_344 = tpu.memref_squeeze %dma_start3A_343 : memref<1x128x16xf32, #tpu.memory_space<vmem>> -> memref<128x16xf32, #tpu.memory_space<vmem>>
          %dma_start3A_345 = arith.constant 0 : i32
          %dma_start3A_346 = tpu.memref_slice %arg6[%add3A_338, %dma_start3A_345] : memref<40x128xi32, #tpu.memory_space<vmem>> -> memref<1x128xi32, #tpu.memory_space<vmem>>
          %dma_start3A_347 = tpu.memref_squeeze %dma_start3A_346 : memref<1x128xi32, #tpu.memory_space<vmem>> -> memref<128xi32, #tpu.memory_space<vmem>>
          %dma_start3A_348 = arith.constant 0 : i32
          %dma_start3A_349 = arith.constant 0 : i32
          %dma_start3A_350 = tpu.memref_slice %arg12[%dma_start3A_348, %dma_start3A_349] : memref<50000x16xf32, #tpu.memory_space<vmem_shared>> -> memref<50000x16xf32, #tpu.memory_space<vmem_shared>>
          %dma_start3A_351 = tpu.memref_slice %arg10[%dma_start3A_340] : memref<4x!tpu.dma_semaphore, #tpu.memory_space<semaphore_mem>> -> memref<1x!tpu.dma_semaphore, #tpu.memory_space<semaphore_mem>>
          %dma_start3A_352 = tpu.memref_squeeze %dma_start3A_351 : memref<1x!tpu.dma_semaphore, #tpu.memory_space<semaphore_mem>> -> memref<!tpu.dma_semaphore, #tpu.memory_space<semaphore_mem>>
          tpu.enqueue_indirect_dma source(%dma_start3A_350 : memref<50000x16xf32, #tpu.memory_space<vmem_shared>>) target(%dma_start3A_344 : memref<128x16xf32, #tpu.memory_space<vmem>>) offsets(%dma_start3A_347 : memref<128xi32, #tpu.memory_space<vmem>>) semaphore(%dma_start3A_352 : memref<!tpu.dma_semaphore, #tpu.memory_space<semaphore_mem>>)
        } else {
        }
        %add3A_310 = arith.constant 3 : i32
        %add3A_311 = arith.addi %mul3A_107, %add3A_310 : i32
        %dma_wait3A_312 = arith.constant 3 : i32
        %dma_wait3A_313 = arith.constant 3 : i32
        %dma_wait3A_314 = arith.constant 0 : i32
        %dma_wait3A_315 = arith.constant 0 : i32
        %dma_wait3A_316 = tpu.memref_slice %arg8[%dma_wait3A_312, %dma_wait3A_314, %dma_wait3A_315] : memref<4x128x16xf32, #tpu.memory_space<vmem>> -> memref<1x128x16xf32, #tpu.memory_space<vmem>>
        %dma_wait3A_317 = tpu.memref_squeeze %dma_wait3A_316 : memref<1x128x16xf32, #tpu.memory_space<vmem>> -> memref<128x16xf32, #tpu.memory_space<vmem>>
        %dma_wait3A_318 = arith.constant 0 : i32
        %dma_wait3A_319 = tpu.memref_slice %arg7[%add3A_311, %dma_wait3A_318] : memref<40x128xi32, #tpu.memory_space<vmem>> -> memref<1x128xi32, #tpu.memory_space<vmem>>
        %dma_wait3A_320 = tpu.memref_squeeze %dma_wait3A_319 : memref<1x128xi32, #tpu.memory_space<vmem>> -> memref<128xi32, #tpu.memory_space<vmem>>
        %dma_wait3A_321 = arith.constant 0 : i32
        %dma_wait3A_322 = arith.constant 0 : i32
        %dma_wait3A_323 = tpu.memref_slice %arg9[%dma_wait3A_321, %dma_wait3A_322] : memref<50176x16xf32, #tpu.memory_space<vmem_shared>> -> memref<50176x16xf32, #tpu.memory_space<vmem_shared>>
        %dma_wait3A_324 = tpu.memref_slice %arg11[%dma_wait3A_313] : memref<4x!tpu.dma_semaphore, #tpu.memory_space<semaphore_mem>> -> memref<1x!tpu.dma_semaphore, #tpu.memory_space<semaphore_mem>>
        %dma_wait3A_325 = tpu.memref_squeeze %dma_wait3A_324 : memref<1x!tpu.dma_semaphore, #tpu.memory_space<semaphore_mem>> -> memref<!tpu.dma_semaphore, #tpu.memory_space<semaphore_mem>>
        tpu.wait_indirect_dma semaphore(%dma_wait3A_325 : memref<!tpu.dma_semaphore, #tpu.memory_space<semaphore_mem>>) src(%dma_wait3A_317 : memref<128x16xf32, #tpu.memory_space<vmem>>) dst(%dma_wait3A_323 : memref<50176x16xf32, #tpu.memory_space<vmem_shared>>)
        %add3A_326 = arith.constant 4 : i32
        %add3A_327 = arith.addi %mul3A_107, %add3A_326 : i32
        %add3A_328 = arith.constant 3 : i32
        %add3A_329 = arith.addi %add3A_327, %add3A_328 : i32
        %lt3A_330 = arith.constant 40 : i32
        %lt3A_331 = arith.cmpi slt, %add3A_329, %lt3A_330 : i32
        %convert_element_type3A_332 = arith.extui %lt3A_331 : i1 to i32
        %cond3A_333 = arith.constant 0 : i32
        %cond3A_334 = arith.cmpi ne, %convert_element_type3A_332, %cond3A_333 : i32
        scf.if %cond3A_334 {
          %add3A_335 = arith.constant 4 : i32
          %add3A_336 = arith.addi %mul3A_107, %add3A_335 : i32
          %add3A_337 = arith.constant 3 : i32
          %add3A_338 = arith.addi %add3A_336, %add3A_337 : i32
          %dma_start3A_339 = arith.constant 3 : i32
          %dma_start3A_340 = arith.constant 3 : i32
          %dma_start3A_341 = arith.constant 0 : i32
          %dma_start3A_342 = arith.constant 0 : i32
          %dma_start3A_343 = tpu.memref_slice %arg8[%dma_start3A_339, %dma_start3A_341, %dma_start3A_342] : memref<4x128x16xf32, #tpu.memory_space<vmem>> -> memref<1x128x16xf32, #tpu.memory_space<vmem>>
          %dma_start3A_344 = tpu.memref_squeeze %dma_start3A_343 : memref<1x128x16xf32, #tpu.memory_space<vmem>> -> memref<128x16xf32, #tpu.memory_space<vmem>>
          %dma_start3A_345 = arith.constant 0 : i32
          %dma_start3A_346 = tpu.memref_slice %arg6[%add3A_338, %dma_start3A_345] : memref<40x128xi32, #tpu.memory_space<vmem>> -> memref<1x128xi32, #tpu.memory_space<vmem>>
          %dma_start3A_347 = tpu.memref_squeeze %dma_start3A_346 : memref<1x128xi32, #tpu.memory_space<vmem>> -> memref<128xi32, #tpu.memory_space<vmem>>
          %dma_start3A_348 = arith.constant 0 : i32
          %dma_start3A_349 = arith.constant 0 : i32
          %dma_start3A_350 = tpu.memref_slice %arg12[%dma_start3A_348, %dma_start3A_349] : memref<50000x16xf32, #tpu.memory_space<vmem_shared>> -> memref<50000x16xf32, #tpu.memory_space<vmem_shared>>
          %dma_start3A_351 = tpu.memref_slice %arg10[%dma_start3A_340] : memref<4x!tpu.dma_semaphore, #tpu.memory_space<semaphore_mem>> -> memref<1x!tpu.dma_semaphore, #tpu.memory_space<semaphore_mem>>
          %dma_start3A_352 = tpu.memref_squeeze %dma_start3A_351 : memref<1x!tpu.dma_semaphore, #tpu.memory_space<semaphore_mem>> -> memref<!tpu.dma_semaphore, #tpu.memory_space<semaphore_mem>>
          tpu.enqueue_indirect_dma source(%dma_start3A_350 : memref<50000x16xf32, #tpu.memory_space<vmem_shared>>) target(%dma_start3A_344 : memref<128x16xf32, #tpu.memory_space<vmem>>) offsets(%dma_start3A_347 : memref<128xi32, #tpu.memory_space<vmem>>) semaphore(%dma_start3A_352 : memref<!tpu.dma_semaphore, #tpu.memory_space<semaphore_mem>>)
        } else {
        }
      }
      %scan3A_104 = arith.constant 10 : i32
    }
    %scan3A_33 = arith.constant 5 : i32
    %barrier3A_34 = arith.constant 0 : index
    tpu.barrier barrier_id(%barrier3A_34)
    %mul3A_35 = arith.constant 3136 : i32
    %mul3A_36 = arith.muli %arg1, %mul3A_35 : i32
    "tpu.region"() ({
      %run_scoped3A_37 = tpu.sem_alloc : memref<!tpu.dma_semaphore, #tpu.memory_space<semaphore_mem>>
      %dma_start3A = arith.constant 0 : i32
      %dma_start3A_38 = tpu.memref_slice %arg5[%arg0, %mul3A_36, %dma_start3A] : memref<2x50176x16xf32, #tpu.memory_space<hbm>> -> memref<1x3136x16xf32, #tpu.memory_space<hbm>>
      %dma_start3A_39 = tpu.memref_squeeze %dma_start3A_38 : memref<1x3136x16xf32, #tpu.memory_space<hbm>> -> memref<3136x16xf32, #tpu.memory_space<hbm>>
      %dma_start3A_40 = arith.constant 0 : i32
      %dma_start3A_41 = tpu.memref_slice %arg9[%mul3A_36, %dma_start3A_40] : memref<50176x16xf32, #tpu.memory_space<vmem_shared>> -> memref<3136x16xf32, #tpu.memory_space<vmem_shared>>
      tpu.enqueue_dma source(%dma_start3A_41 : memref<3136x16xf32, #tpu.memory_space<vmem_shared>>) target(%dma_start3A_39 : memref<3136x16xf32, #tpu.memory_space<hbm>>) target_semaphore(%run_scoped3A_37 : memref<!tpu.dma_semaphore, #tpu.memory_space<semaphore_mem>>)
      %dma_wait3A = arith.constant 0 : i32
      %dma_wait3A_42 = tpu.memref_slice %arg5[%arg0, %mul3A_36, %dma_wait3A] : memref<2x50176x16xf32, #tpu.memory_space<hbm>> -> memref<1x3136x16xf32, #tpu.memory_space<hbm>>
      %dma_wait3A_43 = tpu.memref_squeeze %dma_wait3A_42 : memref<1x3136x16xf32, #tpu.memory_space<hbm>> -> memref<3136x16xf32, #tpu.memory_space<hbm>>
      %dma_wait3A_44 = arith.constant 0 : i32
      %dma_wait3A_45 = tpu.memref_slice %arg9[%mul3A_36, %dma_wait3A_44] : memref<50176x16xf32, #tpu.memory_space<vmem_shared>> -> memref<3136x16xf32, #tpu.memory_space<vmem_shared>>
      tpu.wait_dma2 semaphore(%run_scoped3A_37 : memref<!tpu.dma_semaphore, #tpu.memory_space<semaphore_mem>>) src(%dma_wait3A_45 : memref<3136x16xf32, #tpu.memory_space<vmem_shared>>) dst(%dma_wait3A_43 : memref<3136x16xf32, #tpu.memory_space<hbm>>)
      tpu.yield
    }) : () -> ()
    return
  }
}

module attributes {stable_mosaic.version = 14 : i64} {
  func.func @body(%arg0: i32, %arg1: memref<2000x64xf32, #tpu.memory_space<vmem>>, %arg2: memref<2000x16xf32, #tpu.memory_space<vmem>>, %arg3: memref<2000x16xf32, #tpu.memory_space<vmem>>, %arg4: memref<2000x16xf32, #tpu.memory_space<vmem>>, %arg5: memref<2000x16xf32, #tpu.memory_space<vmem>>) attributes {dimension_semantics = [#tpu.dimension_semantics<arbitrary>], iteration_bounds = array<i64: 25>, scalar_prefetch = 0 : i64, scratch_operands = 0 : i64, tpu.core_type = #tpu.core_type<tc>, window_params = [{transform_indices = @transform_0, window_bounds = array<i64: 2000, 64>}, {transform_indices = @transform_1, window_bounds = array<i64: 2000, 16>}, {transform_indices = @transform_2, window_bounds = array<i64: 2000, 16>}, {transform_indices = @transform_3, window_bounds = array<i64: 2000, 16>}, {transform_indices = @transform_4, window_bounds = array<i64: 2000, 16>}]} {
    %get3A = arith.constant 0 : index
    %get3A_0 = arith.constant 0 : index
    %get3A_1 = vector.load %arg1[%get3A, %get3A_0] : memref<2000x64xf32, #tpu.memory_space<vmem>>, vector<2000x64xf32>
    %slice3A = vector.extract_strided_slice %get3A_1 {offsets = [0, 0], sizes = [2000, 16], strides = [1, 1]} : vector<2000x64xf32> to vector<2000x16xf32>
    %swap3A = arith.constant 0 : index
    %swap3A_2 = arith.constant 0 : index
    %swap3A_3 = vector.load %arg2[%swap3A, %swap3A_2] : memref<2000x16xf32, #tpu.memory_space<vmem>>, vector<2000x16xf32>
    tpu.vector_store %arg2[%swap3A, %swap3A_2], %slice3A {strides = array<i32>} : memref<2000x16xf32, #tpu.memory_space<vmem>>, vector<2000x16xf32>,
    %slice3A_4 = vector.extract_strided_slice %get3A_1 {offsets = [0, 16], sizes = [2000, 16], strides = [1, 1]} : vector<2000x64xf32> to vector<2000x16xf32>
    %swap3A_5 = arith.constant 0 : index
    %swap3A_6 = arith.constant 0 : index
    %swap3A_7 = vector.load %arg3[%swap3A_5, %swap3A_6] : memref<2000x16xf32, #tpu.memory_space<vmem>>, vector<2000x16xf32>
    tpu.vector_store %arg3[%swap3A_5, %swap3A_6], %slice3A_4 {strides = array<i32>} : memref<2000x16xf32, #tpu.memory_space<vmem>>, vector<2000x16xf32>,
    %slice3A_8 = vector.extract_strided_slice %get3A_1 {offsets = [0, 32], sizes = [2000, 16], strides = [1, 1]} : vector<2000x64xf32> to vector<2000x16xf32>
    %swap3A_9 = arith.constant 0 : index
    %swap3A_10 = arith.constant 0 : index
    %swap3A_11 = vector.load %arg4[%swap3A_9, %swap3A_10] : memref<2000x16xf32, #tpu.memory_space<vmem>>, vector<2000x16xf32>
    tpu.vector_store %arg4[%swap3A_9, %swap3A_10], %slice3A_8 {strides = array<i32>} : memref<2000x16xf32, #tpu.memory_space<vmem>>, vector<2000x16xf32>,
    %slice3A_12 = vector.extract_strided_slice %get3A_1 {offsets = [0, 48], sizes = [2000, 16], strides = [1, 1]} : vector<2000x64xf32> to vector<2000x16xf32>
    %swap3A_13 = arith.constant 0 : index
    %swap3A_14 = arith.constant 0 : index
    %swap3A_15 = vector.load %arg5[%swap3A_13, %swap3A_14] : memref<2000x16xf32, #tpu.memory_space<vmem>>, vector<2000x16xf32>
    tpu.vector_store %arg5[%swap3A_13, %swap3A_14], %slice3A_12 {strides = array<i32>} : memref<2000x16xf32, #tpu.memory_space<vmem>>, vector<2000x16xf32>,
    return
  }
  func.func @transform_0(%arg0: i32) -> (i32, i32) {
    %c0_i32 = arith.constant 0 : i32
    %c0_i32_0 = arith.constant 0 : i32
    return %arg0, %c0_i32 : i32, i32
  }
  func.func @transform_1(%arg0: i32) -> (i32, i32) {
    %c0_i32 = arith.constant 0 : i32
    %c0_i32_0 = arith.constant 0 : i32
    return %arg0, %c0_i32 : i32, i32
  }
  func.func @transform_2(%arg0: i32) -> (i32, i32) {
    %c0_i32 = arith.constant 0 : i32
    %c0_i32_0 = arith.constant 0 : i32
    return %arg0, %c0_i32 : i32, i32
  }
  func.func @transform_3(%arg0: i32) -> (i32, i32) {
    %c0_i32 = arith.constant 0 : i32
    %c0_i32_0 = arith.constant 0 : i32
    return %arg0, %c0_i32 : i32, i32
  }
  func.func @transform_4(%arg0: i32) -> (i32, i32) {
    %c0_i32 = arith.constant 0 : i32
    %c0_i32_0 = arith.constant 0 : i32
    return %arg0, %c0_i32 : i32, i32
  }
}

module attributes {stable_mosaic.version = 14 : i64} {
  func.func @body(%arg0: i32, %arg1: memref<2x2000x16xf32, #tpu.memory_space<vmem>>, %arg2: memref<2x2000x16xf32, #tpu.memory_space<vmem>>, %arg3: memref<2000x64xf32, #tpu.memory_space<vmem>>, %arg4: memref<32x64xf32, #tpu.memory_space<vmem>>, %arg5: memref<32xf32, #tpu.memory_space<vmem>>, %arg6: memref<32x64xf32, #tpu.memory_space<vmem>>, %arg7: memref<2000x16xf32, #tpu.memory_space<vmem>>, %arg8: memref<2000x16xf32, #tpu.memory_space<vmem>>) attributes {dimension_semantics = [#tpu.dimension_semantics<arbitrary>], iteration_bounds = array<i64: 25>, scalar_prefetch = 0 : i64, scratch_operands = 0 : i64, tpu.core_type = #tpu.core_type<tc>, window_params = [{transform_indices = @transform_0, window_bounds = array<i64: 2, 2000, 16>}, {transform_indices = @transform_1, window_bounds = array<i64: 2, 2000, 16>}, {transform_indices = @transform_2, window_bounds = array<i64: 2000, 64>}, {pipeline_mode = #tpu.pipeline_mode<synchronous>, transform_indices = @transform_3, window_bounds = array<i64: 32, 64>}, {pipeline_mode = #tpu.pipeline_mode<synchronous>, transform_indices = @transform_4, window_bounds = array<i64: 32>}, {pipeline_mode = #tpu.pipeline_mode<synchronous>, transform_indices = @transform_5, window_bounds = array<i64: 32, 64>}, {transform_indices = @transform_6, window_bounds = array<i64: 2000, 16>}, {transform_indices = @transform_7, window_bounds = array<i64: 2000, 16>}]} {
    %get3A = arith.constant 0 : index
    %get3A_0 = arith.constant 0 : index
    %get3A_1 = arith.constant 0 : index
    %get3A_2 = vector.load %arg1[%get3A, %get3A_0, %get3A_1] : memref<2x2000x16xf32, #tpu.memory_space<vmem>>, vector<2x2000x16xf32>
    %get3A_3 = arith.constant 0 : index
    %get3A_4 = arith.constant 0 : index
    %get3A_5 = arith.constant 0 : index
    %get3A_6 = vector.load %arg2[%get3A_3, %get3A_4, %get3A_5] : memref<2x2000x16xf32, #tpu.memory_space<vmem>>, vector<2x2000x16xf32>
    %get3A_7 = arith.constant 0 : index
    %get3A_8 = arith.constant 0 : index
    %get3A_9 = vector.load %arg4[%get3A_7, %get3A_8] : memref<32x64xf32, #tpu.memory_space<vmem>>, vector<32x64xf32>
    %slice3A = vector.extract_strided_slice %get3A_2 {offsets = [0, 0, 0], sizes = [1, 2000, 16], strides = [1, 1, 1]} : vector<2x2000x16xf32> to vector<1x2000x16xf32>
    %squeeze3A = vector.shape_cast %slice3A : vector<1x2000x16xf32> to vector<2000x16xf32>
    %slice3A_10 = vector.extract_strided_slice %get3A_9 {offsets = [0, 0], sizes = [32, 16], strides = [1, 1]} : vector<32x64xf32> to vector<32x16xf32>
    %dot_general3A = arith.constant dense<0.000000e+00> : vector<2000x32xf32>
    %dot_general3A_11 = tpu.matmul %squeeze3A, %slice3A_10, %dot_general3A {dimension_numbers = #tpu.dot_dimension_numbers<[1], [1], [0], [0], [0, 0, 1, 0], [], []>, transpose_lhs_hint = false} : vector<2000x16xf32>, vector<32x16xf32>, vector<2000x32xf32> -> vector<2000x32xf32>
    %slice3A_12 = vector.extract_strided_slice %get3A_2 {offsets = [1, 0, 0], sizes = [1, 2000, 16], strides = [1, 1, 1]} : vector<2x2000x16xf32> to vector<1x2000x16xf32>
    %squeeze3A_13 = vector.shape_cast %slice3A_12 : vector<1x2000x16xf32> to vector<2000x16xf32>
    %slice3A_14 = vector.extract_strided_slice %get3A_9 {offsets = [0, 16], sizes = [32, 16], strides = [1, 1]} : vector<32x64xf32> to vector<32x16xf32>
    %dot_general3A_15 = arith.constant dense<0.000000e+00> : vector<2000x32xf32>
    %dot_general3A_16 = tpu.matmul %squeeze3A_13, %slice3A_14, %dot_general3A_15 {dimension_numbers = #tpu.dot_dimension_numbers<[1], [1], [0], [0], [0, 0, 1, 0], [], []>, transpose_lhs_hint = false} : vector<2000x16xf32>, vector<32x16xf32>, vector<2000x32xf32> -> vector<2000x32xf32>
    %add3A = arith.addf %dot_general3A_11, %dot_general3A_16 : vector<2000x32xf32>
    %slice3A_17 = vector.extract_strided_slice %get3A_6 {offsets = [0, 0, 0], sizes = [1, 2000, 16], strides = [1, 1, 1]} : vector<2x2000x16xf32> to vector<1x2000x16xf32>
    %squeeze3A_18 = vector.shape_cast %slice3A_17 : vector<1x2000x16xf32> to vector<2000x16xf32>
    %slice3A_19 = vector.extract_strided_slice %get3A_9 {offsets = [0, 32], sizes = [32, 16], strides = [1, 1]} : vector<32x64xf32> to vector<32x16xf32>
    %dot_general3A_20 = arith.constant dense<0.000000e+00> : vector<2000x32xf32>
    %dot_general3A_21 = tpu.matmul %squeeze3A_18, %slice3A_19, %dot_general3A_20 {dimension_numbers = #tpu.dot_dimension_numbers<[1], [1], [0], [0], [0, 0, 1, 0], [], []>, transpose_lhs_hint = false} : vector<2000x16xf32>, vector<32x16xf32>, vector<2000x32xf32> -> vector<2000x32xf32>
    %add3A_22 = arith.addf %add3A, %dot_general3A_21 : vector<2000x32xf32>
    %slice3A_23 = vector.extract_strided_slice %get3A_6 {offsets = [1, 0, 0], sizes = [1, 2000, 16], strides = [1, 1, 1]} : vector<2x2000x16xf32> to vector<1x2000x16xf32>
    %squeeze3A_24 = vector.shape_cast %slice3A_23 : vector<1x2000x16xf32> to vector<2000x16xf32>
    %slice3A_25 = vector.extract_strided_slice %get3A_9 {offsets = [0, 48], sizes = [32, 16], strides = [1, 1]} : vector<32x64xf32> to vector<32x16xf32>
    %dot_general3A_26 = arith.constant dense<0.000000e+00> : vector<2000x32xf32>
    %dot_general3A_27 = tpu.matmul %squeeze3A_24, %slice3A_25, %dot_general3A_26 {dimension_numbers = #tpu.dot_dimension_numbers<[1], [1], [0], [0], [0, 0, 1, 0], [], []>, transpose_lhs_hint = false} : vector<2000x16xf32>, vector<32x16xf32>, vector<2000x32xf32> -> vector<2000x32xf32>
    %add3A_28 = arith.addf %add3A_22, %dot_general3A_27 : vector<2000x32xf32>
    %get3A_29 = arith.constant 0 : index
    %get3A_30 = vector.load %arg5[%get3A_29] : memref<32xf32, #tpu.memory_space<vmem>>, vector<32xf32>
    %broadcast_in_dim3A = vector.shape_cast %get3A_30 : vector<32xf32> to vector<1x32xf32>
    %add3A_31 = vector.broadcast %broadcast_in_dim3A : vector<1x32xf32> to vector<2000x32xf32>
    %add3A_32 = arith.addf %add3A_28, %add3A_31 : vector<2000x32xf32>
    %get3A_33 = arith.constant 0 : index
    %get3A_34 = arith.constant 0 : index
    %get3A_35 = vector.load %arg3[%get3A_33, %get3A_34] : memref<2000x64xf32, #tpu.memory_space<vmem>>, vector<2000x64xf32>
    %get3A_36 = arith.constant 0 : index
    %get3A_37 = arith.constant 0 : index
    %get3A_38 = vector.load %arg6[%get3A_36, %get3A_37] : memref<32x64xf32, #tpu.memory_space<vmem>>, vector<32x64xf32>
    %dot_general3A_39 = arith.constant dense<0.000000e+00> : vector<2000x32xf32>
    %dot_general3A_40 = tpu.matmul %get3A_35, %get3A_38, %dot_general3A_39 {dimension_numbers = #tpu.dot_dimension_numbers<[1], [1], [0], [0], [0, 0, 1, 0], [], []>, transpose_lhs_hint = false} : vector<2000x64xf32>, vector<32x64xf32>, vector<2000x32xf32> -> vector<2000x32xf32>
    %add3A_41 = arith.addf %add3A_32, %dot_general3A_40 : vector<2000x32xf32>
    %max3A = arith.constant 0.000000e+00 : f32
    %max3A_42 = vector.broadcast %max3A : f32 to vector<2000x32xf32>
    %max3A_43 = arith.maximumf %add3A_41, %max3A_42 : vector<2000x32xf32>
    %slice3A_44 = vector.extract_strided_slice %max3A_43 {offsets = [0, 0], sizes = [2000, 16], strides = [1, 1]} : vector<2000x32xf32> to vector<2000x16xf32>
    %swap3A = arith.constant 0 : index
    %swap3A_45 = arith.constant 0 : index
    %swap3A_46 = vector.load %arg7[%swap3A, %swap3A_45] : memref<2000x16xf32, #tpu.memory_space<vmem>>, vector<2000x16xf32>
    tpu.vector_store %arg7[%swap3A, %swap3A_45], %slice3A_44 {strides = array<i32>} : memref<2000x16xf32, #tpu.memory_space<vmem>>, vector<2000x16xf32>,
    %slice3A_47 = vector.extract_strided_slice %max3A_43 {offsets = [0, 16], sizes = [2000, 16], strides = [1, 1]} : vector<2000x32xf32> to vector<2000x16xf32>
    %swap3A_48 = arith.constant 0 : index
    %swap3A_49 = arith.constant 0 : index
    %swap3A_50 = vector.load %arg8[%swap3A_48, %swap3A_49] : memref<2000x16xf32, #tpu.memory_space<vmem>>, vector<2000x16xf32>
    tpu.vector_store %arg8[%swap3A_48, %swap3A_49], %slice3A_47 {strides = array<i32>} : memref<2000x16xf32, #tpu.memory_space<vmem>>, vector<2000x16xf32>,
    return
  }
  func.func @transform_0(%arg0: i32) -> (i32, i32, i32) {
    %c0_i32 = arith.constant 0 : i32
    %c0_i32_0 = arith.constant 0 : i32
    %c0_i32_1 = arith.constant 0 : i32
    return %c0_i32, %arg0, %c0_i32_0 : i32, i32, i32
  }
  func.func @transform_1(%arg0: i32) -> (i32, i32, i32) {
    %c0_i32 = arith.constant 0 : i32
    %c0_i32_0 = arith.constant 0 : i32
    %c0_i32_1 = arith.constant 0 : i32
    return %c0_i32, %arg0, %c0_i32_0 : i32, i32, i32
  }
  func.func @transform_2(%arg0: i32) -> (i32, i32) {
    %c0_i32 = arith.constant 0 : i32
    %c0_i32_0 = arith.constant 0 : i32
    return %arg0, %c0_i32 : i32, i32
  }
  func.func @transform_3(%arg0: i32) -> (i32, i32) {
    %c0_i32 = arith.constant 0 : i32
    %c0_i32_0 = arith.constant 0 : i32
    %c0_i32_1 = arith.constant 0 : i32
    return %c0_i32, %c0_i32_0 : i32, i32
  }
  func.func @transform_4(%arg0: i32) -> i32 {
    %c0_i32 = arith.constant 0 : i32
    %c0_i32_0 = arith.constant 0 : i32
    return %c0_i32 : i32
  }
  func.func @transform_5(%arg0: i32) -> (i32, i32) {
    %c0_i32 = arith.constant 0 : i32
    %c0_i32_0 = arith.constant 0 : i32
    %c0_i32_1 = arith.constant 0 : i32
    return %c0_i32, %c0_i32_0 : i32, i32
  }
  func.func @transform_6(%arg0: i32) -> (i32, i32) {
    %c0_i32 = arith.constant 0 : i32
    %c0_i32_0 = arith.constant 0 : i32
    return %arg0, %c0_i32 : i32, i32
  }
  func.func @transform_7(%arg0: i32) -> (i32, i32) {
    %c0_i32 = arith.constant 0 : i32
    %c0_i32_0 = arith.constant 0 : i32
    return %arg0, %c0_i32 : i32, i32
  }
}

module attributes {stable_mosaic.version = 14 : i64} {
  func.func @body(%arg0: i32, %arg1: memref<2x2000x16xf32, #tpu.memory_space<vmem>>, %arg2: memref<2000x16xf32, #tpu.memory_space<vmem>>, %arg3: memref<2000x16xf32, #tpu.memory_space<vmem>>, %arg4: memref<16x32xf32, #tpu.memory_space<vmem>>, %arg5: memref<16xf32, #tpu.memory_space<vmem>>, %arg6: memref<16x32xf32, #tpu.memory_space<vmem>>, %arg7: memref<2000x16xf32, #tpu.memory_space<vmem>>) attributes {dimension_semantics = [#tpu.dimension_semantics<arbitrary>], iteration_bounds = array<i64: 25>, scalar_prefetch = 0 : i64, scratch_operands = 0 : i64, tpu.core_type = #tpu.core_type<tc>, window_params = [{transform_indices = @transform_0, window_bounds = array<i64: 2, 2000, 16>}, {transform_indices = @transform_1, window_bounds = array<i64: 2000, 16>}, {transform_indices = @transform_2, window_bounds = array<i64: 2000, 16>}, {pipeline_mode = #tpu.pipeline_mode<synchronous>, transform_indices = @transform_3, window_bounds = array<i64: 16, 32>}, {pipeline_mode = #tpu.pipeline_mode<synchronous>, transform_indices = @transform_4, window_bounds = array<i64: 16>}, {pipeline_mode = #tpu.pipeline_mode<synchronous>, transform_indices = @transform_5, window_bounds = array<i64: 16, 32>}, {transform_indices = @transform_6, window_bounds = array<i64: 2000, 16>}]} {
    %get3A = arith.constant 0 : index
    %get3A_0 = arith.constant 0 : index
    %get3A_1 = arith.constant 0 : index
    %get3A_2 = vector.load %arg1[%get3A, %get3A_0, %get3A_1] : memref<2x2000x16xf32, #tpu.memory_space<vmem>>, vector<2x2000x16xf32>
    %get3A_3 = arith.constant 0 : index
    %get3A_4 = arith.constant 0 : index
    %get3A_5 = vector.load %arg4[%get3A_3, %get3A_4] : memref<16x32xf32, #tpu.memory_space<vmem>>, vector<16x32xf32>
    %get3A_6 = arith.constant 0 : index
    %get3A_7 = arith.constant 0 : index
    %get3A_8 = vector.load %arg6[%get3A_6, %get3A_7] : memref<16x32xf32, #tpu.memory_space<vmem>>, vector<16x32xf32>
    %slice3A = vector.extract_strided_slice %get3A_2 {offsets = [0, 0, 0], sizes = [1, 2000, 16], strides = [1, 1, 1]} : vector<2x2000x16xf32> to vector<1x2000x16xf32>
    %squeeze3A = vector.shape_cast %slice3A : vector<1x2000x16xf32> to vector<2000x16xf32>
    %slice3A_9 = vector.extract_strided_slice %get3A_5 {offsets = [0, 0], sizes = [16, 16], strides = [1, 1]} : vector<16x32xf32> to vector<16x16xf32>
    %dot_general3A = arith.constant dense<0.000000e+00> : vector<2000x16xf32>
    %dot_general3A_10 = tpu.matmul %squeeze3A, %slice3A_9, %dot_general3A {dimension_numbers = #tpu.dot_dimension_numbers<[1], [1], [0], [0], [0, 0, 1, 0], [], []>, transpose_lhs_hint = false} : vector<2000x16xf32>, vector<16x16xf32>, vector<2000x16xf32> -> vector<2000x16xf32>
    %slice3A_11 = vector.extract_strided_slice %get3A_2 {offsets = [1, 0, 0], sizes = [1, 2000, 16], strides = [1, 1, 1]} : vector<2x2000x16xf32> to vector<1x2000x16xf32>
    %squeeze3A_12 = vector.shape_cast %slice3A_11 : vector<1x2000x16xf32> to vector<2000x16xf32>
    %slice3A_13 = vector.extract_strided_slice %get3A_5 {offsets = [0, 16], sizes = [16, 16], strides = [1, 1]} : vector<16x32xf32> to vector<16x16xf32>
    %dot_general3A_14 = arith.constant dense<0.000000e+00> : vector<2000x16xf32>
    %dot_general3A_15 = tpu.matmul %squeeze3A_12, %slice3A_13, %dot_general3A_14 {dimension_numbers = #tpu.dot_dimension_numbers<[1], [1], [0], [0], [0, 0, 1, 0], [], []>, transpose_lhs_hint = false} : vector<2000x16xf32>, vector<16x16xf32>, vector<2000x16xf32> -> vector<2000x16xf32>
    %add3A = arith.addf %dot_general3A_10, %dot_general3A_15 : vector<2000x16xf32>
    %get3A_16 = arith.constant 0 : index
    %get3A_17 = arith.constant 0 : index
    %get3A_18 = vector.load %arg2[%get3A_16, %get3A_17] : memref<2000x16xf32, #tpu.memory_space<vmem>>, vector<2000x16xf32>
    %slice3A_19 = vector.extract_strided_slice %get3A_8 {offsets = [0, 0], sizes = [16, 16], strides = [1, 1]} : vector<16x32xf32> to vector<16x16xf32>
    %dot_general3A_20 = arith.constant dense<0.000000e+00> : vector<2000x16xf32>
    %dot_general3A_21 = tpu.matmul %get3A_18, %slice3A_19, %dot_general3A_20 {dimension_numbers = #tpu.dot_dimension_numbers<[1], [1], [0], [0], [0, 0, 1, 0], [], []>, transpose_lhs_hint = false} : vector<2000x16xf32>, vector<16x16xf32>, vector<2000x16xf32> -> vector<2000x16xf32>
    %get3A_22 = arith.constant 0 : index
    %get3A_23 = arith.constant 0 : index
    %get3A_24 = vector.load %arg3[%get3A_22, %get3A_23] : memref<2000x16xf32, #tpu.memory_space<vmem>>, vector<2000x16xf32>
    %slice3A_25 = vector.extract_strided_slice %get3A_8 {offsets = [0, 16], sizes = [16, 16], strides = [1, 1]} : vector<16x32xf32> to vector<16x16xf32>
    %dot_general3A_26 = arith.constant dense<0.000000e+00> : vector<2000x16xf32>
    %dot_general3A_27 = tpu.matmul %get3A_24, %slice3A_25, %dot_general3A_26 {dimension_numbers = #tpu.dot_dimension_numbers<[1], [1], [0], [0], [0, 0, 1, 0], [], []>, transpose_lhs_hint = false} : vector<2000x16xf32>, vector<16x16xf32>, vector<2000x16xf32> -> vector<2000x16xf32>
    %add3A_28 = arith.addf %dot_general3A_21, %dot_general3A_27 : vector<2000x16xf32>
    %get3A_29 = arith.constant 0 : index
    %get3A_30 = vector.load %arg5[%get3A_29] : memref<16xf32, #tpu.memory_space<vmem>>, vector<16xf32>
    %broadcast_in_dim3A = vector.shape_cast %get3A_30 : vector<16xf32> to vector<1x16xf32>
    %add3A_31 = vector.broadcast %broadcast_in_dim3A : vector<1x16xf32> to vector<2000x16xf32>
    %add3A_32 = arith.addf %add3A, %add3A_31 : vector<2000x16xf32>
    %add3A_33 = arith.addf %add3A_32, %add3A_28 : vector<2000x16xf32>
    %max3A = arith.constant 0.000000e+00 : f32
    %max3A_34 = vector.broadcast %max3A : f32 to vector<2000x16xf32>
    %max3A_35 = arith.maximumf %add3A_33, %max3A_34 : vector<2000x16xf32>
    %swap3A = arith.constant 0 : index
    %swap3A_36 = arith.constant 0 : index
    %swap3A_37 = vector.load %arg7[%swap3A, %swap3A_36] : memref<2000x16xf32, #tpu.memory_space<vmem>>, vector<2000x16xf32>
    tpu.vector_store %arg7[%swap3A, %swap3A_36], %max3A_35 {strides = array<i32>} : memref<2000x16xf32, #tpu.memory_space<vmem>>, vector<2000x16xf32>,
    return
  }
  func.func @transform_0(%arg0: i32) -> (i32, i32, i32) {
    %c0_i32 = arith.constant 0 : i32
    %c0_i32_0 = arith.constant 0 : i32
    %c0_i32_1 = arith.constant 0 : i32
    return %c0_i32, %arg0, %c0_i32_0 : i32, i32, i32
  }
  func.func @transform_1(%arg0: i32) -> (i32, i32) {
    %c0_i32 = arith.constant 0 : i32
    %c0_i32_0 = arith.constant 0 : i32
    return %arg0, %c0_i32 : i32, i32
  }
  func.func @transform_2(%arg0: i32) -> (i32, i32) {
    %c0_i32 = arith.constant 0 : i32
    %c0_i32_0 = arith.constant 0 : i32
    return %arg0, %c0_i32 : i32, i32
  }
  func.func @transform_3(%arg0: i32) -> (i32, i32) {
    %c0_i32 = arith.constant 0 : i32
    %c0_i32_0 = arith.constant 0 : i32
    %c0_i32_1 = arith.constant 0 : i32
    return %c0_i32, %c0_i32_0 : i32, i32
  }
  func.func @transform_4(%arg0: i32) -> i32 {
    %c0_i32 = arith.constant 0 : i32
    %c0_i32_0 = arith.constant 0 : i32
    return %c0_i32 : i32
  }
  func.func @transform_5(%arg0: i32) -> (i32, i32) {
    %c0_i32 = arith.constant 0 : i32
    %c0_i32_0 = arith.constant 0 : i32
    %c0_i32_1 = arith.constant 0 : i32
    return %c0_i32, %c0_i32_0 : i32, i32
  }
  func.func @transform_6(%arg0: i32) -> (i32, i32) {
    %c0_i32 = arith.constant 0 : i32
    %c0_i32_0 = arith.constant 0 : i32
    return %arg0, %c0_i32 : i32, i32
  }
}

module attributes {stable_mosaic.version = 14 : i64} {
  func.func @body(%arg0: i32, %arg1: memref<2x2000x16xf32, #tpu.memory_space<vmem>>, %arg2: memref<2000x16xf32, #tpu.memory_space<vmem>>, %arg3: memref<2xf32, #tpu.memory_space<vmem>>, %arg4: memref<2x16xf32, #tpu.memory_space<vmem>>, %arg5: memref<2x16xf32, #tpu.memory_space<vmem>>, %arg6: memref<2000x2xf32, #tpu.memory_space<vmem>>) attributes {dimension_semantics = [#tpu.dimension_semantics<arbitrary>], iteration_bounds = array<i64: 25>, scalar_prefetch = 0 : i64, scratch_operands = 0 : i64, tpu.core_type = #tpu.core_type<tc>, window_params = [{transform_indices = @transform_0, window_bounds = array<i64: 2, 2000, 16>}, {transform_indices = @transform_1, window_bounds = array<i64: 2000, 16>}, {pipeline_mode = #tpu.pipeline_mode<synchronous>, transform_indices = @transform_2, window_bounds = array<i64: 2>}, {pipeline_mode = #tpu.pipeline_mode<synchronous>, transform_indices = @transform_3, window_bounds = array<i64: 2, 16>}, {pipeline_mode = #tpu.pipeline_mode<synchronous>, transform_indices = @transform_4, window_bounds = array<i64: 2, 16>}, {transform_indices = @transform_5, window_bounds = array<i64: 2000, 2>}]} {
    %get3A = arith.constant 0 : index
    %get3A_0 = arith.constant 0 : index
    %get3A_1 = arith.constant 0 : index
    %get3A_2 = vector.load %arg1[%get3A, %get3A_0, %get3A_1] : memref<2x2000x16xf32, #tpu.memory_space<vmem>>, vector<2x2000x16xf32>
    %slice3A = vector.extract_strided_slice %get3A_2 {offsets = [0, 0, 0], sizes = [1, 2000, 16], strides = [1, 1, 1]} : vector<2x2000x16xf32> to vector<1x2000x16xf32>
    %squeeze3A = vector.shape_cast %slice3A : vector<1x2000x16xf32> to vector<2000x16xf32>
    %slice3A_3 = vector.extract_strided_slice %get3A_2 {offsets = [1, 0, 0], sizes = [1, 2000, 16], strides = [1, 1, 1]} : vector<2x2000x16xf32> to vector<1x2000x16xf32>
    %squeeze3A_4 = vector.shape_cast %slice3A_3 : vector<1x2000x16xf32> to vector<2000x16xf32>
    %add3A = arith.addf %squeeze3A, %squeeze3A_4 : vector<2000x16xf32>
    %get3A_5 = arith.constant 0 : index
    %get3A_6 = arith.constant 0 : index
    %get3A_7 = vector.load %arg4[%get3A_5, %get3A_6] : memref<2x16xf32, #tpu.memory_space<vmem>>, vector<2x16xf32>
    %dot_general3A = arith.constant dense<0.000000e+00> : vector<2000x2xf32>
    %dot_general3A_8 = tpu.matmul %add3A, %get3A_7, %dot_general3A {dimension_numbers = #tpu.dot_dimension_numbers<[1], [1], [0], [0], [0, 0, 1, 0], [], []>, transpose_lhs_hint = false} : vector<2000x16xf32>, vector<2x16xf32>, vector<2000x2xf32> -> vector<2000x2xf32>
    %get3A_9 = arith.constant 0 : index
    %get3A_10 = vector.load %arg3[%get3A_9] : memref<2xf32, #tpu.memory_space<vmem>>, vector<2xf32>
    %broadcast_in_dim3A = vector.shape_cast %get3A_10 : vector<2xf32> to vector<1x2xf32>
    %add3A_11 = vector.broadcast %broadcast_in_dim3A : vector<1x2xf32> to vector<2000x2xf32>
    %add3A_12 = arith.addf %dot_general3A_8, %add3A_11 : vector<2000x2xf32>
    %get3A_13 = arith.constant 0 : index
    %get3A_14 = arith.constant 0 : index
    %get3A_15 = vector.load %arg2[%get3A_13, %get3A_14] : memref<2000x16xf32, #tpu.memory_space<vmem>>, vector<2000x16xf32>
    %get3A_16 = arith.constant 0 : index
    %get3A_17 = arith.constant 0 : index
    %get3A_18 = vector.load %arg5[%get3A_16, %get3A_17] : memref<2x16xf32, #tpu.memory_space<vmem>>, vector<2x16xf32>
    %dot_general3A_19 = arith.constant dense<0.000000e+00> : vector<2000x2xf32>
    %dot_general3A_20 = tpu.matmul %get3A_15, %get3A_18, %dot_general3A_19 {dimension_numbers = #tpu.dot_dimension_numbers<[1], [1], [0], [0], [0, 0, 1, 0], [], []>, transpose_lhs_hint = false} : vector<2000x16xf32>, vector<2x16xf32>, vector<2000x2xf32> -> vector<2000x2xf32>
    %add3A_21 = arith.addf %add3A_12, %dot_general3A_20 : vector<2000x2xf32>
    %reduce_max3A = arith.constant dense<0xFF800000> : vector<2000xf32>
    %reduce_max3A_22 = vector.multi_reduction <maximumf>, %add3A_21, %reduce_max3A [1] : vector<2000x2xf32> to vector<2000xf32>
    %broadcast_in_dim3A_23 = vector.shape_cast %reduce_max3A_22 : vector<2000xf32> to vector<2000x1xf32>
    %sub3A = vector.broadcast %broadcast_in_dim3A_23 : vector<2000x1xf32> to vector<2000x2xf32>
    %sub3A_24 = arith.subf %add3A_21, %sub3A : vector<2000x2xf32>
    %exp3A = math.exp %sub3A_24 : vector<2000x2xf32>
    %reduce_sum3A = arith.constant dense<0.000000e+00> : vector<2000xf32>
    %reduce_sum3A_25 = vector.multi_reduction <add>, %exp3A, %reduce_sum3A [1] : vector<2000x2xf32> to vector<2000xf32>
    %broadcast_in_dim3A_26 = vector.shape_cast %reduce_sum3A_25 : vector<2000xf32> to vector<2000x1xf32>
    %div3A = vector.broadcast %broadcast_in_dim3A_26 : vector<2000x1xf32> to vector<2000x2xf32>
    %div3A_27 = arith.divf %exp3A, %div3A : vector<2000x2xf32>
    %swap3A = arith.constant 0 : index
    %swap3A_28 = arith.constant 0 : index
    %swap3A_29 = vector.load %arg6[%swap3A, %swap3A_28] : memref<2000x2xf32, #tpu.memory_space<vmem>>, vector<2000x2xf32>
    tpu.vector_store %arg6[%swap3A, %swap3A_28], %div3A_27 {strides = array<i32>} : memref<2000x2xf32, #tpu.memory_space<vmem>>, vector<2000x2xf32>,
    return
  }
  func.func @transform_0(%arg0: i32) -> (i32, i32, i32) {
    %c0_i32 = arith.constant 0 : i32
    %c0_i32_0 = arith.constant 0 : i32
    %c0_i32_1 = arith.constant 0 : i32
    return %c0_i32, %arg0, %c0_i32_0 : i32, i32, i32
  }
  func.func @transform_1(%arg0: i32) -> (i32, i32) {
    %c0_i32 = arith.constant 0 : i32
    %c0_i32_0 = arith.constant 0 : i32
    return %arg0, %c0_i32 : i32, i32
  }
  func.func @transform_2(%arg0: i32) -> i32 {
    %c0_i32 = arith.constant 0 : i32
    %c0_i32_0 = arith.constant 0 : i32
    return %c0_i32 : i32
  }
  func.func @transform_3(%arg0: i32) -> (i32, i32) {
    %c0_i32 = arith.constant 0 : i32
    %c0_i32_0 = arith.constant 0 : i32
    %c0_i32_1 = arith.constant 0 : i32
    return %c0_i32, %c0_i32_0 : i32, i32
  }
  func.func @transform_4(%arg0: i32) -> (i32, i32) {
    %c0_i32 = arith.constant 0 : i32
    %c0_i32_0 = arith.constant 0 : i32
    %c0_i32_1 = arith.constant 0 : i32
    return %c0_i32, %c0_i32_0 : i32, i32
  }
  func.func @transform_5(%arg0: i32) -> (i32, i32) {
    %c0_i32 = arith.constant 0 : i32
    %c0_i32_0 = arith.constant 0 : i32
    return %arg0, %c0_i32 : i32, i32
  }
}

</mosaic_0001>

<sc_bundles>
// kernel: kernel.10.cloned.1.call-start
scs
__scs_entry_jumppad:
0x0: {  	(pc) =	sbr.rel $0x88, $3  }
0x1: {  	(tag) =	ssettag $0x0;
	lr =	simm.s32 $0x1  }
0x2: {  	[smem:$0x3F96] =	sst lr;
	_ =	strace $0xD0000000  }
0x3: {  	_ = 	snop  }
0x4: {  	_ = 	snop  }
0x5: {  	_ = 	snop  }
0x6: {  	_ = 	snop  }
0x7: {  	_ = 	snop  }
__scs_overlays_trampoline_lowered:
0x8: {  	[smem:$0x3FA5] =	sst s0  }
0x9: {  	[smem:$0x3FA6] =	sst s1  }
0xa: {  	[smem:$0x3FA7] =	sst s2  }
0xb: {  	[smem:$0x3FA8] =	sst s3  }
0xc: {  	[smem:$0x3FA9] =	sst s4  }
0xd: {  	[smem:$0x3FAA] =	sst s5  }
0xe: {  	[smem:$0x3FAB] =	sst s6  }
0xf: {  	[smem:$0x3FAC] =	sst s7  }
0x10: {  	[smem:$0x3FAD] =	sst s8  }
0x11: {  	[smem:$0x3FAE] =	sst s9;
	s0 =	simm.s32 @!p0 $0x0  }
0x12: {  	s1 =	sld [smem:$0x3F94];
	s0 =	simm.s32 @p0 $0x1  }
0x13: {  	[smem:$0x3FAF] =	sst s0;
	s0 =	simm.s32 @!p1 $0x0  }
0x14: {  	s2 =	sld [smem:$0x3F93];
	s0 =	simm.s32 @p1 $0x1  }
0x15: {  	[smem:$0x3FB0] =	sst s0;
	s0 =	simm.s32 @!p2 $0x0  }
0x16: {  	s3 =	sld [smem:$0x3FDB];
	s0 =	simm.s32 @p2 $0x1  }
0x17: {  	s4 =	simm.s32 $0x1BF5;
	[smem:$0x3FB2] =	sst s0  }
0x18: {  	s0 =	sld [smem:$0x3F95];
	_ =	swait.ge [sflag:s4], $0x0  }
0x19: {  	s7 =	sld [smem:$0x3F96]  }
0x1a: {  	s8 =	sadd.s32 $0xFFFFE003, lr  }
0x1b: {  	s9 =	sadd.s32 $0xFFFFFEF7, lr;
	s5 =	simm.s32 $0xFFFFFFFF;
	p2 =	slt.u32 s8, $0xFFFFF086  }
0x1c: {  	p1 =	slt.u32 s9, $0xF7A;
	s5 =	simm.s32 @!p2 $0x0  }
0x1d: {  	s5 =	simm.s32 @p1 $0x1;
	p0 =	seq.s32 s7, s2  }
0x1e: {  	s7 =	smul.u32 @!p0 $0xF7A, s2;
	p2 =	seq.s32 @!p0 s5, $0x0  }
0x1f: {  	s9 =	smul.u32 $0xF7A, s1;
	s8 =	simm.s32 @!p0 $0x1BF5;
	p2 =	por !p2, p0  }
0x20: {  	[sflag:s8] =	ssyncset.s32 @!p0 $0xFFFFF086;
	s6 =	sadd.s32 @!p0 s3, s7;
	s7 =	simm.s32 @!p0 $0x108  }
0x21: {  	s3 =	sadd.s32 s3, s9;
	s6 =	sadd.s32 @!p0 $0x88, s6;
	s7 =	simm.s32 @p2 $0x1082  }
0x22: {  	[simem:s7], [sflag:s8] =	dma.local @!p0 [hbm:s6], $0xF7A  }
0x23: {  	s9 =	sor.u32 $0xD0000000, s2;
	s6 =	simm.s32 $0x108;
	_ =	swait.ge @!p0 [sflag:s8], $0x0  }
0x24: {  	s3 =	sadd.s32 $0x88, s3;
	s6 =	simm.s32 @!p1 $0x1082;
	[sflag:s4] =	ssyncset.s32 $0xFFFFF086  }
0x25: {  	[simem:s6], [sflag:s4] =	dma.local [hbm:s3], $0xF7A  }
0x26: {  	[smem:$0x3F96] =	sst s1;
	(tag) =	ssettag s2;
	_ =	strace s9  }
0x27: {  	s1 =	sld [smem:$0x3FA6]  }
0x28: {  	s2 =	sld [smem:$0x3FA7]  }
0x29: {  	s4 =	sld [smem:$0x3FA9]  }
0x2a: {  	p0 =	seq.s32 s5, $0x0;
	s5 =	sld [smem:$0x3FAA]  }
0x2b: {  	s6 =	sld [smem:$0x3FAB]  }
0x2c: {  	s7 =	sld [smem:$0x3FAC]  }
0x2d: {  	s3 =	simm.s32 $0x108;
	s8 =	sld [smem:$0x3FAD]  }
0x2e: {  	s3 =	simm.s32 @!p0 $0x1082;
	s9 =	sld [smem:$0x3FAE]  }
0x2f: {  	lr =	sadd.s32 s0, s3;
	s0 =	sld [smem:$0x3FA5]  }
0x30: {  	s3 =	sld [smem:$0x3FA8]  }
0x31: {  	[smem:$0x3FB1] =	sst s10  }
0x32: {  	s10 =	sld [smem:$0x3FAF];
	_ =	sdelay $0x3  }
0x33: {  	p0 =	seq.s32 s10, $0x1;
	s10 =	sld [smem:$0x3FB1];
	_ =	sdelay $0x3  }
0x34: {  	[smem:$0x3FB1] =	sst s10  }
0x35: {  	s10 =	sld [smem:$0x3FB0];
	_ =	sdelay $0x3  }
0x36: {  	p1 =	seq.s32 s10, $0x1;
	s10 =	sld [smem:$0x3FB1];
	_ =	sdelay $0x3  }
0x37: {  	[smem:$0x3FB1] =	sst s10  }
0x38: {  	s10 =	sld [smem:$0x3FB2]  }
0x39: {  	_ = 	snop;
	(pc) =	sbr.ind lr, $3  }
0x3a: {  	_ = 	snop  }
0x3b: {  	_ = 	snop  }
0x3c: {  	p2 =	seq.s32 s10, $0x1;
	s10 =	sld [smem:$0x3FB1]  }
0x3d: {  	_ =	shalt  }
0x3e: {  	_ =	shalt  }
0x3f: {  	_ =	shalt  }
0x40: {  	_ =	shalt  }
0x41: {  	_ =	shalt  }
0x42: {  	_ =	shalt  }
0x43: {  	_ =	shalt  }
0x44: {  	_ =	shalt  }
0x45: {  	_ =	shalt  }
0x46: {  	_ =	shalt  }
0x47: {  	_ =	shalt  }
0x48: {  	_ =	shalt  }
0x49: {  	_ =	shalt  }
0x4a: {  	_ =	shalt  }
0x4b: {  	_ =	shalt  }
0x4c: {  	_ =	shalt  }
0x4d: {  	_ =	shalt  }
0x4e: {  	_ =	shalt  }
0x4f: {  	_ =	shalt  }
0x50: {  	_ =	shalt  }
0x51: {  	_ =	shalt  }
0x52: {  	_ =	shalt  }
0x53: {  	_ =	shalt  }
0x54: {  	_ =	shalt  }
0x55: {  	_ =	shalt  }
0x56: {  	_ =	shalt  }
0x57: {  	_ =	shalt  }
0x58: {  	_ =	shalt  }
0x59: {  	_ =	shalt  }
0x5a: {  	_ =	shalt  }
0x5b: {  	_ =	shalt  }
0x5c: {  	_ =	shalt  }
0x5d: {  	_ =	shalt  }
0x5e: {  	_ =	shalt  }
0x5f: {  	_ =	shalt  }
0x60: {  	_ =	shalt  }
0x61: {  	_ =	shalt  }
0x62: {  	_ =	shalt  }
0x63: {  	_ =	shalt  }
0x64: {  	_ =	shalt  }
0x65: {  	_ =	shalt  }
0x66: {  	_ =	shalt  }
0x67: {  	_ =	shalt  }
0x68: {  	_ =	shalt  }
0x69: {  	_ =	shalt  }
0x6a: {  	_ =	shalt  }
0x6b: {  	_ =	shalt  }
0x6c: {  	_ =	shalt  }
0x6d: {  	_ =	shalt  }
0x6e: {  	_ =	shalt  }
0x6f: {  	_ =	shalt  }
0x70: {  	_ =	shalt  }
0x71: {  	_ =	shalt  }
0x72: {  	_ =	shalt  }
0x73: {  	_ =	shalt  }
0x74: {  	_ =	shalt  }
0x75: {  	_ =	shalt  }
0x76: {  	_ =	shalt  }
0x77: {  	_ =	shalt  }
0x78: {  	_ =	shalt  }
0x79: {  	_ =	shalt  }
0x7a: {  	_ =	shalt  }
0x7b: {  	_ =	shalt  }
0x7c: {  	_ =	shalt  }
0x7d: {  	_ =	shalt  }
0x7e: {  	_ =	shalt  }
0x7f: {  	_ =	shalt  }
0x80: {  	_ =	shalt  }
0x81: {  	_ =	shalt  }
0x82: {  	_ =	shalt  }
0x83: {  	_ =	shalt  }
0x84: {  	_ =	shalt  }
0x85: {  	_ =	shalt  }
0x86: {  	_ =	shalt  }
0x87: {  	_ =	shalt  }
.Lfunc_end0:
.L_simem_size_0:
called_computation_lowered:
.L_overlay_start_0:
0x88: {  	s2 =	sld [smem:$0x3FD9]  }
0x89: {  	s3 =	sld [smem:$0x3FFE];
	_ =	sdelay $0x1  }
0x8a: {  	s1 =	srdreg.scid  }
0x8b: {  	s0 =	sand.u32 $0x1, s1  }
0x8c: {  	s16 =	sshll.u32 s0, $0xA;
	s2 =	sadd.s32 s3, s2  }
0x8d: {  	s2 =	sadd.s32 s2, s16  }
0x8e: {  	[smem:$0x3FBD] =	sst s2  }
0x8f: {  	_ = 	snop  }
0x90: {  	(tm) =	ssettm $0x1  }
0x91: {  	s17 =	sld [smem:$0x3FFB];
	_ =	sdelay $0x3  }
0x92: {  	_ =	strace s17  }
0x93: {  	s2 =	sld [smem:$0x3FFC];
	_ =	sdelay $0x3  }
0x94: {  	_ =	strace s2  }
0x95: {  	s2 =	sld [smem:$0x3FFD];
	_ =	sdelay $0x3  }
0x96: {  	_ =	strace s2  }
0x97: {  	_ =	strace $0x8FFFFFFF  }
0x98: {  	s18 =	sld [smem:$0x3FDB];
	_ =	sdelay $0x1  }
0x99: {  	s19 =	simm.s32 $_scs_section_size  }
0x9a: {  	s4 =	simm.s32 $_size__tile_overlayer_lowered;
	s5 =	simm.s32 $_tile_overlayer_lowered  }
0x9b: {  	s22 =	simm.s32 $0x1BFF;
	s21 =	sshll.u32 s5, $0x1;
	s2 =	sadd.s32 s19, s18  }
0x9c: {  	s6 =	simm.s32 $0x0;
	s20 =	sshll.u32 s4, $0x1;
	s4 =	sadd.s32 s21, s2  }
0x9d: {  	[timem:s6], [sflag:s22] =	dma.local [hbm:s4], s20  }
0x9e: {  	_ =	swait.ge [sflag:s22], s20  }
0x9f: {  	s3 =	ssub.s32 $0x0, s20;
	[sflag:s22] =	ssyncset.done $0x0  }
0xa0: {  	[sflag:s22] =	ssyncadd.s32 s3;
	_ =	sdelay $0x1  }
0xa1: {  	s23 =	simm.s32 $0x1B8B  }
0xa2: {  	_ =	swait.ge [sflag:s23], $0x1  }
0xa3: {  	[sflag:s23] =	ssyncset.done $0x0  }
0xa4: {  	s25 =	simm.s32 $0x1B8E;
	s24 =	sld [smem:$0x3FFE];
	[sflag:s23] =	ssyncadd.s32 $0xFFFFFFFF  }
0xa5: {  	s26 =	simm.s32 $execute0_lowered;
	[smem:$0x3FD2] =	sst s25  }
0xa6: {  	s4 =	sshll.u32 s26, $0x1;
	_ =	strace $0x80000046;
	[dreg:$0x1] =	wrdreg $0xFFFFFFFF  }
0xa7: {  	s28 =	simm.s32 $_size_execute0_lowered;
	s2 =	sadd.s32 s2, s4;
	[dreg:$0x0] =	wrdreg $0x0  }
0xa8: {  	s4 =	sshll.u32 s28, $0x1;
	[dreg:$0x2] =	wrdreg s2  }
0xa9: {  	[dreg:$0x3] =	wrdreg s4  }
0xaa: {  	[dreg:$0x4] =	wrdreg $0xC0  }
0xab: {  	_ =	task [dreg:s6], $0x5FFFF  }
0xac: {  	[dreg:$0x1] =	wrdreg $0xFFFFFFFF  }
0xad: {  	[dreg:$0x0] =	wrdreg $0x60  }
0xae: {  	[dreg:$0x2] =	wrdreg s24  }
0xaf: {  	[dreg:$0x3] =	wrdreg $0x10C000  }
0xb0: {  	[dreg:$0x4] =	wrdreg $0x48000  }
0xb1: {  	[dreg:$0x5] =	wrdreg $0x9  }
0xb2: {  	_ =	task.clear_ibuf [dreg:s6], $0x6FFFF;
	_ =	strace $0x90000046  }
0xb3: {  	s29 =	simm.s32 $0x9;
	_ =	strace $0x80000048  }
0xb4: {  	_ =	swait.ge [sflag:s29], $0x1  }
0xb5: {  	[sflag:s29] =	ssyncadd.s32 $0xFFFFFFFF  }
0xb6: {  	_ =	strace $0x90000048  }
0xb7: {  	_ =	sfence  }
0xb8: {  	s30 =	sld [smem:$0x0];
	_ =	sdelay $0x2  }
0xb9: {  	s31 =	sshll.u32 s1, $0xD;
	s1 =	sshrl.u32 s1, $0x2  }
0xba: {  	s3 =	sand.u32 $0x4000, s31;
	s1 =	sadd.s32 s1, s30  }
0xbb: {  	s0 =	sor.u32 s3, s0;
	s1 =	sshll.u32 s1, $0x11  }
0xbc: {  	s0 =	sor.u32 s1, s0  }
0xbd: {  	s0 =	sadd.s32 $0x8F2B, s0  }
0xbe: {  	[sflag:s0] =	ssyncadd.remote.s32 $0x1  }
0xbf: {  	_ =	sfence.sel $0xFFFF  }
0xc0: {  	[dreg:$0x0] =	wrdreg $0xFFFFFFFF;
	(pc) =	sbr.abs _section_cstart, $3  }
0xc1: {  	[dreg:$0x1] =	wrdreg $0xFFFFFFFF  }
0xc2: {  	_ =	task.clear_ibuf [dreg:s6], $0x2FFFF;
	_ =	strace $0x9FFFFFFF  }
0xc3: {  	(tm) =	ssettm $0x7FFFFFFF  }
tec
execute0_lowered:
.L_overlay_start_1:
0x0: {  	(tag) =	ssettag $0x1  }
0x1: {  	s0 =	rddreg [dreg:$0x0]  }
0x2: {  	s2 =	rddreg [dreg:$0x1];
	s4 =	stileid.u32  }
0x3: {  	s1 =	srdreg.scid;
	s3 =	rddreg [dreg:$0x2]  }
0x4: {  	s6 =	simm.s32 $0x0;
	s5 =	simm.s32 $0x0;
	s28 =	simm.s32 $0x3800  }
0x5: {  	s29 =	simm.s32 $0x180;
	s7 =	smul.u32 $0xC380, s4;
	[dreg:$0x4] =	wrdreg s5  }
0x6: {  	s1 =	sand.u32 $0x1, s1;
	[smem:$0x7FF] =	sst s6;
	s13 =	smul.u32 $0x31000, s4  }
0x7: {  	s14 =	sadd.s32 $0xB7480, s2;
	s16 =	sadd.s32 $0x3EBC90, s0;
	s8 =	smul.u32 $0xC4000, s1  }
0x8: {  	_ =	strace $0x80000047;
	s11 =	ssub.s32 $0x2, s1;
	[dreg:$0x7] =	wrdreg s14  }
0x9: {  	p0 =	seq.s32 s1, $0x1;
	[dreg:$0x8] =	wrdreg s16;
	s10 =	sshrl.u32 s7, $0x3  }
0xa: {  	s12 =	sshrl.u32 s11, $0x1;
	s7 =	sadd.s32 s7, s2;
	s15 =	sshrl.u32 s13, $0x2  }
0xb: {  	s10 =	sadd.s32 s10, s0;
	[dreg:$0x5] =	wrdreg s7;
	s1 =	sadd.s32 s15, s3  }
0xc: {  	s11 =	ssub.s32 s11, s12;
	s12 =	sadd.s32 $0x3D4E00, s10;
	[dreg:$0xa] =	wrdreg s1  }
0xd: {  	s30 =	simm.s32 $0x4000;
	s17 =	sadd.s32 $0xC7600, s10;
	[dreg:$0x6] =	wrdreg s12  }
0xe: {  	s31 =	simm.s32 $0x1;
	s18 =	sadd.s32 $0xBC00, s1;
	[dreg:$0x9] =	wrdreg s17  }
0xf: {  	s9 =	smul.u32 $0xC400, s4;
	s21 =	smax.u32 s11, $0x1;
	[dreg:$0xc] =	wrdreg s18  }
0x10: {  	s5 =	sadd.s32 $0xF8E00, s0;
	s22 =	sadd.s32 $0x800, s1;
	[dreg:$0xe] =	wrdreg s21  }
0x11: {  	s6 =	sadd.s32 $0xDFE00, s0;
	s23 =	sadd.s32 $0x1000, s1;
	[dreg:$0xf] =	wrdreg s22  }
0x12: {  	s20 =	sadd.s32 s9, s3;
	s24 =	sadd.s32 $0x1800, s1;
	[dreg:$0x10] =	wrdreg s23  }
0x13: {  	s8 =	sadd.s32 s9, s8;
	s25 =	sadd.s32 $0x2000, s1;
	[dreg:$0x11] =	wrdreg s24  }
0x14: {  	s15 =	smul.u32 $0x190, s4;
	s26 =	sadd.s32 $0x2800, s1;
	[dreg:$0x12] =	wrdreg s25  }
0x15: {  	s9 =	stileid.u32;
	s7 =	sadd.s32 $0x3000, s1;
	[dreg:$0x13] =	wrdreg s26  }
0x16: {  	s8 =	sshrl.u32 s8, $0x3;
	s10 =	sadd.s32 $0x4000, s1;
	[dreg:$0x14] =	wrdreg s7  }
0x17: {  	p2 =	seq.s32 @p0 s9, $0xF;
	s11 =	sadd.s32 $0x4800, s1;
	[dreg:$0x17] =	wrdreg s10  }
0x18: {  	p4 =	seq.s32 @!p0 s9, $0xF;
	s13 =	sadd.s32 $0x5800, s1;
	[dreg:$0x18] =	wrdreg s11  }
0x19: {  	s14 =	sadd.s32 $0x6000, s1;
	s16 =	sadd.s32 $0x6800, s1;
	[dreg:$0x1a] =	wrdreg s13  }
0x1a: {  	s8 =	sadd.s32 s8, s0;
	s0 =	sadd.s32 $0xDE490, s0;
	[dreg:$0x1b] =	wrdreg s14  }
0x1b: {  	p1 =	por !p2, !p0;
	p2 =	por p2, !p0;
	[dreg:$0x1c] =	wrdreg s16  }
0x1c: {  	p3 =	por !p4, p0;
	s12 =	sadd.s32 $0x5000, s1;
	[dreg:$0xb] =	wrdreg s0  }
0x1d: {  	p4 =	por p4, p0;
	s17 =	sadd.s32 $0x7000, s1;
	[dreg:$0x19] =	wrdreg s12  }
0x1e: {  	s18 =	sadd.s32 $0x7800, s1;
	s21 =	sadd.s32 $0x9000, s1;
	[dreg:$0x1d] =	wrdreg s17  }
0x1f: {  	s22 =	sadd.s32 $0x9800, s1;
	s23 =	sadd.s32 $0xA000, s1;
	[dreg:$0x1e] =	wrdreg s18  }
0x20: {  	s24 =	sadd.s32 $0xA800, s1;
	s25 =	sadd.s32 $0xB000, s1;
	[smem:$0x7F8] =	sst s21  }
0x21: {  	s26 =	sadd.s32 $0xB800, s1;
	s10 =	simm.s32 $0x4;
	[smem:$0x7F9] =	sst s22  }
0x22: {  	s11 =	simm.s32 $0x5;
	s13 =	simm.s32 $0x6;
	[smem:$0x7FA] =	sst s23  }
0x23: {  	s14 =	simm.s32 $0x7;
	s16 =	simm.s32 $0x8;
	[smem:$0x7FB] =	sst s24  }
0x24: {  	s19 =	sadd.s32 $0x111E00, s8;
	s8 =	sadd.s32 $0x3800, s1;
	[smem:$0x7FC] =	sst s25  }
0x25: {  	s0 =	sshrl.u32 s20, $0x3;
	s20 =	sadd.s32 $0x8800, s1;
	[smem:$0x7FD] =	sst s26  }
0x26: {  	s21 =	simm.s32 $0x2800;
	s22 =	simm.s32 $0x9;
	s23 =	simm.s32 $0x1400  }
0x27: {  	s24 =	simm.s32 $0x80;
	s25 =	simm.s32 $0x3000;
	[dreg:$0xd] =	wrdreg s19  }
0x28: {  	s26 =	simm.s32 $0x100;
	s17 =	simm.s32 $0x2600;
	[dreg:$0x15] =	wrdreg s8  }
0x29: {  	s18 =	simm.s32 $0x2680;
	[dreg:$0x16] =	wrdreg s0;
	s19 =	sadd.s32 $0x8000, s1  }
0x2a: {  	[smem:$0x7F7] =	sst s20;
	s1 =	simm.s32 $0x2;
	s8 =	simm.s32 $0x3  }
0x2b: {  	v0 =	vimm.f32 $0.0e+00;
	s20 =	simm.s32 $0x2780;
	[dreg:$0x1f] =	wrdreg s19;
	s19 =	simm.s32 $0x2700  }
.LBB2_1:
0x2c: {  	s12 =	rddreg [dreg:$0x7]  }
0x2d: {  	s7 =	simm.s32 @!p1 $0x1FC9;
	s4 =	rddreg [dreg:$0xb];
	s0 =	sshrl.u32 @!p1 s12, $0x3  }
0x2e: {  	[spmem:s0], [sflag:s7] =	dma.local @!p1 [hbm:s4], $0x1810  }
0x2f: {  	s0 =	simm.s32 @!p1 $0x9  }
0x30: {  	_ =	swait.ge @!p1 [sflag:s0], $0x1810  }
0x31: {  	s7 =	sshll.u32 @!p2 s9, $0x6;
	s9 =	rddreg [dreg:$0x5]  }
0x32: {  	[sflag:s0] =	ssyncset.done @!p1 $0x0;
	s4 =	rddreg [dreg:$0x9]  }
0x33: {  	[sflag:s0] =	ssyncadd.s32 @!p1 $0xFFFFE7F0;
	s0 =	sor.u32 @!p2 $0x1C09, s7;
	s7 =	sshrl.u32 @!p2 s9, $0x3  }
0x34: {  	[spmem:s7], [sflag:s0] =	dma.local @!p2 [hbm:s4], $0x1870  }
0x35: {  	s0 =	simm.s32 @!p2 $0x9  }
0x36: {  	_ =	swait.ge @!p2 [sflag:s0], $0x1870  }
0x37: {  	s7 =	simm.s32 @!p3 $0x1FC9;
	[sflag:s0] =	ssyncset.done @!p2 $0x0  }
0x38: {  	[sflag:s0] =	ssyncadd.s32 @!p2 $0xFFFFE790;
	s0 =	sshrl.u32 @!p3 s12, $0x3;
	s12 =	rddreg [dreg:$0x8]  }
0x39: {  	[spmem:s0], [sflag:s7] =	dma.local @!p3 [hbm:s12], $0x1810  }
0x3a: {  	s0 =	simm.s32 @!p3 $0x9  }
0x3b: {  	s4 =	stileid.u32;
	_ =	swait.ge @!p3 [sflag:s0], $0x1810  }
0x3c: {  	s7 =	sshll.u32 @!p4 s4, $0x6;
	[sflag:s0] =	ssyncset.done @!p3 $0x0;
	s4 =	rddreg [dreg:$0x6]  }
0x3d: {  	[sflag:s0] =	ssyncadd.s32 @!p3 $0xFFFFE7F0;
	s0 =	sor.u32 @!p4 $0x1C09, s7;
	s7 =	sshrl.u32 @!p4 s9, $0x3  }
0x3e: {  	[spmem:s7], [sflag:s0] =	dma.local @!p4 [hbm:s4], $0x1870  }
0x3f: {  	s7 =	simm.s32 @!p4 $0x9  }
0x40: {  	s9 =	simm.s32 @!p1 $0x0;
	s0 =	simm.s32 @!p3 $0x0;
	_ =	swait.ge @!p4 [sflag:s7], $0x1870  }
0x41: {  	s9 =	simm.s32 @p1 $0x0;
	s0 =	simm.s32 @p3 $0x0;
	[sflag:s7] =	ssyncset.done @!p4 $0x0  }
0x42: {  	s0 =	smov.u32 @p0 s9;
	[sflag:s7] =	ssyncadd.s32 @!p4 $0xFFFFE790  }
.LBB2_2:
0x43: {  	p5 =	seq.s32 s0, $0x1FC0  }
.Ltmp0:
0x44: {  	_ = 	snop;
	(pc) =	sbr.rel @!p5 .LBB2_2-.Ltmp0, $3  }
0x45: {  	_ =	sdelay $0x1  }
0x46: {  	s7 =	sshra.s32 s0, $0x2  }
0x47: {  	s0 =	sadd.s32 $0x40, s0;
	[tilespmem:s7+$0x2800] =	vst v0  }
0x48: {  	s0 =	rddreg [dreg:$0xa]  }
0x49: {  	[spmem:s0] =	stream.linear.scatter [tilespmem:s21], [sflag:$0x9], $0x800, $0x38;
	[tilespmem:$0x1CF50] =	vst v63  }
0x4a: {  	_ =	swait.ge [sflag:s22], $0x800  }
0x4b: {  	[sflag:s22] =	ssyncset.done $0x0  }
0x4c: {  	s4 =	rddreg [dreg:$0xf];
	[sflag:s22] =	ssyncadd.s32 $0xFFFFF800  }
0x4d: {  	[spmem:s4] =	stream.linear.scatter [tilespmem:s21], [sflag:$0x9], $0x800, $0x38;
	[tilespmem:$0x1CF50] =	vst v63  }
0x4e: {  	_ =	swait.ge [sflag:s22], $0x800  }
0x4f: {  	[sflag:s22] =	ssyncset.done $0x0  }
0x50: {  	s7 =	rddreg [dreg:$0x10];
	[sflag:s22] =	ssyncadd.s32 $0xFFFFF800  }
0x51: {  	[spmem:s7] =	stream.linear.scatter [tilespmem:s21], [sflag:$0x9], $0x800, $0x38;
	[tilespmem:$0x1CF50] =	vst v63  }
0x52: {  	_ =	swait.ge [sflag:s22], $0x800  }
0x53: {  	[sflag:s22] =	ssyncset.done $0x0  }
0x54: {  	s9 =	rddreg [dreg:$0x11];
	[sflag:s22] =	ssyncadd.s32 $0xFFFFF800  }
0x55: {  	[spmem:s9] =	stream.linear.scatter [tilespmem:s21], [sflag:$0x9], $0x800, $0x38;
	[tilespmem:$0x1CF50] =	vst v63  }
0x56: {  	_ =	swait.ge [sflag:s22], $0x800  }
0x57: {  	[sflag:s22] =	ssyncset.done $0x0  }
0x58: {  	s12 =	rddreg [dreg:$0x12];
	[sflag:s22] =	ssyncadd.s32 $0xFFFFF800  }
0x59: {  	[spmem:s12] =	stream.linear.scatter [tilespmem:s21], [sflag:$0x9], $0x800, $0x38;
	[tilespmem:$0x1CF50] =	vst v63  }
0x5a: {  	_ =	swait.ge [sflag:s22], $0x800  }
0x5b: {  	[sflag:s22] =	ssyncset.done $0x0  }
0x5c: {  	s4 =	rddreg [dreg:$0x13];
	[sflag:s22] =	ssyncadd.s32 $0xFFFFF800  }
0x5d: {  	[spmem:s4] =	stream.linear.scatter [tilespmem:s21], [sflag:$0x9], $0x800, $0x38;
	[tilespmem:$0x1CF50] =	vst v63  }
0x5e: {  	_ =	swait.ge [sflag:s22], $0x800  }
0x5f: {  	[sflag:s22] =	ssyncset.done $0x0  }
0x60: {  	s7 =	rddreg [dreg:$0x14];
	[sflag:s22] =	ssyncadd.s32 $0xFFFFF800  }
0x61: {  	[spmem:s7] =	stream.linear.scatter [tilespmem:s21], [sflag:$0x9], $0x800, $0x38;
	[tilespmem:$0x1CF50] =	vst v63  }
0x62: {  	_ =	swait.ge [sflag:s22], $0x800  }
0x63: {  	[sflag:s22] =	ssyncset.done $0x0  }
0x64: {  	s9 =	rddreg [dreg:$0x15];
	[sflag:s22] =	ssyncadd.s32 $0xFFFFF800  }
0x65: {  	[spmem:s9] =	stream.linear.scatter [tilespmem:s21], [sflag:$0x9], $0x800, $0x38;
	[tilespmem:$0x1CF50] =	vst v63  }
0x66: {  	_ =	swait.ge [sflag:s22], $0x800  }
0x67: {  	[sflag:s22] =	ssyncset.done $0x0  }
0x68: {  	s12 =	rddreg [dreg:$0x17];
	[sflag:s22] =	ssyncadd.s32 $0xFFFFF800  }
0x69: {  	[spmem:s12] =	stream.linear.scatter [tilespmem:s21], [sflag:$0x9], $0x800, $0x38;
	[tilespmem:$0x1CF50] =	vst v63  }
0x6a: {  	_ =	swait.ge [sflag:s22], $0x800  }
0x6b: {  	[sflag:s22] =	ssyncset.done $0x0  }
0x6c: {  	s4 =	rddreg [dreg:$0x18];
	[sflag:s22] =	ssyncadd.s32 $0xFFFFF800  }
0x6d: {  	[spmem:s4] =	stream.linear.scatter [tilespmem:s21], [sflag:$0x9], $0x800, $0x38;
	[tilespmem:$0x1CF50] =	vst v63  }
0x6e: {  	_ =	swait.ge [sflag:s22], $0x800  }
0x6f: {  	[sflag:s22] =	ssyncset.done $0x0  }
0x70: {  	s7 =	rddreg [dreg:$0x19];
	[sflag:s22] =	ssyncadd.s32 $0xFFFFF800  }
0x71: {  	[spmem:s7] =	stream.linear.scatter [tilespmem:s21], [sflag:$0x9], $0x800, $0x38;
	[tilespmem:$0x1CF50] =	vst v63  }
0x72: {  	_ =	swait.ge [sflag:s22], $0x800  }
0x73: {  	[sflag:s22] =	ssyncset.done $0x0  }
0x74: {  	s9 =	rddreg [dreg:$0x1a];
	[sflag:s22] =	ssyncadd.s32 $0xFFFFF800  }
0x75: {  	[spmem:s9] =	stream.linear.scatter [tilespmem:s21], [sflag:$0x9], $0x800, $0x38;
	[tilespmem:$0x1CF50] =	vst v63  }
0x76: {  	_ =	swait.ge [sflag:s22], $0x800  }
0x77: {  	[sflag:s22] =	ssyncset.done $0x0  }
0x78: {  	s12 =	rddreg [dreg:$0x1b];
	[sflag:s22] =	ssyncadd.s32 $0xFFFFF800  }
0x79: {  	[spmem:s12] =	stream.linear.scatter [tilespmem:s21], [sflag:$0x9], $0x800, $0x38;
	[tilespmem:$0x1CF50] =	vst v63  }
0x7a: {  	_ =	swait.ge [sflag:s22], $0x800  }
0x7b: {  	[sflag:s22] =	ssyncset.done $0x0  }
0x7c: {  	s4 =	rddreg [dreg:$0x1c];
	[sflag:s22] =	ssyncadd.s32 $0xFFFFF800  }
0x7d: {  	[spmem:s4] =	stream.linear.scatter [tilespmem:s21], [sflag:$0x9], $0x800, $0x38;
	[tilespmem:$0x1CF50] =	vst v63  }
0x7e: {  	_ =	swait.ge [sflag:s22], $0x800  }
0x7f: {  	[sflag:s22] =	ssyncset.done $0x0  }
0x80: {  	s7 =	rddreg [dreg:$0x1d];
	[sflag:s22] =	ssyncadd.s32 $0xFFFFF800  }
0x81: {  	[spmem:s7] =	stream.linear.scatter [tilespmem:s21], [sflag:$0x9], $0x800, $0x38;
	[tilespmem:$0x1CF50] =	vst v63  }
0x82: {  	_ =	swait.ge [sflag:s22], $0x800  }
0x83: {  	[sflag:s22] =	ssyncset.done $0x0  }
0x84: {  	s9 =	rddreg [dreg:$0x1e];
	[sflag:s22] =	ssyncadd.s32 $0xFFFFF800  }
0x85: {  	[spmem:s9] =	stream.linear.scatter [tilespmem:s21], [sflag:$0x9], $0x800, $0x38;
	[tilespmem:$0x1CF50] =	vst v63  }
0x86: {  	_ =	swait.ge [sflag:s22], $0x800  }
0x87: {  	[sflag:s22] =	ssyncset.done $0x0  }
0x88: {  	s12 =	rddreg [dreg:$0x1f];
	[sflag:s22] =	ssyncadd.s32 $0xFFFFF800  }
0x89: {  	[spmem:s12] =	stream.linear.scatter [tilespmem:s21], [sflag:$0x9], $0x800, $0x38;
	[tilespmem:$0x1CF50] =	vst v63  }
0x8a: {  	_ =	swait.ge [sflag:s22], $0x800  }
0x8b: {  	s4 =	sld [smem:$0x7F7]  }
0x8c: {  	[sflag:s22] =	ssyncset.done $0x0  }
0x8d: {  	[sflag:s22] =	ssyncadd.s32 $0xFFFFF800  }
0x8e: {  	[spmem:s4] =	stream.linear.scatter [tilespmem:s21], [sflag:$0x9], $0x800, $0x38;
	[tilespmem:$0x1CF50] =	vst v63  }
0x8f: {  	_ =	swait.ge [sflag:s22], $0x800  }
0x90: {  	s7 =	sld [smem:$0x7F8]  }
0x91: {  	[sflag:s22] =	ssyncset.done $0x0  }
0x92: {  	[sflag:s22] =	ssyncadd.s32 $0xFFFFF800  }
0x93: {  	[spmem:s7] =	stream.linear.scatter [tilespmem:s21], [sflag:$0x9], $0x800, $0x38;
	[tilespmem:$0x1CF50] =	vst v63  }
0x94: {  	_ =	swait.ge [sflag:s22], $0x800  }
0x95: {  	s9 =	sld [smem:$0x7F9]  }
0x96: {  	[sflag:s22] =	ssyncset.done $0x0  }
0x97: {  	[sflag:s22] =	ssyncadd.s32 $0xFFFFF800  }
0x98: {  	[spmem:s9] =	stream.linear.scatter [tilespmem:s21], [sflag:$0x9], $0x800, $0x38;
	[tilespmem:$0x1CF50] =	vst v63  }
0x99: {  	_ =	swait.ge [sflag:s22], $0x800  }
0x9a: {  	s12 =	sld [smem:$0x7FA]  }
0x9b: {  	[sflag:s22] =	ssyncset.done $0x0  }
0x9c: {  	[sflag:s22] =	ssyncadd.s32 $0xFFFFF800  }
0x9d: {  	[spmem:s12] =	stream.linear.scatter [tilespmem:s21], [sflag:$0x9], $0x800, $0x38;
	[tilespmem:$0x1CF50] =	vst v63  }
0x9e: {  	_ =	swait.ge [sflag:s22], $0x800  }
0x9f: {  	s4 =	sld [smem:$0x7FB]  }
0xa0: {  	[sflag:s22] =	ssyncset.done $0x0  }
0xa1: {  	[sflag:s22] =	ssyncadd.s32 $0xFFFFF800  }
0xa2: {  	[spmem:s4] =	stream.linear.scatter [tilespmem:s21], [sflag:$0x9], $0x800, $0x38;
	[tilespmem:$0x1CF50] =	vst v63  }
0xa3: {  	_ =	swait.ge [sflag:s22], $0x800  }
0xa4: {  	s7 =	sld [smem:$0x7FC]  }
0xa5: {  	[sflag:s22] =	ssyncset.done $0x0  }
0xa6: {  	[sflag:s22] =	ssyncadd.s32 $0xFFFFF800  }
0xa7: {  	[spmem:s7] =	stream.linear.scatter [tilespmem:s21], [sflag:$0x9], $0x800, $0x38;
	[tilespmem:$0x1CF50] =	vst v63  }
0xa8: {  	_ =	swait.ge [sflag:s22], $0x800  }
0xa9: {  	s9 =	sld [smem:$0x7FD]  }
0xaa: {  	[sflag:s22] =	ssyncset.done $0x0  }
0xab: {  	[sflag:s22] =	ssyncadd.s32 $0xFFFFF800  }
0xac: {  	[spmem:s9] =	stream.linear.scatter [tilespmem:s21], [sflag:$0x9], $0x800, $0x38;
	[tilespmem:$0x1CF50] =	vst v63  }
0xad: {  	_ =	swait.ge [sflag:s22], $0x800  }
0xae: {  	[sflag:s22] =	ssyncset.done $0x0  }
0xaf: {  	s12 =	rddreg [dreg:$0xc];
	[sflag:s22] =	ssyncadd.s32 $0xFFFFF800  }
0xb0: {  	[spmem:s12] =	stream.linear.scatter [tilespmem:s21], [sflag:$0x9], $0x800, $0x38;
	[tilespmem:$0x1CF50] =	vst v63  }
0xb1: {  	_ =	swait.ge [sflag:s22], $0x800  }
0xb2: {  	[sflag:s22] =	ssyncset.done $0x0  }
0xb3: {  	[sflag:s22] =	ssyncadd.s32 $0xFFFFF800  }
0xb4: {  	s0 =	simm.s32 $0x0;
	s12 =	simm.s32 $0x0;
	[bflag:$0x0] =	sbarrier.arrive $0xFFFF  }
.LBB2_4:
0xb5: {  	s7 =	smul.u32 $0x28, s12;
	_ =	sdelay $0x1  }
0xb6: {  	s7 =	sadd.s32 s15, s7  }
0xb7: {  	s7 =	sshll.u32 s7, $0x4  }
0xb8: {  	s9 =	sadd.s32 s5, s7  }
0xb9: {  	[tilespmem:s0], [sflag:$0x9] =	stream.linear.gather [hbm4b:s9+s0], $0x1400, $0x38;
	[tilespmem:$0x1CF50] =	vst v63  }
0xba: {  	_ =	swait.ge [sflag:s22], $0x1400  }
0xbb: {  	[sflag:s22] =	ssyncset.done $0x0  }
0xbc: {  	s7 =	sadd.s32 s6, s7;
	[sflag:s22] =	ssyncadd.s32 $0xFFFFEC00  }
0xbd: {  	[tilespmem:s23], [sflag:$0x9] =	stream.linear.gather [hbm4b:s7+s0], $0x1400, $0x38;
	[tilespmem:$0x1CF50] =	vst v63  }
0xbe: {  	_ =	swait.ge [sflag:s22], $0x1400  }
0xbf: {  	[sflag:s22] =	ssyncset.done $0x0  }
0xc0: {  	[sflag:s22] =	ssyncadd.s32 $0xFFFFEC00  }
0xc1: {  	[tilespmem:s21], [sflag:$0x1] =	stream.indirect.gather [spmem:s2], $0x10, s0, s24, $0xb8;
	[tilespmem:$0x1CF50] =	vst v63  }
0xc2: {  	_ = 	snop  }
0xc3: {  	[tilespmem:s25], [sflag:$0x2] =	stream.indirect.gather [spmem:s2], $0x10, s24, s24, $0xb8;
	[tilespmem:$0x1CF50] =	vst v63  }
0xc4: {  	_ = 	snop  }
0xc5: {  	[tilespmem:s28], [sflag:$0x3] =	stream.indirect.gather [spmem:s2], $0x10, s26, s24, $0xb8;
	[tilespmem:$0x1CF50] =	vst v63  }
0xc6: {  	_ = 	snop  }
0xc7: {  	[tilespmem:s30], [sflag:$0x4] =	stream.indirect.gather [spmem:s2], $0x10, s29, s24, $0xb8;
	[tilespmem:$0x1CF50] =	vst v63  }
0xc8: {  	_ =	swait.ge [sflag:s31], $0x800  }
0xc9: {  	[sflag:s31] =	ssyncset.done $0x0  }
0xca: {  	s9 =	simm.s32 $0x1400;
	[sflag:s31] =	ssyncadd.s32 $0xFFFFF800  }
0xcb: {  	[spmem:s3] =	stream.indirect.scatter.add.f32 [tilespmem:s21], [sflag:$0x5], $0x10, s9, s24, $0xb8;
	[tilespmem:$0x1CF50] =	vst v63  }
0xcc: {  	_ =	swait.ge [sflag:s1], $0x800  }
0xcd: {  	[sflag:s1] =	ssyncset.done $0x0  }
0xce: {  	s4 =	simm.s32 $0x1480;
	[sflag:s1] =	ssyncadd.s32 $0xFFFFF800  }
0xcf: {  	[spmem:s3] =	stream.indirect.scatter.add.f32 [tilespmem:s25], [sflag:$0x6], $0x10, s4, s24, $0xb8;
	[tilespmem:$0x1CF50] =	vst v63  }
0xd0: {  	_ =	swait.ge [sflag:s8], $0x800  }
0xd1: {  	[sflag:s8] =	ssyncset.done $0x0  }
0xd2: {  	s9 =	simm.s32 $0x1500;
	[sflag:s8] =	ssyncadd.s32 $0xFFFFF800  }
0xd3: {  	[spmem:s3] =	stream.indirect.scatter.add.f32 [tilespmem:s28], [sflag:$0x7], $0x10, s9, s24, $0xb8;
	[tilespmem:$0x1CF50] =	vst v63  }
0xd4: {  	_ =	swait.ge [sflag:s10], $0x800  }
0xd5: {  	[sflag:s10] =	ssyncset.done $0x0  }
0xd6: {  	s4 =	simm.s32 $0x1580;
	[sflag:s10] =	ssyncadd.s32 $0xFFFFF800  }
0xd7: {  	[spmem:s3] =	stream.indirect.scatter.add.f32 [tilespmem:s30], [sflag:$0x8], $0x10, s4, s24, $0xb8;
	[tilespmem:$0x1CF50] =	vst v63  }
0xd8: {  	_ =	swait.ge [sflag:s11], $0x800  }
0xd9: {  	[sflag:s11] =	ssyncset.done $0x0  }
0xda: {  	s9 =	simm.s32 $0x200;
	[sflag:s11] =	ssyncadd.s32 $0xFFFFF800  }
0xdb: {  	[tilespmem:s21], [sflag:$0x1] =	stream.indirect.gather [spmem:s2], $0x10, s9, s24, $0xb8;
	[tilespmem:$0x1CF50] =	vst v63  }
0xdc: {  	_ =	swait.ge [sflag:s13], $0x800  }
0xdd: {  	[sflag:s13] =	ssyncset.done $0x0  }
0xde: {  	s4 =	simm.s32 $0x280;
	[sflag:s13] =	ssyncadd.s32 $0xFFFFF800  }
0xdf: {  	[tilespmem:s25], [sflag:$0x2] =	stream.indirect.gather [spmem:s2], $0x10, s4, s24, $0xb8;
	[tilespmem:$0x1CF50] =	vst v63  }
0xe0: {  	_ =	swait.ge [sflag:s14], $0x800  }
0xe1: {  	[sflag:s14] =	ssyncset.done $0x0  }
0xe2: {  	s9 =	simm.s32 $0x300;
	[sflag:s14] =	ssyncadd.s32 $0xFFFFF800  }
0xe3: {  	[tilespmem:s28], [sflag:$0x3] =	stream.indirect.gather [spmem:s2], $0x10, s9, s24, $0xb8;
	[tilespmem:$0x1CF50] =	vst v63  }
0xe4: {  	_ =	swait.ge [sflag:s16], $0x800  }
0xe5: {  	[sflag:s16] =	ssyncset.done $0x0  }
0xe6: {  	s7 =	simm.s32 $0x800;
	s9 =	simm.s32 $0x380;
	[sflag:s16] =	ssyncadd.s32 $0xFFFFF800  }
.LBB2_5:
0xe7: {  	[tilespmem:s30], [sflag:$0x4] =	stream.indirect.gather [spmem:s2], $0x10, s9, s24, $0xb8;
	[tilespmem:$0x1CF50] =	vst v63  }
0xe8: {  	s9 =	smov.u32 s7  }
0xe9: {  	p5 =	sne.s32 s7, $0x4000;
	s7 =	sadd.s32 $0x800, s7;
	_ =	swait.ge [sflag:s31], $0x800  }
0xea: {  	s9 =	sshra.s32 s9, $0x2;
	[sflag:s31] =	ssyncset.done $0x0  }
0xeb: {  	s4 =	sadd.s32 $0x1400, s9;
	[sflag:s31] =	ssyncadd.s32 $0xFFFFF800  }
0xec: {  	[spmem:s3] =	stream.indirect.scatter.add.f32 [tilespmem:s21], [sflag:$0x5], $0x10, s4, s24, $0xb8;
	[tilespmem:$0x1CF50] =	vst v63  }
0xed: {  	_ =	swait.ge [sflag:s1], $0x800  }
0xee: {  	[sflag:s1] =	ssyncset.done $0x0  }
0xef: {  	s4 =	sadd.s32 $0x1480, s9;
	[sflag:s1] =	ssyncadd.s32 $0xFFFFF800  }
0xf0: {  	[spmem:s3] =	stream.indirect.scatter.add.f32 [tilespmem:s25], [sflag:$0x6], $0x10, s4, s24, $0xb8;
	[tilespmem:$0x1CF50] =	vst v63  }
0xf1: {  	_ =	swait.ge [sflag:s8], $0x800  }
0xf2: {  	[sflag:s8] =	ssyncset.done $0x0  }
0xf3: {  	s4 =	sadd.s32 $0x1500, s9;
	[sflag:s8] =	ssyncadd.s32 $0xFFFFF800  }
0xf4: {  	[spmem:s3] =	stream.indirect.scatter.add.f32 [tilespmem:s28], [sflag:$0x7], $0x10, s4, s24, $0xb8;
	[tilespmem:$0x1CF50] =	vst v63  }
0xf5: {  	_ =	swait.ge [sflag:s10], $0x800  }
0xf6: {  	[sflag:s10] =	ssyncset.done $0x0  }
0xf7: {  	s4 =	sadd.s32 $0x1580, s9;
	[sflag:s10] =	ssyncadd.s32 $0xFFFFF800  }
0xf8: {  	[spmem:s3] =	stream.indirect.scatter.add.f32 [tilespmem:s30], [sflag:$0x8], $0x10, s4, s24, $0xb8;
	[tilespmem:$0x1CF50] =	vst v63  }
0xf9: {  	_ =	swait.ge [sflag:s11], $0x800  }
0xfa: {  	[sflag:s11] =	ssyncset.done $0x0  }
0xfb: {  	s4 =	sadd.s32 $0x200, s9;
	[sflag:s11] =	ssyncadd.s32 $0xFFFFF800  }
0xfc: {  	[tilespmem:s21], [sflag:$0x1] =	stream.indirect.gather [spmem:s2], $0x10, s4, s24, $0xb8;
	[tilespmem:$0x1CF50] =	vst v63  }
0xfd: {  	_ =	swait.ge [sflag:s13], $0x800  }
0xfe: {  	[sflag:s13] =	ssyncset.done $0x0  }
0xff: {  	s4 =	sadd.s32 $0x280, s9;
	[sflag:s13] =	ssyncadd.s32 $0xFFFFF800  }
0x100: {  	[tilespmem:s25], [sflag:$0x2] =	stream.indirect.gather [spmem:s2], $0x10, s4, s24, $0xb8;
	[tilespmem:$0x1CF50] =	vst v63  }
0x101: {  	_ =	swait.ge [sflag:s14], $0x800  }
0x102: {  	[sflag:s14] =	ssyncset.done $0x0  }
.Ltmp1:
0x103: {  	s4 =	sadd.s32 $0x300, s9;
	[sflag:s14] =	ssyncadd.s32 $0xFFFFF800;
	(pc) =	sbr.rel @p5 .LBB2_5-.Ltmp1, $4  }
0x104: {  	[tilespmem:s28], [sflag:$0x3] =	stream.indirect.gather [spmem:s2], $0x10, s4, s24, $0xb8;
	[tilespmem:$0x1CF50] =	vst v63  }
0x105: {  	_ =	swait.ge [sflag:s16], $0x800  }
0x106: {  	[sflag:s16] =	ssyncset.done $0x0  }
0x107: {  	s9 =	sadd.s32 $0x380, s9;
	[sflag:s16] =	ssyncadd.s32 $0xFFFFF800  }
0x108: {  	[tilespmem:s30], [sflag:$0x4] =	stream.indirect.gather [spmem:s2], $0x10, s9, s24, $0xb8;
	[tilespmem:$0x1CF50] =	vst v63  }
0x109: {  	_ =	swait.ge [sflag:s31], $0x800  }
0x10a: {  	[sflag:s31] =	ssyncset.done $0x0  }
0x10b: {  	[sflag:s31] =	ssyncadd.s32 $0xFFFFF800  }
0x10c: {  	[spmem:s3] =	stream.indirect.scatter.add.f32 [tilespmem:s21], [sflag:$0x5], $0x10, s17, s24, $0xb8;
	[tilespmem:$0x1CF50] =	vst v63  }
0x10d: {  	_ =	swait.ge [sflag:s1], $0x800  }
0x10e: {  	[sflag:s1] =	ssyncset.done $0x0  }
0x10f: {  	[sflag:s1] =	ssyncadd.s32 $0xFFFFF800  }
0x110: {  	[spmem:s3] =	stream.indirect.scatter.add.f32 [tilespmem:s25], [sflag:$0x6], $0x10, s18, s24, $0xb8;
	[tilespmem:$0x1CF50] =	vst v63  }
0x111: {  	_ =	swait.ge [sflag:s8], $0x800  }
0x112: {  	[sflag:s8] =	ssyncset.done $0x0  }
0x113: {  	[sflag:s8] =	ssyncadd.s32 $0xFFFFF800  }
0x114: {  	[spmem:s3] =	stream.indirect.scatter.add.f32 [tilespmem:s28], [sflag:$0x7], $0x10, s19, s24, $0xb8;
	[tilespmem:$0x1CF50] =	vst v63  }
0x115: {  	_ =	swait.ge [sflag:s10], $0x800  }
0x116: {  	[sflag:s10] =	ssyncset.done $0x0  }
0x117: {  	[sflag:s10] =	ssyncadd.s32 $0xFFFFF800  }
0x118: {  	[spmem:s3] =	stream.indirect.scatter.add.f32 [tilespmem:s30], [sflag:$0x8], $0x10, s20, s24, $0xb8;
	[tilespmem:$0x1CF50] =	vst v63  }
0x119: {  	_ =	swait.ge [sflag:s11], $0x800  }
0x11a: {  	[sflag:s11] =	ssyncset.done $0x0  }
0x11b: {  	[sflag:s11] =	ssyncadd.s32 $0xFFFFF800  }
0x11c: {  	_ =	swait.ge [sflag:s13], $0x800  }
0x11d: {  	[sflag:s13] =	ssyncset.done $0x0  }
0x11e: {  	s12 =	sadd.s32 $0x1, s12;
	[sflag:s13] =	ssyncadd.s32 $0xFFFFF800  }
0x11f: {  	p5 =	sne.s32 s12, $0xA;
	_ =	swait.ge [sflag:s14], $0x800  }
.Ltmp2:
0x120: {  	[sflag:s14] =	ssyncset.done $0x0;
	(pc) =	sbr.rel @p5 .LBB2_4-.Ltmp2, $4  }
0x121: {  	[sflag:s14] =	ssyncadd.s32 $0xFFFFF800  }
0x122: {  	_ =	swait.ge [sflag:s16], $0x800  }
0x123: {  	[sflag:s16] =	ssyncset.done $0x0  }
0x124: {  	[sflag:s16] =	ssyncadd.s32 $0xFFFFF800  }
0x125: {  	s9 =	stileid.u32;
	[bflag:$0x0] =	sbarrier.arrive $0xFFFF  }
0x126: {  	s0 =	sshll.u32 s9, $0x6;
	s4 =	rddreg [dreg:$0xd]  }
0x127: {  	s7 =	rddreg [dreg:$0x16];
	s0 =	sor.u32 $0x1C09, s0  }
0x128: {  	[hbm:s4], [sflag:s0] =	dma.local [spmem:s7], $0x1880  }
0x129: {  	_ =	swait.ge [sflag:s22], $0x1880  }
0x12a: {  	s7 =	rddreg [dreg:$0x4]  }
0x12b: {  	s12 =	rddreg [dreg:$0xe];
	s0 =	sadd.s32 $0x1, s7  }
0x12c: {  	p5 =	sne.s32 s0, s12  }
.Ltmp3:
0x12d: {  	_ = 	snop;
	(pc) =	sbr.rel @p5 .LBB2_1-.Ltmp3, $3  }
0x12e: {  	_ =	sdelay $0x1  }
0x12f: {  	[sflag:s22] =	ssyncset.done $0x0  }
0x130: {  	[sflag:s22] =	ssyncadd.s32 $0xFFFFE780;
	[dreg:$0x4] =	wrdreg s0  }
0x131: {  	_ =	sfence.sel $0x180000  }
0x132: {  	[bflag:$0x0] =	sbarrier.arrive $0xFFFF  }
0x133: {  	_ =	strace $0x90000047  }
0x134: {  	[bflag:$0x2] =	sbarrier.arrive $0xFFFF  }
0x135: {  	p0 =	sne.s32 s9, $0x0;
	s0 =	rddreg [dreg:$0x3]  }
0x136: {  	s0 =	sadd.s32 @!p0 $0x100000, s0  }
0x137: {  	[sflag:s0] =	ssyncadd.tile.s32 @!p0 $0x1;
	_ =	shalt  }
.Lfunc_end2:
_tile_overlayer_lowered:
.L_overlay_start_2:
0x138: {  	(tag) =	ssettag $0x2  }
0x139: {  	s0 =	rddreg [dreg:$0x0];
	s2 =	stileid.u32  }
0x13a: {  	s1 =	rddreg [dreg:$0x1];
	p0 =	sne.s32 s2, $0x0  }
0x13b: {  	s3 =	rddreg [dreg:$0x2];
	[bflag:$0x3] =	sbarrier.arrive $0xFFFF;
	s2 =	simm.s32 @!p0 $0x1C09  }
0x13c: {  	[timem:s3], [sflag:s2] =	dma.local @!p0 [hbm:s0], s1  }
0x13d: {  	s0 =	simm.s32 @!p0 $0x9  }
0x13e: {  	_ =	swait.ge @!p0 [sflag:s0], s1  }
0x13f: {  	s1 =	ssub.s32 @!p0 $0x0, s1;
	[sflag:s0] =	ssyncset.done @!p0 $0x0  }
0x140: {  	[sflag:s0] =	ssyncadd.s32 @!p0 s1  }
0x141: {  	[bflag:$0x3] =	sbarrier.arrive $0xFFFF  }
0x142: {  	_ =	shalt  }

// kernel: kernel.13.cloned.1.call-start
scs
__scs_entry_jumppad:
0x0: {  	(pc) =	sbr.rel $0x88, $3  }
0x1: {  	(tag) =	ssettag $0x0;
	lr =	simm.s32 $0x1  }
0x2: {  	[smem:$0x3F96] =	sst lr;
	_ =	strace $0xD0000000  }
0x3: {  	_ = 	snop  }
0x4: {  	_ = 	snop  }
0x5: {  	_ = 	snop  }
0x6: {  	_ = 	snop  }
0x7: {  	_ = 	snop  }
__scs_overlays_trampoline_lowered:
0x8: {  	[smem:$0x3FA5] =	sst s0  }
0x9: {  	[smem:$0x3FA6] =	sst s1  }
0xa: {  	[smem:$0x3FA7] =	sst s2  }
0xb: {  	[smem:$0x3FA8] =	sst s3  }
0xc: {  	[smem:$0x3FA9] =	sst s4  }
0xd: {  	[smem:$0x3FAA] =	sst s5  }
0xe: {  	[smem:$0x3FAB] =	sst s6  }
0xf: {  	[smem:$0x3FAC] =	sst s7  }
0x10: {  	[smem:$0x3FAD] =	sst s8  }
0x11: {  	[smem:$0x3FAE] =	sst s9;
	s0 =	simm.s32 @!p0 $0x0  }
0x12: {  	s1 =	sld [smem:$0x3F94];
	s0 =	simm.s32 @p0 $0x1  }
0x13: {  	[smem:$0x3FAF] =	sst s0;
	s0 =	simm.s32 @!p1 $0x0  }
0x14: {  	s2 =	sld [smem:$0x3F93];
	s0 =	simm.s32 @p1 $0x1  }
0x15: {  	[smem:$0x3FB0] =	sst s0;
	s0 =	simm.s32 @!p2 $0x0  }
0x16: {  	s3 =	sld [smem:$0x3FDB];
	s0 =	simm.s32 @p2 $0x1  }
0x17: {  	s4 =	simm.s32 $0x1BF5;
	[smem:$0x3FB2] =	sst s0  }
0x18: {  	s0 =	sld [smem:$0x3F95];
	_ =	swait.ge [sflag:s4], $0x0  }
0x19: {  	s7 =	sld [smem:$0x3F96]  }
0x1a: {  	s8 =	sadd.s32 $0xFFFFE003, lr  }
0x1b: {  	s9 =	sadd.s32 $0xFFFFFEF7, lr;
	s5 =	simm.s32 $0xFFFFFFFF;
	p2 =	slt.u32 s8, $0xFFFFF086  }
0x1c: {  	p1 =	slt.u32 s9, $0xF7A;
	s5 =	simm.s32 @!p2 $0x0  }
0x1d: {  	s5 =	simm.s32 @p1 $0x1;
	p0 =	seq.s32 s7, s2  }
0x1e: {  	s7 =	smul.u32 @!p0 $0xF7A, s2;
	p2 =	seq.s32 @!p0 s5, $0x0  }
0x1f: {  	s9 =	smul.u32 $0xF7A, s1;
	s8 =	simm.s32 @!p0 $0x1BF5;
	p2 =	por !p2, p0  }
0x20: {  	[sflag:s8] =	ssyncset.s32 @!p0 $0xFFFFF086;
	s6 =	sadd.s32 @!p0 s3, s7;
	s7 =	simm.s32 @!p0 $0x108  }
0x21: {  	s3 =	sadd.s32 s3, s9;
	s6 =	sadd.s32 @!p0 $0x88, s6;
	s7 =	simm.s32 @p2 $0x1082  }
0x22: {  	[simem:s7], [sflag:s8] =	dma.local @!p0 [hbm:s6], $0xF7A  }
0x23: {  	s9 =	sor.u32 $0xD0000000, s2;
	s6 =	simm.s32 $0x108;
	_ =	swait.ge @!p0 [sflag:s8], $0x0  }
0x24: {  	s3 =	sadd.s32 $0x88, s3;
	s6 =	simm.s32 @!p1 $0x1082;
	[sflag:s4] =	ssyncset.s32 $0xFFFFF086  }
0x25: {  	[simem:s6], [sflag:s4] =	dma.local [hbm:s3], $0xF7A  }
0x26: {  	[smem:$0x3F96] =	sst s1;
	(tag) =	ssettag s2;
	_ =	strace s9  }
0x27: {  	s1 =	sld [smem:$0x3FA6]  }
0x28: {  	s2 =	sld [smem:$0x3FA7]  }
0x29: {  	s4 =	sld [smem:$0x3FA9]  }
0x2a: {  	p0 =	seq.s32 s5, $0x0;
	s5 =	sld [smem:$0x3FAA]  }
0x2b: {  	s6 =	sld [smem:$0x3FAB]  }
0x2c: {  	s7 =	sld [smem:$0x3FAC]  }
0x2d: {  	s3 =	simm.s32 $0x108;
	s8 =	sld [smem:$0x3FAD]  }
0x2e: {  	s3 =	simm.s32 @!p0 $0x1082;
	s9 =	sld [smem:$0x3FAE]  }
0x2f: {  	lr =	sadd.s32 s0, s3;
	s0 =	sld [smem:$0x3FA5]  }
0x30: {  	s3 =	sld [smem:$0x3FA8]  }
0x31: {  	[smem:$0x3FB1] =	sst s10  }
0x32: {  	s10 =	sld [smem:$0x3FAF];
	_ =	sdelay $0x3  }
0x33: {  	p0 =	seq.s32 s10, $0x1;
	s10 =	sld [smem:$0x3FB1];
	_ =	sdelay $0x3  }
0x34: {  	[smem:$0x3FB1] =	sst s10  }
0x35: {  	s10 =	sld [smem:$0x3FB0];
	_ =	sdelay $0x3  }
0x36: {  	p1 =	seq.s32 s10, $0x1;
	s10 =	sld [smem:$0x3FB1];
	_ =	sdelay $0x3  }
0x37: {  	[smem:$0x3FB1] =	sst s10  }
0x38: {  	s10 =	sld [smem:$0x3FB2]  }
0x39: {  	_ = 	snop;
	(pc) =	sbr.ind lr, $3  }
0x3a: {  	_ = 	snop  }
0x3b: {  	_ = 	snop  }
0x3c: {  	p2 =	seq.s32 s10, $0x1;
	s10 =	sld [smem:$0x3FB1]  }
0x3d: {  	_ =	shalt  }
0x3e: {  	_ =	shalt  }
0x3f: {  	_ =	shalt  }
0x40: {  	_ =	shalt  }
0x41: {  	_ =	shalt  }
0x42: {  	_ =	shalt  }
0x43: {  	_ =	shalt  }
0x44: {  	_ =	shalt  }
0x45: {  	_ =	shalt  }
0x46: {  	_ =	shalt  }
0x47: {  	_ =	shalt  }
0x48: {  	_ =	shalt  }
0x49: {  	_ =	shalt  }
0x4a: {  	_ =	shalt  }
0x4b: {  	_ =	shalt  }
0x4c: {  	_ =	shalt  }
0x4d: {  	_ =	shalt  }
0x4e: {  	_ =	shalt  }
0x4f: {  	_ =	shalt  }
0x50: {  	_ =	shalt  }
0x51: {  	_ =	shalt  }
0x52: {  	_ =	shalt  }
0x53: {  	_ =	shalt  }
0x54: {  	_ =	shalt  }
0x55: {  	_ =	shalt  }
0x56: {  	_ =	shalt  }
0x57: {  	_ =	shalt  }
0x58: {  	_ =	shalt  }
0x59: {  	_ =	shalt  }
0x5a: {  	_ =	shalt  }
0x5b: {  	_ =	shalt  }
0x5c: {  	_ =	shalt  }
0x5d: {  	_ =	shalt  }
0x5e: {  	_ =	shalt  }
0x5f: {  	_ =	shalt  }
0x60: {  	_ =	shalt  }
0x61: {  	_ =	shalt  }
0x62: {  	_ =	shalt  }
0x63: {  	_ =	shalt  }
0x64: {  	_ =	shalt  }
0x65: {  	_ =	shalt  }
0x66: {  	_ =	shalt  }
0x67: {  	_ =	shalt  }
0x68: {  	_ =	shalt  }
0x69: {  	_ =	shalt  }
0x6a: {  	_ =	shalt  }
0x6b: {  	_ =	shalt  }
0x6c: {  	_ =	shalt  }
0x6d: {  	_ =	shalt  }
0x6e: {  	_ =	shalt  }
0x6f: {  	_ =	shalt  }
0x70: {  	_ =	shalt  }
0x71: {  	_ =	shalt  }
0x72: {  	_ =	shalt  }
0x73: {  	_ =	shalt  }
0x74: {  	_ =	shalt  }
0x75: {  	_ =	shalt  }
0x76: {  	_ =	shalt  }
0x77: {  	_ =	shalt  }
0x78: {  	_ =	shalt  }
0x79: {  	_ =	shalt  }
0x7a: {  	_ =	shalt  }
0x7b: {  	_ =	shalt  }
0x7c: {  	_ =	shalt  }
0x7d: {  	_ =	shalt  }
0x7e: {  	_ =	shalt  }
0x7f: {  	_ =	shalt  }
0x80: {  	_ =	shalt  }
0x81: {  	_ =	shalt  }
0x82: {  	_ =	shalt  }
0x83: {  	_ =	shalt  }
0x84: {  	_ =	shalt  }
0x85: {  	_ =	shalt  }
0x86: {  	_ =	shalt  }
0x87: {  	_ =	shalt  }
.Lfunc_end0:
.L_simem_size_0:
called_computation.1_lowered:
.L_overlay_start_0:
0x88: {  	s2 =	sld [smem:$0x3FD9]  }
0x89: {  	s3 =	sld [smem:$0x3FFE];
	_ =	sdelay $0x1  }
0x8a: {  	s1 =	srdreg.scid  }
0x8b: {  	s0 =	sand.u32 $0x1, s1  }
0x8c: {  	s17 =	sshll.u32 s0, $0xA;
	s2 =	sadd.s32 s3, s2  }
0x8d: {  	s2 =	sadd.s32 s2, s17  }
0x8e: {  	[smem:$0x3FBD] =	sst s2  }
0x8f: {  	_ = 	snop  }
0x90: {  	(tm) =	ssettm $0x1  }
0x91: {  	s18 =	sld [smem:$0x3FFB];
	_ =	sdelay $0x3  }
0x92: {  	_ =	strace s18  }
0x93: {  	s2 =	sld [smem:$0x3FFC];
	_ =	sdelay $0x3  }
0x94: {  	_ =	strace s2  }
0x95: {  	s2 =	sld [smem:$0x3FFD];
	_ =	sdelay $0x3  }
0x96: {  	_ =	strace s2  }
0x97: {  	_ =	strace $0x8FFFFFFF  }
0x98: {  	s19 =	sld [smem:$0x3FDB];
	_ =	sdelay $0x1  }
0x99: {  	s20 =	simm.s32 $_scs_section_size  }
0x9a: {  	s4 =	simm.s32 $_size__tile_overlayer_lowered;
	s5 =	simm.s32 $_tile_overlayer_lowered  }
0x9b: {  	s6 =	simm.s32 $0x1BFF;
	s21 =	sshll.u32 s5, $0x1;
	s3 =	sadd.s32 s20, s19  }
0x9c: {  	s22 =	simm.s32 $0x0;
	s4 =	sshll.u32 s4, $0x1;
	s5 =	sadd.s32 s21, s3  }
0x9d: {  	[timem:s22], [sflag:s6] =	dma.local [hbm:s5], s4  }
0x9e: {  	_ =	swait.ge [sflag:s6], s4  }
0x9f: {  	s4 =	ssub.s32 $0x0, s4;
	[sflag:s6] =	ssyncset.done $0x0  }
0xa0: {  	[sflag:s6] =	ssyncadd.s32 s4;
	_ =	sdelay $0x1  }
0xa1: {  	s23 =	simm.s32 $0x1B8B  }
0xa2: {  	_ =	swait.ge [sflag:s23], $0x1  }
0xa3: {  	[sflag:s23] =	ssyncset.done $0x0  }
0xa4: {  	[sflag:s23] =	ssyncadd.s32 $0xFFFFFFFF  }
0xa5: {  	s4 =	sld [smem:$0x0]  }
0xa6: {  	s5 =	sand.u32 $0xFFFFFFFE, s1  }
0xa7: {  	p0 =	sne.s32 s1, s5  }
0xa8: {  	s5 =	sshll.u32 @p0 s5, $0xE  }
0xa9: {  	s5 =	sadd.s32 @p0 $0x11B8D, s5;
	s6 =	sshll.u32 @p0 s4, $0x11  }
0xaa: {  	s5 =	sor.u32 @p0 s6, s5  }
0xab: {  	[sflag:s5] =	ssyncadd.remote.s32 @p0 $0x1;
	_ =	sdelay $0x1  }
0xac: {  	s5 =	simm.s32 @p0 $0x1B8D  }
0xad: {  	_ =	swait.eq @p0 [sflag:s5], $0x1  }
0xae: {  	[sflag:s5] =	ssyncadd.s32 @p0 $0xFFFFFFFF  }
0xaf: {  	s6 =	sshll.u32 @!p0 s1, $0xE  }
0xb0: {  	s6 =	sor.u32 @!p0 $0x4000, s6;
	s5 =	simm.s32 @!p0 $0x1B8D  }
0xb1: {  	s4 =	sshll.u32 @!p0 s4, $0x11;
	s6 =	sadd.s32 @!p0 $0x11B8D, s6;
	_ =	swait.eq @!p0 [sflag:s5], $0x1  }
0xb2: {  	s4 =	sor.u32 @!p0 s4, s6;
	[sflag:s5] =	ssyncadd.s32 @!p0 $0xFFFFFFFF  }
0xb3: {  	s25 =	simm.s32 $0x1B8E;
	s24 =	sld [smem:$0x3FFE];
	[sflag:s4] =	ssyncadd.remote.s32 @!p0 $0x1  }
0xb4: {  	s26 =	simm.s32 $execute0_lowered;
	[smem:$0x3FD2] =	sst s25  }
0xb5: {  	s5 =	sshll.u32 s26, $0x1;
	_ =	strace $0x80000049;
	[dreg:$0x1] =	wrdreg $0xFFFFFFFF  }
0xb6: {  	s28 =	simm.s32 $_size_execute0_lowered;
	s3 =	sadd.s32 s3, s5;
	[dreg:$0x0] =	wrdreg $0x0  }
0xb7: {  	s5 =	sshll.u32 s28, $0x1;
	[dreg:$0x2] =	wrdreg s3  }
0xb8: {  	[dreg:$0x3] =	wrdreg s5  }
0xb9: {  	[dreg:$0x4] =	wrdreg $0xC0  }
0xba: {  	_ =	task [dreg:s22], $0x5FFFF  }
0xbb: {  	[dreg:$0x1] =	wrdreg $0xFFFFFFFF  }
0xbc: {  	[dreg:$0x0] =	wrdreg $0x60  }
0xbd: {  	[dreg:$0x2] =	wrdreg s24  }
0xbe: {  	[dreg:$0x3] =	wrdreg $0x10C000  }
0xbf: {  	[dreg:$0x4] =	wrdreg $0x48000  }
0xc0: {  	[dreg:$0x5] =	wrdreg $0xA  }
0xc1: {  	_ =	task.clear_ibuf [dreg:s22], $0x6FFFF;
	_ =	strace $0x90000049  }
0xc2: {  	s29 =	simm.s32 $0xA;
	_ =	strace $0x8000004B  }
0xc3: {  	_ =	swait.ge [sflag:s29], $0x1  }
0xc4: {  	[sflag:s29] =	ssyncadd.s32 $0xFFFFFFFF  }
0xc5: {  	_ =	strace $0x9000004B  }
0xc6: {  	_ =	sfence  }
0xc7: {  	s30 =	sld [smem:$0x0];
	_ =	sdelay $0x2  }
0xc8: {  	s31 =	sshll.u32 s1, $0xD;
	s1 =	sshrl.u32 s1, $0x2  }
0xc9: {  	s4 =	sand.u32 $0x4000, s31;
	s1 =	sadd.s32 s1, s30  }
0xca: {  	s0 =	sor.u32 s4, s0;
	s1 =	sshll.u32 s1, $0x11  }
0xcb: {  	s0 =	sor.u32 s1, s0  }
0xcc: {  	s0 =	sadd.s32 $0x8F2B, s0  }
0xcd: {  	[sflag:s0] =	ssyncadd.remote.s32 $0x1  }
0xce: {  	_ =	sfence.sel $0xFFFF  }
0xcf: {  	[dreg:$0x0] =	wrdreg $0xFFFFFFFF;
	(pc) =	sbr.abs _section_cstart, $3  }
0xd0: {  	[dreg:$0x1] =	wrdreg $0xFFFFFFFF  }
0xd1: {  	_ =	task.clear_ibuf [dreg:s22], $0x2FFFF;
	_ =	strace $0x9FFFFFFF  }
0xd2: {  	(tm) =	ssettm $0x7FFFFFFF  }
0xd3: {  	_ =	shalt  }
tec
execute0_lowered:
.L_overlay_start_1:
0x0: {  	(tag) =	ssettag $0x1  }
0x1: {  	s0 =	rddreg [dreg:$0x0]  }
0x2: {  	s2 =	rddreg [dreg:$0x1];
	s4 =	stileid.u32  }
0x3: {  	s1 =	srdreg.scid;
	s3 =	rddreg [dreg:$0x2]  }
0x4: {  	s6 =	simm.s32 $0x0;
	s5 =	simm.s32 $0x0;
	s28 =	simm.s32 $0x3800  }
0x5: {  	s29 =	simm.s32 $0x180;
	s7 =	smul.u32 $0xC380, s4;
	[dreg:$0x4] =	wrdreg s5  }
0x6: {  	s1 =	sand.u32 $0x1, s1;
	[smem:$0x7FF] =	sst s6;
	s13 =	smul.u32 $0x31000, s4  }
0x7: {  	s14 =	sadd.s32 $0xB7480, s2;
	s16 =	sadd.s32 $0x159C90, s0;
	s8 =	smul.u32 $0xC4000, s1  }
0x8: {  	_ =	strace $0x8000004A;
	s11 =	ssub.s32 $0x2, s1;
	[dreg:$0x7] =	wrdreg s14  }
0x9: {  	p0 =	seq.s32 s1, $0x1;
	[dreg:$0x8] =	wrdreg s16;
	s10 =	sshrl.u32 s7, $0x3  }
0xa: {  	s12 =	sshrl.u32 s11, $0x1;
	s7 =	sadd.s32 s7, s2;
	s15 =	sshrl.u32 s13, $0x2  }
0xb: {  	s10 =	sadd.s32 s10, s0;
	[dreg:$0x5] =	wrdreg s7;
	s1 =	sadd.s32 s15, s3  }
0xc: {  	s11 =	ssub.s32 s11, s12;
	s12 =	sadd.s32 $0x142E00, s10;
	[dreg:$0xa] =	wrdreg s1  }
0xd: {  	s30 =	simm.s32 $0x4000;
	s17 =	sadd.s32 $0x15B600, s10;
	[dreg:$0x6] =	wrdreg s12  }
0xe: {  	s31 =	simm.s32 $0x1;
	s18 =	sadd.s32 $0xBC00, s1;
	[dreg:$0x9] =	wrdreg s17  }
0xf: {  	s9 =	smul.u32 $0xC400, s4;
	s21 =	smax.u32 s11, $0x1;
	[dreg:$0xc] =	wrdreg s18  }
0x10: {  	s5 =	sadd.s32 $0xF8E00, s0;
	s22 =	sadd.s32 $0x800, s1;
	[dreg:$0xe] =	wrdreg s21  }
0x11: {  	s6 =	sadd.s32 $0xDFE00, s0;
	s23 =	sadd.s32 $0x1000, s1;
	[dreg:$0xf] =	wrdreg s22  }
0x12: {  	s20 =	sadd.s32 s9, s3;
	s24 =	sadd.s32 $0x1800, s1;
	[dreg:$0x10] =	wrdreg s23  }
0x13: {  	s8 =	sadd.s32 s9, s8;
	s25 =	sadd.s32 $0x2000, s1;
	[dreg:$0x11] =	wrdreg s24  }
0x14: {  	s15 =	smul.u32 $0x190, s4;
	s26 =	sadd.s32 $0x2800, s1;
	[dreg:$0x12] =	wrdreg s25  }
0x15: {  	s9 =	stileid.u32;
	s7 =	sadd.s32 $0x3000, s1;
	[dreg:$0x13] =	wrdreg s26  }
0x16: {  	s8 =	sshrl.u32 s8, $0x3;
	s10 =	sadd.s32 $0x4000, s1;
	[dreg:$0x14] =	wrdreg s7  }
0x17: {  	p2 =	seq.s32 @p0 s9, $0xF;
	s11 =	sadd.s32 $0x4800, s1;
	[dreg:$0x17] =	wrdreg s10  }
0x18: {  	p4 =	seq.s32 @!p0 s9, $0xF;
	s13 =	sadd.s32 $0x5800, s1;
	[dreg:$0x18] =	wrdreg s11  }
0x19: {  	s14 =	sadd.s32 $0x6000, s1;
	s16 =	sadd.s32 $0x6800, s1;
	[dreg:$0x1a] =	wrdreg s13  }
0x1a: {  	s8 =	sadd.s32 s8, s0;
	s0 =	sadd.s32 $0x172490, s0;
	[dreg:$0x1b] =	wrdreg s14  }
0x1b: {  	p1 =	por !p2, !p0;
	p2 =	por p2, !p0;
	[dreg:$0x1c] =	wrdreg s16  }
0x1c: {  	p3 =	por !p4, p0;
	s12 =	sadd.s32 $0x5000, s1;
	[dreg:$0xb] =	wrdreg s0  }
0x1d: {  	p4 =	por p4, p0;
	s17 =	sadd.s32 $0x7000, s1;
	[dreg:$0x19] =	wrdreg s12  }
0x1e: {  	s18 =	sadd.s32 $0x7800, s1;
	s21 =	sadd.s32 $0x9000, s1;
	[dreg:$0x1d] =	wrdreg s17  }
0x1f: {  	s22 =	sadd.s32 $0x9800, s1;
	s23 =	sadd.s32 $0xA000, s1;
	[dreg:$0x1e] =	wrdreg s18  }
0x20: {  	s24 =	sadd.s32 $0xA800, s1;
	s25 =	sadd.s32 $0xB000, s1;
	[smem:$0x7F8] =	sst s21  }
0x21: {  	s26 =	sadd.s32 $0xB800, s1;
	s10 =	simm.s32 $0x4;
	[smem:$0x7F9] =	sst s22  }
0x22: {  	s11 =	simm.s32 $0x5;
	s13 =	simm.s32 $0x6;
	[smem:$0x7FA] =	sst s23  }
0x23: {  	s14 =	simm.s32 $0x7;
	s16 =	simm.s32 $0x8;
	[smem:$0x7FB] =	sst s24  }
0x24: {  	s19 =	sadd.s32 $0x173E00, s8;
	s8 =	sadd.s32 $0x3800, s1;
	[smem:$0x7FC] =	sst s25  }
0x25: {  	s0 =	sshrl.u32 s20, $0x3;
	s20 =	sadd.s32 $0x8800, s1;
	[smem:$0x7FD] =	sst s26  }
0x26: {  	s21 =	simm.s32 $0x2800;
	s22 =	simm.s32 $0x9;
	s23 =	simm.s32 $0x1400  }
0x27: {  	s24 =	simm.s32 $0x80;
	s25 =	simm.s32 $0x3000;
	[dreg:$0xd] =	wrdreg s19  }
0x28: {  	s26 =	simm.s32 $0x100;
	s17 =	simm.s32 $0x2600;
	[dreg:$0x15] =	wrdreg s8  }
0x29: {  	s18 =	simm.s32 $0x2680;
	[dreg:$0x16] =	wrdreg s0;
	s19 =	sadd.s32 $0x8000, s1  }
0x2a: {  	[smem:$0x7F7] =	sst s20;
	s1 =	simm.s32 $0x2;
	s8 =	simm.s32 $0x3  }
0x2b: {  	v0 =	vimm.f32 $0.0e+00;
	s20 =	simm.s32 $0x2780;
	[dreg:$0x1f] =	wrdreg s19;
	s19 =	simm.s32 $0x2700  }
.LBB2_1:
0x2c: {  	s12 =	rddreg [dreg:$0x7]  }
0x2d: {  	s7 =	simm.s32 @!p1 $0x1FC9;
	s4 =	rddreg [dreg:$0xb];
	s0 =	sshrl.u32 @!p1 s12, $0x3  }
0x2e: {  	[spmem:s0], [sflag:s7] =	dma.local @!p1 [hbm:s4], $0x1810  }
0x2f: {  	s0 =	simm.s32 @!p1 $0x9  }
0x30: {  	_ =	swait.ge @!p1 [sflag:s0], $0x1810  }
0x31: {  	s7 =	sshll.u32 @!p2 s9, $0x6;
	s9 =	rddreg [dreg:$0x5]  }
0x32: {  	[sflag:s0] =	ssyncset.done @!p1 $0x0;
	s4 =	rddreg [dreg:$0x9]  }
0x33: {  	[sflag:s0] =	ssyncadd.s32 @!p1 $0xFFFFE7F0;
	s0 =	sor.u32 @!p2 $0x1C09, s7;
	s7 =	sshrl.u32 @!p2 s9, $0x3  }
0x34: {  	[spmem:s7], [sflag:s0] =	dma.local @!p2 [hbm:s4], $0x1870  }
0x35: {  	s0 =	simm.s32 @!p2 $0x9  }
0x36: {  	_ =	swait.ge @!p2 [sflag:s0], $0x1870  }
0x37: {  	s7 =	simm.s32 @!p3 $0x1FC9;
	[sflag:s0] =	ssyncset.done @!p2 $0x0  }
0x38: {  	[sflag:s0] =	ssyncadd.s32 @!p2 $0xFFFFE790;
	s0 =	sshrl.u32 @!p3 s12, $0x3;
	s12 =	rddreg [dreg:$0x8]  }
0x39: {  	[spmem:s0], [sflag:s7] =	dma.local @!p3 [hbm:s12], $0x1810  }
0x3a: {  	s0 =	simm.s32 @!p3 $0x9  }
0x3b: {  	s4 =	stileid.u32;
	_ =	swait.ge @!p3 [sflag:s0], $0x1810  }
0x3c: {  	s7 =	sshll.u32 @!p4 s4, $0x6;
	[sflag:s0] =	ssyncset.done @!p3 $0x0;
	s4 =	rddreg [dreg:$0x6]  }
0x3d: {  	[sflag:s0] =	ssyncadd.s32 @!p3 $0xFFFFE7F0;
	s0 =	sor.u32 @!p4 $0x1C09, s7;
	s7 =	sshrl.u32 @!p4 s9, $0x3  }
0x3e: {  	[spmem:s7], [sflag:s0] =	dma.local @!p4 [hbm:s4], $0x1870  }
0x3f: {  	s7 =	simm.s32 @!p4 $0x9  }
0x40: {  	s9 =	simm.s32 @!p1 $0x0;
	s0 =	simm.s32 @!p3 $0x0;
	_ =	swait.ge @!p4 [sflag:s7], $0x1870  }
0x41: {  	s9 =	simm.s32 @p1 $0x0;
	s0 =	simm.s32 @p3 $0x0;
	[sflag:s7] =	ssyncset.done @!p4 $0x0  }
0x42: {  	s0 =	smov.u32 @p0 s9;
	[sflag:s7] =	ssyncadd.s32 @!p4 $0xFFFFE790  }
.LBB2_2:
0x43: {  	p5 =	seq.s32 s0, $0x1FC0  }
.Ltmp0:
0x44: {  	_ = 	snop;
	(pc) =	sbr.rel @!p5 .LBB2_2-.Ltmp0, $3  }
0x45: {  	_ =	sdelay $0x1  }
0x46: {  	s7 =	sshra.s32 s0, $0x2  }
0x47: {  	s0 =	sadd.s32 $0x40, s0;
	[tilespmem:s7+$0x2800] =	vst v0  }
0x48: {  	s0 =	rddreg [dreg:$0xa]  }
0x49: {  	[spmem:s0] =	stream.linear.scatter [tilespmem:s21], [sflag:$0x9], $0x800, $0x38;
	[tilespmem:$0x1CF50] =	vst v63  }
0x4a: {  	_ =	swait.ge [sflag:s22], $0x800  }
0x4b: {  	[sflag:s22] =	ssyncset.done $0x0  }
0x4c: {  	s4 =	rddreg [dreg:$0xf];
	[sflag:s22] =	ssyncadd.s32 $0xFFFFF800  }
0x4d: {  	[spmem:s4] =	stream.linear.scatter [tilespmem:s21], [sflag:$0x9], $0x800, $0x38;
	[tilespmem:$0x1CF50] =	vst v63  }
0x4e: {  	_ =	swait.ge [sflag:s22], $0x800  }
0x4f: {  	[sflag:s22] =	ssyncset.done $0x0  }
0x50: {  	s7 =	rddreg [dreg:$0x10];
	[sflag:s22] =	ssyncadd.s32 $0xFFFFF800  }
0x51: {  	[spmem:s7] =	stream.linear.scatter [tilespmem:s21], [sflag:$0x9], $0x800, $0x38;
	[tilespmem:$0x1CF50] =	vst v63  }
0x52: {  	_ =	swait.ge [sflag:s22], $0x800  }
0x53: {  	[sflag:s22] =	ssyncset.done $0x0  }
0x54: {  	s9 =	rddreg [dreg:$0x11];
	[sflag:s22] =	ssyncadd.s32 $0xFFFFF800  }
0x55: {  	[spmem:s9] =	stream.linear.scatter [tilespmem:s21], [sflag:$0x9], $0x800, $0x38;
	[tilespmem:$0x1CF50] =	vst v63  }
0x56: {  	_ =	swait.ge [sflag:s22], $0x800  }
0x57: {  	[sflag:s22] =	ssyncset.done $0x0  }
0x58: {  	s12 =	rddreg [dreg:$0x12];
	[sflag:s22] =	ssyncadd.s32 $0xFFFFF800  }
0x59: {  	[spmem:s12] =	stream.linear.scatter [tilespmem:s21], [sflag:$0x9], $0x800, $0x38;
	[tilespmem:$0x1CF50] =	vst v63  }
0x5a: {  	_ =	swait.ge [sflag:s22], $0x800  }
0x5b: {  	[sflag:s22] =	ssyncset.done $0x0  }
0x5c: {  	s4 =	rddreg [dreg:$0x13];
	[sflag:s22] =	ssyncadd.s32 $0xFFFFF800  }
0x5d: {  	[spmem:s4] =	stream.linear.scatter [tilespmem:s21], [sflag:$0x9], $0x800, $0x38;
	[tilespmem:$0x1CF50] =	vst v63  }
0x5e: {  	_ =	swait.ge [sflag:s22], $0x800  }
0x5f: {  	[sflag:s22] =	ssyncset.done $0x0  }
0x60: {  	s7 =	rddreg [dreg:$0x14];
	[sflag:s22] =	ssyncadd.s32 $0xFFFFF800  }
0x61: {  	[spmem:s7] =	stream.linear.scatter [tilespmem:s21], [sflag:$0x9], $0x800, $0x38;
	[tilespmem:$0x1CF50] =	vst v63  }
0x62: {  	_ =	swait.ge [sflag:s22], $0x800  }
0x63: {  	[sflag:s22] =	ssyncset.done $0x0  }
0x64: {  	s9 =	rddreg [dreg:$0x15];
	[sflag:s22] =	ssyncadd.s32 $0xFFFFF800  }
0x65: {  	[spmem:s9] =	stream.linear.scatter [tilespmem:s21], [sflag:$0x9], $0x800, $0x38;
	[tilespmem:$0x1CF50] =	vst v63  }
0x66: {  	_ =	swait.ge [sflag:s22], $0x800  }
0x67: {  	[sflag:s22] =	ssyncset.done $0x0  }
0x68: {  	s12 =	rddreg [dreg:$0x17];
	[sflag:s22] =	ssyncadd.s32 $0xFFFFF800  }
0x69: {  	[spmem:s12] =	stream.linear.scatter [tilespmem:s21], [sflag:$0x9], $0x800, $0x38;
	[tilespmem:$0x1CF50] =	vst v63  }
0x6a: {  	_ =	swait.ge [sflag:s22], $0x800  }
0x6b: {  	[sflag:s22] =	ssyncset.done $0x0  }
0x6c: {  	s4 =	rddreg [dreg:$0x18];
	[sflag:s22] =	ssyncadd.s32 $0xFFFFF800  }
0x6d: {  	[spmem:s4] =	stream.linear.scatter [tilespmem:s21], [sflag:$0x9], $0x800, $0x38;
	[tilespmem:$0x1CF50] =	vst v63  }
0x6e: {  	_ =	swait.ge [sflag:s22], $0x800  }
0x6f: {  	[sflag:s22] =	ssyncset.done $0x0  }
0x70: {  	s7 =	rddreg [dreg:$0x19];
	[sflag:s22] =	ssyncadd.s32 $0xFFFFF800  }
0x71: {  	[spmem:s7] =	stream.linear.scatter [tilespmem:s21], [sflag:$0x9], $0x800, $0x38;
	[tilespmem:$0x1CF50] =	vst v63  }
0x72: {  	_ =	swait.ge [sflag:s22], $0x800  }
0x73: {  	[sflag:s22] =	ssyncset.done $0x0  }
0x74: {  	s9 =	rddreg [dreg:$0x1a];
	[sflag:s22] =	ssyncadd.s32 $0xFFFFF800  }
0x75: {  	[spmem:s9] =	stream.linear.scatter [tilespmem:s21], [sflag:$0x9], $0x800, $0x38;
	[tilespmem:$0x1CF50] =	vst v63  }
0x76: {  	_ =	swait.ge [sflag:s22], $0x800  }
0x77: {  	[sflag:s22] =	ssyncset.done $0x0  }
0x78: {  	s12 =	rddreg [dreg:$0x1b];
	[sflag:s22] =	ssyncadd.s32 $0xFFFFF800  }
0x79: {  	[spmem:s12] =	stream.linear.scatter [tilespmem:s21], [sflag:$0x9], $0x800, $0x38;
	[tilespmem:$0x1CF50] =	vst v63  }
0x7a: {  	_ =	swait.ge [sflag:s22], $0x800  }
0x7b: {  	[sflag:s22] =	ssyncset.done $0x0  }
0x7c: {  	s4 =	rddreg [dreg:$0x1c];
	[sflag:s22] =	ssyncadd.s32 $0xFFFFF800  }
0x7d: {  	[spmem:s4] =	stream.linear.scatter [tilespmem:s21], [sflag:$0x9], $0x800, $0x38;
	[tilespmem:$0x1CF50] =	vst v63  }
0x7e: {  	_ =	swait.ge [sflag:s22], $0x800  }
0x7f: {  	[sflag:s22] =	ssyncset.done $0x0  }
0x80: {  	s7 =	rddreg [dreg:$0x1d];
	[sflag:s22] =	ssyncadd.s32 $0xFFFFF800  }
0x81: {  	[spmem:s7] =	stream.linear.scatter [tilespmem:s21], [sflag:$0x9], $0x800, $0x38;
	[tilespmem:$0x1CF50] =	vst v63  }
0x82: {  	_ =	swait.ge [sflag:s22], $0x800  }
0x83: {  	[sflag:s22] =	ssyncset.done $0x0  }
0x84: {  	s9 =	rddreg [dreg:$0x1e];
	[sflag:s22] =	ssyncadd.s32 $0xFFFFF800  }
0x85: {  	[spmem:s9] =	stream.linear.scatter [tilespmem:s21], [sflag:$0x9], $0x800, $0x38;
	[tilespmem:$0x1CF50] =	vst v63  }
0x86: {  	_ =	swait.ge [sflag:s22], $0x800  }
0x87: {  	[sflag:s22] =	ssyncset.done $0x0  }
0x88: {  	s12 =	rddreg [dreg:$0x1f];
	[sflag:s22] =	ssyncadd.s32 $0xFFFFF800  }
0x89: {  	[spmem:s12] =	stream.linear.scatter [tilespmem:s21], [sflag:$0x9], $0x800, $0x38;
	[tilespmem:$0x1CF50] =	vst v63  }
0x8a: {  	_ =	swait.ge [sflag:s22], $0x800  }
0x8b: {  	s4 =	sld [smem:$0x7F7]  }
0x8c: {  	[sflag:s22] =	ssyncset.done $0x0  }
0x8d: {  	[sflag:s22] =	ssyncadd.s32 $0xFFFFF800  }
0x8e: {  	[spmem:s4] =	stream.linear.scatter [tilespmem:s21], [sflag:$0x9], $0x800, $0x38;
	[tilespmem:$0x1CF50] =	vst v63  }
0x8f: {  	_ =	swait.ge [sflag:s22], $0x800  }
0x90: {  	s7 =	sld [smem:$0x7F8]  }
0x91: {  	[sflag:s22] =	ssyncset.done $0x0  }
0x92: {  	[sflag:s22] =	ssyncadd.s32 $0xFFFFF800  }
0x93: {  	[spmem:s7] =	stream.linear.scatter [tilespmem:s21], [sflag:$0x9], $0x800, $0x38;
	[tilespmem:$0x1CF50] =	vst v63  }
0x94: {  	_ =	swait.ge [sflag:s22], $0x800  }
0x95: {  	s9 =	sld [smem:$0x7F9]  }
0x96: {  	[sflag:s22] =	ssyncset.done $0x0  }
0x97: {  	[sflag:s22] =	ssyncadd.s32 $0xFFFFF800  }
0x98: {  	[spmem:s9] =	stream.linear.scatter [tilespmem:s21], [sflag:$0x9], $0x800, $0x38;
	[tilespmem:$0x1CF50] =	vst v63  }
0x99: {  	_ =	swait.ge [sflag:s22], $0x800  }
0x9a: {  	s12 =	sld [smem:$0x7FA]  }
0x9b: {  	[sflag:s22] =	ssyncset.done $0x0  }
0x9c: {  	[sflag:s22] =	ssyncadd.s32 $0xFFFFF800  }
0x9d: {  	[spmem:s12] =	stream.linear.scatter [tilespmem:s21], [sflag:$0x9], $0x800, $0x38;
	[tilespmem:$0x1CF50] =	vst v63  }
0x9e: {  	_ =	swait.ge [sflag:s22], $0x800  }
0x9f: {  	s4 =	sld [smem:$0x7FB]  }
0xa0: {  	[sflag:s22] =	ssyncset.done $0x0  }
0xa1: {  	[sflag:s22] =	ssyncadd.s32 $0xFFFFF800  }
0xa2: {  	[spmem:s4] =	stream.linear.scatter [tilespmem:s21], [sflag:$0x9], $0x800, $0x38;
	[tilespmem:$0x1CF50] =	vst v63  }
0xa3: {  	_ =	swait.ge [sflag:s22], $0x800  }
0xa4: {  	s7 =	sld [smem:$0x7FC]  }
0xa5: {  	[sflag:s22] =	ssyncset.done $0x0  }
0xa6: {  	[sflag:s22] =	ssyncadd.s32 $0xFFFFF800  }
0xa7: {  	[spmem:s7] =	stream.linear.scatter [tilespmem:s21], [sflag:$0x9], $0x800, $0x38;
	[tilespmem:$0x1CF50] =	vst v63  }
0xa8: {  	_ =	swait.ge [sflag:s22], $0x800  }
0xa9: {  	s9 =	sld [smem:$0x7FD]  }
0xaa: {  	[sflag:s22] =	ssyncset.done $0x0  }
0xab: {  	[sflag:s22] =	ssyncadd.s32 $0xFFFFF800  }
0xac: {  	[spmem:s9] =	stream.linear.scatter [tilespmem:s21], [sflag:$0x9], $0x800, $0x38;
	[tilespmem:$0x1CF50] =	vst v63  }
0xad: {  	_ =	swait.ge [sflag:s22], $0x800  }
0xae: {  	[sflag:s22] =	ssyncset.done $0x0  }
0xaf: {  	s12 =	rddreg [dreg:$0xc];
	[sflag:s22] =	ssyncadd.s32 $0xFFFFF800  }
0xb0: {  	[spmem:s12] =	stream.linear.scatter [tilespmem:s21], [sflag:$0x9], $0x800, $0x38;
	[tilespmem:$0x1CF50] =	vst v63  }
0xb1: {  	_ =	swait.ge [sflag:s22], $0x800  }
0xb2: {  	[sflag:s22] =	ssyncset.done $0x0  }
0xb3: {  	[sflag:s22] =	ssyncadd.s32 $0xFFFFF800  }
0xb4: {  	s0 =	simm.s32 $0x0;
	s12 =	simm.s32 $0x0;
	[bflag:$0x0] =	sbarrier.arrive $0xFFFF  }
.LBB2_4:
0xb5: {  	s7 =	smul.u32 $0x28, s12;
	_ =	sdelay $0x1  }
0xb6: {  	s7 =	sadd.s32 s15, s7  }
0xb7: {  	s7 =	sshll.u32 s7, $0x4  }
0xb8: {  	s9 =	sadd.s32 s5, s7  }
0xb9: {  	[tilespmem:s0], [sflag:$0x9] =	stream.linear.gather [hbm4b:s9+s0], $0x1400, $0x38;
	[tilespmem:$0x1CF50] =	vst v63  }
0xba: {  	_ =	swait.ge [sflag:s22], $0x1400  }
0xbb: {  	[sflag:s22] =	ssyncset.done $0x0  }
0xbc: {  	s7 =	sadd.s32 s6, s7;
	[sflag:s22] =	ssyncadd.s32 $0xFFFFEC00  }
0xbd: {  	[tilespmem:s23], [sflag:$0x9] =	stream.linear.gather [hbm4b:s7+s0], $0x1400, $0x38;
	[tilespmem:$0x1CF50] =	vst v63  }
0xbe: {  	_ =	swait.ge [sflag:s22], $0x1400  }
0xbf: {  	[sflag:s22] =	ssyncset.done $0x0  }
0xc0: {  	[sflag:s22] =	ssyncadd.s32 $0xFFFFEC00  }
0xc1: {  	[tilespmem:s21], [sflag:$0x1] =	stream.indirect.gather [spmem:s2], $0x10, s0, s24, $0xb8;
	[tilespmem:$0x1CF50] =	vst v63  }
0xc2: {  	_ = 	snop  }
0xc3: {  	[tilespmem:s25], [sflag:$0x2] =	stream.indirect.gather [spmem:s2], $0x10, s24, s24, $0xb8;
	[tilespmem:$0x1CF50] =	vst v63  }
0xc4: {  	_ = 	snop  }
0xc5: {  	[tilespmem:s28], [sflag:$0x3] =	stream.indirect.gather [spmem:s2], $0x10, s26, s24, $0xb8;
	[tilespmem:$0x1CF50] =	vst v63  }
0xc6: {  	_ = 	snop  }
0xc7: {  	[tilespmem:s30], [sflag:$0x4] =	stream.indirect.gather [spmem:s2], $0x10, s29, s24, $0xb8;
	[tilespmem:$0x1CF50] =	vst v63  }
0xc8: {  	_ =	swait.ge [sflag:s31], $0x800  }
0xc9: {  	[sflag:s31] =	ssyncset.done $0x0  }
0xca: {  	s9 =	simm.s32 $0x1400;
	[sflag:s31] =	ssyncadd.s32 $0xFFFFF800  }
0xcb: {  	[spmem:s3] =	stream.indirect.scatter.add.f32 [tilespmem:s21], [sflag:$0x5], $0x10, s9, s24, $0xb8;
	[tilespmem:$0x1CF50] =	vst v63  }
0xcc: {  	_ =	swait.ge [sflag:s1], $0x800  }
0xcd: {  	[sflag:s1] =	ssyncset.done $0x0  }
0xce: {  	s4 =	simm.s32 $0x1480;
	[sflag:s1] =	ssyncadd.s32 $0xFFFFF800  }
0xcf: {  	[spmem:s3] =	stream.indirect.scatter.add.f32 [tilespmem:s25], [sflag:$0x6], $0x10, s4, s24, $0xb8;
	[tilespmem:$0x1CF50] =	vst v63  }
0xd0: {  	_ =	swait.ge [sflag:s8], $0x800  }
0xd1: {  	[sflag:s8] =	ssyncset.done $0x0  }
0xd2: {  	s9 =	simm.s32 $0x1500;
	[sflag:s8] =	ssyncadd.s32 $0xFFFFF800  }
0xd3: {  	[spmem:s3] =	stream.indirect.scatter.add.f32 [tilespmem:s28], [sflag:$0x7], $0x10, s9, s24, $0xb8;
	[tilespmem:$0x1CF50] =	vst v63  }
0xd4: {  	_ =	swait.ge [sflag:s10], $0x800  }
0xd5: {  	[sflag:s10] =	ssyncset.done $0x0  }
0xd6: {  	s4 =	simm.s32 $0x1580;
	[sflag:s10] =	ssyncadd.s32 $0xFFFFF800  }
0xd7: {  	[spmem:s3] =	stream.indirect.scatter.add.f32 [tilespmem:s30], [sflag:$0x8], $0x10, s4, s24, $0xb8;
	[tilespmem:$0x1CF50] =	vst v63  }
0xd8: {  	_ =	swait.ge [sflag:s11], $0x800  }
0xd9: {  	[sflag:s11] =	ssyncset.done $0x0  }
0xda: {  	s9 =	simm.s32 $0x200;
	[sflag:s11] =	ssyncadd.s32 $0xFFFFF800  }
0xdb: {  	[tilespmem:s21], [sflag:$0x1] =	stream.indirect.gather [spmem:s2], $0x10, s9, s24, $0xb8;
	[tilespmem:$0x1CF50] =	vst v63  }
0xdc: {  	_ =	swait.ge [sflag:s13], $0x800  }
0xdd: {  	[sflag:s13] =	ssyncset.done $0x0  }
0xde: {  	s4 =	simm.s32 $0x280;
	[sflag:s13] =	ssyncadd.s32 $0xFFFFF800  }
0xdf: {  	[tilespmem:s25], [sflag:$0x2] =	stream.indirect.gather [spmem:s2], $0x10, s4, s24, $0xb8;
	[tilespmem:$0x1CF50] =	vst v63  }
0xe0: {  	_ =	swait.ge [sflag:s14], $0x800  }
0xe1: {  	[sflag:s14] =	ssyncset.done $0x0  }
0xe2: {  	s9 =	simm.s32 $0x300;
	[sflag:s14] =	ssyncadd.s32 $0xFFFFF800  }
0xe3: {  	[tilespmem:s28], [sflag:$0x3] =	stream.indirect.gather [spmem:s2], $0x10, s9, s24, $0xb8;
	[tilespmem:$0x1CF50] =	vst v63  }
0xe4: {  	_ =	swait.ge [sflag:s16], $0x800  }
0xe5: {  	[sflag:s16] =	ssyncset.done $0x0  }
0xe6: {  	s7 =	simm.s32 $0x800;
	s9 =	simm.s32 $0x380;
	[sflag:s16] =	ssyncadd.s32 $0xFFFFF800  }
.LBB2_5:
0xe7: {  	[tilespmem:s30], [sflag:$0x4] =	stream.indirect.gather [spmem:s2], $0x10, s9, s24, $0xb8;
	[tilespmem:$0x1CF50] =	vst v63  }
0xe8: {  	s9 =	smov.u32 s7  }
0xe9: {  	p5 =	sne.s32 s7, $0x4000;
	s7 =	sadd.s32 $0x800, s7;
	_ =	swait.ge [sflag:s31], $0x800  }
0xea: {  	s9 =	sshra.s32 s9, $0x2;
	[sflag:s31] =	ssyncset.done $0x0  }
0xeb: {  	s4 =	sadd.s32 $0x1400, s9;
	[sflag:s31] =	ssyncadd.s32 $0xFFFFF800  }
0xec: {  	[spmem:s3] =	stream.indirect.scatter.add.f32 [tilespmem:s21], [sflag:$0x5], $0x10, s4, s24, $0xb8;
	[tilespmem:$0x1CF50] =	vst v63  }
0xed: {  	_ =	swait.ge [sflag:s1], $0x800  }
0xee: {  	[sflag:s1] =	ssyncset.done $0x0  }
0xef: {  	s4 =	sadd.s32 $0x1480, s9;
	[sflag:s1] =	ssyncadd.s32 $0xFFFFF800  }
0xf0: {  	[spmem:s3] =	stream.indirect.scatter.add.f32 [tilespmem:s25], [sflag:$0x6], $0x10, s4, s24, $0xb8;
	[tilespmem:$0x1CF50] =	vst v63  }
0xf1: {  	_ =	swait.ge [sflag:s8], $0x800  }
0xf2: {  	[sflag:s8] =	ssyncset.done $0x0  }
0xf3: {  	s4 =	sadd.s32 $0x1500, s9;
	[sflag:s8] =	ssyncadd.s32 $0xFFFFF800  }
0xf4: {  	[spmem:s3] =	stream.indirect.scatter.add.f32 [tilespmem:s28], [sflag:$0x7], $0x10, s4, s24, $0xb8;
	[tilespmem:$0x1CF50] =	vst v63  }
0xf5: {  	_ =	swait.ge [sflag:s10], $0x800  }
0xf6: {  	[sflag:s10] =	ssyncset.done $0x0  }
0xf7: {  	s4 =	sadd.s32 $0x1580, s9;
	[sflag:s10] =	ssyncadd.s32 $0xFFFFF800  }
0xf8: {  	[spmem:s3] =	stream.indirect.scatter.add.f32 [tilespmem:s30], [sflag:$0x8], $0x10, s4, s24, $0xb8;
	[tilespmem:$0x1CF50] =	vst v63  }
0xf9: {  	_ =	swait.ge [sflag:s11], $0x800  }
0xfa: {  	[sflag:s11] =	ssyncset.done $0x0  }
0xfb: {  	s4 =	sadd.s32 $0x200, s9;
	[sflag:s11] =	ssyncadd.s32 $0xFFFFF800  }
0xfc: {  	[tilespmem:s21], [sflag:$0x1] =	stream.indirect.gather [spmem:s2], $0x10, s4, s24, $0xb8;
	[tilespmem:$0x1CF50] =	vst v63  }
0xfd: {  	_ =	swait.ge [sflag:s13], $0x800  }
0xfe: {  	[sflag:s13] =	ssyncset.done $0x0  }
0xff: {  	s4 =	sadd.s32 $0x280, s9;
	[sflag:s13] =	ssyncadd.s32 $0xFFFFF800  }
0x100: {  	[tilespmem:s25], [sflag:$0x2] =	stream.indirect.gather [spmem:s2], $0x10, s4, s24, $0xb8;
	[tilespmem:$0x1CF50] =	vst v63  }
0x101: {  	_ =	swait.ge [sflag:s14], $0x800  }
0x102: {  	[sflag:s14] =	ssyncset.done $0x0  }
.Ltmp1:
0x103: {  	s4 =	sadd.s32 $0x300, s9;
	[sflag:s14] =	ssyncadd.s32 $0xFFFFF800;
	(pc) =	sbr.rel @p5 .LBB2_5-.Ltmp1, $4  }
0x104: {  	[tilespmem:s28], [sflag:$0x3] =	stream.indirect.gather [spmem:s2], $0x10, s4, s24, $0xb8;
	[tilespmem:$0x1CF50] =	vst v63  }
0x105: {  	_ =	swait.ge [sflag:s16], $0x800  }
0x106: {  	[sflag:s16] =	ssyncset.done $0x0  }
0x107: {  	s9 =	sadd.s32 $0x380, s9;
	[sflag:s16] =	ssyncadd.s32 $0xFFFFF800  }
0x108: {  	[tilespmem:s30], [sflag:$0x4] =	stream.indirect.gather [spmem:s2], $0x10, s9, s24, $0xb8;
	[tilespmem:$0x1CF50] =	vst v63  }
0x109: {  	_ =	swait.ge [sflag:s31], $0x800  }
0x10a: {  	[sflag:s31] =	ssyncset.done $0x0  }
0x10b: {  	[sflag:s31] =	ssyncadd.s32 $0xFFFFF800  }
0x10c: {  	[spmem:s3] =	stream.indirect.scatter.add.f32 [tilespmem:s21], [sflag:$0x5], $0x10, s17, s24, $0xb8;
	[tilespmem:$0x1CF50] =	vst v63  }
0x10d: {  	_ =	swait.ge [sflag:s1], $0x800  }
0x10e: {  	[sflag:s1] =	ssyncset.done $0x0  }
0x10f: {  	[sflag:s1] =	ssyncadd.s32 $0xFFFFF800  }
0x110: {  	[spmem:s3] =	stream.indirect.scatter.add.f32 [tilespmem:s25], [sflag:$0x6], $0x10, s18, s24, $0xb8;
	[tilespmem:$0x1CF50] =	vst v63  }
0x111: {  	_ =	swait.ge [sflag:s8], $0x800  }
0x112: {  	[sflag:s8] =	ssyncset.done $0x0  }
0x113: {  	[sflag:s8] =	ssyncadd.s32 $0xFFFFF800  }
0x114: {  	[spmem:s3] =	stream.indirect.scatter.add.f32 [tilespmem:s28], [sflag:$0x7], $0x10, s19, s24, $0xb8;
	[tilespmem:$0x1CF50] =	vst v63  }
0x115: {  	_ =	swait.ge [sflag:s10], $0x800  }
0x116: {  	[sflag:s10] =	ssyncset.done $0x0  }
0x117: {  	[sflag:s10] =	ssyncadd.s32 $0xFFFFF800  }
0x118: {  	[spmem:s3] =	stream.indirect.scatter.add.f32 [tilespmem:s30], [sflag:$0x8], $0x10, s20, s24, $0xb8;
	[tilespmem:$0x1CF50] =	vst v63  }
0x119: {  	_ =	swait.ge [sflag:s11], $0x800  }
0x11a: {  	[sflag:s11] =	ssyncset.done $0x0  }
0x11b: {  	[sflag:s11] =	ssyncadd.s32 $0xFFFFF800  }
0x11c: {  	_ =	swait.ge [sflag:s13], $0x800  }
0x11d: {  	[sflag:s13] =	ssyncset.done $0x0  }
0x11e: {  	s12 =	sadd.s32 $0x1, s12;
	[sflag:s13] =	ssyncadd.s32 $0xFFFFF800  }
0x11f: {  	p5 =	sne.s32 s12, $0xA;
	_ =	swait.ge [sflag:s14], $0x800  }
.Ltmp2:
0x120: {  	[sflag:s14] =	ssyncset.done $0x0;
	(pc) =	sbr.rel @p5 .LBB2_4-.Ltmp2, $4  }
0x121: {  	[sflag:s14] =	ssyncadd.s32 $0xFFFFF800  }
0x122: {  	_ =	swait.ge [sflag:s16], $0x800  }
0x123: {  	[sflag:s16] =	ssyncset.done $0x0  }
0x124: {  	[sflag:s16] =	ssyncadd.s32 $0xFFFFF800  }
0x125: {  	s9 =	stileid.u32;
	[bflag:$0x0] =	sbarrier.arrive $0xFFFF  }
0x126: {  	s0 =	sshll.u32 s9, $0x6;
	s4 =	rddreg [dreg:$0xd]  }
0x127: {  	s7 =	rddreg [dreg:$0x16];
	s0 =	sor.u32 $0x1C09, s0  }
0x128: {  	[hbm:s4], [sflag:s0] =	dma.local [spmem:s7], $0x1880  }
0x129: {  	_ =	swait.ge [sflag:s22], $0x1880  }
0x12a: {  	s7 =	rddreg [dreg:$0x4]  }
0x12b: {  	s12 =	rddreg [dreg:$0xe];
	s0 =	sadd.s32 $0x1, s7  }
0x12c: {  	p5 =	sne.s32 s0, s12  }
.Ltmp3:
0x12d: {  	_ = 	snop;
	(pc) =	sbr.rel @p5 .LBB2_1-.Ltmp3, $3  }
0x12e: {  	_ =	sdelay $0x1  }
0x12f: {  	[sflag:s22] =	ssyncset.done $0x0  }
0x130: {  	[sflag:s22] =	ssyncadd.s32 $0xFFFFE780;
	[dreg:$0x4] =	wrdreg s0  }
0x131: {  	_ =	sfence.sel $0x180000  }
0x132: {  	[bflag:$0x0] =	sbarrier.arrive $0xFFFF  }
0x133: {  	_ =	strace $0x9000004A  }
0x134: {  	[bflag:$0x2] =	sbarrier.arrive $0xFFFF  }
0x135: {  	p0 =	sne.s32 s9, $0x0;
	s0 =	rddreg [dreg:$0x3]  }
0x136: {  	s0 =	sadd.s32 @!p0 $0x100000, s0  }
0x137: {  	[sflag:s0] =	ssyncadd.tile.s32 @!p0 $0x1;
	_ =	shalt  }
.Lfunc_end2:
_tile_overlayer_lowered:
.L_overlay_start_2:
0x138: {  	(tag) =	ssettag $0x2  }
0x139: {  	s0 =	rddreg [dreg:$0x0];
	s2 =	stileid.u32  }
0x13a: {  	s1 =	rddreg [dreg:$0x1];
	p0 =	sne.s32 s2, $0x0  }
0x13b: {  	s3 =	rddreg [dreg:$0x2];
	[bflag:$0x3] =	sbarrier.arrive $0xFFFF;
	s2 =	simm.s32 @!p0 $0x1C09  }
0x13c: {  	[timem:s3], [sflag:s2] =	dma.local @!p0 [hbm:s0], s1  }
0x13d: {  	s0 =	simm.s32 @!p0 $0x9  }
0x13e: {  	_ =	swait.ge @!p0 [sflag:s0], s1  }
0x13f: {  	s1 =	ssub.s32 @!p0 $0x0, s1;
	[sflag:s0] =	ssyncset.done @!p0 $0x0  }
0x140: {  	[sflag:s0] =	ssyncadd.s32 @!p0 s1  }
0x141: {  	[bflag:$0x3] =	sbarrier.arrive $0xFFFF  }
0x142: {  	_ =	shalt  }

// kernel: kernel.16.cloned.1.call-start
scs
__scs_entry_jumppad:
0x0: {  	(pc) =	sbr.rel $0x88, $3  }
0x1: {  	(tag) =	ssettag $0x0;
	lr =	simm.s32 $0x1  }
0x2: {  	[smem:$0x3F96] =	sst lr;
	_ =	strace $0xD0000000  }
0x3: {  	_ = 	snop  }
0x4: {  	_ = 	snop  }
0x5: {  	_ = 	snop  }
0x6: {  	_ = 	snop  }
0x7: {  	_ = 	snop  }
__scs_overlays_trampoline_lowered:
0x8: {  	[smem:$0x3FA5] =	sst s0  }
0x9: {  	[smem:$0x3FA6] =	sst s1  }
0xa: {  	[smem:$0x3FA7] =	sst s2  }
0xb: {  	[smem:$0x3FA8] =	sst s3  }
0xc: {  	[smem:$0x3FA9] =	sst s4  }
0xd: {  	[smem:$0x3FAA] =	sst s5  }
0xe: {  	[smem:$0x3FAB] =	sst s6  }
0xf: {  	[smem:$0x3FAC] =	sst s7  }
0x10: {  	[smem:$0x3FAD] =	sst s8  }
0x11: {  	[smem:$0x3FAE] =	sst s9;
	s0 =	simm.s32 @!p0 $0x0  }
0x12: {  	s1 =	sld [smem:$0x3F94];
	s0 =	simm.s32 @p0 $0x1  }
0x13: {  	[smem:$0x3FAF] =	sst s0;
	s0 =	simm.s32 @!p1 $0x0  }
0x14: {  	s2 =	sld [smem:$0x3F93];
	s0 =	simm.s32 @p1 $0x1  }
0x15: {  	[smem:$0x3FB0] =	sst s0;
	s0 =	simm.s32 @!p2 $0x0  }
0x16: {  	s3 =	sld [smem:$0x3FDB];
	s0 =	simm.s32 @p2 $0x1  }
0x17: {  	s4 =	simm.s32 $0x1BF5;
	[smem:$0x3FB2] =	sst s0  }
0x18: {  	s0 =	sld [smem:$0x3F95];
	_ =	swait.ge [sflag:s4], $0x0  }
0x19: {  	s7 =	sld [smem:$0x3F96]  }
0x1a: {  	s8 =	sadd.s32 $0xFFFFE003, lr  }
0x1b: {  	s9 =	sadd.s32 $0xFFFFFEF7, lr;
	s5 =	simm.s32 $0xFFFFFFFF;
	p2 =	slt.u32 s8, $0xFFFFF086  }
0x1c: {  	p1 =	slt.u32 s9, $0xF7A;
	s5 =	simm.s32 @!p2 $0x0  }
0x1d: {  	s5 =	simm.s32 @p1 $0x1;
	p0 =	seq.s32 s7, s2  }
0x1e: {  	s7 =	smul.u32 @!p0 $0xF7A, s2;
	p2 =	seq.s32 @!p0 s5, $0x0  }
0x1f: {  	s9 =	smul.u32 $0xF7A, s1;
	s8 =	simm.s32 @!p0 $0x1BF5;
	p2 =	por !p2, p0  }
0x20: {  	[sflag:s8] =	ssyncset.s32 @!p0 $0xFFFFF086;
	s6 =	sadd.s32 @!p0 s3, s7;
	s7 =	simm.s32 @!p0 $0x108  }
0x21: {  	s3 =	sadd.s32 s3, s9;
	s6 =	sadd.s32 @!p0 $0x88, s6;
	s7 =	simm.s32 @p2 $0x1082  }
0x22: {  	[simem:s7], [sflag:s8] =	dma.local @!p0 [hbm:s6], $0xF7A  }
0x23: {  	s9 =	sor.u32 $0xD0000000, s2;
	s6 =	simm.s32 $0x108;
	_ =	swait.ge @!p0 [sflag:s8], $0x0  }
0x24: {  	s3 =	sadd.s32 $0x88, s3;
	s6 =	simm.s32 @!p1 $0x1082;
	[sflag:s4] =	ssyncset.s32 $0xFFFFF086  }
0x25: {  	[simem:s6], [sflag:s4] =	dma.local [hbm:s3], $0xF7A  }
0x26: {  	[smem:$0x3F96] =	sst s1;
	(tag) =	ssettag s2;
	_ =	strace s9  }
0x27: {  	s1 =	sld [smem:$0x3FA6]  }
0x28: {  	s2 =	sld [smem:$0x3FA7]  }
0x29: {  	s4 =	sld [smem:$0x3FA9]  }
0x2a: {  	p0 =	seq.s32 s5, $0x0;
	s5 =	sld [smem:$0x3FAA]  }
0x2b: {  	s6 =	sld [smem:$0x3FAB]  }
0x2c: {  	s7 =	sld [smem:$0x3FAC]  }
0x2d: {  	s3 =	simm.s32 $0x108;
	s8 =	sld [smem:$0x3FAD]  }
0x2e: {  	s3 =	simm.s32 @!p0 $0x1082;
	s9 =	sld [smem:$0x3FAE]  }
0x2f: {  	lr =	sadd.s32 s0, s3;
	s0 =	sld [smem:$0x3FA5]  }
0x30: {  	s3 =	sld [smem:$0x3FA8]  }
0x31: {  	[smem:$0x3FB1] =	sst s10  }
0x32: {  	s10 =	sld [smem:$0x3FAF];
	_ =	sdelay $0x3  }
0x33: {  	p0 =	seq.s32 s10, $0x1;
	s10 =	sld [smem:$0x3FB1];
	_ =	sdelay $0x3  }
0x34: {  	[smem:$0x3FB1] =	sst s10  }
0x35: {  	s10 =	sld [smem:$0x3FB0];
	_ =	sdelay $0x3  }
0x36: {  	p1 =	seq.s32 s10, $0x1;
	s10 =	sld [smem:$0x3FB1];
	_ =	sdelay $0x3  }
0x37: {  	[smem:$0x3FB1] =	sst s10  }
0x38: {  	s10 =	sld [smem:$0x3FB2]  }
0x39: {  	_ = 	snop;
	(pc) =	sbr.ind lr, $3  }
0x3a: {  	_ = 	snop  }
0x3b: {  	_ = 	snop  }
0x3c: {  	p2 =	seq.s32 s10, $0x1;
	s10 =	sld [smem:$0x3FB1]  }
0x3d: {  	_ =	shalt  }
0x3e: {  	_ =	shalt  }
0x3f: {  	_ =	shalt  }
0x40: {  	_ =	shalt  }
0x41: {  	_ =	shalt  }
0x42: {  	_ =	shalt  }
0x43: {  	_ =	shalt  }
0x44: {  	_ =	shalt  }
0x45: {  	_ =	shalt  }
0x46: {  	_ =	shalt  }
0x47: {  	_ =	shalt  }
0x48: {  	_ =	shalt  }
0x49: {  	_ =	shalt  }
0x4a: {  	_ =	shalt  }
0x4b: {  	_ =	shalt  }
0x4c: {  	_ =	shalt  }
0x4d: {  	_ =	shalt  }
0x4e: {  	_ =	shalt  }
0x4f: {  	_ =	shalt  }
0x50: {  	_ =	shalt  }
0x51: {  	_ =	shalt  }
0x52: {  	_ =	shalt  }
0x53: {  	_ =	shalt  }
0x54: {  	_ =	shalt  }
0x55: {  	_ =	shalt  }
0x56: {  	_ =	shalt  }
0x57: {  	_ =	shalt  }
0x58: {  	_ =	shalt  }
0x59: {  	_ =	shalt  }
0x5a: {  	_ =	shalt  }
0x5b: {  	_ =	shalt  }
0x5c: {  	_ =	shalt  }
0x5d: {  	_ =	shalt  }
0x5e: {  	_ =	shalt  }
0x5f: {  	_ =	shalt  }
0x60: {  	_ =	shalt  }
0x61: {  	_ =	shalt  }
0x62: {  	_ =	shalt  }
0x63: {  	_ =	shalt  }
0x64: {  	_ =	shalt  }
0x65: {  	_ =	shalt  }
0x66: {  	_ =	shalt  }
0x67: {  	_ =	shalt  }
0x68: {  	_ =	shalt  }
0x69: {  	_ =	shalt  }
0x6a: {  	_ =	shalt  }
0x6b: {  	_ =	shalt  }
0x6c: {  	_ =	shalt  }
0x6d: {  	_ =	shalt  }
0x6e: {  	_ =	shalt  }
0x6f: {  	_ =	shalt  }
0x70: {  	_ =	shalt  }
0x71: {  	_ =	shalt  }
0x72: {  	_ =	shalt  }
0x73: {  	_ =	shalt  }
0x74: {  	_ =	shalt  }
0x75: {  	_ =	shalt  }
0x76: {  	_ =	shalt  }
0x77: {  	_ =	shalt  }
0x78: {  	_ =	shalt  }
0x79: {  	_ =	shalt  }
0x7a: {  	_ =	shalt  }
0x7b: {  	_ =	shalt  }
0x7c: {  	_ =	shalt  }
0x7d: {  	_ =	shalt  }
0x7e: {  	_ =	shalt  }
0x7f: {  	_ =	shalt  }
0x80: {  	_ =	shalt  }
0x81: {  	_ =	shalt  }
0x82: {  	_ =	shalt  }
0x83: {  	_ =	shalt  }
0x84: {  	_ =	shalt  }
0x85: {  	_ =	shalt  }
0x86: {  	_ =	shalt  }
0x87: {  	_ =	shalt  }
.Lfunc_end0:
.L_simem_size_0:
called_computation.2_lowered:
.L_overlay_start_0:
0x88: {  	s2 =	sld [smem:$0x3FD9]  }
0x89: {  	s3 =	sld [smem:$0x3FFE];
	_ =	sdelay $0x1  }
0x8a: {  	s1 =	srdreg.scid  }
0x8b: {  	s0 =	sand.u32 $0x1, s1  }
0x8c: {  	s16 =	sshll.u32 s0, $0xA;
	s2 =	sadd.s32 s3, s2  }
0x8d: {  	s2 =	sadd.s32 s2, s16  }
0x8e: {  	[smem:$0x3FBD] =	sst s2  }
0x8f: {  	_ = 	snop  }
0x90: {  	(tm) =	ssettm $0x1  }
0x91: {  	s17 =	sld [smem:$0x3FFB];
	_ =	sdelay $0x3  }
0x92: {  	_ =	strace s17  }
0x93: {  	s2 =	sld [smem:$0x3FFC];
	_ =	sdelay $0x3  }
0x94: {  	_ =	strace s2  }
0x95: {  	s2 =	sld [smem:$0x3FFD];
	_ =	sdelay $0x3  }
0x96: {  	_ =	strace s2  }
0x97: {  	_ =	strace $0x8FFFFFFF  }
0x98: {  	s18 =	sld [smem:$0x3FDB];
	_ =	sdelay $0x1  }
0x99: {  	s19 =	simm.s32 $_scs_section_size  }
0x9a: {  	s4 =	simm.s32 $_size__tile_overlayer_lowered;
	s5 =	simm.s32 $_tile_overlayer_lowered  }
0x9b: {  	s22 =	simm.s32 $0x1BFF;
	s21 =	sshll.u32 s5, $0x1;
	s2 =	sadd.s32 s19, s18  }
0x9c: {  	s6 =	simm.s32 $0x0;
	s20 =	sshll.u32 s4, $0x1;
	s4 =	sadd.s32 s21, s2  }
0x9d: {  	[timem:s6], [sflag:s22] =	dma.local [hbm:s4], s20  }
0x9e: {  	_ =	swait.ge [sflag:s22], s20  }
0x9f: {  	s3 =	ssub.s32 $0x0, s20;
	[sflag:s22] =	ssyncset.done $0x0  }
0xa0: {  	[sflag:s22] =	ssyncadd.s32 s3;
	_ =	sdelay $0x1  }
0xa1: {  	s23 =	simm.s32 $0x1B8B  }
0xa2: {  	_ =	swait.ge [sflag:s23], $0x1  }
0xa3: {  	[sflag:s23] =	ssyncset.done $0x0  }
0xa4: {  	s25 =	simm.s32 $0x1B8E;
	s24 =	sld [smem:$0x3FFE];
	[sflag:s23] =	ssyncadd.s32 $0xFFFFFFFF  }
0xa5: {  	s26 =	simm.s32 $execute0_lowered;
	[smem:$0x3FD2] =	sst s25  }
0xa6: {  	s4 =	sshll.u32 s26, $0x1;
	_ =	strace $0x8000004C;
	[dreg:$0x1] =	wrdreg $0xFFFFFFFF  }
0xa7: {  	s28 =	simm.s32 $_size_execute0_lowered;
	s2 =	sadd.s32 s2, s4;
	[dreg:$0x0] =	wrdreg $0x0  }
0xa8: {  	s4 =	sshll.u32 s28, $0x1;
	[dreg:$0x2] =	wrdreg s2  }
0xa9: {  	[dreg:$0x3] =	wrdreg s4  }
0xaa: {  	[dreg:$0x4] =	wrdreg $0xC0  }
0xab: {  	_ =	task [dreg:s6], $0x5FFFF  }
0xac: {  	[dreg:$0x1] =	wrdreg $0xFFFFFFFF  }
0xad: {  	[dreg:$0x0] =	wrdreg $0x60  }
0xae: {  	[dreg:$0x2] =	wrdreg s24  }
0xaf: {  	[dreg:$0x3] =	wrdreg $0x10C000  }
0xb0: {  	[dreg:$0x4] =	wrdreg $0x48000  }
0xb1: {  	[dreg:$0x5] =	wrdreg $0x9  }
0xb2: {  	_ =	task.clear_ibuf [dreg:s6], $0x6FFFF;
	_ =	strace $0x9000004C  }
0xb3: {  	s29 =	simm.s32 $0x9;
	_ =	strace $0x8000004E  }
0xb4: {  	_ =	swait.ge [sflag:s29], $0x1  }
0xb5: {  	[sflag:s29] =	ssyncadd.s32 $0xFFFFFFFF  }
0xb6: {  	_ =	strace $0x9000004E  }
0xb7: {  	_ =	sfence  }
0xb8: {  	s30 =	sld [smem:$0x0];
	_ =	sdelay $0x2  }
0xb9: {  	s31 =	sshll.u32 s1, $0xD;
	s1 =	sshrl.u32 s1, $0x2  }
0xba: {  	s3 =	sand.u32 $0x4000, s31;
	s1 =	sadd.s32 s1, s30  }
0xbb: {  	s0 =	sor.u32 s3, s0;
	s1 =	sshll.u32 s1, $0x11  }
0xbc: {  	s0 =	sor.u32 s1, s0  }
0xbd: {  	s0 =	sadd.s32 $0x8F2B, s0  }
0xbe: {  	[sflag:s0] =	ssyncadd.remote.s32 $0x1  }
0xbf: {  	_ =	sfence.sel $0xFFFF  }
0xc0: {  	[dreg:$0x0] =	wrdreg $0xFFFFFFFF;
	(pc) =	sbr.abs _section_cstart, $3  }
0xc1: {  	[dreg:$0x1] =	wrdreg $0xFFFFFFFF  }
0xc2: {  	_ =	task.clear_ibuf [dreg:s6], $0x2FFFF;
	_ =	strace $0x9FFFFFFF  }
0xc3: {  	(tm) =	ssettm $0x7FFFFFFF  }
tec
execute0_lowered:
.L_overlay_start_1:
0x0: {  	(tag) =	ssettag $0x1  }
0x1: {  	s0 =	rddreg [dreg:$0x0]  }
0x2: {  	s2 =	rddreg [dreg:$0x1];
	s4 =	stileid.u32  }
0x3: {  	s1 =	srdreg.scid;
	s3 =	rddreg [dreg:$0x2]  }
0x4: {  	s6 =	simm.s32 $0x0;
	s5 =	simm.s32 $0x0;
	s28 =	simm.s32 $0x3800  }
0x5: {  	s29 =	simm.s32 $0x180;
	s7 =	smul.u32 $0xC380, s4;
	[dreg:$0x4] =	wrdreg s5  }
0x6: {  	s1 =	sand.u32 $0x1, s1;
	[smem:$0x7FF] =	sst s6;
	s13 =	smul.u32 $0x31000, s4  }
0x7: {  	s14 =	sadd.s32 $0xB7480, s2;
	s16 =	sadd.s32 $0x1AE90, s0;
	s8 =	smul.u32 $0xC4000, s1  }
0x8: {  	_ =	strace $0x8000004D;
	s11 =	ssub.s32 $0x2, s1;
	[dreg:$0x7] =	wrdreg s14  }
0x9: {  	p0 =	seq.s32 s1, $0x1;
	[dreg:$0x8] =	wrdreg s16;
	s10 =	sshrl.u32 s7, $0x3  }
0xa: {  	s12 =	sshrl.u32 s11, $0x1;
	s7 =	sadd.s32 s7, s2;
	s15 =	sshrl.u32 s13, $0x2  }
0xb: {  	s10 =	sadd.s32 s10, s0;
	[dreg:$0x5] =	wrdreg s7;
	s1 =	sadd.s32 s15, s3  }
0xc: {  	s11 =	ssub.s32 s11, s12;
	s12 =	sadd.s32 $0x4000, s10;
	[dreg:$0xa] =	wrdreg s1  }
0xd: {  	s30 =	simm.s32 $0x4000;
	s17 =	sadd.s32 $0x1C800, s10;
	[dreg:$0x6] =	wrdreg s12  }
0xe: {  	s31 =	simm.s32 $0x1;
	s18 =	sadd.s32 $0xBC00, s1;
	[dreg:$0x9] =	wrdreg s17  }
0xf: {  	s9 =	smul.u32 $0xC400, s4;
	s21 =	smax.u32 s11, $0x1;
	[dreg:$0xc] =	wrdreg s18  }
0x10: {  	s5 =	sadd.s32 $0xF8E00, s0;
	s22 =	sadd.s32 $0x800, s1;
	[dreg:$0xe] =	wrdreg s21  }
0x11: {  	s6 =	sadd.s32 $0xDFE00, s0;
	s23 =	sadd.s32 $0x1000, s1;
	[dreg:$0xf] =	wrdreg s22  }
0x12: {  	s20 =	sadd.s32 s9, s3;
	s24 =	sadd.s32 $0x1800, s1;
	[dreg:$0x10] =	wrdreg s23  }
0x13: {  	s8 =	sadd.s32 s9, s8;
	s25 =	sadd.s32 $0x2000, s1;
	[dreg:$0x11] =	wrdreg s24  }
0x14: {  	s15 =	smul.u32 $0x190, s4;
	s26 =	sadd.s32 $0x2800, s1;
	[dreg:$0x12] =	wrdreg s25  }
0x15: {  	s9 =	stileid.u32;
	s7 =	sadd.s32 $0x3000, s1;
	[dreg:$0x13] =	wrdreg s26  }
0x16: {  	s8 =	sshrl.u32 s8, $0x3;
	s10 =	sadd.s32 $0x4000, s1;
	[dreg:$0x14] =	wrdreg s7  }
0x17: {  	p2 =	seq.s32 @p0 s9, $0xF;
	s11 =	sadd.s32 $0x4800, s1;
	[dreg:$0x17] =	wrdreg s10  }
0x18: {  	p4 =	seq.s32 @!p0 s9, $0xF;
	s13 =	sadd.s32 $0x5800, s1;
	[dreg:$0x18] =	wrdreg s11  }
0x19: {  	s14 =	sadd.s32 $0x6000, s1;
	s16 =	sadd.s32 $0x6800, s1;
	[dreg:$0x1a] =	wrdreg s13  }
0x1a: {  	s8 =	sadd.s32 s8, s0;
	s0 =	sadd.s32 $0x33690, s0;
	[dreg:$0x1b] =	wrdreg s14  }
0x1b: {  	p1 =	por !p2, !p0;
	p2 =	por p2, !p0;
	[dreg:$0x1c] =	wrdreg s16  }
0x1c: {  	p3 =	por !p4, p0;
	s12 =	sadd.s32 $0x5000, s1;
	[dreg:$0xb] =	wrdreg s0  }
0x1d: {  	p4 =	por p4, p0;
	s17 =	sadd.s32 $0x7000, s1;
	[dreg:$0x19] =	wrdreg s12  }
0x1e: {  	s18 =	sadd.s32 $0x7800, s1;
	s21 =	sadd.s32 $0x9000, s1;
	[dreg:$0x1d] =	wrdreg s17  }
0x1f: {  	s22 =	sadd.s32 $0x9800, s1;
	s23 =	sadd.s32 $0xA000, s1;
	[dreg:$0x1e] =	wrdreg s18  }
0x20: {  	s24 =	sadd.s32 $0xA800, s1;
	s25 =	sadd.s32 $0xB000, s1;
	[smem:$0x7F8] =	sst s21  }
0x21: {  	s26 =	sadd.s32 $0xB800, s1;
	s10 =	simm.s32 $0x4;
	[smem:$0x7F9] =	sst s22  }
0x22: {  	s11 =	simm.s32 $0x5;
	s13 =	simm.s32 $0x6;
	[smem:$0x7FA] =	sst s23  }
0x23: {  	s14 =	simm.s32 $0x7;
	s16 =	simm.s32 $0x8;
	[smem:$0x7FB] =	sst s24  }
0x24: {  	s19 =	sadd.s32 $0x35000, s8;
	s8 =	sadd.s32 $0x3800, s1;
	[smem:$0x7FC] =	sst s25  }
0x25: {  	s0 =	sshrl.u32 s20, $0x3;
	s20 =	sadd.s32 $0x8800, s1;
	[smem:$0x7FD] =	sst s26  }
0x26: {  	s21 =	simm.s32 $0x2800;
	s22 =	simm.s32 $0x9;
	s23 =	simm.s32 $0x1400  }
0x27: {  	s24 =	simm.s32 $0x80;
	s25 =	simm.s32 $0x3000;
	[dreg:$0xd] =	wrdreg s19  }
0x28: {  	s26 =	simm.s32 $0x100;
	s17 =	simm.s32 $0x2600;
	[dreg:$0x15] =	wrdreg s8  }
0x29: {  	s18 =	simm.s32 $0x2680;
	[dreg:$0x16] =	wrdreg s0;
	s19 =	sadd.s32 $0x8000, s1  }
0x2a: {  	[smem:$0x7F7] =	sst s20;
	s1 =	simm.s32 $0x2;
	s8 =	simm.s32 $0x3  }
0x2b: {  	v0 =	vimm.f32 $0.0e+00;
	s20 =	simm.s32 $0x2780;
	[dreg:$0x1f] =	wrdreg s19;
	s19 =	simm.s32 $0x2700  }
.LBB2_1:
0x2c: {  	s12 =	rddreg [dreg:$0x7]  }
0x2d: {  	s7 =	simm.s32 @!p1 $0x1FC9;
	s4 =	rddreg [dreg:$0xb];
	s0 =	sshrl.u32 @!p1 s12, $0x3  }
0x2e: {  	[spmem:s0], [sflag:s7] =	dma.local @!p1 [hbm:s4], $0x1810  }
0x2f: {  	s0 =	simm.s32 @!p1 $0x9  }
0x30: {  	_ =	swait.ge @!p1 [sflag:s0], $0x1810  }
0x31: {  	s7 =	sshll.u32 @!p2 s9, $0x6;
	s9 =	rddreg [dreg:$0x5]  }
0x32: {  	[sflag:s0] =	ssyncset.done @!p1 $0x0;
	s4 =	rddreg [dreg:$0x9]  }
0x33: {  	[sflag:s0] =	ssyncadd.s32 @!p1 $0xFFFFE7F0;
	s0 =	sor.u32 @!p2 $0x1C09, s7;
	s7 =	sshrl.u32 @!p2 s9, $0x3  }
0x34: {  	[spmem:s7], [sflag:s0] =	dma.local @!p2 [hbm:s4], $0x1870  }
0x35: {  	s0 =	simm.s32 @!p2 $0x9  }
0x36: {  	_ =	swait.ge @!p2 [sflag:s0], $0x1870  }
0x37: {  	s7 =	simm.s32 @!p3 $0x1FC9;
	[sflag:s0] =	ssyncset.done @!p2 $0x0  }
0x38: {  	[sflag:s0] =	ssyncadd.s32 @!p2 $0xFFFFE790;
	s0 =	sshrl.u32 @!p3 s12, $0x3;
	s12 =	rddreg [dreg:$0x8]  }
0x39: {  	[spmem:s0], [sflag:s7] =	dma.local @!p3 [hbm:s12], $0x1810  }
0x3a: {  	s0 =	simm.s32 @!p3 $0x9  }
0x3b: {  	s4 =	stileid.u32;
	_ =	swait.ge @!p3 [sflag:s0], $0x1810  }
0x3c: {  	s7 =	sshll.u32 @!p4 s4, $0x6;
	[sflag:s0] =	ssyncset.done @!p3 $0x0;
	s4 =	rddreg [dreg:$0x6]  }
0x3d: {  	[sflag:s0] =	ssyncadd.s32 @!p3 $0xFFFFE7F0;
	s0 =	sor.u32 @!p4 $0x1C09, s7;
	s7 =	sshrl.u32 @!p4 s9, $0x3  }
0x3e: {  	[spmem:s7], [sflag:s0] =	dma.local @!p4 [hbm:s4], $0x1870  }
0x3f: {  	s7 =	simm.s32 @!p4 $0x9  }
0x40: {  	s9 =	simm.s32 @!p1 $0x0;
	s0 =	simm.s32 @!p3 $0x0;
	_ =	swait.ge @!p4 [sflag:s7], $0x1870  }
0x41: {  	s9 =	simm.s32 @p1 $0x0;
	s0 =	simm.s32 @p3 $0x0;
	[sflag:s7] =	ssyncset.done @!p4 $0x0  }
0x42: {  	s0 =	smov.u32 @p0 s9;
	[sflag:s7] =	ssyncadd.s32 @!p4 $0xFFFFE790  }
.LBB2_2:
0x43: {  	p5 =	seq.s32 s0, $0x1FC0  }
.Ltmp0:
0x44: {  	_ = 	snop;
	(pc) =	sbr.rel @!p5 .LBB2_2-.Ltmp0, $3  }
0x45: {  	_ =	sdelay $0x1  }
0x46: {  	s7 =	sshra.s32 s0, $0x2  }
0x47: {  	s0 =	sadd.s32 $0x40, s0;
	[tilespmem:s7+$0x2800] =	vst v0  }
0x48: {  	s0 =	rddreg [dreg:$0xa]  }
0x49: {  	[spmem:s0] =	stream.linear.scatter [tilespmem:s21], [sflag:$0x9], $0x800, $0x38;
	[tilespmem:$0x1CF50] =	vst v63  }
0x4a: {  	_ =	swait.ge [sflag:s22], $0x800  }
0x4b: {  	[sflag:s22] =	ssyncset.done $0x0  }
0x4c: {  	s4 =	rddreg [dreg:$0xf];
	[sflag:s22] =	ssyncadd.s32 $0xFFFFF800  }
0x4d: {  	[spmem:s4] =	stream.linear.scatter [tilespmem:s21], [sflag:$0x9], $0x800, $0x38;
	[tilespmem:$0x1CF50] =	vst v63  }
0x4e: {  	_ =	swait.ge [sflag:s22], $0x800  }
0x4f: {  	[sflag:s22] =	ssyncset.done $0x0  }
0x50: {  	s7 =	rddreg [dreg:$0x10];
	[sflag:s22] =	ssyncadd.s32 $0xFFFFF800  }
0x51: {  	[spmem:s7] =	stream.linear.scatter [tilespmem:s21], [sflag:$0x9], $0x800, $0x38;
	[tilespmem:$0x1CF50] =	vst v63  }
0x52: {  	_ =	swait.ge [sflag:s22], $0x800  }
0x53: {  	[sflag:s22] =	ssyncset.done $0x0  }
0x54: {  	s9 =	rddreg [dreg:$0x11];
	[sflag:s22] =	ssyncadd.s32 $0xFFFFF800  }
0x55: {  	[spmem:s9] =	stream.linear.scatter [tilespmem:s21], [sflag:$0x9], $0x800, $0x38;
	[tilespmem:$0x1CF50] =	vst v63  }
0x56: {  	_ =	swait.ge [sflag:s22], $0x800  }
0x57: {  	[sflag:s22] =	ssyncset.done $0x0  }
0x58: {  	s12 =	rddreg [dreg:$0x12];
	[sflag:s22] =	ssyncadd.s32 $0xFFFFF800  }
0x59: {  	[spmem:s12] =	stream.linear.scatter [tilespmem:s21], [sflag:$0x9], $0x800, $0x38;
	[tilespmem:$0x1CF50] =	vst v63  }
0x5a: {  	_ =	swait.ge [sflag:s22], $0x800  }
0x5b: {  	[sflag:s22] =	ssyncset.done $0x0  }
0x5c: {  	s4 =	rddreg [dreg:$0x13];
	[sflag:s22] =	ssyncadd.s32 $0xFFFFF800  }
0x5d: {  	[spmem:s4] =	stream.linear.scatter [tilespmem:s21], [sflag:$0x9], $0x800, $0x38;
	[tilespmem:$0x1CF50] =	vst v63  }
0x5e: {  	_ =	swait.ge [sflag:s22], $0x800  }
0x5f: {  	[sflag:s22] =	ssyncset.done $0x0  }
0x60: {  	s7 =	rddreg [dreg:$0x14];
	[sflag:s22] =	ssyncadd.s32 $0xFFFFF800  }
0x61: {  	[spmem:s7] =	stream.linear.scatter [tilespmem:s21], [sflag:$0x9], $0x800, $0x38;
	[tilespmem:$0x1CF50] =	vst v63  }
0x62: {  	_ =	swait.ge [sflag:s22], $0x800  }
0x63: {  	[sflag:s22] =	ssyncset.done $0x0  }
0x64: {  	s9 =	rddreg [dreg:$0x15];
	[sflag:s22] =	ssyncadd.s32 $0xFFFFF800  }
0x65: {  	[spmem:s9] =	stream.linear.scatter [tilespmem:s21], [sflag:$0x9], $0x800, $0x38;
	[tilespmem:$0x1CF50] =	vst v63  }
0x66: {  	_ =	swait.ge [sflag:s22], $0x800  }
0x67: {  	[sflag:s22] =	ssyncset.done $0x0  }
0x68: {  	s12 =	rddreg [dreg:$0x17];
	[sflag:s22] =	ssyncadd.s32 $0xFFFFF800  }
0x69: {  	[spmem:s12] =	stream.linear.scatter [tilespmem:s21], [sflag:$0x9], $0x800, $0x38;
	[tilespmem:$0x1CF50] =	vst v63  }
0x6a: {  	_ =	swait.ge [sflag:s22], $0x800  }
0x6b: {  	[sflag:s22] =	ssyncset.done $0x0  }
0x6c: {  	s4 =	rddreg [dreg:$0x18];
	[sflag:s22] =	ssyncadd.s32 $0xFFFFF800  }
0x6d: {  	[spmem:s4] =	stream.linear.scatter [tilespmem:s21], [sflag:$0x9], $0x800, $0x38;
	[tilespmem:$0x1CF50] =	vst v63  }
0x6e: {  	_ =	swait.ge [sflag:s22], $0x800  }
0x6f: {  	[sflag:s22] =	ssyncset.done $0x0  }
0x70: {  	s7 =	rddreg [dreg:$0x19];
	[sflag:s22] =	ssyncadd.s32 $0xFFFFF800  }
0x71: {  	[spmem:s7] =	stream.linear.scatter [tilespmem:s21], [sflag:$0x9], $0x800, $0x38;
	[tilespmem:$0x1CF50] =	vst v63  }
0x72: {  	_ =	swait.ge [sflag:s22], $0x800  }
0x73: {  	[sflag:s22] =	ssyncset.done $0x0  }
0x74: {  	s9 =	rddreg [dreg:$0x1a];
	[sflag:s22] =	ssyncadd.s32 $0xFFFFF800  }
0x75: {  	[spmem:s9] =	stream.linear.scatter [tilespmem:s21], [sflag:$0x9], $0x800, $0x38;
	[tilespmem:$0x1CF50] =	vst v63  }
0x76: {  	_ =	swait.ge [sflag:s22], $0x800  }
0x77: {  	[sflag:s22] =	ssyncset.done $0x0  }
0x78: {  	s12 =	rddreg [dreg:$0x1b];
	[sflag:s22] =	ssyncadd.s32 $0xFFFFF800  }
0x79: {  	[spmem:s12] =	stream.linear.scatter [tilespmem:s21], [sflag:$0x9], $0x800, $0x38;
	[tilespmem:$0x1CF50] =	vst v63  }
0x7a: {  	_ =	swait.ge [sflag:s22], $0x800  }
0x7b: {  	[sflag:s22] =	ssyncset.done $0x0  }
0x7c: {  	s4 =	rddreg [dreg:$0x1c];
	[sflag:s22] =	ssyncadd.s32 $0xFFFFF800  }
0x7d: {  	[spmem:s4] =	stream.linear.scatter [tilespmem:s21], [sflag:$0x9], $0x800, $0x38;
	[tilespmem:$0x1CF50] =	vst v63  }
0x7e: {  	_ =	swait.ge [sflag:s22], $0x800  }
0x7f: {  	[sflag:s22] =	ssyncset.done $0x0  }
0x80: {  	s7 =	rddreg [dreg:$0x1d];
	[sflag:s22] =	ssyncadd.s32 $0xFFFFF800  }
0x81: {  	[spmem:s7] =	stream.linear.scatter [tilespmem:s21], [sflag:$0x9], $0x800, $0x38;
	[tilespmem:$0x1CF50] =	vst v63  }
0x82: {  	_ =	swait.ge [sflag:s22], $0x800  }
0x83: {  	[sflag:s22] =	ssyncset.done $0x0  }
0x84: {  	s9 =	rddreg [dreg:$0x1e];
	[sflag:s22] =	ssyncadd.s32 $0xFFFFF800  }
0x85: {  	[spmem:s9] =	stream.linear.scatter [tilespmem:s21], [sflag:$0x9], $0x800, $0x38;
	[tilespmem:$0x1CF50] =	vst v63  }
0x86: {  	_ =	swait.ge [sflag:s22], $0x800  }
0x87: {  	[sflag:s22] =	ssyncset.done $0x0  }
0x88: {  	s12 =	rddreg [dreg:$0x1f];
	[sflag:s22] =	ssyncadd.s32 $0xFFFFF800  }
0x89: {  	[spmem:s12] =	stream.linear.scatter [tilespmem:s21], [sflag:$0x9], $0x800, $0x38;
	[tilespmem:$0x1CF50] =	vst v63  }
0x8a: {  	_ =	swait.ge [sflag:s22], $0x800  }
0x8b: {  	s4 =	sld [smem:$0x7F7]  }
0x8c: {  	[sflag:s22] =	ssyncset.done $0x0  }
0x8d: {  	[sflag:s22] =	ssyncadd.s32 $0xFFFFF800  }
0x8e: {  	[spmem:s4] =	stream.linear.scatter [tilespmem:s21], [sflag:$0x9], $0x800, $0x38;
	[tilespmem:$0x1CF50] =	vst v63  }
0x8f: {  	_ =	swait.ge [sflag:s22], $0x800  }
0x90: {  	s7 =	sld [smem:$0x7F8]  }
0x91: {  	[sflag:s22] =	ssyncset.done $0x0  }
0x92: {  	[sflag:s22] =	ssyncadd.s32 $0xFFFFF800  }
0x93: {  	[spmem:s7] =	stream.linear.scatter [tilespmem:s21], [sflag:$0x9], $0x800, $0x38;
	[tilespmem:$0x1CF50] =	vst v63  }
0x94: {  	_ =	swait.ge [sflag:s22], $0x800  }
0x95: {  	s9 =	sld [smem:$0x7F9]  }
0x96: {  	[sflag:s22] =	ssyncset.done $0x0  }
0x97: {  	[sflag:s22] =	ssyncadd.s32 $0xFFFFF800  }
0x98: {  	[spmem:s9] =	stream.linear.scatter [tilespmem:s21], [sflag:$0x9], $0x800, $0x38;
	[tilespmem:$0x1CF50] =	vst v63  }
0x99: {  	_ =	swait.ge [sflag:s22], $0x800  }
0x9a: {  	s12 =	sld [smem:$0x7FA]  }
0x9b: {  	[sflag:s22] =	ssyncset.done $0x0  }
0x9c: {  	[sflag:s22] =	ssyncadd.s32 $0xFFFFF800  }
0x9d: {  	[spmem:s12] =	stream.linear.scatter [tilespmem:s21], [sflag:$0x9], $0x800, $0x38;
	[tilespmem:$0x1CF50] =	vst v63  }
0x9e: {  	_ =	swait.ge [sflag:s22], $0x800  }
0x9f: {  	s4 =	sld [smem:$0x7FB]  }
0xa0: {  	[sflag:s22] =	ssyncset.done $0x0  }
0xa1: {  	[sflag:s22] =	ssyncadd.s32 $0xFFFFF800  }
0xa2: {  	[spmem:s4] =	stream.linear.scatter [tilespmem:s21], [sflag:$0x9], $0x800, $0x38;
	[tilespmem:$0x1CF50] =	vst v63  }
0xa3: {  	_ =	swait.ge [sflag:s22], $0x800  }
0xa4: {  	s7 =	sld [smem:$0x7FC]  }
0xa5: {  	[sflag:s22] =	ssyncset.done $0x0  }
0xa6: {  	[sflag:s22] =	ssyncadd.s32 $0xFFFFF800  }
0xa7: {  	[spmem:s7] =	stream.linear.scatter [tilespmem:s21], [sflag:$0x9], $0x800, $0x38;
	[tilespmem:$0x1CF50] =	vst v63  }
0xa8: {  	_ =	swait.ge [sflag:s22], $0x800  }
0xa9: {  	s9 =	sld [smem:$0x7FD]  }
0xaa: {  	[sflag:s22] =	ssyncset.done $0x0  }
0xab: {  	[sflag:s22] =	ssyncadd.s32 $0xFFFFF800  }
0xac: {  	[spmem:s9] =	stream.linear.scatter [tilespmem:s21], [sflag:$0x9], $0x800, $0x38;
	[tilespmem:$0x1CF50] =	vst v63  }
0xad: {  	_ =	swait.ge [sflag:s22], $0x800  }
0xae: {  	[sflag:s22] =	ssyncset.done $0x0  }
0xaf: {  	s12 =	rddreg [dreg:$0xc];
	[sflag:s22] =	ssyncadd.s32 $0xFFFFF800  }
0xb0: {  	[spmem:s12] =	stream.linear.scatter [tilespmem:s21], [sflag:$0x9], $0x800, $0x38;
	[tilespmem:$0x1CF50] =	vst v63  }
0xb1: {  	_ =	swait.ge [sflag:s22], $0x800  }
0xb2: {  	[sflag:s22] =	ssyncset.done $0x0  }
0xb3: {  	[sflag:s22] =	ssyncadd.s32 $0xFFFFF800  }
0xb4: {  	s0 =	simm.s32 $0x0;
	s12 =	simm.s32 $0x0;
	[bflag:$0x0] =	sbarrier.arrive $0xFFFF  }
.LBB2_4:
0xb5: {  	s7 =	smul.u32 $0x28, s12;
	_ =	sdelay $0x1  }
0xb6: {  	s7 =	sadd.s32 s15, s7  }
0xb7: {  	s7 =	sshll.u32 s7, $0x4  }
0xb8: {  	s9 =	sadd.s32 s5, s7  }
0xb9: {  	[tilespmem:s0], [sflag:$0x9] =	stream.linear.gather [hbm4b:s9+s0], $0x1400, $0x38;
	[tilespmem:$0x1CF50] =	vst v63  }
0xba: {  	_ =	swait.ge [sflag:s22], $0x1400  }
0xbb: {  	[sflag:s22] =	ssyncset.done $0x0  }
0xbc: {  	s7 =	sadd.s32 s6, s7;
	[sflag:s22] =	ssyncadd.s32 $0xFFFFEC00  }
0xbd: {  	[tilespmem:s23], [sflag:$0x9] =	stream.linear.gather [hbm4b:s7+s0], $0x1400, $0x38;
	[tilespmem:$0x1CF50] =	vst v63  }
0xbe: {  	_ =	swait.ge [sflag:s22], $0x1400  }
0xbf: {  	[sflag:s22] =	ssyncset.done $0x0  }
0xc0: {  	[sflag:s22] =	ssyncadd.s32 $0xFFFFEC00  }
0xc1: {  	[tilespmem:s21], [sflag:$0x1] =	stream.indirect.gather [spmem:s2], $0x10, s0, s24, $0xb8;
	[tilespmem:$0x1CF50] =	vst v63  }
0xc2: {  	_ = 	snop  }
0xc3: {  	[tilespmem:s25], [sflag:$0x2] =	stream.indirect.gather [spmem:s2], $0x10, s24, s24, $0xb8;
	[tilespmem:$0x1CF50] =	vst v63  }
0xc4: {  	_ = 	snop  }
0xc5: {  	[tilespmem:s28], [sflag:$0x3] =	stream.indirect.gather [spmem:s2], $0x10, s26, s24, $0xb8;
	[tilespmem:$0x1CF50] =	vst v63  }
0xc6: {  	_ = 	snop  }
0xc7: {  	[tilespmem:s30], [sflag:$0x4] =	stream.indirect.gather [spmem:s2], $0x10, s29, s24, $0xb8;
	[tilespmem:$0x1CF50] =	vst v63  }
0xc8: {  	_ =	swait.ge [sflag:s31], $0x800  }
0xc9: {  	[sflag:s31] =	ssyncset.done $0x0  }
0xca: {  	s9 =	simm.s32 $0x1400;
	[sflag:s31] =	ssyncadd.s32 $0xFFFFF800  }
0xcb: {  	[spmem:s3] =	stream.indirect.scatter.add.f32 [tilespmem:s21], [sflag:$0x5], $0x10, s9, s24, $0xb8;
	[tilespmem:$0x1CF50] =	vst v63  }
0xcc: {  	_ =	swait.ge [sflag:s1], $0x800  }
0xcd: {  	[sflag:s1] =	ssyncset.done $0x0  }
0xce: {  	s4 =	simm.s32 $0x1480;
	[sflag:s1] =	ssyncadd.s32 $0xFFFFF800  }
0xcf: {  	[spmem:s3] =	stream.indirect.scatter.add.f32 [tilespmem:s25], [sflag:$0x6], $0x10, s4, s24, $0xb8;
	[tilespmem:$0x1CF50] =	vst v63  }
0xd0: {  	_ =	swait.ge [sflag:s8], $0x800  }
0xd1: {  	[sflag:s8] =	ssyncset.done $0x0  }
0xd2: {  	s9 =	simm.s32 $0x1500;
	[sflag:s8] =	ssyncadd.s32 $0xFFFFF800  }
0xd3: {  	[spmem:s3] =	stream.indirect.scatter.add.f32 [tilespmem:s28], [sflag:$0x7], $0x10, s9, s24, $0xb8;
	[tilespmem:$0x1CF50] =	vst v63  }
0xd4: {  	_ =	swait.ge [sflag:s10], $0x800  }
0xd5: {  	[sflag:s10] =	ssyncset.done $0x0  }
0xd6: {  	s4 =	simm.s32 $0x1580;
	[sflag:s10] =	ssyncadd.s32 $0xFFFFF800  }
0xd7: {  	[spmem:s3] =	stream.indirect.scatter.add.f32 [tilespmem:s30], [sflag:$0x8], $0x10, s4, s24, $0xb8;
	[tilespmem:$0x1CF50] =	vst v63  }
0xd8: {  	_ =	swait.ge [sflag:s11], $0x800  }
0xd9: {  	[sflag:s11] =	ssyncset.done $0x0  }
0xda: {  	s9 =	simm.s32 $0x200;
	[sflag:s11] =	ssyncadd.s32 $0xFFFFF800  }
0xdb: {  	[tilespmem:s21], [sflag:$0x1] =	stream.indirect.gather [spmem:s2], $0x10, s9, s24, $0xb8;
	[tilespmem:$0x1CF50] =	vst v63  }
0xdc: {  	_ =	swait.ge [sflag:s13], $0x800  }
0xdd: {  	[sflag:s13] =	ssyncset.done $0x0  }
0xde: {  	s4 =	simm.s32 $0x280;
	[sflag:s13] =	ssyncadd.s32 $0xFFFFF800  }
0xdf: {  	[tilespmem:s25], [sflag:$0x2] =	stream.indirect.gather [spmem:s2], $0x10, s4, s24, $0xb8;
	[tilespmem:$0x1CF50] =	vst v63  }
0xe0: {  	_ =	swait.ge [sflag:s14], $0x800  }
0xe1: {  	[sflag:s14] =	ssyncset.done $0x0  }
0xe2: {  	s9 =	simm.s32 $0x300;
	[sflag:s14] =	ssyncadd.s32 $0xFFFFF800  }
0xe3: {  	[tilespmem:s28], [sflag:$0x3] =	stream.indirect.gather [spmem:s2], $0x10, s9, s24, $0xb8;
	[tilespmem:$0x1CF50] =	vst v63  }
0xe4: {  	_ =	swait.ge [sflag:s16], $0x800  }
0xe5: {  	[sflag:s16] =	ssyncset.done $0x0  }
0xe6: {  	s7 =	simm.s32 $0x800;
	s9 =	simm.s32 $0x380;
	[sflag:s16] =	ssyncadd.s32 $0xFFFFF800  }
.LBB2_5:
0xe7: {  	[tilespmem:s30], [sflag:$0x4] =	stream.indirect.gather [spmem:s2], $0x10, s9, s24, $0xb8;
	[tilespmem:$0x1CF50] =	vst v63  }
0xe8: {  	s9 =	smov.u32 s7  }
0xe9: {  	p5 =	sne.s32 s7, $0x4000;
	s7 =	sadd.s32 $0x800, s7;
	_ =	swait.ge [sflag:s31], $0x800  }
0xea: {  	s9 =	sshra.s32 s9, $0x2;
	[sflag:s31] =	ssyncset.done $0x0  }
0xeb: {  	s4 =	sadd.s32 $0x1400, s9;
	[sflag:s31] =	ssyncadd.s32 $0xFFFFF800  }
0xec: {  	[spmem:s3] =	stream.indirect.scatter.add.f32 [tilespmem:s21], [sflag:$0x5], $0x10, s4, s24, $0xb8;
	[tilespmem:$0x1CF50] =	vst v63  }
0xed: {  	_ =	swait.ge [sflag:s1], $0x800  }
0xee: {  	[sflag:s1] =	ssyncset.done $0x0  }
0xef: {  	s4 =	sadd.s32 $0x1480, s9;
	[sflag:s1] =	ssyncadd.s32 $0xFFFFF800  }
0xf0: {  	[spmem:s3] =	stream.indirect.scatter.add.f32 [tilespmem:s25], [sflag:$0x6], $0x10, s4, s24, $0xb8;
	[tilespmem:$0x1CF50] =	vst v63  }
0xf1: {  	_ =	swait.ge [sflag:s8], $0x800  }
0xf2: {  	[sflag:s8] =	ssyncset.done $0x0  }
0xf3: {  	s4 =	sadd.s32 $0x1500, s9;
	[sflag:s8] =	ssyncadd.s32 $0xFFFFF800  }
0xf4: {  	[spmem:s3] =	stream.indirect.scatter.add.f32 [tilespmem:s28], [sflag:$0x7], $0x10, s4, s24, $0xb8;
	[tilespmem:$0x1CF50] =	vst v63  }
0xf5: {  	_ =	swait.ge [sflag:s10], $0x800  }
0xf6: {  	[sflag:s10] =	ssyncset.done $0x0  }
0xf7: {  	s4 =	sadd.s32 $0x1580, s9;
	[sflag:s10] =	ssyncadd.s32 $0xFFFFF800  }
0xf8: {  	[spmem:s3] =	stream.indirect.scatter.add.f32 [tilespmem:s30], [sflag:$0x8], $0x10, s4, s24, $0xb8;
	[tilespmem:$0x1CF50] =	vst v63  }
0xf9: {  	_ =	swait.ge [sflag:s11], $0x800  }
0xfa: {  	[sflag:s11] =	ssyncset.done $0x0  }
0xfb: {  	s4 =	sadd.s32 $0x200, s9;
	[sflag:s11] =	ssyncadd.s32 $0xFFFFF800  }
0xfc: {  	[tilespmem:s21], [sflag:$0x1] =	stream.indirect.gather [spmem:s2], $0x10, s4, s24, $0xb8;
	[tilespmem:$0x1CF50] =	vst v63  }
0xfd: {  	_ =	swait.ge [sflag:s13], $0x800  }
0xfe: {  	[sflag:s13] =	ssyncset.done $0x0  }
0xff: {  	s4 =	sadd.s32 $0x280, s9;
	[sflag:s13] =	ssyncadd.s32 $0xFFFFF800  }
0x100: {  	[tilespmem:s25], [sflag:$0x2] =	stream.indirect.gather [spmem:s2], $0x10, s4, s24, $0xb8;
	[tilespmem:$0x1CF50] =	vst v63  }
0x101: {  	_ =	swait.ge [sflag:s14], $0x800  }
0x102: {  	[sflag:s14] =	ssyncset.done $0x0  }
.Ltmp1:
0x103: {  	s4 =	sadd.s32 $0x300, s9;
	[sflag:s14] =	ssyncadd.s32 $0xFFFFF800;
	(pc) =	sbr.rel @p5 .LBB2_5-.Ltmp1, $4  }
0x104: {  	[tilespmem:s28], [sflag:$0x3] =	stream.indirect.gather [spmem:s2], $0x10, s4, s24, $0xb8;
	[tilespmem:$0x1CF50] =	vst v63  }
0x105: {  	_ =	swait.ge [sflag:s16], $0x800  }
0x106: {  	[sflag:s16] =	ssyncset.done $0x0  }
0x107: {  	s9 =	sadd.s32 $0x380, s9;
	[sflag:s16] =	ssyncadd.s32 $0xFFFFF800  }
0x108: {  	[tilespmem:s30], [sflag:$0x4] =	stream.indirect.gather [spmem:s2], $0x10, s9, s24, $0xb8;
	[tilespmem:$0x1CF50] =	vst v63  }
0x109: {  	_ =	swait.ge [sflag:s31], $0x800  }
0x10a: {  	[sflag:s31] =	ssyncset.done $0x0  }
0x10b: {  	[sflag:s31] =	ssyncadd.s32 $0xFFFFF800  }
0x10c: {  	[spmem:s3] =	stream.indirect.scatter.add.f32 [tilespmem:s21], [sflag:$0x5], $0x10, s17, s24, $0xb8;
	[tilespmem:$0x1CF50] =	vst v63  }
0x10d: {  	_ =	swait.ge [sflag:s1], $0x800  }
0x10e: {  	[sflag:s1] =	ssyncset.done $0x0  }
0x10f: {  	[sflag:s1] =	ssyncadd.s32 $0xFFFFF800  }
0x110: {  	[spmem:s3] =	stream.indirect.scatter.add.f32 [tilespmem:s25], [sflag:$0x6], $0x10, s18, s24, $0xb8;
	[tilespmem:$0x1CF50] =	vst v63  }
0x111: {  	_ =	swait.ge [sflag:s8], $0x800  }
0x112: {  	[sflag:s8] =	ssyncset.done $0x0  }
0x113: {  	[sflag:s8] =	ssyncadd.s32 $0xFFFFF800  }
0x114: {  	[spmem:s3] =	stream.indirect.scatter.add.f32 [tilespmem:s28], [sflag:$0x7], $0x10, s19, s24, $0xb8;
	[tilespmem:$0x1CF50] =	vst v63  }
0x115: {  	_ =	swait.ge [sflag:s10], $0x800  }
0x116: {  	[sflag:s10] =	ssyncset.done $0x0  }
0x117: {  	[sflag:s10] =	ssyncadd.s32 $0xFFFFF800  }
0x118: {  	[spmem:s3] =	stream.indirect.scatter.add.f32 [tilespmem:s30], [sflag:$0x8], $0x10, s20, s24, $0xb8;
	[tilespmem:$0x1CF50] =	vst v63  }
0x119: {  	_ =	swait.ge [sflag:s11], $0x800  }
0x11a: {  	[sflag:s11] =	ssyncset.done $0x0  }
0x11b: {  	[sflag:s11] =	ssyncadd.s32 $0xFFFFF800  }
0x11c: {  	_ =	swait.ge [sflag:s13], $0x800  }
0x11d: {  	[sflag:s13] =	ssyncset.done $0x0  }
0x11e: {  	s12 =	sadd.s32 $0x1, s12;
	[sflag:s13] =	ssyncadd.s32 $0xFFFFF800  }
0x11f: {  	p5 =	sne.s32 s12, $0xA;
	_ =	swait.ge [sflag:s14], $0x800  }
.Ltmp2:
0x120: {  	[sflag:s14] =	ssyncset.done $0x0;
	(pc) =	sbr.rel @p5 .LBB2_4-.Ltmp2, $4  }
0x121: {  	[sflag:s14] =	ssyncadd.s32 $0xFFFFF800  }
0x122: {  	_ =	swait.ge [sflag:s16], $0x800  }
0x123: {  	[sflag:s16] =	ssyncset.done $0x0  }
0x124: {  	[sflag:s16] =	ssyncadd.s32 $0xFFFFF800  }
0x125: {  	s9 =	stileid.u32;
	[bflag:$0x0] =	sbarrier.arrive $0xFFFF  }
0x126: {  	s0 =	sshll.u32 s9, $0x6;
	s4 =	rddreg [dreg:$0xd]  }
0x127: {  	s7 =	rddreg [dreg:$0x16];
	s0 =	sor.u32 $0x1C09, s0  }
0x128: {  	[hbm:s4], [sflag:s0] =	dma.local [spmem:s7], $0x1880  }
0x129: {  	_ =	swait.ge [sflag:s22], $0x1880  }
0x12a: {  	s7 =	rddreg [dreg:$0x4]  }
0x12b: {  	s12 =	rddreg [dreg:$0xe];
	s0 =	sadd.s32 $0x1, s7  }
0x12c: {  	p5 =	sne.s32 s0, s12  }
.Ltmp3:
0x12d: {  	_ = 	snop;
	(pc) =	sbr.rel @p5 .LBB2_1-.Ltmp3, $3  }
0x12e: {  	_ =	sdelay $0x1  }
0x12f: {  	[sflag:s22] =	ssyncset.done $0x0  }
0x130: {  	[sflag:s22] =	ssyncadd.s32 $0xFFFFE780;
	[dreg:$0x4] =	wrdreg s0  }
0x131: {  	_ =	sfence.sel $0x180000  }
0x132: {  	[bflag:$0x0] =	sbarrier.arrive $0xFFFF  }
0x133: {  	_ =	strace $0x9000004D  }
0x134: {  	[bflag:$0x2] =	sbarrier.arrive $0xFFFF  }
0x135: {  	p0 =	sne.s32 s9, $0x0;
	s0 =	rddreg [dreg:$0x3]  }
0x136: {  	s0 =	sadd.s32 @!p0 $0x100000, s0  }
0x137: {  	[sflag:s0] =	ssyncadd.tile.s32 @!p0 $0x1;
	_ =	shalt  }
.Lfunc_end2:
_tile_overlayer_lowered:
.L_overlay_start_2:
0x138: {  	(tag) =	ssettag $0x2  }
0x139: {  	s0 =	rddreg [dreg:$0x0];
	s2 =	stileid.u32  }
0x13a: {  	s1 =	rddreg [dreg:$0x1];
	p0 =	sne.s32 s2, $0x0  }
0x13b: {  	s3 =	rddreg [dreg:$0x2];
	[bflag:$0x3] =	sbarrier.arrive $0xFFFF;
	s2 =	simm.s32 @!p0 $0x1C09  }
0x13c: {  	[timem:s3], [sflag:s2] =	dma.local @!p0 [hbm:s0], s1  }
0x13d: {  	s0 =	simm.s32 @!p0 $0x9  }
0x13e: {  	_ =	swait.ge @!p0 [sflag:s0], s1  }
0x13f: {  	s1 =	ssub.s32 @!p0 $0x0, s1;
	[sflag:s0] =	ssyncset.done @!p0 $0x0  }
0x140: {  	[sflag:s0] =	ssyncadd.s32 @!p0 s1  }
0x141: {  	[bflag:$0x3] =	sbarrier.arrive $0xFFFF  }
0x142: {  	_ =	shalt  }

// kernel: kernel.19.cloned.1.call-start
scs
__scs_entry_jumppad:
0x0: {  	(pc) =	sbr.rel $0x88, $3  }
0x1: {  	(tag) =	ssettag $0x0;
	lr =	simm.s32 $0x1  }
0x2: {  	[smem:$0x3F96] =	sst lr;
	_ =	strace $0xD0000000  }
0x3: {  	_ = 	snop  }
0x4: {  	_ = 	snop  }
0x5: {  	_ = 	snop  }
0x6: {  	_ = 	snop  }
0x7: {  	_ = 	snop  }
__scs_overlays_trampoline_lowered:
0x8: {  	[smem:$0x3FA5] =	sst s0  }
0x9: {  	[smem:$0x3FA6] =	sst s1  }
0xa: {  	[smem:$0x3FA7] =	sst s2  }
0xb: {  	[smem:$0x3FA8] =	sst s3  }
0xc: {  	[smem:$0x3FA9] =	sst s4  }
0xd: {  	[smem:$0x3FAA] =	sst s5  }
0xe: {  	[smem:$0x3FAB] =	sst s6  }
0xf: {  	[smem:$0x3FAC] =	sst s7  }
0x10: {  	[smem:$0x3FAD] =	sst s8  }
0x11: {  	[smem:$0x3FAE] =	sst s9;
	s0 =	simm.s32 @!p0 $0x0  }
0x12: {  	s1 =	sld [smem:$0x3F94];
	s0 =	simm.s32 @p0 $0x1  }
0x13: {  	[smem:$0x3FAF] =	sst s0;
	s0 =	simm.s32 @!p1 $0x0  }
0x14: {  	s2 =	sld [smem:$0x3F93];
	s0 =	simm.s32 @p1 $0x1  }
0x15: {  	[smem:$0x3FB0] =	sst s0;
	s0 =	simm.s32 @!p2 $0x0  }
0x16: {  	s3 =	sld [smem:$0x3FDB];
	s0 =	simm.s32 @p2 $0x1  }
0x17: {  	s4 =	simm.s32 $0x1BF5;
	[smem:$0x3FB2] =	sst s0  }
0x18: {  	s0 =	sld [smem:$0x3F95];
	_ =	swait.ge [sflag:s4], $0x0  }
0x19: {  	s7 =	sld [smem:$0x3F96]  }
0x1a: {  	s8 =	sadd.s32 $0xFFFFE003, lr  }
0x1b: {  	s9 =	sadd.s32 $0xFFFFFEF7, lr;
	s5 =	simm.s32 $0xFFFFFFFF;
	p2 =	slt.u32 s8, $0xFFFFF086  }
0x1c: {  	p1 =	slt.u32 s9, $0xF7A;
	s5 =	simm.s32 @!p2 $0x0  }
0x1d: {  	s5 =	simm.s32 @p1 $0x1;
	p0 =	seq.s32 s7, s2  }
0x1e: {  	s7 =	smul.u32 @!p0 $0xF7A, s2;
	p2 =	seq.s32 @!p0 s5, $0x0  }
0x1f: {  	s9 =	smul.u32 $0xF7A, s1;
	s8 =	simm.s32 @!p0 $0x1BF5;
	p2 =	por !p2, p0  }
0x20: {  	[sflag:s8] =	ssyncset.s32 @!p0 $0xFFFFF086;
	s6 =	sadd.s32 @!p0 s3, s7;
	s7 =	simm.s32 @!p0 $0x108  }
0x21: {  	s3 =	sadd.s32 s3, s9;
	s6 =	sadd.s32 @!p0 $0x88, s6;
	s7 =	simm.s32 @p2 $0x1082  }
0x22: {  	[simem:s7], [sflag:s8] =	dma.local @!p0 [hbm:s6], $0xF7A  }
0x23: {  	s9 =	sor.u32 $0xD0000000, s2;
	s6 =	simm.s32 $0x108;
	_ =	swait.ge @!p0 [sflag:s8], $0x0  }
0x24: {  	s3 =	sadd.s32 $0x88, s3;
	s6 =	simm.s32 @!p1 $0x1082;
	[sflag:s4] =	ssyncset.s32 $0xFFFFF086  }
0x25: {  	[simem:s6], [sflag:s4] =	dma.local [hbm:s3], $0xF7A  }
0x26: {  	[smem:$0x3F96] =	sst s1;
	(tag) =	ssettag s2;
	_ =	strace s9  }
0x27: {  	s1 =	sld [smem:$0x3FA6]  }
0x28: {  	s2 =	sld [smem:$0x3FA7]  }
0x29: {  	s4 =	sld [smem:$0x3FA9]  }
0x2a: {  	p0 =	seq.s32 s5, $0x0;
	s5 =	sld [smem:$0x3FAA]  }
0x2b: {  	s6 =	sld [smem:$0x3FAB]  }
0x2c: {  	s7 =	sld [smem:$0x3FAC]  }
0x2d: {  	s3 =	simm.s32 $0x108;
	s8 =	sld [smem:$0x3FAD]  }
0x2e: {  	s3 =	simm.s32 @!p0 $0x1082;
	s9 =	sld [smem:$0x3FAE]  }
0x2f: {  	lr =	sadd.s32 s0, s3;
	s0 =	sld [smem:$0x3FA5]  }
0x30: {  	s3 =	sld [smem:$0x3FA8]  }
0x31: {  	[smem:$0x3FB1] =	sst s10  }
0x32: {  	s10 =	sld [smem:$0x3FAF];
	_ =	sdelay $0x3  }
0x33: {  	p0 =	seq.s32 s10, $0x1;
	s10 =	sld [smem:$0x3FB1];
	_ =	sdelay $0x3  }
0x34: {  	[smem:$0x3FB1] =	sst s10  }
0x35: {  	s10 =	sld [smem:$0x3FB0];
	_ =	sdelay $0x3  }
0x36: {  	p1 =	seq.s32 s10, $0x1;
	s10 =	sld [smem:$0x3FB1];
	_ =	sdelay $0x3  }
0x37: {  	[smem:$0x3FB1] =	sst s10  }
0x38: {  	s10 =	sld [smem:$0x3FB2]  }
0x39: {  	_ = 	snop;
	(pc) =	sbr.ind lr, $3  }
0x3a: {  	_ = 	snop  }
0x3b: {  	_ = 	snop  }
0x3c: {  	p2 =	seq.s32 s10, $0x1;
	s10 =	sld [smem:$0x3FB1]  }
0x3d: {  	_ =	shalt  }
0x3e: {  	_ =	shalt  }
0x3f: {  	_ =	shalt  }
0x40: {  	_ =	shalt  }
0x41: {  	_ =	shalt  }
0x42: {  	_ =	shalt  }
0x43: {  	_ =	shalt  }
0x44: {  	_ =	shalt  }
0x45: {  	_ =	shalt  }
0x46: {  	_ =	shalt  }
0x47: {  	_ =	shalt  }
0x48: {  	_ =	shalt  }
0x49: {  	_ =	shalt  }
0x4a: {  	_ =	shalt  }
0x4b: {  	_ =	shalt  }
0x4c: {  	_ =	shalt  }
0x4d: {  	_ =	shalt  }
0x4e: {  	_ =	shalt  }
0x4f: {  	_ =	shalt  }
0x50: {  	_ =	shalt  }
0x51: {  	_ =	shalt  }
0x52: {  	_ =	shalt  }
0x53: {  	_ =	shalt  }
0x54: {  	_ =	shalt  }
0x55: {  	_ =	shalt  }
0x56: {  	_ =	shalt  }
0x57: {  	_ =	shalt  }
0x58: {  	_ =	shalt  }
0x59: {  	_ =	shalt  }
0x5a: {  	_ =	shalt  }
0x5b: {  	_ =	shalt  }
0x5c: {  	_ =	shalt  }
0x5d: {  	_ =	shalt  }
0x5e: {  	_ =	shalt  }
0x5f: {  	_ =	shalt  }
0x60: {  	_ =	shalt  }
0x61: {  	_ =	shalt  }
0x62: {  	_ =	shalt  }
0x63: {  	_ =	shalt  }
0x64: {  	_ =	shalt  }
0x65: {  	_ =	shalt  }
0x66: {  	_ =	shalt  }
0x67: {  	_ =	shalt  }
0x68: {  	_ =	shalt  }
0x69: {  	_ =	shalt  }
0x6a: {  	_ =	shalt  }
0x6b: {  	_ =	shalt  }
0x6c: {  	_ =	shalt  }
0x6d: {  	_ =	shalt  }
0x6e: {  	_ =	shalt  }
0x6f: {  	_ =	shalt  }
0x70: {  	_ =	shalt  }
0x71: {  	_ =	shalt  }
0x72: {  	_ =	shalt  }
0x73: {  	_ =	shalt  }
0x74: {  	_ =	shalt  }
0x75: {  	_ =	shalt  }
0x76: {  	_ =	shalt  }
0x77: {  	_ =	shalt  }
0x78: {  	_ =	shalt  }
0x79: {  	_ =	shalt  }
0x7a: {  	_ =	shalt  }
0x7b: {  	_ =	shalt  }
0x7c: {  	_ =	shalt  }
0x7d: {  	_ =	shalt  }
0x7e: {  	_ =	shalt  }
0x7f: {  	_ =	shalt  }
0x80: {  	_ =	shalt  }
0x81: {  	_ =	shalt  }
0x82: {  	_ =	shalt  }
0x83: {  	_ =	shalt  }
0x84: {  	_ =	shalt  }
0x85: {  	_ =	shalt  }
0x86: {  	_ =	shalt  }
0x87: {  	_ =	shalt  }
.Lfunc_end0:
.L_simem_size_0:
called_computation.3_lowered:
.L_overlay_start_0:
0x88: {  	s2 =	sld [smem:$0x3FD9]  }
0x89: {  	s3 =	sld [smem:$0x3FFE];
	_ =	sdelay $0x1  }
0x8a: {  	s1 =	srdreg.scid  }
0x8b: {  	s0 =	sand.u32 $0x1, s1  }
0x8c: {  	s16 =	sshll.u32 s0, $0xA;
	s2 =	sadd.s32 s3, s2  }
0x8d: {  	s2 =	sadd.s32 s2, s16  }
0x8e: {  	[smem:$0x3FBD] =	sst s2  }
0x8f: {  	_ = 	snop  }
0x90: {  	(tm) =	ssettm $0x1  }
0x91: {  	s17 =	sld [smem:$0x3FFB];
	_ =	sdelay $0x3  }
0x92: {  	_ =	strace s17  }
0x93: {  	s2 =	sld [smem:$0x3FFC];
	_ =	sdelay $0x3  }
0x94: {  	_ =	strace s2  }
0x95: {  	s2 =	sld [smem:$0x3FFD];
	_ =	sdelay $0x3  }
0x96: {  	_ =	strace s2  }
0x97: {  	_ =	strace $0x8FFFFFFF  }
0x98: {  	s18 =	sld [smem:$0x3FDB];
	_ =	sdelay $0x1  }
0x99: {  	s19 =	simm.s32 $_scs_section_size  }
0x9a: {  	s4 =	simm.s32 $_size__tile_overlayer_lowered;
	s5 =	simm.s32 $_tile_overlayer_lowered  }
0x9b: {  	s22 =	simm.s32 $0x1BFF;
	s21 =	sshll.u32 s5, $0x1;
	s2 =	sadd.s32 s19, s18  }
0x9c: {  	s6 =	simm.s32 $0x0;
	s20 =	sshll.u32 s4, $0x1;
	s4 =	sadd.s32 s21, s2  }
0x9d: {  	[timem:s6], [sflag:s22] =	dma.local [hbm:s4], s20  }
0x9e: {  	_ =	swait.ge [sflag:s22], s20  }
0x9f: {  	s3 =	ssub.s32 $0x0, s20;
	[sflag:s22] =	ssyncset.done $0x0  }
0xa0: {  	[sflag:s22] =	ssyncadd.s32 s3;
	_ =	sdelay $0x1  }
0xa1: {  	s23 =	simm.s32 $0x1B8B  }
0xa2: {  	_ =	swait.ge [sflag:s23], $0x1  }
0xa3: {  	[sflag:s23] =	ssyncset.done $0x0  }
0xa4: {  	s25 =	simm.s32 $0x1B8E;
	s24 =	sld [smem:$0x3FFE];
	[sflag:s23] =	ssyncadd.s32 $0xFFFFFFFF  }
0xa5: {  	s26 =	simm.s32 $execute0_lowered;
	[smem:$0x3FD2] =	sst s25  }
0xa6: {  	s4 =	sshll.u32 s26, $0x1;
	_ =	strace $0x8000004F;
	[dreg:$0x1] =	wrdreg $0xFFFFFFFF  }
0xa7: {  	s28 =	simm.s32 $_size_execute0_lowered;
	s2 =	sadd.s32 s2, s4;
	[dreg:$0x0] =	wrdreg $0x0  }
0xa8: {  	s4 =	sshll.u32 s28, $0x1;
	[dreg:$0x2] =	wrdreg s2  }
0xa9: {  	[dreg:$0x3] =	wrdreg s4  }
0xaa: {  	[dreg:$0x4] =	wrdreg $0xC0  }
0xab: {  	_ =	task [dreg:s6], $0x5FFFF  }
0xac: {  	[dreg:$0x1] =	wrdreg $0xFFFFFFFF  }
0xad: {  	[dreg:$0x0] =	wrdreg $0x60  }
0xae: {  	[dreg:$0x2] =	wrdreg s24  }
0xaf: {  	[dreg:$0x3] =	wrdreg $0x10C000  }
0xb0: {  	[dreg:$0x4] =	wrdreg $0x48000  }
0xb1: {  	[dreg:$0x5] =	wrdreg $0x9  }
0xb2: {  	_ =	task.clear_ibuf [dreg:s6], $0x6FFFF;
	_ =	strace $0x9000004F  }
0xb3: {  	s29 =	simm.s32 $0x9;
	_ =	strace $0x80000051  }
0xb4: {  	_ =	swait.ge [sflag:s29], $0x1  }
0xb5: {  	[sflag:s29] =	ssyncadd.s32 $0xFFFFFFFF  }
0xb6: {  	_ =	strace $0x90000051  }
0xb7: {  	_ =	sfence  }
0xb8: {  	s30 =	sld [smem:$0x0];
	_ =	sdelay $0x2  }
0xb9: {  	s31 =	sshll.u32 s1, $0xD;
	s1 =	sshrl.u32 s1, $0x2  }
0xba: {  	s3 =	sand.u32 $0x4000, s31;
	s1 =	sadd.s32 s1, s30  }
0xbb: {  	s0 =	sor.u32 s3, s0;
	s1 =	sshll.u32 s1, $0x11  }
0xbc: {  	s0 =	sor.u32 s1, s0  }
0xbd: {  	s0 =	sadd.s32 $0x8F2B, s0  }
0xbe: {  	[sflag:s0] =	ssyncadd.remote.s32 $0x1  }
0xbf: {  	_ =	sfence.sel $0xFFFF  }
0xc0: {  	[dreg:$0x0] =	wrdreg $0xFFFFFFFF;
	(pc) =	sbr.abs _section_cstart, $3  }
0xc1: {  	[dreg:$0x1] =	wrdreg $0xFFFFFFFF  }
0xc2: {  	_ =	task.clear_ibuf [dreg:s6], $0x2FFFF;
	_ =	strace $0x9FFFFFFF  }
0xc3: {  	(tm) =	ssettm $0x7FFFFFFF  }
tec
execute0_lowered:
.L_overlay_start_1:
0x0: {  	(tag) =	ssettag $0x1  }
0x1: {  	s0 =	rddreg [dreg:$0x0]  }
0x2: {  	s2 =	rddreg [dreg:$0x1]  }
0x3: {  	s3 =	rddreg [dreg:$0x2];
	s14 =	stileid.u32  }
0x4: {  	s1 =	srdreg.scid;
	s7 =	smul.u32 $0xC380, s14  }
0x5: {  	s4 =	simm.s32 $0x0;
	s1 =	sand.u32 $0x1, s1;
	s9 =	smul.u32 $0xC400, s14  }
0x6: {  	[smem:$0x7FF] =	sst s4;
	s5 =	sadd.s32 $0xF8E00, s0;
	s13 =	smul.u32 $0x31000, s14  }
0x7: {  	s6 =	sadd.s32 $0xDFE00, s0;
	p0 =	seq.s32 s14, $0xF;
	s8 =	smul.u32 $0xC4000, s1  }
0x8: {  	_ =	strace $0x80000050;
	s11 =	ssub.s32 $0x2, s1;
	s1 =	sshll.u32 s1, $0x4  }
0x9: {  	s10 =	sshrl.u32 s7, $0x3;
	s12 =	sshrl.u32 s11, $0x1;
	s15 =	sshrl.u32 s13, $0x2  }
0xa: {  	s13 =	sadd.s32 $0xB7480, s2;
	s1 =	sor.u32 s14, s1;
	s10 =	sadd.s32 s10, s0  }
0xb: {  	s12 =	ssub.s32 s11, s12;
	s11 =	smul.u32 $0xC8, s1;
	s1 =	sshrl.u32 @p0 s13, $0x3  }
0xc: {  	s7 =	sadd.s32 s7, s2;
	s10 =	sadd.s32 $0xC7600, s10;
	[dreg:$0x14] =	wrdreg s1  }
0xd: {  	s8 =	sadd.s32 s9, s8;
	s19 =	smax.u32 s12, $0x1;
	[dreg:$0x5] =	wrdreg s10  }
0xe: {  	s8 =	sshrl.u32 s8, $0x3;
	s1 =	sshrl.u32 @!p0 s7, $0x3;
	[dreg:$0xa] =	wrdreg s19  }
0xf: {  	s8 =	sadd.s32 s8, s0;
	s0 =	sadd.s32 $0xDE490, s0;
	[dreg:$0x15] =	wrdreg s1  }
0x10: {  	s10 =	sadd.s32 s15, s3;
	[dreg:$0x7] =	wrdreg s0  }
0x11: {  	s16 =	sadd.s32 $0xBC00, s10;
	[dreg:$0x6] =	wrdreg s10  }
0x12: {  	s17 =	sadd.s32 $0x111E00, s8;
	[dreg:$0x8] =	wrdreg s16  }
0x13: {  	s20 =	sadd.s32 $0x800, s10;
	[dreg:$0x9] =	wrdreg s17  }
0x14: {  	s21 =	sadd.s32 $0x1000, s10;
	[dreg:$0xb] =	wrdreg s20  }
0x15: {  	s22 =	sadd.s32 $0x1800, s10;
	[dreg:$0xc] =	wrdreg s21  }
0x16: {  	s23 =	sadd.s32 $0x2000, s10;
	[dreg:$0xd] =	wrdreg s22  }
0x17: {  	s24 =	sadd.s32 $0x2800, s10;
	[dreg:$0xe] =	wrdreg s23  }
0x18: {  	s25 =	sadd.s32 $0x3000, s10;
	[dreg:$0xf] =	wrdreg s24  }
0x19: {  	s26 =	sadd.s32 $0x3800, s10;
	[dreg:$0x10] =	wrdreg s25  }
0x1a: {  	s8 =	sadd.s32 $0x4000, s10;
	[dreg:$0x11] =	wrdreg s26  }
0x1b: {  	s18 =	sadd.s32 s9, s3;
	s9 =	sadd.s32 $0x4800, s10;
	[dreg:$0x12] =	wrdreg s8  }
0x1c: {  	s0 =	sshrl.u32 s18, $0x3;
	[dreg:$0x13] =	wrdreg s9  }
0x1d: {  	s12 =	sadd.s32 $0x5000, s10;
	[dreg:$0x16] =	wrdreg s0  }
0x1e: {  	s13 =	sadd.s32 $0x5800, s10;
	[dreg:$0x17] =	wrdreg s12  }
0x1f: {  	s15 =	sadd.s32 $0x6000, s10;
	[dreg:$0x18] =	wrdreg s13  }
0x20: {  	s18 =	sadd.s32 $0x7800, s10;
	[dreg:$0x19] =	wrdreg s15  }
0x21: {  	s28 =	simm.s32 $0x3;
	s19 =	sadd.s32 $0x8000, s10;
	[dreg:$0x1c] =	wrdreg s18  }
0x22: {  	s29 =	simm.s32 $0x4;
	s16 =	sadd.s32 $0x6800, s10;
	[dreg:$0x1d] =	wrdreg s19  }
0x23: {  	s30 =	simm.s32 $0x5;
	s17 =	sadd.s32 $0x7000, s10;
	[dreg:$0x1a] =	wrdreg s16  }
0x24: {  	s31 =	simm.s32 $0x6;
	s20 =	sadd.s32 $0x8800, s10;
	[dreg:$0x1b] =	wrdreg s17  }
0x25: {  	s7 =	simm.s32 $0x8;
	s21 =	sadd.s32 $0x9000, s10;
	[dreg:$0x1e] =	wrdreg s20  }
0x26: {  	s1 =	simm.s32 $0x2600;
	s22 =	sadd.s32 $0x9800, s10;
	[dreg:$0x1f] =	wrdreg s21  }
0x27: {  	s23 =	sadd.s32 $0xA000, s10;
	s24 =	sadd.s32 $0xA800, s10;
	[smem:$0x7F9] =	sst s22  }
0x28: {  	s25 =	sadd.s32 $0xB000, s10;
	s26 =	sadd.s32 $0xB800, s10;
	[smem:$0x7FA] =	sst s23  }
0x29: {  	s18 =	simm.s32 $0x1400;
	s19 =	simm.s32 $0x80;
	[smem:$0x7FB] =	sst s24  }
0x2a: {  	s0 =	simm.s32 $0x7;
	s9 =	simm.s32 $0x2680;
	[smem:$0x7FC] =	sst s25  }
0x2b: {  	s10 =	simm.s32 $0x2700;
	s12 =	simm.s32 $0x2780;
	[smem:$0x7FD] =	sst s26  }
0x2c: {  	s16 =	simm.s32 $0x2800;
	s17 =	simm.s32 $0x9;
	s20 =	simm.s32 $0x3000  }
0x2d: {  	s21 =	simm.s32 $0x100;
	s22 =	simm.s32 $0x3800;
	s23 =	simm.s32 $0x180  }
0x2e: {  	v0 =	vimm.f32 $0.0e+00;
	s24 =	simm.s32 $0x4000;
	s25 =	simm.s32 $0x1;
	s26 =	simm.s32 $0x2  }
.LBB2_1:
0x2f: {  	s13 =	rddreg [dreg:$0x7]  }
0x30: {  	s8 =	simm.s32 @p0 $0x1FC9;
	s15 =	rddreg [dreg:$0x14]  }
0x31: {  	[spmem:s15], [sflag:s8] =	dma.local @p0 [hbm:s13], $0x1810  }
0x32: {  	s8 =	simm.s32 @p0 $0x9  }
0x33: {  	_ =	swait.ge @p0 [sflag:s8], $0x1810  }
0x34: {  	s13 =	sshll.u32 @!p0 s14, $0x6;
	[sflag:s8] =	ssyncset.done @p0 $0x0;
	s14 =	rddreg [dreg:$0x15]  }
0x35: {  	[sflag:s8] =	ssyncadd.s32 @p0 $0xFFFFE7F0;
	s8 =	sor.u32 @!p0 $0x1C09, s13;
	s13 =	rddreg [dreg:$0x5]  }
0x36: {  	[spmem:s14], [sflag:s8] =	dma.local @!p0 [hbm:s13], $0x1870  }
0x37: {  	s13 =	simm.s32 @!p0 $0x9  }
0x38: {  	_ =	swait.ge @!p0 [sflag:s13], $0x1870  }
0x39: {  	s8 =	simm.s32 @!p0 $0x0;
	[sflag:s13] =	ssyncset.done @!p0 $0x0  }
0x3a: {  	s8 =	simm.s32 @p0 $0x0;
	[sflag:s13] =	ssyncadd.s32 @!p0 $0xFFFFE790  }
.LBB2_2:
0x3b: {  	p1 =	seq.s32 s8, $0x1FC0  }
.Ltmp0:
0x3c: {  	_ = 	snop;
	(pc) =	sbr.rel @!p1 .LBB2_2-.Ltmp0, $3  }
0x3d: {  	_ =	sdelay $0x1  }
0x3e: {  	s13 =	sshra.s32 s8, $0x2  }
0x3f: {  	s8 =	sadd.s32 $0x40, s8;
	[tilespmem:s13+$0x2800] =	vst v0  }
0x40: {  	[dreg:$0x4] =	wrdreg s4  }
0x41: {  	s15 =	rddreg [dreg:$0x6]  }
0x42: {  	[spmem:s15] =	stream.linear.scatter [tilespmem:s16], [sflag:$0x9], $0x800, $0x38;
	[tilespmem:$0x1CF50] =	vst v63  }
0x43: {  	_ =	swait.ge [sflag:s17], $0x800  }
0x44: {  	[sflag:s17] =	ssyncset.done $0x0  }
0x45: {  	s8 =	rddreg [dreg:$0xb];
	[sflag:s17] =	ssyncadd.s32 $0xFFFFF800  }
0x46: {  	[spmem:s8] =	stream.linear.scatter [tilespmem:s16], [sflag:$0x9], $0x800, $0x38;
	[tilespmem:$0x1CF50] =	vst v63  }
0x47: {  	_ =	swait.ge [sflag:s17], $0x800  }
0x48: {  	[sflag:s17] =	ssyncset.done $0x0  }
0x49: {  	s13 =	rddreg [dreg:$0xc];
	[sflag:s17] =	ssyncadd.s32 $0xFFFFF800  }
0x4a: {  	[spmem:s13] =	stream.linear.scatter [tilespmem:s16], [sflag:$0x9], $0x800, $0x38;
	[tilespmem:$0x1CF50] =	vst v63  }
0x4b: {  	_ =	swait.ge [sflag:s17], $0x800  }
0x4c: {  	[sflag:s17] =	ssyncset.done $0x0  }
0x4d: {  	s14 =	rddreg [dreg:$0xd];
	[sflag:s17] =	ssyncadd.s32 $0xFFFFF800  }
0x4e: {  	[spmem:s14] =	stream.linear.scatter [tilespmem:s16], [sflag:$0x9], $0x800, $0x38;
	[tilespmem:$0x1CF50] =	vst v63  }
0x4f: {  	_ =	swait.ge [sflag:s17], $0x800  }
0x50: {  	[sflag:s17] =	ssyncset.done $0x0  }
0x51: {  	s15 =	rddreg [dreg:$0xe];
	[sflag:s17] =	ssyncadd.s32 $0xFFFFF800  }
0x52: {  	[spmem:s15] =	stream.linear.scatter [tilespmem:s16], [sflag:$0x9], $0x800, $0x38;
	[tilespmem:$0x1CF50] =	vst v63  }
0x53: {  	_ =	swait.ge [sflag:s17], $0x800  }
0x54: {  	[sflag:s17] =	ssyncset.done $0x0  }
0x55: {  	s8 =	rddreg [dreg:$0xf];
	[sflag:s17] =	ssyncadd.s32 $0xFFFFF800  }
0x56: {  	[spmem:s8] =	stream.linear.scatter [tilespmem:s16], [sflag:$0x9], $0x800, $0x38;
	[tilespmem:$0x1CF50] =	vst v63  }
0x57: {  	_ =	swait.ge [sflag:s17], $0x800  }
0x58: {  	[sflag:s17] =	ssyncset.done $0x0  }
0x59: {  	s13 =	rddreg [dreg:$0x10];
	[sflag:s17] =	ssyncadd.s32 $0xFFFFF800  }
0x5a: {  	[spmem:s13] =	stream.linear.scatter [tilespmem:s16], [sflag:$0x9], $0x800, $0x38;
	[tilespmem:$0x1CF50] =	vst v63  }
0x5b: {  	_ =	swait.ge [sflag:s17], $0x800  }
0x5c: {  	[sflag:s17] =	ssyncset.done $0x0  }
0x5d: {  	s14 =	rddreg [dreg:$0x11];
	[sflag:s17] =	ssyncadd.s32 $0xFFFFF800  }
0x5e: {  	[spmem:s14] =	stream.linear.scatter [tilespmem:s16], [sflag:$0x9], $0x800, $0x38;
	[tilespmem:$0x1CF50] =	vst v63  }
0x5f: {  	_ =	swait.ge [sflag:s17], $0x800  }
0x60: {  	[sflag:s17] =	ssyncset.done $0x0  }
0x61: {  	s15 =	rddreg [dreg:$0x12];
	[sflag:s17] =	ssyncadd.s32 $0xFFFFF800  }
0x62: {  	[spmem:s15] =	stream.linear.scatter [tilespmem:s16], [sflag:$0x9], $0x800, $0x38;
	[tilespmem:$0x1CF50] =	vst v63  }
0x63: {  	_ =	swait.ge [sflag:s17], $0x800  }
0x64: {  	[sflag:s17] =	ssyncset.done $0x0  }
0x65: {  	s8 =	rddreg [dreg:$0x13];
	[sflag:s17] =	ssyncadd.s32 $0xFFFFF800  }
0x66: {  	[spmem:s8] =	stream.linear.scatter [tilespmem:s16], [sflag:$0x9], $0x800, $0x38;
	[tilespmem:$0x1CF50] =	vst v63  }
0x67: {  	_ =	swait.ge [sflag:s17], $0x800  }
0x68: {  	[sflag:s17] =	ssyncset.done $0x0  }
0x69: {  	s13 =	rddreg [dreg:$0x17];
	[sflag:s17] =	ssyncadd.s32 $0xFFFFF800  }
0x6a: {  	[spmem:s13] =	stream.linear.scatter [tilespmem:s16], [sflag:$0x9], $0x800, $0x38;
	[tilespmem:$0x1CF50] =	vst v63  }
0x6b: {  	_ =	swait.ge [sflag:s17], $0x800  }
0x6c: {  	[sflag:s17] =	ssyncset.done $0x0  }
0x6d: {  	s14 =	rddreg [dreg:$0x18];
	[sflag:s17] =	ssyncadd.s32 $0xFFFFF800  }
0x6e: {  	[spmem:s14] =	stream.linear.scatter [tilespmem:s16], [sflag:$0x9], $0x800, $0x38;
	[tilespmem:$0x1CF50] =	vst v63  }
0x6f: {  	_ =	swait.ge [sflag:s17], $0x800  }
0x70: {  	[sflag:s17] =	ssyncset.done $0x0  }
0x71: {  	s15 =	rddreg [dreg:$0x19];
	[sflag:s17] =	ssyncadd.s32 $0xFFFFF800  }
0x72: {  	[spmem:s15] =	stream.linear.scatter [tilespmem:s16], [sflag:$0x9], $0x800, $0x38;
	[tilespmem:$0x1CF50] =	vst v63  }
0x73: {  	_ =	swait.ge [sflag:s17], $0x800  }
0x74: {  	[sflag:s17] =	ssyncset.done $0x0  }
0x75: {  	s8 =	rddreg [dreg:$0x1a];
	[sflag:s17] =	ssyncadd.s32 $0xFFFFF800  }
0x76: {  	[spmem:s8] =	stream.linear.scatter [tilespmem:s16], [sflag:$0x9], $0x800, $0x38;
	[tilespmem:$0x1CF50] =	vst v63  }
0x77: {  	_ =	swait.ge [sflag:s17], $0x800  }
0x78: {  	[sflag:s17] =	ssyncset.done $0x0  }
0x79: {  	s13 =	rddreg [dreg:$0x1b];
	[sflag:s17] =	ssyncadd.s32 $0xFFFFF800  }
0x7a: {  	[spmem:s13] =	stream.linear.scatter [tilespmem:s16], [sflag:$0x9], $0x800, $0x38;
	[tilespmem:$0x1CF50] =	vst v63  }
0x7b: {  	_ =	swait.ge [sflag:s17], $0x800  }
0x7c: {  	[sflag:s17] =	ssyncset.done $0x0  }
0x7d: {  	s14 =	rddreg [dreg:$0x1c];
	[sflag:s17] =	ssyncadd.s32 $0xFFFFF800  }
0x7e: {  	[spmem:s14] =	stream.linear.scatter [tilespmem:s16], [sflag:$0x9], $0x800, $0x38;
	[tilespmem:$0x1CF50] =	vst v63  }
0x7f: {  	_ =	swait.ge [sflag:s17], $0x800  }
0x80: {  	[sflag:s17] =	ssyncset.done $0x0  }
0x81: {  	s15 =	rddreg [dreg:$0x1d];
	[sflag:s17] =	ssyncadd.s32 $0xFFFFF800  }
0x82: {  	[spmem:s15] =	stream.linear.scatter [tilespmem:s16], [sflag:$0x9], $0x800, $0x38;
	[tilespmem:$0x1CF50] =	vst v63  }
0x83: {  	_ =	swait.ge [sflag:s17], $0x800  }
0x84: {  	[sflag:s17] =	ssyncset.done $0x0  }
0x85: {  	s8 =	rddreg [dreg:$0x1e];
	[sflag:s17] =	ssyncadd.s32 $0xFFFFF800  }
0x86: {  	[spmem:s8] =	stream.linear.scatter [tilespmem:s16], [sflag:$0x9], $0x800, $0x38;
	[tilespmem:$0x1CF50] =	vst v63  }
0x87: {  	_ =	swait.ge [sflag:s17], $0x800  }
0x88: {  	[sflag:s17] =	ssyncset.done $0x0  }
0x89: {  	s13 =	rddreg [dreg:$0x1f];
	[sflag:s17] =	ssyncadd.s32 $0xFFFFF800  }
0x8a: {  	[spmem:s13] =	stream.linear.scatter [tilespmem:s16], [sflag:$0x9], $0x800, $0x38;
	[tilespmem:$0x1CF50] =	vst v63  }
0x8b: {  	_ =	swait.ge [sflag:s17], $0x800  }
0x8c: {  	s14 =	sld [smem:$0x7F9]  }
0x8d: {  	[sflag:s17] =	ssyncset.done $0x0  }
0x8e: {  	[sflag:s17] =	ssyncadd.s32 $0xFFFFF800  }
0x8f: {  	[spmem:s14] =	stream.linear.scatter [tilespmem:s16], [sflag:$0x9], $0x800, $0x38;
	[tilespmem:$0x1CF50] =	vst v63  }
0x90: {  	_ =	swait.ge [sflag:s17], $0x800  }
0x91: {  	s15 =	sld [smem:$0x7FA]  }
0x92: {  	[sflag:s17] =	ssyncset.done $0x0  }
0x93: {  	[sflag:s17] =	ssyncadd.s32 $0xFFFFF800  }
0x94: {  	[spmem:s15] =	stream.linear.scatter [tilespmem:s16], [sflag:$0x9], $0x800, $0x38;
	[tilespmem:$0x1CF50] =	vst v63  }
0x95: {  	_ =	swait.ge [sflag:s17], $0x800  }
0x96: {  	s8 =	sld [smem:$0x7FB]  }
0x97: {  	[sflag:s17] =	ssyncset.done $0x0  }
0x98: {  	[sflag:s17] =	ssyncadd.s32 $0xFFFFF800  }
0x99: {  	[spmem:s8] =	stream.linear.scatter [tilespmem:s16], [sflag:$0x9], $0x800, $0x38;
	[tilespmem:$0x1CF50] =	vst v63  }
0x9a: {  	_ =	swait.ge [sflag:s17], $0x800  }
0x9b: {  	s13 =	sld [smem:$0x7FC]  }
0x9c: {  	[sflag:s17] =	ssyncset.done $0x0  }
0x9d: {  	[sflag:s17] =	ssyncadd.s32 $0xFFFFF800  }
0x9e: {  	[spmem:s13] =	stream.linear.scatter [tilespmem:s16], [sflag:$0x9], $0x800, $0x38;
	[tilespmem:$0x1CF50] =	vst v63  }
0x9f: {  	_ =	swait.ge [sflag:s17], $0x800  }
0xa0: {  	s14 =	sld [smem:$0x7FD]  }
0xa1: {  	[sflag:s17] =	ssyncset.done $0x0  }
0xa2: {  	[sflag:s17] =	ssyncadd.s32 $0xFFFFF800  }
0xa3: {  	[spmem:s14] =	stream.linear.scatter [tilespmem:s16], [sflag:$0x9], $0x800, $0x38;
	[tilespmem:$0x1CF50] =	vst v63  }
0xa4: {  	_ =	swait.ge [sflag:s17], $0x800  }
0xa5: {  	[sflag:s17] =	ssyncset.done $0x0  }
0xa6: {  	s15 =	rddreg [dreg:$0x8];
	[sflag:s17] =	ssyncadd.s32 $0xFFFFF800  }
0xa7: {  	[spmem:s15] =	stream.linear.scatter [tilespmem:s16], [sflag:$0x9], $0x800, $0x38;
	[tilespmem:$0x1CF50] =	vst v63  }
0xa8: {  	_ =	swait.ge [sflag:s17], $0x800  }
0xa9: {  	[sflag:s17] =	ssyncset.done $0x0  }
0xaa: {  	[sflag:s17] =	ssyncadd.s32 $0xFFFFF800  }
0xab: {  	s13 =	simm.s32 $0x0;
	s14 =	simm.s32 $0x0;
	[bflag:$0x0] =	sbarrier.arrive $0xFFFF  }
.LBB2_4:
0xac: {  	s8 =	smul.u32 $0x28, s14;
	_ =	sdelay $0x1  }
0xad: {  	s8 =	sadd.s32 s11, s8  }
0xae: {  	s8 =	sshll.u32 s8, $0x4  }
0xaf: {  	s15 =	sadd.s32 s5, s8  }
0xb0: {  	[tilespmem:s13], [sflag:$0x9] =	stream.linear.gather [hbm4b:s15+s13], $0x1400, $0x38;
	[tilespmem:$0x1CF50] =	vst v63  }
0xb1: {  	_ =	swait.ge [sflag:s17], $0x1400  }
0xb2: {  	[sflag:s17] =	ssyncset.done $0x0  }
0xb3: {  	s8 =	sadd.s32 s6, s8;
	[sflag:s17] =	ssyncadd.s32 $0xFFFFEC00  }
0xb4: {  	[tilespmem:s18], [sflag:$0x9] =	stream.linear.gather [hbm4b:s8+s13], $0x1400, $0x38;
	[tilespmem:$0x1CF50] =	vst v63  }
0xb5: {  	_ =	swait.ge [sflag:s17], $0x1400  }
0xb6: {  	[sflag:s17] =	ssyncset.done $0x0  }
0xb7: {  	[sflag:s17] =	ssyncadd.s32 $0xFFFFEC00  }
0xb8: {  	[tilespmem:s16], [sflag:$0x1] =	stream.indirect.gather [spmem:s2], $0x10, s13, s19, $0xb8;
	[tilespmem:$0x1CF50] =	vst v63  }
0xb9: {  	_ = 	snop  }
0xba: {  	[tilespmem:s20], [sflag:$0x2] =	stream.indirect.gather [spmem:s2], $0x10, s19, s19, $0xb8;
	[tilespmem:$0x1CF50] =	vst v63  }
0xbb: {  	_ = 	snop  }
0xbc: {  	[tilespmem:s22], [sflag:$0x3] =	stream.indirect.gather [spmem:s2], $0x10, s21, s19, $0xb8;
	[tilespmem:$0x1CF50] =	vst v63  }
0xbd: {  	_ = 	snop  }
0xbe: {  	[tilespmem:s24], [sflag:$0x4] =	stream.indirect.gather [spmem:s2], $0x10, s23, s19, $0xb8;
	[tilespmem:$0x1CF50] =	vst v63  }
0xbf: {  	_ =	swait.ge [sflag:s25], $0x800  }
0xc0: {  	[sflag:s25] =	ssyncset.done $0x0  }
0xc1: {  	s15 =	simm.s32 $0x1400;
	[sflag:s25] =	ssyncadd.s32 $0xFFFFF800  }
0xc2: {  	[spmem:s3] =	stream.indirect.scatter.add.f32 [tilespmem:s16], [sflag:$0x5], $0x10, s15, s19, $0xb8;
	[tilespmem:$0x1CF50] =	vst v63  }
0xc3: {  	_ =	swait.ge [sflag:s26], $0x800  }
0xc4: {  	[sflag:s26] =	ssyncset.done $0x0  }
0xc5: {  	s4 =	simm.s32 $0x1480;
	[sflag:s26] =	ssyncadd.s32 $0xFFFFF800  }
0xc6: {  	[spmem:s3] =	stream.indirect.scatter.add.f32 [tilespmem:s20], [sflag:$0x6], $0x10, s4, s19, $0xb8;
	[tilespmem:$0x1CF50] =	vst v63  }
0xc7: {  	_ =	swait.ge [sflag:s28], $0x800  }
0xc8: {  	[sflag:s28] =	ssyncset.done $0x0  }
0xc9: {  	s15 =	simm.s32 $0x1500;
	[sflag:s28] =	ssyncadd.s32 $0xFFFFF800  }
0xca: {  	[spmem:s3] =	stream.indirect.scatter.add.f32 [tilespmem:s22], [sflag:$0x7], $0x10, s15, s19, $0xb8;
	[tilespmem:$0x1CF50] =	vst v63  }
0xcb: {  	_ =	swait.ge [sflag:s29], $0x800  }
0xcc: {  	[sflag:s29] =	ssyncset.done $0x0  }
0xcd: {  	s4 =	simm.s32 $0x1580;
	[sflag:s29] =	ssyncadd.s32 $0xFFFFF800  }
0xce: {  	[spmem:s3] =	stream.indirect.scatter.add.f32 [tilespmem:s24], [sflag:$0x8], $0x10, s4, s19, $0xb8;
	[tilespmem:$0x1CF50] =	vst v63  }
0xcf: {  	_ =	swait.ge [sflag:s30], $0x800  }
0xd0: {  	[sflag:s30] =	ssyncset.done $0x0  }
0xd1: {  	s15 =	simm.s32 $0x200;
	[sflag:s30] =	ssyncadd.s32 $0xFFFFF800  }
0xd2: {  	[tilespmem:s16], [sflag:$0x1] =	stream.indirect.gather [spmem:s2], $0x10, s15, s19, $0xb8;
	[tilespmem:$0x1CF50] =	vst v63  }
0xd3: {  	_ =	swait.ge [sflag:s31], $0x800  }
0xd4: {  	[sflag:s31] =	ssyncset.done $0x0  }
0xd5: {  	s4 =	simm.s32 $0x280;
	[sflag:s31] =	ssyncadd.s32 $0xFFFFF800  }
0xd6: {  	[tilespmem:s20], [sflag:$0x2] =	stream.indirect.gather [spmem:s2], $0x10, s4, s19, $0xb8;
	[tilespmem:$0x1CF50] =	vst v63  }
0xd7: {  	_ =	swait.ge [sflag:s0], $0x800  }
0xd8: {  	[sflag:s0] =	ssyncset.done $0x0  }
0xd9: {  	s15 =	simm.s32 $0x300;
	[sflag:s0] =	ssyncadd.s32 $0xFFFFF800  }
0xda: {  	[tilespmem:s22], [sflag:$0x3] =	stream.indirect.gather [spmem:s2], $0x10, s15, s19, $0xb8;
	[tilespmem:$0x1CF50] =	vst v63  }
0xdb: {  	_ =	swait.ge [sflag:s7], $0x800  }
0xdc: {  	[sflag:s7] =	ssyncset.done $0x0  }
0xdd: {  	s8 =	simm.s32 $0x380;
	s15 =	simm.s32 $0x800;
	[sflag:s7] =	ssyncadd.s32 $0xFFFFF800  }
.LBB2_5:
0xde: {  	[tilespmem:s24], [sflag:$0x4] =	stream.indirect.gather [spmem:s2], $0x10, s8, s19, $0xb8;
	[tilespmem:$0x1CF50] =	vst v63  }
0xdf: {  	s8 =	smov.u32 s15  }
0xe0: {  	p1 =	sne.s32 s15, $0x4000;
	s15 =	sadd.s32 $0x800, s15;
	_ =	swait.ge [sflag:s25], $0x800  }
0xe1: {  	s8 =	sshra.s32 s8, $0x2;
	[sflag:s25] =	ssyncset.done $0x0  }
0xe2: {  	s4 =	sadd.s32 $0x1400, s8;
	[sflag:s25] =	ssyncadd.s32 $0xFFFFF800  }
0xe3: {  	[spmem:s3] =	stream.indirect.scatter.add.f32 [tilespmem:s16], [sflag:$0x5], $0x10, s4, s19, $0xb8;
	[tilespmem:$0x1CF50] =	vst v63  }
0xe4: {  	_ =	swait.ge [sflag:s26], $0x800  }
0xe5: {  	[sflag:s26] =	ssyncset.done $0x0  }
0xe6: {  	s4 =	sadd.s32 $0x1480, s8;
	[sflag:s26] =	ssyncadd.s32 $0xFFFFF800  }
0xe7: {  	[spmem:s3] =	stream.indirect.scatter.add.f32 [tilespmem:s20], [sflag:$0x6], $0x10, s4, s19, $0xb8;
	[tilespmem:$0x1CF50] =	vst v63  }
0xe8: {  	_ =	swait.ge [sflag:s28], $0x800  }
0xe9: {  	[sflag:s28] =	ssyncset.done $0x0  }
0xea: {  	s4 =	sadd.s32 $0x1500, s8;
	[sflag:s28] =	ssyncadd.s32 $0xFFFFF800  }
0xeb: {  	[spmem:s3] =	stream.indirect.scatter.add.f32 [tilespmem:s22], [sflag:$0x7], $0x10, s4, s19, $0xb8;
	[tilespmem:$0x1CF50] =	vst v63  }
0xec: {  	_ =	swait.ge [sflag:s29], $0x800  }
0xed: {  	[sflag:s29] =	ssyncset.done $0x0  }
0xee: {  	s4 =	sadd.s32 $0x1580, s8;
	[sflag:s29] =	ssyncadd.s32 $0xFFFFF800  }
0xef: {  	[spmem:s3] =	stream.indirect.scatter.add.f32 [tilespmem:s24], [sflag:$0x8], $0x10, s4, s19, $0xb8;
	[tilespmem:$0x1CF50] =	vst v63  }
0xf0: {  	_ =	swait.ge [sflag:s30], $0x800  }
0xf1: {  	[sflag:s30] =	ssyncset.done $0x0  }
0xf2: {  	s4 =	sadd.s32 $0x200, s8;
	[sflag:s30] =	ssyncadd.s32 $0xFFFFF800  }
0xf3: {  	[tilespmem:s16], [sflag:$0x1] =	stream.indirect.gather [spmem:s2], $0x10, s4, s19, $0xb8;
	[tilespmem:$0x1CF50] =	vst v63  }
0xf4: {  	_ =	swait.ge [sflag:s31], $0x800  }
0xf5: {  	[sflag:s31] =	ssyncset.done $0x0  }
0xf6: {  	s4 =	sadd.s32 $0x280, s8;
	[sflag:s31] =	ssyncadd.s32 $0xFFFFF800  }
0xf7: {  	[tilespmem:s20], [sflag:$0x2] =	stream.indirect.gather [spmem:s2], $0x10, s4, s19, $0xb8;
	[tilespmem:$0x1CF50] =	vst v63  }
0xf8: {  	_ =	swait.ge [sflag:s0], $0x800  }
0xf9: {  	[sflag:s0] =	ssyncset.done $0x0  }
.Ltmp1:
0xfa: {  	s4 =	sadd.s32 $0x300, s8;
	[sflag:s0] =	ssyncadd.s32 $0xFFFFF800;
	(pc) =	sbr.rel @p1 .LBB2_5-.Ltmp1, $4  }
0xfb: {  	[tilespmem:s22], [sflag:$0x3] =	stream.indirect.gather [spmem:s2], $0x10, s4, s19, $0xb8;
	[tilespmem:$0x1CF50] =	vst v63  }
0xfc: {  	_ =	swait.ge [sflag:s7], $0x800  }
0xfd: {  	[sflag:s7] =	ssyncset.done $0x0  }
0xfe: {  	s8 =	sadd.s32 $0x380, s8;
	[sflag:s7] =	ssyncadd.s32 $0xFFFFF800  }
0xff: {  	[tilespmem:s24], [sflag:$0x4] =	stream.indirect.gather [spmem:s2], $0x10, s8, s19, $0xb8;
	[tilespmem:$0x1CF50] =	vst v63  }
0x100: {  	_ =	swait.ge [sflag:s25], $0x800  }
0x101: {  	[sflag:s25] =	ssyncset.done $0x0  }
0x102: {  	[sflag:s25] =	ssyncadd.s32 $0xFFFFF800  }
0x103: {  	[spmem:s3] =	stream.indirect.scatter.add.f32 [tilespmem:s16], [sflag:$0x5], $0x10, s1, s19, $0xb8;
	[tilespmem:$0x1CF50] =	vst v63  }
0x104: {  	_ =	swait.ge [sflag:s26], $0x800  }
0x105: {  	[sflag:s26] =	ssyncset.done $0x0  }
0x106: {  	[sflag:s26] =	ssyncadd.s32 $0xFFFFF800  }
0x107: {  	[spmem:s3] =	stream.indirect.scatter.add.f32 [tilespmem:s20], [sflag:$0x6], $0x10, s9, s19, $0xb8;
	[tilespmem:$0x1CF50] =	vst v63  }
0x108: {  	_ =	swait.ge [sflag:s28], $0x800  }
0x109: {  	[sflag:s28] =	ssyncset.done $0x0  }
0x10a: {  	[sflag:s28] =	ssyncadd.s32 $0xFFFFF800  }
0x10b: {  	[spmem:s3] =	stream.indirect.scatter.add.f32 [tilespmem:s22], [sflag:$0x7], $0x10, s10, s19, $0xb8;
	[tilespmem:$0x1CF50] =	vst v63  }
0x10c: {  	_ =	swait.ge [sflag:s29], $0x800  }
0x10d: {  	[sflag:s29] =	ssyncset.done $0x0  }
0x10e: {  	[sflag:s29] =	ssyncadd.s32 $0xFFFFF800  }
0x10f: {  	[spmem:s3] =	stream.indirect.scatter.add.f32 [tilespmem:s24], [sflag:$0x8], $0x10, s12, s19, $0xb8;
	[tilespmem:$0x1CF50] =	vst v63  }
0x110: {  	_ =	swait.ge [sflag:s30], $0x800  }
0x111: {  	[sflag:s30] =	ssyncset.done $0x0  }
0x112: {  	[sflag:s30] =	ssyncadd.s32 $0xFFFFF800  }
0x113: {  	_ =	swait.ge [sflag:s31], $0x800  }
0x114: {  	[sflag:s31] =	ssyncset.done $0x0  }
0x115: {  	s14 =	sadd.s32 $0x1, s14;
	[sflag:s31] =	ssyncadd.s32 $0xFFFFF800  }
0x116: {  	p1 =	sne.s32 s14, $0x5;
	_ =	swait.ge [sflag:s0], $0x800  }
.Ltmp2:
0x117: {  	[sflag:s0] =	ssyncset.done $0x0;
	(pc) =	sbr.rel @p1 .LBB2_4-.Ltmp2, $4  }
0x118: {  	[sflag:s0] =	ssyncadd.s32 $0xFFFFF800  }
0x119: {  	_ =	swait.ge [sflag:s7], $0x800  }
0x11a: {  	[sflag:s7] =	ssyncset.done $0x0  }
0x11b: {  	[sflag:s7] =	ssyncadd.s32 $0xFFFFF800  }
0x11c: {  	s14 =	stileid.u32;
	[bflag:$0x0] =	sbarrier.arrive $0xFFFF  }
0x11d: {  	s4 =	sshll.u32 s14, $0x6;
	s8 =	rddreg [dreg:$0x9]  }
0x11e: {  	s13 =	rddreg [dreg:$0x16];
	s4 =	sor.u32 $0x1C09, s4  }
0x11f: {  	[hbm:s8], [sflag:s4] =	dma.local [spmem:s13], $0x1880  }
0x120: {  	_ =	swait.ge [sflag:s17], $0x1880  }
0x121: {  	s13 =	rddreg [dreg:$0x4]  }
0x122: {  	s15 =	rddreg [dreg:$0xa];
	s4 =	sadd.s32 $0x1, s13  }
0x123: {  	p1 =	sne.s32 s4, s15  }
.Ltmp3:
0x124: {  	_ = 	snop;
	(pc) =	sbr.rel @p1 .LBB2_1-.Ltmp3, $3  }
0x125: {  	_ =	sdelay $0x1  }
0x126: {  	[sflag:s17] =	ssyncset.done $0x0  }
0x127: {  	[sflag:s17] =	ssyncadd.s32 $0xFFFFE780  }
0x128: {  	_ =	sfence.sel $0x180000  }
0x129: {  	[bflag:$0x0] =	sbarrier.arrive $0xFFFF  }
0x12a: {  	_ =	strace $0x90000050  }
0x12b: {  	[bflag:$0x2] =	sbarrier.arrive $0xFFFF  }
0x12c: {  	p0 =	sne.s32 s14, $0x0;
	s0 =	rddreg [dreg:$0x3]  }
0x12d: {  	s0 =	sadd.s32 @!p0 $0x100000, s0  }
0x12e: {  	[sflag:s0] =	ssyncadd.tile.s32 @!p0 $0x1;
	_ =	shalt  }
.Lfunc_end2:
_tile_overlayer_lowered:
.L_overlay_start_2:
0x12f: {  	(tag) =	ssettag $0x2  }
0x130: {  	s0 =	rddreg [dreg:$0x0];
	s2 =	stileid.u32  }
0x131: {  	s1 =	rddreg [dreg:$0x1];
	p0 =	sne.s32 s2, $0x0  }
0x132: {  	s3 =	rddreg [dreg:$0x2];
	[bflag:$0x3] =	sbarrier.arrive $0xFFFF;
	s2 =	simm.s32 @!p0 $0x1C09  }
0x133: {  	[timem:s3], [sflag:s2] =	dma.local @!p0 [hbm:s0], s1  }
0x134: {  	s0 =	simm.s32 @!p0 $0x9  }
0x135: {  	_ =	swait.ge @!p0 [sflag:s0], s1  }
0x136: {  	s1 =	ssub.s32 @!p0 $0x0, s1;
	[sflag:s0] =	ssyncset.done @!p0 $0x0  }
0x137: {  	[sflag:s0] =	ssyncadd.s32 @!p0 s1  }
0x138: {  	[bflag:$0x3] =	sbarrier.arrive $0xFFFF  }
0x139: {  	_ =	shalt  }

</sc_bundles>
